<compile_context>
chip_gen: v7x
topology: tpu7x:2x2x1
jax: 0.10.2.dev20260603
libtpu: 0.0.44.dev20260713+nightly
codegen_flags: <defaults>
</compile_context>

<pallas_src>
import functools

import jax
import jax.numpy as jnp
from jax import lax
from jax.experimental import pallas as pl
from jax.experimental.pallas import tpu as pltpu
from jax.experimental.pallas import tpu_sc as plsc

N = 10000
E = 320000
D = 128
G = 64
C = 10

NP = 10240
EP = 327680
ECHUNK = 80
EROWS = EP // ECHUNK
TILES = 32
ROWS_PER_TILE = EROWS // TILES
ACC_ROWS_PER_TILE = NP // 16
NBUF = 4
PHROWS = 32
CH0 = 128
CH1 = 128

def _seg_sum_sc(h, src_rows, dst_rows, zeros_hbm):
    mesh = plsc.VectorSubcoreMesh(core_axis_name="c", subcore_axis_name="s",
                                  num_cores=2, num_subcores=16)

    @functools.partial(
        pl.kernel,
        out_type=jax.ShapeDtypeStruct((2, NP, 128), jnp.float32),
        mesh=mesh,
        scratch_types=[
            pltpu.VMEM((PHROWS, ECHUNK), jnp.int32),
            pltpu.VMEM((PHROWS, ECHUNK), jnp.int32),
            pltpu.VMEM((NBUF, ECHUNK, 128), jnp.float32),
            pltpu.VMEM_SHARED((NP, 128), jnp.float32),
            [pltpu.SemaphoreType.DMA] * NBUF,
            [pltpu.SemaphoreType.DMA] * NBUF,
        ],
    )
    def k(h_hbm, src_hbm, dst_hbm, z_hbm, out_hbm, sidx, didx, bufs, acc,
          gsem, ssem):
        c = lax.axis_index("c")
        s = lax.axis_index("s")
        wid = c * 16 + s
        arow = s * ACC_ROWS_PER_TILE
        pltpu.sync_copy(z_hbm.at[pl.ds(arow, ACC_ROWS_PER_TILE)],
                        acc.at[pl.ds(arow, ACC_ROWS_PER_TILE)])
        plsc.subcore_barrier()

        nph = jnp.where(c == 0, CH0 // PHROWS, CH1 // PHROWS)
        tile_base = jnp.where(c == 0, s * CH0, 16 * CH0 + s * CH1)

        @pl.loop(0, nph)
        def _(ph):
            erow = tile_base + ph * PHROWS
            pltpu.sync_copy(src_hbm.at[pl.ds(erow, PHROWS)], sidx)
            pltpu.sync_copy(dst_hbm.at[pl.ds(erow, PHROWS)], didx)
            for b in range(NBUF):
                pltpu.async_copy(h_hbm.at[sidx.at[b]], bufs.at[b], gsem[b])

            @pl.loop(0, PHROWS, step=NBUF)
            def _(j):
                for b in range(NBUF):
                    pltpu.make_async_copy(h_hbm.at[sidx.at[j + b]],
                                          bufs.at[b], gsem[b]).wait()
                    pltpu.async_copy(bufs.at[b], acc.at[didx.at[j + b]],
                                     ssem[b], add=True)
                for b in range(NBUF):
                    pltpu.make_async_copy(bufs.at[b], acc.at[didx.at[j + b]],
                                          ssem[b]).wait()

                    @pl.when(j + NBUF + b < PHROWS)
                    def _(b=b):
                        pltpu.async_copy(h_hbm.at[sidx.at[j + NBUF + b]],
                                         bufs.at[b], gsem[b])

        plsc.subcore_barrier()
        pltpu.sync_copy(acc.at[pl.ds(arow, ACC_ROWS_PER_TILE)],
                        out_hbm.at[c, pl.ds(arow, ACC_ROWS_PER_TILE)])

    return k(h, src_rows, dst_rows, zeros_hbm)


_BR = 1024


def _layer_tc(p, h_in, w_rel_t, w_root_t, b):

    def body(p_ref, x_ref, wr_ref, wt_ref, b_ref, o_ref):
        agg = p_ref[0] + p_ref[1]
        h = (jnp.dot(agg, wr_ref[...], preferred_element_type=jnp.float32)
             + jnp.dot(x_ref[...], wt_ref[...], preferred_element_type=jnp.float32)
             + b_ref[...])
        o_ref[...] = jnp.maximum(h, 0.0)

    return pl.pallas_call(
        body,
        grid=(NP // _BR,),
        in_specs=[
            pl.BlockSpec((2, _BR, 128), lambda i: (0, i, 0)),
            pl.BlockSpec((_BR, 128), lambda i: (i, 0)),
            pl.BlockSpec((128, 128), lambda i: (0, 0)),
            pl.BlockSpec((128, 128), lambda i: (0, 0)),
            pl.BlockSpec((1, 128), lambda i: (0, 0)),
        ],
        out_specs=pl.BlockSpec((_BR, 128), lambda i: (i, 0)),
        out_shape=jax.ShapeDtypeStruct((NP, 128), jnp.float32),
    )(p, h_in, w_rel_t, w_root_t, b)


_FBR = 512
_FSTEPS = NP // _FBR


def _final_tc(p, h2, batch3, w3_t, wr3_t, b3, wl_t, bl):

    def body(p_ref, h_ref, bt_ref, w3_ref, wr_ref, b3_ref, wl_ref, bl_ref,
             o_ref, pool, cnt):
        i = pl.program_id(0)

        @pl.when(i == 0)
        def _():
            pool[...] = jnp.zeros_like(pool)
            cnt[...] = jnp.zeros_like(cnt)

        h3 = (jnp.dot(p_ref[0] + p_ref[1], w3_ref[...],
                      preferred_element_type=jnp.float32)
              + jnp.dot(h_ref[...], wr_ref[...],
                        preferred_element_type=jnp.float32)
              + b3_ref[...])
        bvals = bt_ref[0]
        gids = lax.broadcasted_iota(jnp.int32, (G, _FBR), 0)
        oh = jnp.where(gids == bvals, 1.0, 0.0)
        pool[...] += jnp.dot(oh, h3, preferred_element_type=jnp.float32)
        cnt[...] += jnp.sum(oh, axis=1, keepdims=True)

        @pl.when(i == _FSTEPS - 1)
        def _():
            denom = jnp.maximum(cnt[...], 1.0)
            pooled = pool[...] / denom
            o_ref[...] = (jnp.dot(pooled, wl_ref[...],
                                  preferred_element_type=jnp.float32)
                          + bl_ref[...])

    return pl.pallas_call(
        body,
        grid=(_FSTEPS,),
        in_specs=[
            pl.BlockSpec((2, _FBR, 128), lambda i: (0, i, 0)),
            pl.BlockSpec((_FBR, 128), lambda i: (i, 0)),
            pl.BlockSpec((1, 1, _FBR), lambda i: (i, 0, 0)),
            pl.BlockSpec((128, 128), lambda i: (0, 0)),
            pl.BlockSpec((128, 128), lambda i: (0, 0)),
            pl.BlockSpec((1, 128), lambda i: (0, 0)),
            pl.BlockSpec((128, C), lambda i: (0, 0)),
            pl.BlockSpec((1, C), lambda i: (0, 0)),
        ],
        out_specs=pl.BlockSpec((G, C), lambda i: (0, 0)),
        out_shape=jax.ShapeDtypeStruct((G, C), jnp.float32),
        scratch_shapes=[
            pltpu.VMEM((G, 128), jnp.float32),
            pltpu.VMEM((G, 1), jnp.float32),
        ],
    )(p, h2, batch3, w3_t, wr3_t, b3, wl_t, bl)


def kernel(x, edge_index, batch, W_rel1, b_rel1, W_root1, W_rel2, b_rel2,
           W_root2, W_rel3, b_rel3, W_root3, W_lin, b_lin):
    src = edge_index[0].astype(jnp.int32)
    dst = edge_index[1].astype(jnp.int32)
    pad = jnp.arange(EP - E, dtype=jnp.int32)
    src_rows = jnp.concatenate(
        [src, pad % N]).reshape(EROWS, ECHUNK)
    dst_rows = jnp.concatenate(
        [dst, N + pad % (NP - N)]).reshape(EROWS, ECHUNK)
    xp = jnp.concatenate([x, jnp.zeros((NP - N, 128), jnp.float32)])
    batch3 = jnp.concatenate(
        [batch.astype(jnp.int32), jnp.full((NP - N,), G, jnp.int32)]
    ).reshape(_FSTEPS, 1, _FBR)
    zeros_hbm = jnp.zeros((NP, 128), jnp.float32)

    p1 = _seg_sum_sc(xp, src_rows, dst_rows, zeros_hbm)
    h1 = _layer_tc(p1, xp, W_rel1.T, W_root1.T, b_rel1.reshape(1, 128))
    p2 = _seg_sum_sc(h1, src_rows, dst_rows, zeros_hbm)
    h2 = _layer_tc(p2, h1, W_rel2.T, W_root2.T, b_rel2.reshape(1, 128))
    p3 = _seg_sum_sc(h2, src_rows, dst_rows, zeros_hbm)
    out = _final_tc(p3, h2, batch3, W_rel3.T, W_root3.T,
                    b_rel3.reshape(1, 128), W_lin.T, b_lin.reshape(1, C))
    return out

# --- scband reference (transcript-rebuilt; emitter-appended) ---
"""Pipeline reference for scband-gnn-2551210574350 (READ-ONLY COPY).

The authoritative reference and input builder live on the scoring server;
editing this copy changes nothing except your own understanding.
"""

import jax, jax.numpy as jnp
import numpy as np

N = 10000
E = 320000
D = 128
H = 128
C = 10
G = 64

def setup_inputs(seed: int = 0) -> dict:
    key = jax.random.key(seed)
    ks = jax.random.split(key, 16)
    x = jax.random.normal(ks[0], (N, D), dtype=jnp.float32)
    edge_index = jax.random.randint(ks[1], (2, E), 0, N)
    batch = jnp.sort(jax.random.randint(ks[2], (N,), 0, G))
    def lin_w(k, fan_out, fan_in):
        return jax.random.normal(k, (fan_out, fan_in), dtype=jnp.float32) * (1.0 / np.sqrt(fan_in))
    inp = {
        'x': x, 'edge_index': edge_index, 'batch': batch,
        'W_rel1': lin_w(ks[3], H, D), 'b_rel1': jnp.zeros((H,), jnp.float32), 'W_root1': lin_w(ks[4], H, D),
        'W_rel2': lin_w(ks[5], H, H), 'b_rel2': jnp.zeros((H,), jnp.float32), 'W_root2': lin_w(ks[6], H, H),
        'W_rel3': lin_w(ks[7], H, H), 'b_rel3': jnp.zeros((H,), jnp.float32), 'W_root3': lin_w(ks[8], H, H),
        'W_lin': lin_w(ks[9], C, H), 'b_lin': jnp.zeros((C,), jnp.float32),
    }
    return inp

def _graph_conv(x, edge_index, W_rel, b_rel, W_root):
    # PyG GraphConv (aggr='add'): out_i = W_rel @ (sum_{j->i} x_j) + b_rel + W_root @ x_i
    src = edge_index[0]
    dst = edge_index[1]
    msg = jnp.take(x, src, axis=0)
    agg = jax.ops.segment_sum(msg, dst, num_segments=x.shape[0])
    return agg @ W_rel.T + b_rel + x @ W_root.T

def _global_mean_pool(x, batch, num_graphs):
    sums = jax.ops.segment_sum(x, batch, num_segments=num_graphs)
    cnts = jax.ops.segment_sum(jnp.ones((x.shape[0],), x.dtype), batch, num_segments=num_graphs)
    cnts = jnp.maximum(cnts, 1.0)
    return sums / cnts[:, None]

def reference(x, edge_index, batch, W_rel1, b_rel1, W_root1, W_rel2, b_rel2, W_root2, W_rel3, b_rel3, W_root3, W_lin, b_lin):
    h = _graph_conv(x, edge_index, W_rel1, b_rel1, W_root1)
    h = jax.nn.relu(h)
    h = _graph_conv(h, edge_index, W_rel2, b_rel2, W_root2)
    h = jax.nn.relu(h)
    h = _graph_conv(h, edge_index, W_rel3, b_rel3, W_root3)
    h = _global_mean_pool(h, batch, G)
    # dropout p=0.5 is identity in eval mode
    out = h @ W_lin.T + b_lin
    return out

if __name__ == "__main__":
    import jax
    _d = setup_inputs()
    print(jax.jit(kernel)(*tuple(_d.values())))

</pallas_src>

<mosaic_0001>
#map = affine_map<(d0, d1) -> (0, 0)>
#map1 = affine_map<(d0, d1) -> (0, 0, 0)>
module attributes {stable_mosaic.version = 14 : i64} {
  func.func @k(%arg0: i32, %arg1: i32, %arg2: memref<10240x128xf32, #tpu.memory_space<hbm>>, %arg3: memref<4096x80xi32, #tpu.memory_space<hbm>>, %arg4: memref<4096x80xi32, #tpu.memory_space<hbm>>, %arg5: memref<10240x128xf32, #tpu.memory_space<hbm>>, %arg6: memref<2x10240x128xf32, #tpu.memory_space<hbm>>, %arg7: memref<32x80xi32, #tpu.memory_space<vmem>>, %arg8: memref<32x80xi32, #tpu.memory_space<vmem>>, %arg9: memref<4x80x128xf32, #tpu.memory_space<vmem>>, %arg10: memref<10240x128xf32, #tpu.memory_space<vmem_shared>>, %arg11: memref<!tpu.dma_semaphore, #tpu.memory_space<semaphore_mem>>, %arg12: memref<!tpu.dma_semaphore, #tpu.memory_space<semaphore_mem>>, %arg13: memref<!tpu.dma_semaphore, #tpu.memory_space<semaphore_mem>>, %arg14: memref<!tpu.dma_semaphore, #tpu.memory_space<semaphore_mem>>, %arg15: memref<!tpu.dma_semaphore, #tpu.memory_space<semaphore_mem>>, %arg16: memref<!tpu.dma_semaphore, #tpu.memory_space<semaphore_mem>>, %arg17: memref<!tpu.dma_semaphore, #tpu.memory_space<semaphore_mem>>, %arg18: memref<!tpu.dma_semaphore, #tpu.memory_space<semaphore_mem>>) attributes {dimension_semantics = [#tpu.dimension_semantics<core_parallel>, #tpu.dimension_semantics<subcore_parallel>], iteration_bounds = array<i64: 2, 16>, scalar_prefetch = 0 : i64, scratch_operands = 12 : i64, tpu.core_type = #tpu.core_type<sc_vector_subcore>, window_params = [{transform_indices = #map}, {transform_indices = #map}, {transform_indices = #map}, {transform_indices = #map}, {transform_indices = #map1}]} {
    %mul3A = arith.constant 16 : i32
    %mul3A_0 = arith.muli %arg0, %mul3A : i32
    %add3A = arith.addi %mul3A_0, %arg1 : i32
    %mul3A_1 = arith.constant 640 : i32
    %mul3A_2 = arith.muli %arg1, %mul3A_1 : i32
    "tpu.region"() ({
      %run_scoped3A = tpu.sem_alloc : memref<!tpu.dma_semaphore, #tpu.memory_space<semaphore_mem>>
      %dma_start3A = arith.constant 0 : i32
      %dma_start3A_31 = tpu.memref_slice %arg10[%mul3A_2, %dma_start3A] : memref<10240x128xf32, #tpu.memory_space<vmem_shared>> -> memref<640x128xf32, #tpu.memory_space<vmem_shared>>
      %dma_start3A_32 = arith.constant 0 : i32
      %dma_start3A_33 = tpu.memref_slice %arg5[%mul3A_2, %dma_start3A_32] : memref<10240x128xf32, #tpu.memory_space<hbm>> -> memref<640x128xf32, #tpu.memory_space<hbm>>
      tpu.enqueue_dma source(%dma_start3A_33 : memref<640x128xf32, #tpu.memory_space<hbm>>) target(%dma_start3A_31 : memref<640x128xf32, #tpu.memory_space<vmem_shared>>) target_semaphore(%run_scoped3A : memref<!tpu.dma_semaphore, #tpu.memory_space<semaphore_mem>>)
      %dma_wait3A = arith.constant 0 : i32
      %dma_wait3A_34 = tpu.memref_slice %arg10[%mul3A_2, %dma_wait3A] : memref<10240x128xf32, #tpu.memory_space<vmem_shared>> -> memref<640x128xf32, #tpu.memory_space<vmem_shared>>
      %dma_wait3A_35 = arith.constant 0 : i32
      %dma_wait3A_36 = tpu.memref_slice %arg5[%mul3A_2, %dma_wait3A_35] : memref<10240x128xf32, #tpu.memory_space<hbm>> -> memref<640x128xf32, #tpu.memory_space<hbm>>
      tpu.wait_dma2 semaphore(%run_scoped3A : memref<!tpu.dma_semaphore, #tpu.memory_space<semaphore_mem>>) src(%dma_wait3A_36 : memref<640x128xf32, #tpu.memory_space<hbm>>) dst(%dma_wait3A_34 : memref<640x128xf32, #tpu.memory_space<vmem_shared>>)
      tpu.yield
    }) : () -> ()
    %barrier3A = arith.constant 0 : index
    tpu.barrier barrier_id(%barrier3A)
    %eq3A = arith.constant 0 : i32
    %eq3A_3 = arith.cmpi eq, %arg0, %eq3A : i32
    %jit3A = arith.constant 4 : i32
    %jit3A_4 = arith.constant 4 : i32
    %select_n3A = arith.select %eq3A_3, %jit3A, %jit3A_4 : i32
    %eq3A_5 = arith.constant 0 : i32
    %eq3A_6 = arith.cmpi eq, %arg0, %eq3A_5 : i32
    %mul3A_7 = arith.constant 128 : i32
    %mul3A_8 = arith.muli %arg1, %mul3A_7 : i32
    %mul3A_9 = arith.constant 128 : i32
    %mul3A_10 = arith.muli %arg1, %mul3A_9 : i32
    %add3A_11 = arith.constant 2048 : i32
    %add3A_12 = arith.addi %add3A_11, %mul3A_10 : i32
    %select_n3A_13 = arith.select %eq3A_6, %mul3A_8, %add3A_12 : i32
    %sub3A = arith.constant 0 : i32
    %sub3A_14 = arith.subi %select_n3A, %sub3A : i32
    %sub3A_15 = arith.constant 1 : i32
    %sub3A_16 = arith.constant 1 : i32
    %sub3A_17 = arith.subi %sub3A_15, %sub3A_16 : i32
    %add3A_18 = arith.addi %sub3A_14, %sub3A_17 : i32
    %div3A = arith.constant 1 : i32
    %div3A_19 = arith.divsi %add3A_18, %div3A : i32
    %while3A = arith.constant 1 : i32
    %while3A_20 = arith.constant 0 : i32
    %while3A_21 = arith.constant 0 : i32
    %while3A_22 = arith.subi %div3A_19, %while3A_21 : i32
    %while3A_23 = arith.addi %while3A_21, %while3A_22 : i32
    %while3A_24 = arith.constant 1 : i32
    %while3A_25 = arith.divsi %while3A_22, %while3A_24 : i32
    %while3A_26 = arith.muli %while3A_25, %while3A_24 : i32
    %while3A_27 = arith.addi %while3A_21, %while3A_26 : i32
    %while3A_28 = arith.constant 1 : i32
    scf.for %while3A_31 = %while3A_21 to %while3A_27 step %while3A_28  : i32 {
      %mul3A_32 = arith.muli %while3A_31, %while3A : i32
      %add3A_33 = arith.addi %while3A_20, %mul3A_32 : i32
      %mul3A_34 = arith.constant 32 : i32
      %mul3A_35 = arith.muli %add3A_33, %mul3A_34 : i32
      %add3A_36 = arith.addi %select_n3A_13, %mul3A_35 : i32
      "tpu.region"() ({
        %run_scoped3A = tpu.sem_alloc : memref<!tpu.dma_semaphore, #tpu.memory_space<semaphore_mem>>
        %dma_start3A_88 = arith.constant 0 : i32
        %dma_start3A_89 = tpu.memref_slice %arg3[%add3A_36, %dma_start3A_88] : memref<4096x80xi32, #tpu.memory_space<hbm>> -> memref<32x80xi32, #tpu.memory_space<hbm>>
        %dma_start3A_90 = arith.constant 0 : i32
        %dma_start3A_91 = tpu.memref_slice %arg3[%add3A_36, %dma_start3A_90] : memref<4096x80xi32, #tpu.memory_space<hbm>> -> memref<32x80xi32, #tpu.memory_space<hbm>>
        tpu.enqueue_dma source(%dma_start3A_91 : memref<32x80xi32, #tpu.memory_space<hbm>>) target(%arg7 : memref<32x80xi32, #tpu.memory_space<vmem>>) target_semaphore(%run_scoped3A : memref<!tpu.dma_semaphore, #tpu.memory_space<semaphore_mem>>)
        %dma_wait3A = arith.constant 0 : i32
        %dma_wait3A_92 = tpu.memref_slice %arg3[%add3A_36, %dma_wait3A] : memref<4096x80xi32, #tpu.memory_space<hbm>> -> memref<32x80xi32, #tpu.memory_space<hbm>>
        %dma_wait3A_93 = arith.constant 0 : i32
        %dma_wait3A_94 = tpu.memref_slice %arg3[%add3A_36, %dma_wait3A_93] : memref<4096x80xi32, #tpu.memory_space<hbm>> -> memref<32x80xi32, #tpu.memory_space<hbm>>
        tpu.wait_dma2 semaphore(%run_scoped3A : memref<!tpu.dma_semaphore, #tpu.memory_space<semaphore_mem>>) src(%dma_wait3A_94 : memref<32x80xi32, #tpu.memory_space<hbm>>) dst(%arg7 : memref<32x80xi32, #tpu.memory_space<vmem>>)
        tpu.yield
      }) : () -> ()
      "tpu.region"() ({
        %run_scoped3A = tpu.sem_alloc : memref<!tpu.dma_semaphore, #tpu.memory_space<semaphore_mem>>
        %dma_start3A_88 = arith.constant 0 : i32
        %dma_start3A_89 = tpu.memref_slice %arg4[%add3A_36, %dma_start3A_88] : memref<4096x80xi32, #tpu.memory_space<hbm>> -> memref<32x80xi32, #tpu.memory_space<hbm>>
        %dma_start3A_90 = arith.constant 0 : i32
        %dma_start3A_91 = tpu.memref_slice %arg4[%add3A_36, %dma_start3A_90] : memref<4096x80xi32, #tpu.memory_space<hbm>> -> memref<32x80xi32, #tpu.memory_space<hbm>>
        tpu.enqueue_dma source(%dma_start3A_91 : memref<32x80xi32, #tpu.memory_space<hbm>>) target(%arg8 : memref<32x80xi32, #tpu.memory_space<vmem>>) target_semaphore(%run_scoped3A : memref<!tpu.dma_semaphore, #tpu.memory_space<semaphore_mem>>)
        %dma_wait3A = arith.constant 0 : i32
        %dma_wait3A_92 = tpu.memref_slice %arg4[%add3A_36, %dma_wait3A] : memref<4096x80xi32, #tpu.memory_space<hbm>> -> memref<32x80xi32, #tpu.memory_space<hbm>>
        %dma_wait3A_93 = arith.constant 0 : i32
        %dma_wait3A_94 = tpu.memref_slice %arg4[%add3A_36, %dma_wait3A_93] : memref<4096x80xi32, #tpu.memory_space<hbm>> -> memref<32x80xi32, #tpu.memory_space<hbm>>
        tpu.wait_dma2 semaphore(%run_scoped3A : memref<!tpu.dma_semaphore, #tpu.memory_space<semaphore_mem>>) src(%dma_wait3A_94 : memref<32x80xi32, #tpu.memory_space<hbm>>) dst(%arg8 : memref<32x80xi32, #tpu.memory_space<vmem>>)
        tpu.yield
      }) : () -> ()
      %dma_start3A = arith.constant 0 : i32
      %dma_start3A_37 = arith.constant 0 : i32
      %dma_start3A_38 = arith.constant 0 : i32
      %dma_start3A_39 = arith.constant 0 : i32
      %dma_start3A_40 = tpu.memref_slice %arg9[%dma_start3A_37, %dma_start3A_38, %dma_start3A_39] : memref<4x80x128xf32, #tpu.memory_space<vmem>> -> memref<1x80x128xf32, #tpu.memory_space<vmem>>
      %dma_start3A_41 = tpu.memref_squeeze %dma_start3A_40 : memref<1x80x128xf32, #tpu.memory_space<vmem>> -> memref<80x128xf32, #tpu.memory_space<vmem>>
      %dma_start3A_42 = arith.constant 0 : i32
      %dma_start3A_43 = tpu.memref_slice %arg7[%dma_start3A, %dma_start3A_42] : memref<32x80xi32, #tpu.memory_space<vmem>> -> memref<1x80xi32, #tpu.memory_space<vmem>>
      %dma_start3A_44 = tpu.memref_squeeze %dma_start3A_43 : memref<1x80xi32, #tpu.memory_space<vmem>> -> memref<80xi32, #tpu.memory_space<vmem>>
      %dma_start3A_45 = arith.constant 0 : i32
      %dma_start3A_46 = arith.constant 0 : i32
      %dma_start3A_47 = tpu.memref_slice %arg2[%dma_start3A_45, %dma_start3A_46] : memref<10240x128xf32, #tpu.memory_space<hbm>> -> memref<10240x128xf32, #tpu.memory_space<hbm>>
      tpu.enqueue_indirect_dma source(%dma_start3A_47 : memref<10240x128xf32, #tpu.memory_space<hbm>>) target(%dma_start3A_41 : memref<80x128xf32, #tpu.memory_space<vmem>>) offsets(%dma_start3A_44 : memref<80xi32, #tpu.memory_space<vmem>>) semaphore(%arg11 : memref<!tpu.dma_semaphore, #tpu.memory_space<semaphore_mem>>)
      %dma_start3A_48 = arith.constant 1 : i32
      %dma_start3A_49 = arith.constant 1 : i32
      %dma_start3A_50 = arith.constant 0 : i32
      %dma_start3A_51 = arith.constant 0 : i32
      %dma_start3A_52 = tpu.memref_slice %arg9[%dma_start3A_49, %dma_start3A_50, %dma_start3A_51] : memref<4x80x128xf32, #tpu.memory_space<vmem>> -> memref<1x80x128xf32, #tpu.memory_space<vmem>>
      %dma_start3A_53 = tpu.memref_squeeze %dma_start3A_52 : memref<1x80x128xf32, #tpu.memory_space<vmem>> -> memref<80x128xf32, #tpu.memory_space<vmem>>
      %dma_start3A_54 = arith.constant 0 : i32
      %dma_start3A_55 = tpu.memref_slice %arg7[%dma_start3A_48, %dma_start3A_54] : memref<32x80xi32, #tpu.memory_space<vmem>> -> memref<1x80xi32, #tpu.memory_space<vmem>>
      %dma_start3A_56 = tpu.memref_squeeze %dma_start3A_55 : memref<1x80xi32, #tpu.memory_space<vmem>> -> memref<80xi32, #tpu.memory_space<vmem>>
      %dma_start3A_57 = arith.constant 0 : i32
      %dma_start3A_58 = arith.constant 0 : i32
      %dma_start3A_59 = tpu.memref_slice %arg2[%dma_start3A_57, %dma_start3A_58] : memref<10240x128xf32, #tpu.memory_space<hbm>> -> memref<10240x128xf32, #tpu.memory_space<hbm>>
      tpu.enqueue_indirect_dma source(%dma_start3A_59 : memref<10240x128xf32, #tpu.memory_space<hbm>>) target(%dma_start3A_53 : memref<80x128xf32, #tpu.memory_space<vmem>>) offsets(%dma_start3A_56 : memref<80xi32, #tpu.memory_space<vmem>>) semaphore(%arg12 : memref<!tpu.dma_semaphore, #tpu.memory_space<semaphore_mem>>)
      %dma_start3A_60 = arith.constant 2 : i32
      %dma_start3A_61 = arith.constant 2 : i32
      %dma_start3A_62 = arith.constant 0 : i32
      %dma_start3A_63 = arith.constant 0 : i32
      %dma_start3A_64 = tpu.memref_slice %arg9[%dma_start3A_61, %dma_start3A_62, %dma_start3A_63] : memref<4x80x128xf32, #tpu.memory_space<vmem>> -> memref<1x80x128xf32, #tpu.memory_space<vmem>>
      %dma_start3A_65 = tpu.memref_squeeze %dma_start3A_64 : memref<1x80x128xf32, #tpu.memory_space<vmem>> -> memref<80x128xf32, #tpu.memory_space<vmem>>
      %dma_start3A_66 = arith.constant 0 : i32
      %dma_start3A_67 = tpu.memref_slice %arg7[%dma_start3A_60, %dma_start3A_66] : memref<32x80xi32, #tpu.memory_space<vmem>> -> memref<1x80xi32, #tpu.memory_space<vmem>>
      %dma_start3A_68 = tpu.memref_squeeze %dma_start3A_67 : memref<1x80xi32, #tpu.memory_space<vmem>> -> memref<80xi32, #tpu.memory_space<vmem>>
      %dma_start3A_69 = arith.constant 0 : i32
      %dma_start3A_70 = arith.constant 0 : i32
      %dma_start3A_71 = tpu.memref_slice %arg2[%dma_start3A_69, %dma_start3A_70] : memref<10240x128xf32, #tpu.memory_space<hbm>> -> memref<10240x128xf32, #tpu.memory_space<hbm>>
      tpu.enqueue_indirect_dma source(%dma_start3A_71 : memref<10240x128xf32, #tpu.memory_space<hbm>>) target(%dma_start3A_65 : memref<80x128xf32, #tpu.memory_space<vmem>>) offsets(%dma_start3A_68 : memref<80xi32, #tpu.memory_space<vmem>>) semaphore(%arg13 : memref<!tpu.dma_semaphore, #tpu.memory_space<semaphore_mem>>)
      %dma_start3A_72 = arith.constant 3 : i32
      %dma_start3A_73 = arith.constant 3 : i32
      %dma_start3A_74 = arith.constant 0 : i32
      %dma_start3A_75 = arith.constant 0 : i32
      %dma_start3A_76 = tpu.memref_slice %arg9[%dma_start3A_73, %dma_start3A_74, %dma_start3A_75] : memref<4x80x128xf32, #tpu.memory_space<vmem>> -> memref<1x80x128xf32, #tpu.memory_space<vmem>>
      %dma_start3A_77 = tpu.memref_squeeze %dma_start3A_76 : memref<1x80x128xf32, #tpu.memory_space<vmem>> -> memref<80x128xf32, #tpu.memory_space<vmem>>
      %dma_start3A_78 = arith.constant 0 : i32
      %dma_start3A_79 = tpu.memref_slice %arg7[%dma_start3A_72, %dma_start3A_78] : memref<32x80xi32, #tpu.memory_space<vmem>> -> memref<1x80xi32, #tpu.memory_space<vmem>>
      %dma_start3A_80 = tpu.memref_squeeze %dma_start3A_79 : memref<1x80xi32, #tpu.memory_space<vmem>> -> memref<80xi32, #tpu.memory_space<vmem>>
      %dma_start3A_81 = arith.constant 0 : i32
      %dma_start3A_82 = arith.constant 0 : i32
      %dma_start3A_83 = tpu.memref_slice %arg2[%dma_start3A_81, %dma_start3A_82] : memref<10240x128xf32, #tpu.memory_space<hbm>> -> memref<10240x128xf32, #tpu.memory_space<hbm>>
      tpu.enqueue_indirect_dma source(%dma_start3A_83 : memref<10240x128xf32, #tpu.memory_space<hbm>>) target(%dma_start3A_77 : memref<80x128xf32, #tpu.memory_space<vmem>>) offsets(%dma_start3A_80 : memref<80xi32, #tpu.memory_space<vmem>>) semaphore(%arg14 : memref<!tpu.dma_semaphore, #tpu.memory_space<semaphore_mem>>)
      %scan3A = arith.constant 0 : i32
      %scan3A_84 = arith.constant 8 : i32
      %scan3A_85 = arith.addi %scan3A, %scan3A_84 : i32
      %scan3A_86 = arith.constant 1 : i32
      scf.for %scan3A_88 = %scan3A to %scan3A_85 step %scan3A_86  : i32 {
        %mul3A_89 = arith.constant 4 : i32
        %mul3A_90 = arith.muli %scan3A_88, %mul3A_89 : i32
        %add3A_91 = arith.constant 0 : i32
        %add3A_92 = arith.addi %add3A_91, %mul3A_90 : i32
        %add3A_93 = arith.constant 0 : i32
        %add3A_94 = arith.addi %add3A_92, %add3A_93 : i32
        %dma_wait3A = arith.constant 0 : i32
        %dma_wait3A_95 = arith.constant 0 : i32
        %dma_wait3A_96 = arith.constant 0 : i32
        %dma_wait3A_97 = tpu.memref_slice %arg9[%dma_wait3A, %dma_wait3A_95, %dma_wait3A_96] : memref<4x80x128xf32, #tpu.memory_space<vmem>> -> memref<1x80x128xf32, #tpu.memory_space<vmem>>
        %dma_wait3A_98 = tpu.memref_squeeze %dma_wait3A_97 : memref<1x80x128xf32, #tpu.memory_space<vmem>> -> memref<80x128xf32, #tpu.memory_space<vmem>>
        %dma_wait3A_99 = arith.constant 0 : i32
        %dma_wait3A_100 = tpu.memref_slice %arg7[%add3A_94, %dma_wait3A_99] : memref<32x80xi32, #tpu.memory_space<vmem>> -> memref<1x80xi32, #tpu.memory_space<vmem>>
        %dma_wait3A_101 = tpu.memref_squeeze %dma_wait3A_100 : memref<1x80xi32, #tpu.memory_space<vmem>> -> memref<80xi32, #tpu.memory_space<vmem>>
        %dma_wait3A_102 = arith.constant 0 : i32
        %dma_wait3A_103 = arith.constant 0 : i32
        %dma_wait3A_104 = tpu.memref_slice %arg2[%dma_wait3A_102, %dma_wait3A_103] : memref<10240x128xf32, #tpu.memory_space<hbm>> -> memref<10240x128xf32, #tpu.memory_space<hbm>>
        tpu.wait_indirect_dma semaphore(%arg11 : memref<!tpu.dma_semaphore, #tpu.memory_space<semaphore_mem>>) src(%dma_wait3A_104 : memref<10240x128xf32, #tpu.memory_space<hbm>>) dst(%dma_wait3A_98 : memref<80x128xf32, #tpu.memory_space<vmem>>)
        %add3A_105 = arith.constant 0 : i32
        %add3A_106 = arith.addi %add3A_92, %add3A_105 : i32
        %dma_start3A_107 = arith.constant 0 : i32
        %dma_start3A_108 = arith.constant 0 : i32
        %dma_start3A_109 = arith.constant 0 : i32
        %dma_start3A_110 = tpu.memref_slice %arg9[%dma_start3A_107, %dma_start3A_108, %dma_start3A_109] : memref<4x80x128xf32, #tpu.memory_space<vmem>> -> memref<1x80x128xf32, #tpu.memory_space<vmem>>
        %dma_start3A_111 = tpu.memref_squeeze %dma_start3A_110 : memref<1x80x128xf32, #tpu.memory_space<vmem>> -> memref<80x128xf32, #tpu.memory_space<vmem>>
        %dma_start3A_112 = arith.constant 0 : i32
        %dma_start3A_113 = tpu.memref_slice %arg8[%add3A_106, %dma_start3A_112] : memref<32x80xi32, #tpu.memory_space<vmem>> -> memref<1x80xi32, #tpu.memory_space<vmem>>
        %dma_start3A_114 = tpu.memref_squeeze %dma_start3A_113 : memref<1x80xi32, #tpu.memory_space<vmem>> -> memref<80xi32, #tpu.memory_space<vmem>>
        %dma_start3A_115 = arith.constant 0 : i32
        %dma_start3A_116 = arith.constant 0 : i32
        %dma_start3A_117 = tpu.memref_slice %arg10[%dma_start3A_115, %dma_start3A_116] : memref<10240x128xf32, #tpu.memory_space<vmem_shared>> -> memref<10240x128xf32, #tpu.memory_space<vmem_shared>>
        tpu.enqueue_indirect_dma source(%dma_start3A_111 : memref<80x128xf32, #tpu.memory_space<vmem>>) target(%dma_start3A_117 : memref<10240x128xf32, #tpu.memory_space<vmem_shared>>) offsets(%dma_start3A_114 : memref<80xi32, #tpu.memory_space<vmem>>) semaphore(%arg15 : memref<!tpu.dma_semaphore, #tpu.memory_space<semaphore_mem>>) {add = true}
        %add3A_118 = arith.constant 1 : i32
        %add3A_119 = arith.addi %add3A_92, %add3A_118 : i32
        %dma_wait3A_120 = arith.constant 1 : i32
        %dma_wait3A_121 = arith.constant 0 : i32
        %dma_wait3A_122 = arith.constant 0 : i32
        %dma_wait3A_123 = tpu.memref_slice %arg9[%dma_wait3A_120, %dma_wait3A_121, %dma_wait3A_122] : memref<4x80x128xf32, #tpu.memory_space<vmem>> -> memref<1x80x128xf32, #tpu.memory_space<vmem>>
        %dma_wait3A_124 = tpu.memref_squeeze %dma_wait3A_123 : memref<1x80x128xf32, #tpu.memory_space<vmem>> -> memref<80x128xf32, #tpu.memory_space<vmem>>
        %dma_wait3A_125 = arith.constant 0 : i32
        %dma_wait3A_126 = tpu.memref_slice %arg7[%add3A_119, %dma_wait3A_125] : memref<32x80xi32, #tpu.memory_space<vmem>> -> memref<1x80xi32, #tpu.memory_space<vmem>>
        %dma_wait3A_127 = tpu.memref_squeeze %dma_wait3A_126 : memref<1x80xi32, #tpu.memory_space<vmem>> -> memref<80xi32, #tpu.memory_space<vmem>>
        %dma_wait3A_128 = arith.constant 0 : i32
        %dma_wait3A_129 = arith.constant 0 : i32
        %dma_wait3A_130 = tpu.memref_slice %arg2[%dma_wait3A_128, %dma_wait3A_129] : memref<10240x128xf32, #tpu.memory_space<hbm>> -> memref<10240x128xf32, #tpu.memory_space<hbm>>
        tpu.wait_indirect_dma semaphore(%arg12 : memref<!tpu.dma_semaphore, #tpu.memory_space<semaphore_mem>>) src(%dma_wait3A_130 : memref<10240x128xf32, #tpu.memory_space<hbm>>) dst(%dma_wait3A_124 : memref<80x128xf32, #tpu.memory_space<vmem>>)
        %add3A_131 = arith.constant 1 : i32
        %add3A_132 = arith.addi %add3A_92, %add3A_131 : i32
        %dma_start3A_133 = arith.constant 1 : i32
        %dma_start3A_134 = arith.constant 0 : i32
        %dma_start3A_135 = arith.constant 0 : i32
        %dma_start3A_136 = tpu.memref_slice %arg9[%dma_start3A_133, %dma_start3A_134, %dma_start3A_135] : memref<4x80x128xf32, #tpu.memory_space<vmem>> -> memref<1x80x128xf32, #tpu.memory_space<vmem>>
        %dma_start3A_137 = tpu.memref_squeeze %dma_start3A_136 : memref<1x80x128xf32, #tpu.memory_space<vmem>> -> memref<80x128xf32, #tpu.memory_space<vmem>>
        %dma_start3A_138 = arith.constant 0 : i32
        %dma_start3A_139 = tpu.memref_slice %arg8[%add3A_132, %dma_start3A_138] : memref<32x80xi32, #tpu.memory_space<vmem>> -> memref<1x80xi32, #tpu.memory_space<vmem>>
        %dma_start3A_140 = tpu.memref_squeeze %dma_start3A_139 : memref<1x80xi32, #tpu.memory_space<vmem>> -> memref<80xi32, #tpu.memory_space<vmem>>
        %dma_start3A_141 = arith.constant 0 : i32
        %dma_start3A_142 = arith.constant 0 : i32
        %dma_start3A_143 = tpu.memref_slice %arg10[%dma_start3A_141, %dma_start3A_142] : memref<10240x128xf32, #tpu.memory_space<vmem_shared>> -> memref<10240x128xf32, #tpu.memory_space<vmem_shared>>
        tpu.enqueue_indirect_dma source(%dma_start3A_137 : memref<80x128xf32, #tpu.memory_space<vmem>>) target(%dma_start3A_143 : memref<10240x128xf32, #tpu.memory_space<vmem_shared>>) offsets(%dma_start3A_140 : memref<80xi32, #tpu.memory_space<vmem>>) semaphore(%arg16 : memref<!tpu.dma_semaphore, #tpu.memory_space<semaphore_mem>>) {add = true}
        %add3A_144 = arith.constant 2 : i32
        %add3A_145 = arith.addi %add3A_92, %add3A_144 : i32
        %dma_wait3A_146 = arith.constant 2 : i32
        %dma_wait3A_147 = arith.constant 0 : i32
        %dma_wait3A_148 = arith.constant 0 : i32
        %dma_wait3A_149 = tpu.memref_slice %arg9[%dma_wait3A_146, %dma_wait3A_147, %dma_wait3A_148] : memref<4x80x128xf32, #tpu.memory_space<vmem>> -> memref<1x80x128xf32, #tpu.memory_space<vmem>>
        %dma_wait3A_150 = tpu.memref_squeeze %dma_wait3A_149 : memref<1x80x128xf32, #tpu.memory_space<vmem>> -> memref<80x128xf32, #tpu.memory_space<vmem>>
        %dma_wait3A_151 = arith.constant 0 : i32
        %dma_wait3A_152 = tpu.memref_slice %arg7[%add3A_145, %dma_wait3A_151] : memref<32x80xi32, #tpu.memory_space<vmem>> -> memref<1x80xi32, #tpu.memory_space<vmem>>
        %dma_wait3A_153 = tpu.memref_squeeze %dma_wait3A_152 : memref<1x80xi32, #tpu.memory_space<vmem>> -> memref<80xi32, #tpu.memory_space<vmem>>
        %dma_wait3A_154 = arith.constant 0 : i32
        %dma_wait3A_155 = arith.constant 0 : i32
        %dma_wait3A_156 = tpu.memref_slice %arg2[%dma_wait3A_154, %dma_wait3A_155] : memref<10240x128xf32, #tpu.memory_space<hbm>> -> memref<10240x128xf32, #tpu.memory_space<hbm>>
        tpu.wait_indirect_dma semaphore(%arg13 : memref<!tpu.dma_semaphore, #tpu.memory_space<semaphore_mem>>) src(%dma_wait3A_156 : memref<10240x128xf32, #tpu.memory_space<hbm>>) dst(%dma_wait3A_150 : memref<80x128xf32, #tpu.memory_space<vmem>>)
        %add3A_157 = arith.constant 2 : i32
        %add3A_158 = arith.addi %add3A_92, %add3A_157 : i32
        %dma_start3A_159 = arith.constant 2 : i32
        %dma_start3A_160 = arith.constant 0 : i32
        %dma_start3A_161 = arith.constant 0 : i32
        %dma_start3A_162 = tpu.memref_slice %arg9[%dma_start3A_159, %dma_start3A_160, %dma_start3A_161] : memref<4x80x128xf32, #tpu.memory_space<vmem>> -> memref<1x80x128xf32, #tpu.memory_space<vmem>>
        %dma_start3A_163 = tpu.memref_squeeze %dma_start3A_162 : memref<1x80x128xf32, #tpu.memory_space<vmem>> -> memref<80x128xf32, #tpu.memory_space<vmem>>
        %dma_start3A_164 = arith.constant 0 : i32
        %dma_start3A_165 = tpu.memref_slice %arg8[%add3A_158, %dma_start3A_164] : memref<32x80xi32, #tpu.memory_space<vmem>> -> memref<1x80xi32, #tpu.memory_space<vmem>>
        %dma_start3A_166 = tpu.memref_squeeze %dma_start3A_165 : memref<1x80xi32, #tpu.memory_space<vmem>> -> memref<80xi32, #tpu.memory_space<vmem>>
        %dma_start3A_167 = arith.constant 0 : i32
        %dma_start3A_168 = arith.constant 0 : i32
        %dma_start3A_169 = tpu.memref_slice %arg10[%dma_start3A_167, %dma_start3A_168] : memref<10240x128xf32, #tpu.memory_space<vmem_shared>> -> memref<10240x128xf32, #tpu.memory_space<vmem_shared>>
        tpu.enqueue_indirect_dma source(%dma_start3A_163 : memref<80x128xf32, #tpu.memory_space<vmem>>) target(%dma_start3A_169 : memref<10240x128xf32, #tpu.memory_space<vmem_shared>>) offsets(%dma_start3A_166 : memref<80xi32, #tpu.memory_space<vmem>>) semaphore(%arg17 : memref<!tpu.dma_semaphore, #tpu.memory_space<semaphore_mem>>) {add = true}
        %add3A_170 = arith.constant 3 : i32
        %add3A_171 = arith.addi %add3A_92, %add3A_170 : i32
        %dma_wait3A_172 = arith.constant 3 : i32
        %dma_wait3A_173 = arith.constant 0 : i32
        %dma_wait3A_174 = arith.constant 0 : i32
        %dma_wait3A_175 = tpu.memref_slice %arg9[%dma_wait3A_172, %dma_wait3A_173, %dma_wait3A_174] : memref<4x80x128xf32, #tpu.memory_space<vmem>> -> memref<1x80x128xf32, #tpu.memory_space<vmem>>
        %dma_wait3A_176 = tpu.memref_squeeze %dma_wait3A_175 : memref<1x80x128xf32, #tpu.memory_space<vmem>> -> memref<80x128xf32, #tpu.memory_space<vmem>>
        %dma_wait3A_177 = arith.constant 0 : i32
        %dma_wait3A_178 = tpu.memref_slice %arg7[%add3A_171, %dma_wait3A_177] : memref<32x80xi32, #tpu.memory_space<vmem>> -> memref<1x80xi32, #tpu.memory_space<vmem>>
        %dma_wait3A_179 = tpu.memref_squeeze %dma_wait3A_178 : memref<1x80xi32, #tpu.memory_space<vmem>> -> memref<80xi32, #tpu.memory_space<vmem>>
        %dma_wait3A_180 = arith.constant 0 : i32
        %dma_wait3A_181 = arith.constant 0 : i32
        %dma_wait3A_182 = tpu.memref_slice %arg2[%dma_wait3A_180, %dma_wait3A_181] : memref<10240x128xf32, #tpu.memory_space<hbm>> -> memref<10240x128xf32, #tpu.memory_space<hbm>>
        tpu.wait_indirect_dma semaphore(%arg14 : memref<!tpu.dma_semaphore, #tpu.memory_space<semaphore_mem>>) src(%dma_wait3A_182 : memref<10240x128xf32, #tpu.memory_space<hbm>>) dst(%dma_wait3A_176 : memref<80x128xf32, #tpu.memory_space<vmem>>)
        %add3A_183 = arith.constant 3 : i32
        %add3A_184 = arith.addi %add3A_92, %add3A_183 : i32
        %dma_start3A_185 = arith.constant 3 : i32
        %dma_start3A_186 = arith.constant 0 : i32
        %dma_start3A_187 = arith.constant 0 : i32
        %dma_start3A_188 = tpu.memref_slice %arg9[%dma_start3A_185, %dma_start3A_186, %dma_start3A_187] : memref<4x80x128xf32, #tpu.memory_space<vmem>> -> memref<1x80x128xf32, #tpu.memory_space<vmem>>
        %dma_start3A_189 = tpu.memref_squeeze %dma_start3A_188 : memref<1x80x128xf32, #tpu.memory_space<vmem>> -> memref<80x128xf32, #tpu.memory_space<vmem>>
        %dma_start3A_190 = arith.constant 0 : i32
        %dma_start3A_191 = tpu.memref_slice %arg8[%add3A_184, %dma_start3A_190] : memref<32x80xi32, #tpu.memory_space<vmem>> -> memref<1x80xi32, #tpu.memory_space<vmem>>
        %dma_start3A_192 = tpu.memref_squeeze %dma_start3A_191 : memref<1x80xi32, #tpu.memory_space<vmem>> -> memref<80xi32, #tpu.memory_space<vmem>>
        %dma_start3A_193 = arith.constant 0 : i32
        %dma_start3A_194 = arith.constant 0 : i32
        %dma_start3A_195 = tpu.memref_slice %arg10[%dma_start3A_193, %dma_start3A_194] : memref<10240x128xf32, #tpu.memory_space<vmem_shared>> -> memref<10240x128xf32, #tpu.memory_space<vmem_shared>>
        tpu.enqueue_indirect_dma source(%dma_start3A_189 : memref<80x128xf32, #tpu.memory_space<vmem>>) target(%dma_start3A_195 : memref<10240x128xf32, #tpu.memory_space<vmem_shared>>) offsets(%dma_start3A_192 : memref<80xi32, #tpu.memory_space<vmem>>) semaphore(%arg18 : memref<!tpu.dma_semaphore, #tpu.memory_space<semaphore_mem>>) {add = true}
        %add3A_196 = arith.constant 0 : i32
        %add3A_197 = arith.addi %add3A_92, %add3A_196 : i32
        %dma_wait3A_198 = arith.constant 0 : i32
        %dma_wait3A_199 = arith.constant 0 : i32
        %dma_wait3A_200 = arith.constant 0 : i32
        %dma_wait3A_201 = tpu.memref_slice %arg9[%dma_wait3A_198, %dma_wait3A_199, %dma_wait3A_200] : memref<4x80x128xf32, #tpu.memory_space<vmem>> -> memref<1x80x128xf32, #tpu.memory_space<vmem>>
        %dma_wait3A_202 = tpu.memref_squeeze %dma_wait3A_201 : memref<1x80x128xf32, #tpu.memory_space<vmem>> -> memref<80x128xf32, #tpu.memory_space<vmem>>
        %dma_wait3A_203 = arith.constant 0 : i32
        %dma_wait3A_204 = tpu.memref_slice %arg8[%add3A_197, %dma_wait3A_203] : memref<32x80xi32, #tpu.memory_space<vmem>> -> memref<1x80xi32, #tpu.memory_space<vmem>>
        %dma_wait3A_205 = tpu.memref_squeeze %dma_wait3A_204 : memref<1x80xi32, #tpu.memory_space<vmem>> -> memref<80xi32, #tpu.memory_space<vmem>>
        %dma_wait3A_206 = arith.constant 0 : i32
        %dma_wait3A_207 = arith.constant 0 : i32
        %dma_wait3A_208 = tpu.memref_slice %arg10[%dma_wait3A_206, %dma_wait3A_207] : memref<10240x128xf32, #tpu.memory_space<vmem_shared>> -> memref<10240x128xf32, #tpu.memory_space<vmem_shared>>
        tpu.wait_indirect_dma semaphore(%arg15 : memref<!tpu.dma_semaphore, #tpu.memory_space<semaphore_mem>>) src(%dma_wait3A_202 : memref<80x128xf32, #tpu.memory_space<vmem>>) dst(%dma_wait3A_208 : memref<10240x128xf32, #tpu.memory_space<vmem_shared>>)
        %add3A_209 = arith.constant 4 : i32
        %add3A_210 = arith.addi %add3A_92, %add3A_209 : i32
        %add3A_211 = arith.constant 0 : i32
        %add3A_212 = arith.addi %add3A_210, %add3A_211 : i32
        %lt3A = arith.constant 32 : i32
        %lt3A_213 = arith.cmpi slt, %add3A_212, %lt3A : i32
        %convert_element_type3A = arith.extui %lt3A_213 : i1 to i32
        %cond3A = arith.constant 0 : i32
        %cond3A_214 = arith.cmpi ne, %convert_element_type3A, %cond3A : i32
        scf.if %cond3A_214 {
          %add3A_281 = arith.constant 4 : i32
          %add3A_282 = arith.addi %add3A_92, %add3A_281 : i32
          %add3A_283 = arith.constant 0 : i32
          %add3A_284 = arith.addi %add3A_282, %add3A_283 : i32
          %dma_start3A_285 = arith.constant 0 : i32
          %dma_start3A_286 = arith.constant 0 : i32
          %dma_start3A_287 = arith.constant 0 : i32
          %dma_start3A_288 = tpu.memref_slice %arg9[%dma_start3A_285, %dma_start3A_286, %dma_start3A_287] : memref<4x80x128xf32, #tpu.memory_space<vmem>> -> memref<1x80x128xf32, #tpu.memory_space<vmem>>
          %dma_start3A_289 = tpu.memref_squeeze %dma_start3A_288 : memref<1x80x128xf32, #tpu.memory_space<vmem>> -> memref<80x128xf32, #tpu.memory_space<vmem>>
          %dma_start3A_290 = arith.constant 0 : i32
          %dma_start3A_291 = tpu.memref_slice %arg7[%add3A_284, %dma_start3A_290] : memref<32x80xi32, #tpu.memory_space<vmem>> -> memref<1x80xi32, #tpu.memory_space<vmem>>
          %dma_start3A_292 = tpu.memref_squeeze %dma_start3A_291 : memref<1x80xi32, #tpu.memory_space<vmem>> -> memref<80xi32, #tpu.memory_space<vmem>>
          %dma_start3A_293 = arith.constant 0 : i32
          %dma_start3A_294 = arith.constant 0 : i32
          %dma_start3A_295 = tpu.memref_slice %arg2[%dma_start3A_293, %dma_start3A_294] : memref<10240x128xf32, #tpu.memory_space<hbm>> -> memref<10240x128xf32, #tpu.memory_space<hbm>>
          tpu.enqueue_indirect_dma source(%dma_start3A_295 : memref<10240x128xf32, #tpu.memory_space<hbm>>) target(%dma_start3A_289 : memref<80x128xf32, #tpu.memory_space<vmem>>) offsets(%dma_start3A_292 : memref<80xi32, #tpu.memory_space<vmem>>) semaphore(%arg11 : memref<!tpu.dma_semaphore, #tpu.memory_space<semaphore_mem>>)
        } else {
        }
        %add3A_215 = arith.constant 1 : i32
        %add3A_216 = arith.addi %add3A_92, %add3A_215 : i32
        %dma_wait3A_217 = arith.constant 1 : i32
        %dma_wait3A_218 = arith.constant 0 : i32
        %dma_wait3A_219 = arith.constant 0 : i32
        %dma_wait3A_220 = tpu.memref_slice %arg9[%dma_wait3A_217, %dma_wait3A_218, %dma_wait3A_219] : memref<4x80x128xf32, #tpu.memory_space<vmem>> -> memref<1x80x128xf32, #tpu.memory_space<vmem>>
        %dma_wait3A_221 = tpu.memref_squeeze %dma_wait3A_220 : memref<1x80x128xf32, #tpu.memory_space<vmem>> -> memref<80x128xf32, #tpu.memory_space<vmem>>
        %dma_wait3A_222 = arith.constant 0 : i32
        %dma_wait3A_223 = tpu.memref_slice %arg8[%add3A_216, %dma_wait3A_222] : memref<32x80xi32, #tpu.memory_space<vmem>> -> memref<1x80xi32, #tpu.memory_space<vmem>>
        %dma_wait3A_224 = tpu.memref_squeeze %dma_wait3A_223 : memref<1x80xi32, #tpu.memory_space<vmem>> -> memref<80xi32, #tpu.memory_space<vmem>>
        %dma_wait3A_225 = arith.constant 0 : i32
        %dma_wait3A_226 = arith.constant 0 : i32
        %dma_wait3A_227 = tpu.memref_slice %arg10[%dma_wait3A_225, %dma_wait3A_226] : memref<10240x128xf32, #tpu.memory_space<vmem_shared>> -> memref<10240x128xf32, #tpu.memory_space<vmem_shared>>
        tpu.wait_indirect_dma semaphore(%arg16 : memref<!tpu.dma_semaphore, #tpu.memory_space<semaphore_mem>>) src(%dma_wait3A_221 : memref<80x128xf32, #tpu.memory_space<vmem>>) dst(%dma_wait3A_227 : memref<10240x128xf32, #tpu.memory_space<vmem_shared>>)
        %add3A_228 = arith.constant 4 : i32
        %add3A_229 = arith.addi %add3A_92, %add3A_228 : i32
        %add3A_230 = arith.constant 1 : i32
        %add3A_231 = arith.addi %add3A_229, %add3A_230 : i32
        %lt3A_232 = arith.constant 32 : i32
        %lt3A_233 = arith.cmpi slt, %add3A_231, %lt3A_232 : i32
        %convert_element_type3A_234 = arith.extui %lt3A_233 : i1 to i32
        %cond3A_235 = arith.constant 0 : i32
        %cond3A_236 = arith.cmpi ne, %convert_element_type3A_234, %cond3A_235 : i32
        scf.if %cond3A_236 {
          %add3A_281 = arith.constant 4 : i32
          %add3A_282 = arith.addi %add3A_92, %add3A_281 : i32
          %add3A_283 = arith.constant 1 : i32
          %add3A_284 = arith.addi %add3A_282, %add3A_283 : i32
          %dma_start3A_285 = arith.constant 1 : i32
          %dma_start3A_286 = arith.constant 0 : i32
          %dma_start3A_287 = arith.constant 0 : i32
          %dma_start3A_288 = tpu.memref_slice %arg9[%dma_start3A_285, %dma_start3A_286, %dma_start3A_287] : memref<4x80x128xf32, #tpu.memory_space<vmem>> -> memref<1x80x128xf32, #tpu.memory_space<vmem>>
          %dma_start3A_289 = tpu.memref_squeeze %dma_start3A_288 : memref<1x80x128xf32, #tpu.memory_space<vmem>> -> memref<80x128xf32, #tpu.memory_space<vmem>>
          %dma_start3A_290 = arith.constant 0 : i32
          %dma_start3A_291 = tpu.memref_slice %arg7[%add3A_284, %dma_start3A_290] : memref<32x80xi32, #tpu.memory_space<vmem>> -> memref<1x80xi32, #tpu.memory_space<vmem>>
          %dma_start3A_292 = tpu.memref_squeeze %dma_start3A_291 : memref<1x80xi32, #tpu.memory_space<vmem>> -> memref<80xi32, #tpu.memory_space<vmem>>
          %dma_start3A_293 = arith.constant 0 : i32
          %dma_start3A_294 = arith.constant 0 : i32
          %dma_start3A_295 = tpu.memref_slice %arg2[%dma_start3A_293, %dma_start3A_294] : memref<10240x128xf32, #tpu.memory_space<hbm>> -> memref<10240x128xf32, #tpu.memory_space<hbm>>
          tpu.enqueue_indirect_dma source(%dma_start3A_295 : memref<10240x128xf32, #tpu.memory_space<hbm>>) target(%dma_start3A_289 : memref<80x128xf32, #tpu.memory_space<vmem>>) offsets(%dma_start3A_292 : memref<80xi32, #tpu.memory_space<vmem>>) semaphore(%arg12 : memref<!tpu.dma_semaphore, #tpu.memory_space<semaphore_mem>>)
        } else {
        }
        %add3A_237 = arith.constant 2 : i32
        %add3A_238 = arith.addi %add3A_92, %add3A_237 : i32
        %dma_wait3A_239 = arith.constant 2 : i32
        %dma_wait3A_240 = arith.constant 0 : i32
        %dma_wait3A_241 = arith.constant 0 : i32
        %dma_wait3A_242 = tpu.memref_slice %arg9[%dma_wait3A_239, %dma_wait3A_240, %dma_wait3A_241] : memref<4x80x128xf32, #tpu.memory_space<vmem>> -> memref<1x80x128xf32, #tpu.memory_space<vmem>>
        %dma_wait3A_243 = tpu.memref_squeeze %dma_wait3A_242 : memref<1x80x128xf32, #tpu.memory_space<vmem>> -> memref<80x128xf32, #tpu.memory_space<vmem>>
        %dma_wait3A_244 = arith.constant 0 : i32
        %dma_wait3A_245 = tpu.memref_slice %arg8[%add3A_238, %dma_wait3A_244] : memref<32x80xi32, #tpu.memory_space<vmem>> -> memref<1x80xi32, #tpu.memory_space<vmem>>
        %dma_wait3A_246 = tpu.memref_squeeze %dma_wait3A_245 : memref<1x80xi32, #tpu.memory_space<vmem>> -> memref<80xi32, #tpu.memory_space<vmem>>
        %dma_wait3A_247 = arith.constant 0 : i32
        %dma_wait3A_248 = arith.constant 0 : i32
        %dma_wait3A_249 = tpu.memref_slice %arg10[%dma_wait3A_247, %dma_wait3A_248] : memref<10240x128xf32, #tpu.memory_space<vmem_shared>> -> memref<10240x128xf32, #tpu.memory_space<vmem_shared>>
        tpu.wait_indirect_dma semaphore(%arg17 : memref<!tpu.dma_semaphore, #tpu.memory_space<semaphore_mem>>) src(%dma_wait3A_243 : memref<80x128xf32, #tpu.memory_space<vmem>>) dst(%dma_wait3A_249 : memref<10240x128xf32, #tpu.memory_space<vmem_shared>>)
        %add3A_250 = arith.constant 4 : i32
        %add3A_251 = arith.addi %add3A_92, %add3A_250 : i32
        %add3A_252 = arith.constant 2 : i32
        %add3A_253 = arith.addi %add3A_251, %add3A_252 : i32
        %lt3A_254 = arith.constant 32 : i32
        %lt3A_255 = arith.cmpi slt, %add3A_253, %lt3A_254 : i32
        %convert_element_type3A_256 = arith.extui %lt3A_255 : i1 to i32
        %cond3A_257 = arith.constant 0 : i32
        %cond3A_258 = arith.cmpi ne, %convert_element_type3A_256, %cond3A_257 : i32
        scf.if %cond3A_258 {
          %add3A_281 = arith.constant 4 : i32
          %add3A_282 = arith.addi %add3A_92, %add3A_281 : i32
          %add3A_283 = arith.constant 2 : i32
          %add3A_284 = arith.addi %add3A_282, %add3A_283 : i32
          %dma_start3A_285 = arith.constant 2 : i32
          %dma_start3A_286 = arith.constant 0 : i32
          %dma_start3A_287 = arith.constant 0 : i32
          %dma_start3A_288 = tpu.memref_slice %arg9[%dma_start3A_285, %dma_start3A_286, %dma_start3A_287] : memref<4x80x128xf32, #tpu.memory_space<vmem>> -> memref<1x80x128xf32, #tpu.memory_space<vmem>>
          %dma_start3A_289 = tpu.memref_squeeze %dma_start3A_288 : memref<1x80x128xf32, #tpu.memory_space<vmem>> -> memref<80x128xf32, #tpu.memory_space<vmem>>
          %dma_start3A_290 = arith.constant 0 : i32
          %dma_start3A_291 = tpu.memref_slice %arg7[%add3A_284, %dma_start3A_290] : memref<32x80xi32, #tpu.memory_space<vmem>> -> memref<1x80xi32, #tpu.memory_space<vmem>>
          %dma_start3A_292 = tpu.memref_squeeze %dma_start3A_291 : memref<1x80xi32, #tpu.memory_space<vmem>> -> memref<80xi32, #tpu.memory_space<vmem>>
          %dma_start3A_293 = arith.constant 0 : i32
          %dma_start3A_294 = arith.constant 0 : i32
          %dma_start3A_295 = tpu.memref_slice %arg2[%dma_start3A_293, %dma_start3A_294] : memref<10240x128xf32, #tpu.memory_space<hbm>> -> memref<10240x128xf32, #tpu.memory_space<hbm>>
          tpu.enqueue_indirect_dma source(%dma_start3A_295 : memref<10240x128xf32, #tpu.memory_space<hbm>>) target(%dma_start3A_289 : memref<80x128xf32, #tpu.memory_space<vmem>>) offsets(%dma_start3A_292 : memref<80xi32, #tpu.memory_space<vmem>>) semaphore(%arg13 : memref<!tpu.dma_semaphore, #tpu.memory_space<semaphore_mem>>)
        } else {
        }
        %add3A_259 = arith.constant 3 : i32
        %add3A_260 = arith.addi %add3A_92, %add3A_259 : i32
        %dma_wait3A_261 = arith.constant 3 : i32
        %dma_wait3A_262 = arith.constant 0 : i32
        %dma_wait3A_263 = arith.constant 0 : i32
        %dma_wait3A_264 = tpu.memref_slice %arg9[%dma_wait3A_261, %dma_wait3A_262, %dma_wait3A_263] : memref<4x80x128xf32, #tpu.memory_space<vmem>> -> memref<1x80x128xf32, #tpu.memory_space<vmem>>
        %dma_wait3A_265 = tpu.memref_squeeze %dma_wait3A_264 : memref<1x80x128xf32, #tpu.memory_space<vmem>> -> memref<80x128xf32, #tpu.memory_space<vmem>>
        %dma_wait3A_266 = arith.constant 0 : i32
        %dma_wait3A_267 = tpu.memref_slice %arg8[%add3A_260, %dma_wait3A_266] : memref<32x80xi32, #tpu.memory_space<vmem>> -> memref<1x80xi32, #tpu.memory_space<vmem>>
        %dma_wait3A_268 = tpu.memref_squeeze %dma_wait3A_267 : memref<1x80xi32, #tpu.memory_space<vmem>> -> memref<80xi32, #tpu.memory_space<vmem>>
        %dma_wait3A_269 = arith.constant 0 : i32
        %dma_wait3A_270 = arith.constant 0 : i32
        %dma_wait3A_271 = tpu.memref_slice %arg10[%dma_wait3A_269, %dma_wait3A_270] : memref<10240x128xf32, #tpu.memory_space<vmem_shared>> -> memref<10240x128xf32, #tpu.memory_space<vmem_shared>>
        tpu.wait_indirect_dma semaphore(%arg18 : memref<!tpu.dma_semaphore, #tpu.memory_space<semaphore_mem>>) src(%dma_wait3A_265 : memref<80x128xf32, #tpu.memory_space<vmem>>) dst(%dma_wait3A_271 : memref<10240x128xf32, #tpu.memory_space<vmem_shared>>)
        %add3A_272 = arith.constant 4 : i32
        %add3A_273 = arith.addi %add3A_92, %add3A_272 : i32
        %add3A_274 = arith.constant 3 : i32
        %add3A_275 = arith.addi %add3A_273, %add3A_274 : i32
        %lt3A_276 = arith.constant 32 : i32
        %lt3A_277 = arith.cmpi slt, %add3A_275, %lt3A_276 : i32
        %convert_element_type3A_278 = arith.extui %lt3A_277 : i1 to i32
        %cond3A_279 = arith.constant 0 : i32
        %cond3A_280 = arith.cmpi ne, %convert_element_type3A_278, %cond3A_279 : i32
        scf.if %cond3A_280 {
          %add3A_281 = arith.constant 4 : i32
          %add3A_282 = arith.addi %add3A_92, %add3A_281 : i32
          %add3A_283 = arith.constant 3 : i32
          %add3A_284 = arith.addi %add3A_282, %add3A_283 : i32
          %dma_start3A_285 = arith.constant 3 : i32
          %dma_start3A_286 = arith.constant 0 : i32
          %dma_start3A_287 = arith.constant 0 : i32
          %dma_start3A_288 = tpu.memref_slice %arg9[%dma_start3A_285, %dma_start3A_286, %dma_start3A_287] : memref<4x80x128xf32, #tpu.memory_space<vmem>> -> memref<1x80x128xf32, #tpu.memory_space<vmem>>
          %dma_start3A_289 = tpu.memref_squeeze %dma_start3A_288 : memref<1x80x128xf32, #tpu.memory_space<vmem>> -> memref<80x128xf32, #tpu.memory_space<vmem>>
          %dma_start3A_290 = arith.constant 0 : i32
          %dma_start3A_291 = tpu.memref_slice %arg7[%add3A_284, %dma_start3A_290] : memref<32x80xi32, #tpu.memory_space<vmem>> -> memref<1x80xi32, #tpu.memory_space<vmem>>
          %dma_start3A_292 = tpu.memref_squeeze %dma_start3A_291 : memref<1x80xi32, #tpu.memory_space<vmem>> -> memref<80xi32, #tpu.memory_space<vmem>>
          %dma_start3A_293 = arith.constant 0 : i32
          %dma_start3A_294 = arith.constant 0 : i32
          %dma_start3A_295 = tpu.memref_slice %arg2[%dma_start3A_293, %dma_start3A_294] : memref<10240x128xf32, #tpu.memory_space<hbm>> -> memref<10240x128xf32, #tpu.memory_space<hbm>>
          tpu.enqueue_indirect_dma source(%dma_start3A_295 : memref<10240x128xf32, #tpu.memory_space<hbm>>) target(%dma_start3A_289 : memref<80x128xf32, #tpu.memory_space<vmem>>) offsets(%dma_start3A_292 : memref<80xi32, #tpu.memory_space<vmem>>) semaphore(%arg14 : memref<!tpu.dma_semaphore, #tpu.memory_space<semaphore_mem>>)
        } else {
        }
      }
      %scan3A_87 = arith.constant 8 : i32
    }
    %while3A_29 = arith.constant 1 : i32
    scf.for %while3A_31 = %while3A_27 to %while3A_23 step %while3A_29  : i32 {
      %mul3A_32 = arith.muli %while3A_31, %while3A : i32
      %add3A_33 = arith.addi %while3A_20, %mul3A_32 : i32
      %mul3A_34 = arith.constant 32 : i32
      %mul3A_35 = arith.muli %add3A_33, %mul3A_34 : i32
      %add3A_36 = arith.addi %select_n3A_13, %mul3A_35 : i32
      "tpu.region"() ({
        %run_scoped3A = tpu.sem_alloc : memref<!tpu.dma_semaphore, #tpu.memory_space<semaphore_mem>>
        %dma_start3A_88 = arith.constant 0 : i32
        %dma_start3A_89 = tpu.memref_slice %arg3[%add3A_36, %dma_start3A_88] : memref<4096x80xi32, #tpu.memory_space<hbm>> -> memref<32x80xi32, #tpu.memory_space<hbm>>
        %dma_start3A_90 = arith.constant 0 : i32
        %dma_start3A_91 = tpu.memref_slice %arg3[%add3A_36, %dma_start3A_90] : memref<4096x80xi32, #tpu.memory_space<hbm>> -> memref<32x80xi32, #tpu.memory_space<hbm>>
        tpu.enqueue_dma source(%dma_start3A_91 : memref<32x80xi32, #tpu.memory_space<hbm>>) target(%arg7 : memref<32x80xi32, #tpu.memory_space<vmem>>) target_semaphore(%run_scoped3A : memref<!tpu.dma_semaphore, #tpu.memory_space<semaphore_mem>>)
        %dma_wait3A = arith.constant 0 : i32
        %dma_wait3A_92 = tpu.memref_slice %arg3[%add3A_36, %dma_wait3A] : memref<4096x80xi32, #tpu.memory_space<hbm>> -> memref<32x80xi32, #tpu.memory_space<hbm>>
        %dma_wait3A_93 = arith.constant 0 : i32
        %dma_wait3A_94 = tpu.memref_slice %arg3[%add3A_36, %dma_wait3A_93] : memref<4096x80xi32, #tpu.memory_space<hbm>> -> memref<32x80xi32, #tpu.memory_space<hbm>>
        tpu.wait_dma2 semaphore(%run_scoped3A : memref<!tpu.dma_semaphore, #tpu.memory_space<semaphore_mem>>) src(%dma_wait3A_94 : memref<32x80xi32, #tpu.memory_space<hbm>>) dst(%arg7 : memref<32x80xi32, #tpu.memory_space<vmem>>)
        tpu.yield
      }) : () -> ()
      "tpu.region"() ({
        %run_scoped3A = tpu.sem_alloc : memref<!tpu.dma_semaphore, #tpu.memory_space<semaphore_mem>>
        %dma_start3A_88 = arith.constant 0 : i32
        %dma_start3A_89 = tpu.memref_slice %arg4[%add3A_36, %dma_start3A_88] : memref<4096x80xi32, #tpu.memory_space<hbm>> -> memref<32x80xi32, #tpu.memory_space<hbm>>
        %dma_start3A_90 = arith.constant 0 : i32
        %dma_start3A_91 = tpu.memref_slice %arg4[%add3A_36, %dma_start3A_90] : memref<4096x80xi32, #tpu.memory_space<hbm>> -> memref<32x80xi32, #tpu.memory_space<hbm>>
        tpu.enqueue_dma source(%dma_start3A_91 : memref<32x80xi32, #tpu.memory_space<hbm>>) target(%arg8 : memref<32x80xi32, #tpu.memory_space<vmem>>) target_semaphore(%run_scoped3A : memref<!tpu.dma_semaphore, #tpu.memory_space<semaphore_mem>>)
        %dma_wait3A = arith.constant 0 : i32
        %dma_wait3A_92 = tpu.memref_slice %arg4[%add3A_36, %dma_wait3A] : memref<4096x80xi32, #tpu.memory_space<hbm>> -> memref<32x80xi32, #tpu.memory_space<hbm>>
        %dma_wait3A_93 = arith.constant 0 : i32
        %dma_wait3A_94 = tpu.memref_slice %arg4[%add3A_36, %dma_wait3A_93] : memref<4096x80xi32, #tpu.memory_space<hbm>> -> memref<32x80xi32, #tpu.memory_space<hbm>>
        tpu.wait_dma2 semaphore(%run_scoped3A : memref<!tpu.dma_semaphore, #tpu.memory_space<semaphore_mem>>) src(%dma_wait3A_94 : memref<32x80xi32, #tpu.memory_space<hbm>>) dst(%arg8 : memref<32x80xi32, #tpu.memory_space<vmem>>)
        tpu.yield
      }) : () -> ()
      %dma_start3A = arith.constant 0 : i32
      %dma_start3A_37 = arith.constant 0 : i32
      %dma_start3A_38 = arith.constant 0 : i32
      %dma_start3A_39 = arith.constant 0 : i32
      %dma_start3A_40 = tpu.memref_slice %arg9[%dma_start3A_37, %dma_start3A_38, %dma_start3A_39] : memref<4x80x128xf32, #tpu.memory_space<vmem>> -> memref<1x80x128xf32, #tpu.memory_space<vmem>>
      %dma_start3A_41 = tpu.memref_squeeze %dma_start3A_40 : memref<1x80x128xf32, #tpu.memory_space<vmem>> -> memref<80x128xf32, #tpu.memory_space<vmem>>
      %dma_start3A_42 = arith.constant 0 : i32
      %dma_start3A_43 = tpu.memref_slice %arg7[%dma_start3A, %dma_start3A_42] : memref<32x80xi32, #tpu.memory_space<vmem>> -> memref<1x80xi32, #tpu.memory_space<vmem>>
      %dma_start3A_44 = tpu.memref_squeeze %dma_start3A_43 : memref<1x80xi32, #tpu.memory_space<vmem>> -> memref<80xi32, #tpu.memory_space<vmem>>
      %dma_start3A_45 = arith.constant 0 : i32
      %dma_start3A_46 = arith.constant 0 : i32
      %dma_start3A_47 = tpu.memref_slice %arg2[%dma_start3A_45, %dma_start3A_46] : memref<10240x128xf32, #tpu.memory_space<hbm>> -> memref<10240x128xf32, #tpu.memory_space<hbm>>
      tpu.enqueue_indirect_dma source(%dma_start3A_47 : memref<10240x128xf32, #tpu.memory_space<hbm>>) target(%dma_start3A_41 : memref<80x128xf32, #tpu.memory_space<vmem>>) offsets(%dma_start3A_44 : memref<80xi32, #tpu.memory_space<vmem>>) semaphore(%arg11 : memref<!tpu.dma_semaphore, #tpu.memory_space<semaphore_mem>>)
      %dma_start3A_48 = arith.constant 1 : i32
      %dma_start3A_49 = arith.constant 1 : i32
      %dma_start3A_50 = arith.constant 0 : i32
      %dma_start3A_51 = arith.constant 0 : i32
      %dma_start3A_52 = tpu.memref_slice %arg9[%dma_start3A_49, %dma_start3A_50, %dma_start3A_51] : memref<4x80x128xf32, #tpu.memory_space<vmem>> -> memref<1x80x128xf32, #tpu.memory_space<vmem>>
      %dma_start3A_53 = tpu.memref_squeeze %dma_start3A_52 : memref<1x80x128xf32, #tpu.memory_space<vmem>> -> memref<80x128xf32, #tpu.memory_space<vmem>>
      %dma_start3A_54 = arith.constant 0 : i32
      %dma_start3A_55 = tpu.memref_slice %arg7[%dma_start3A_48, %dma_start3A_54] : memref<32x80xi32, #tpu.memory_space<vmem>> -> memref<1x80xi32, #tpu.memory_space<vmem>>
      %dma_start3A_56 = tpu.memref_squeeze %dma_start3A_55 : memref<1x80xi32, #tpu.memory_space<vmem>> -> memref<80xi32, #tpu.memory_space<vmem>>
      %dma_start3A_57 = arith.constant 0 : i32
      %dma_start3A_58 = arith.constant 0 : i32
      %dma_start3A_59 = tpu.memref_slice %arg2[%dma_start3A_57, %dma_start3A_58] : memref<10240x128xf32, #tpu.memory_space<hbm>> -> memref<10240x128xf32, #tpu.memory_space<hbm>>
      tpu.enqueue_indirect_dma source(%dma_start3A_59 : memref<10240x128xf32, #tpu.memory_space<hbm>>) target(%dma_start3A_53 : memref<80x128xf32, #tpu.memory_space<vmem>>) offsets(%dma_start3A_56 : memref<80xi32, #tpu.memory_space<vmem>>) semaphore(%arg12 : memref<!tpu.dma_semaphore, #tpu.memory_space<semaphore_mem>>)
      %dma_start3A_60 = arith.constant 2 : i32
      %dma_start3A_61 = arith.constant 2 : i32
      %dma_start3A_62 = arith.constant 0 : i32
      %dma_start3A_63 = arith.constant 0 : i32
      %dma_start3A_64 = tpu.memref_slice %arg9[%dma_start3A_61, %dma_start3A_62, %dma_start3A_63] : memref<4x80x128xf32, #tpu.memory_space<vmem>> -> memref<1x80x128xf32, #tpu.memory_space<vmem>>
      %dma_start3A_65 = tpu.memref_squeeze %dma_start3A_64 : memref<1x80x128xf32, #tpu.memory_space<vmem>> -> memref<80x128xf32, #tpu.memory_space<vmem>>
      %dma_start3A_66 = arith.constant 0 : i32
      %dma_start3A_67 = tpu.memref_slice %arg7[%dma_start3A_60, %dma_start3A_66] : memref<32x80xi32, #tpu.memory_space<vmem>> -> memref<1x80xi32, #tpu.memory_space<vmem>>
      %dma_start3A_68 = tpu.memref_squeeze %dma_start3A_67 : memref<1x80xi32, #tpu.memory_space<vmem>> -> memref<80xi32, #tpu.memory_space<vmem>>
      %dma_start3A_69 = arith.constant 0 : i32
      %dma_start3A_70 = arith.constant 0 : i32
      %dma_start3A_71 = tpu.memref_slice %arg2[%dma_start3A_69, %dma_start3A_70] : memref<10240x128xf32, #tpu.memory_space<hbm>> -> memref<10240x128xf32, #tpu.memory_space<hbm>>
      tpu.enqueue_indirect_dma source(%dma_start3A_71 : memref<10240x128xf32, #tpu.memory_space<hbm>>) target(%dma_start3A_65 : memref<80x128xf32, #tpu.memory_space<vmem>>) offsets(%dma_start3A_68 : memref<80xi32, #tpu.memory_space<vmem>>) semaphore(%arg13 : memref<!tpu.dma_semaphore, #tpu.memory_space<semaphore_mem>>)
      %dma_start3A_72 = arith.constant 3 : i32
      %dma_start3A_73 = arith.constant 3 : i32
      %dma_start3A_74 = arith.constant 0 : i32
      %dma_start3A_75 = arith.constant 0 : i32
      %dma_start3A_76 = tpu.memref_slice %arg9[%dma_start3A_73, %dma_start3A_74, %dma_start3A_75] : memref<4x80x128xf32, #tpu.memory_space<vmem>> -> memref<1x80x128xf32, #tpu.memory_space<vmem>>
      %dma_start3A_77 = tpu.memref_squeeze %dma_start3A_76 : memref<1x80x128xf32, #tpu.memory_space<vmem>> -> memref<80x128xf32, #tpu.memory_space<vmem>>
      %dma_start3A_78 = arith.constant 0 : i32
      %dma_start3A_79 = tpu.memref_slice %arg7[%dma_start3A_72, %dma_start3A_78] : memref<32x80xi32, #tpu.memory_space<vmem>> -> memref<1x80xi32, #tpu.memory_space<vmem>>
      %dma_start3A_80 = tpu.memref_squeeze %dma_start3A_79 : memref<1x80xi32, #tpu.memory_space<vmem>> -> memref<80xi32, #tpu.memory_space<vmem>>
      %dma_start3A_81 = arith.constant 0 : i32
      %dma_start3A_82 = arith.constant 0 : i32
      %dma_start3A_83 = tpu.memref_slice %arg2[%dma_start3A_81, %dma_start3A_82] : memref<10240x128xf32, #tpu.memory_space<hbm>> -> memref<10240x128xf32, #tpu.memory_space<hbm>>
      tpu.enqueue_indirect_dma source(%dma_start3A_83 : memref<10240x128xf32, #tpu.memory_space<hbm>>) target(%dma_start3A_77 : memref<80x128xf32, #tpu.memory_space<vmem>>) offsets(%dma_start3A_80 : memref<80xi32, #tpu.memory_space<vmem>>) semaphore(%arg14 : memref<!tpu.dma_semaphore, #tpu.memory_space<semaphore_mem>>)
      %scan3A = arith.constant 0 : i32
      %scan3A_84 = arith.constant 8 : i32
      %scan3A_85 = arith.addi %scan3A, %scan3A_84 : i32
      %scan3A_86 = arith.constant 1 : i32
      scf.for %scan3A_88 = %scan3A to %scan3A_85 step %scan3A_86  : i32 {
        %mul3A_89 = arith.constant 4 : i32
        %mul3A_90 = arith.muli %scan3A_88, %mul3A_89 : i32
        %add3A_91 = arith.constant 0 : i32
        %add3A_92 = arith.addi %add3A_91, %mul3A_90 : i32
        %add3A_93 = arith.constant 0 : i32
        %add3A_94 = arith.addi %add3A_92, %add3A_93 : i32
        %dma_wait3A = arith.constant 0 : i32
        %dma_wait3A_95 = arith.constant 0 : i32
        %dma_wait3A_96 = arith.constant 0 : i32
        %dma_wait3A_97 = tpu.memref_slice %arg9[%dma_wait3A, %dma_wait3A_95, %dma_wait3A_96] : memref<4x80x128xf32, #tpu.memory_space<vmem>> -> memref<1x80x128xf32, #tpu.memory_space<vmem>>
        %dma_wait3A_98 = tpu.memref_squeeze %dma_wait3A_97 : memref<1x80x128xf32, #tpu.memory_space<vmem>> -> memref<80x128xf32, #tpu.memory_space<vmem>>
        %dma_wait3A_99 = arith.constant 0 : i32
        %dma_wait3A_100 = tpu.memref_slice %arg7[%add3A_94, %dma_wait3A_99] : memref<32x80xi32, #tpu.memory_space<vmem>> -> memref<1x80xi32, #tpu.memory_space<vmem>>
        %dma_wait3A_101 = tpu.memref_squeeze %dma_wait3A_100 : memref<1x80xi32, #tpu.memory_space<vmem>> -> memref<80xi32, #tpu.memory_space<vmem>>
        %dma_wait3A_102 = arith.constant 0 : i32
        %dma_wait3A_103 = arith.constant 0 : i32
        %dma_wait3A_104 = tpu.memref_slice %arg2[%dma_wait3A_102, %dma_wait3A_103] : memref<10240x128xf32, #tpu.memory_space<hbm>> -> memref<10240x128xf32, #tpu.memory_space<hbm>>
        tpu.wait_indirect_dma semaphore(%arg11 : memref<!tpu.dma_semaphore, #tpu.memory_space<semaphore_mem>>) src(%dma_wait3A_104 : memref<10240x128xf32, #tpu.memory_space<hbm>>) dst(%dma_wait3A_98 : memref<80x128xf32, #tpu.memory_space<vmem>>)
        %add3A_105 = arith.constant 0 : i32
        %add3A_106 = arith.addi %add3A_92, %add3A_105 : i32
        %dma_start3A_107 = arith.constant 0 : i32
        %dma_start3A_108 = arith.constant 0 : i32
        %dma_start3A_109 = arith.constant 0 : i32
        %dma_start3A_110 = tpu.memref_slice %arg9[%dma_start3A_107, %dma_start3A_108, %dma_start3A_109] : memref<4x80x128xf32, #tpu.memory_space<vmem>> -> memref<1x80x128xf32, #tpu.memory_space<vmem>>
        %dma_start3A_111 = tpu.memref_squeeze %dma_start3A_110 : memref<1x80x128xf32, #tpu.memory_space<vmem>> -> memref<80x128xf32, #tpu.memory_space<vmem>>
        %dma_start3A_112 = arith.constant 0 : i32
        %dma_start3A_113 = tpu.memref_slice %arg8[%add3A_106, %dma_start3A_112] : memref<32x80xi32, #tpu.memory_space<vmem>> -> memref<1x80xi32, #tpu.memory_space<vmem>>
        %dma_start3A_114 = tpu.memref_squeeze %dma_start3A_113 : memref<1x80xi32, #tpu.memory_space<vmem>> -> memref<80xi32, #tpu.memory_space<vmem>>
        %dma_start3A_115 = arith.constant 0 : i32
        %dma_start3A_116 = arith.constant 0 : i32
        %dma_start3A_117 = tpu.memref_slice %arg10[%dma_start3A_115, %dma_start3A_116] : memref<10240x128xf32, #tpu.memory_space<vmem_shared>> -> memref<10240x128xf32, #tpu.memory_space<vmem_shared>>
        tpu.enqueue_indirect_dma source(%dma_start3A_111 : memref<80x128xf32, #tpu.memory_space<vmem>>) target(%dma_start3A_117 : memref<10240x128xf32, #tpu.memory_space<vmem_shared>>) offsets(%dma_start3A_114 : memref<80xi32, #tpu.memory_space<vmem>>) semaphore(%arg15 : memref<!tpu.dma_semaphore, #tpu.memory_space<semaphore_mem>>) {add = true}
        %add3A_118 = arith.constant 1 : i32
        %add3A_119 = arith.addi %add3A_92, %add3A_118 : i32
        %dma_wait3A_120 = arith.constant 1 : i32
        %dma_wait3A_121 = arith.constant 0 : i32
        %dma_wait3A_122 = arith.constant 0 : i32
        %dma_wait3A_123 = tpu.memref_slice %arg9[%dma_wait3A_120, %dma_wait3A_121, %dma_wait3A_122] : memref<4x80x128xf32, #tpu.memory_space<vmem>> -> memref<1x80x128xf32, #tpu.memory_space<vmem>>
        %dma_wait3A_124 = tpu.memref_squeeze %dma_wait3A_123 : memref<1x80x128xf32, #tpu.memory_space<vmem>> -> memref<80x128xf32, #tpu.memory_space<vmem>>
        %dma_wait3A_125 = arith.constant 0 : i32
        %dma_wait3A_126 = tpu.memref_slice %arg7[%add3A_119, %dma_wait3A_125] : memref<32x80xi32, #tpu.memory_space<vmem>> -> memref<1x80xi32, #tpu.memory_space<vmem>>
        %dma_wait3A_127 = tpu.memref_squeeze %dma_wait3A_126 : memref<1x80xi32, #tpu.memory_space<vmem>> -> memref<80xi32, #tpu.memory_space<vmem>>
        %dma_wait3A_128 = arith.constant 0 : i32
        %dma_wait3A_129 = arith.constant 0 : i32
        %dma_wait3A_130 = tpu.memref_slice %arg2[%dma_wait3A_128, %dma_wait3A_129] : memref<10240x128xf32, #tpu.memory_space<hbm>> -> memref<10240x128xf32, #tpu.memory_space<hbm>>
        tpu.wait_indirect_dma semaphore(%arg12 : memref<!tpu.dma_semaphore, #tpu.memory_space<semaphore_mem>>) src(%dma_wait3A_130 : memref<10240x128xf32, #tpu.memory_space<hbm>>) dst(%dma_wait3A_124 : memref<80x128xf32, #tpu.memory_space<vmem>>)
        %add3A_131 = arith.constant 1 : i32
        %add3A_132 = arith.addi %add3A_92, %add3A_131 : i32
        %dma_start3A_133 = arith.constant 1 : i32
        %dma_start3A_134 = arith.constant 0 : i32
        %dma_start3A_135 = arith.constant 0 : i32
        %dma_start3A_136 = tpu.memref_slice %arg9[%dma_start3A_133, %dma_start3A_134, %dma_start3A_135] : memref<4x80x128xf32, #tpu.memory_space<vmem>> -> memref<1x80x128xf32, #tpu.memory_space<vmem>>
        %dma_start3A_137 = tpu.memref_squeeze %dma_start3A_136 : memref<1x80x128xf32, #tpu.memory_space<vmem>> -> memref<80x128xf32, #tpu.memory_space<vmem>>
        %dma_start3A_138 = arith.constant 0 : i32
        %dma_start3A_139 = tpu.memref_slice %arg8[%add3A_132, %dma_start3A_138] : memref<32x80xi32, #tpu.memory_space<vmem>> -> memref<1x80xi32, #tpu.memory_space<vmem>>
        %dma_start3A_140 = tpu.memref_squeeze %dma_start3A_139 : memref<1x80xi32, #tpu.memory_space<vmem>> -> memref<80xi32, #tpu.memory_space<vmem>>
        %dma_start3A_141 = arith.constant 0 : i32
        %dma_start3A_142 = arith.constant 0 : i32
        %dma_start3A_143 = tpu.memref_slice %arg10[%dma_start3A_141, %dma_start3A_142] : memref<10240x128xf32, #tpu.memory_space<vmem_shared>> -> memref<10240x128xf32, #tpu.memory_space<vmem_shared>>
        tpu.enqueue_indirect_dma source(%dma_start3A_137 : memref<80x128xf32, #tpu.memory_space<vmem>>) target(%dma_start3A_143 : memref<10240x128xf32, #tpu.memory_space<vmem_shared>>) offsets(%dma_start3A_140 : memref<80xi32, #tpu.memory_space<vmem>>) semaphore(%arg16 : memref<!tpu.dma_semaphore, #tpu.memory_space<semaphore_mem>>) {add = true}
        %add3A_144 = arith.constant 2 : i32
        %add3A_145 = arith.addi %add3A_92, %add3A_144 : i32
        %dma_wait3A_146 = arith.constant 2 : i32
        %dma_wait3A_147 = arith.constant 0 : i32
        %dma_wait3A_148 = arith.constant 0 : i32
        %dma_wait3A_149 = tpu.memref_slice %arg9[%dma_wait3A_146, %dma_wait3A_147, %dma_wait3A_148] : memref<4x80x128xf32, #tpu.memory_space<vmem>> -> memref<1x80x128xf32, #tpu.memory_space<vmem>>
        %dma_wait3A_150 = tpu.memref_squeeze %dma_wait3A_149 : memref<1x80x128xf32, #tpu.memory_space<vmem>> -> memref<80x128xf32, #tpu.memory_space<vmem>>
        %dma_wait3A_151 = arith.constant 0 : i32
        %dma_wait3A_152 = tpu.memref_slice %arg7[%add3A_145, %dma_wait3A_151] : memref<32x80xi32, #tpu.memory_space<vmem>> -> memref<1x80xi32, #tpu.memory_space<vmem>>
        %dma_wait3A_153 = tpu.memref_squeeze %dma_wait3A_152 : memref<1x80xi32, #tpu.memory_space<vmem>> -> memref<80xi32, #tpu.memory_space<vmem>>
        %dma_wait3A_154 = arith.constant 0 : i32
        %dma_wait3A_155 = arith.constant 0 : i32
        %dma_wait3A_156 = tpu.memref_slice %arg2[%dma_wait3A_154, %dma_wait3A_155] : memref<10240x128xf32, #tpu.memory_space<hbm>> -> memref<10240x128xf32, #tpu.memory_space<hbm>>
        tpu.wait_indirect_dma semaphore(%arg13 : memref<!tpu.dma_semaphore, #tpu.memory_space<semaphore_mem>>) src(%dma_wait3A_156 : memref<10240x128xf32, #tpu.memory_space<hbm>>) dst(%dma_wait3A_150 : memref<80x128xf32, #tpu.memory_space<vmem>>)
        %add3A_157 = arith.constant 2 : i32
        %add3A_158 = arith.addi %add3A_92, %add3A_157 : i32
        %dma_start3A_159 = arith.constant 2 : i32
        %dma_start3A_160 = arith.constant 0 : i32
        %dma_start3A_161 = arith.constant 0 : i32
        %dma_start3A_162 = tpu.memref_slice %arg9[%dma_start3A_159, %dma_start3A_160, %dma_start3A_161] : memref<4x80x128xf32, #tpu.memory_space<vmem>> -> memref<1x80x128xf32, #tpu.memory_space<vmem>>
        %dma_start3A_163 = tpu.memref_squeeze %dma_start3A_162 : memref<1x80x128xf32, #tpu.memory_space<vmem>> -> memref<80x128xf32, #tpu.memory_space<vmem>>
        %dma_start3A_164 = arith.constant 0 : i32
        %dma_start3A_165 = tpu.memref_slice %arg8[%add3A_158, %dma_start3A_164] : memref<32x80xi32, #tpu.memory_space<vmem>> -> memref<1x80xi32, #tpu.memory_space<vmem>>
        %dma_start3A_166 = tpu.memref_squeeze %dma_start3A_165 : memref<1x80xi32, #tpu.memory_space<vmem>> -> memref<80xi32, #tpu.memory_space<vmem>>
        %dma_start3A_167 = arith.constant 0 : i32
        %dma_start3A_168 = arith.constant 0 : i32
        %dma_start3A_169 = tpu.memref_slice %arg10[%dma_start3A_167, %dma_start3A_168] : memref<10240x128xf32, #tpu.memory_space<vmem_shared>> -> memref<10240x128xf32, #tpu.memory_space<vmem_shared>>
        tpu.enqueue_indirect_dma source(%dma_start3A_163 : memref<80x128xf32, #tpu.memory_space<vmem>>) target(%dma_start3A_169 : memref<10240x128xf32, #tpu.memory_space<vmem_shared>>) offsets(%dma_start3A_166 : memref<80xi32, #tpu.memory_space<vmem>>) semaphore(%arg17 : memref<!tpu.dma_semaphore, #tpu.memory_space<semaphore_mem>>) {add = true}
        %add3A_170 = arith.constant 3 : i32
        %add3A_171 = arith.addi %add3A_92, %add3A_170 : i32
        %dma_wait3A_172 = arith.constant 3 : i32
        %dma_wait3A_173 = arith.constant 0 : i32
        %dma_wait3A_174 = arith.constant 0 : i32
        %dma_wait3A_175 = tpu.memref_slice %arg9[%dma_wait3A_172, %dma_wait3A_173, %dma_wait3A_174] : memref<4x80x128xf32, #tpu.memory_space<vmem>> -> memref<1x80x128xf32, #tpu.memory_space<vmem>>
        %dma_wait3A_176 = tpu.memref_squeeze %dma_wait3A_175 : memref<1x80x128xf32, #tpu.memory_space<vmem>> -> memref<80x128xf32, #tpu.memory_space<vmem>>
        %dma_wait3A_177 = arith.constant 0 : i32
        %dma_wait3A_178 = tpu.memref_slice %arg7[%add3A_171, %dma_wait3A_177] : memref<32x80xi32, #tpu.memory_space<vmem>> -> memref<1x80xi32, #tpu.memory_space<vmem>>
        %dma_wait3A_179 = tpu.memref_squeeze %dma_wait3A_178 : memref<1x80xi32, #tpu.memory_space<vmem>> -> memref<80xi32, #tpu.memory_space<vmem>>
        %dma_wait3A_180 = arith.constant 0 : i32
        %dma_wait3A_181 = arith.constant 0 : i32
        %dma_wait3A_182 = tpu.memref_slice %arg2[%dma_wait3A_180, %dma_wait3A_181] : memref<10240x128xf32, #tpu.memory_space<hbm>> -> memref<10240x128xf32, #tpu.memory_space<hbm>>
        tpu.wait_indirect_dma semaphore(%arg14 : memref<!tpu.dma_semaphore, #tpu.memory_space<semaphore_mem>>) src(%dma_wait3A_182 : memref<10240x128xf32, #tpu.memory_space<hbm>>) dst(%dma_wait3A_176 : memref<80x128xf32, #tpu.memory_space<vmem>>)
        %add3A_183 = arith.constant 3 : i32
        %add3A_184 = arith.addi %add3A_92, %add3A_183 : i32
        %dma_start3A_185 = arith.constant 3 : i32
        %dma_start3A_186 = arith.constant 0 : i32
        %dma_start3A_187 = arith.constant 0 : i32
        %dma_start3A_188 = tpu.memref_slice %arg9[%dma_start3A_185, %dma_start3A_186, %dma_start3A_187] : memref<4x80x128xf32, #tpu.memory_space<vmem>> -> memref<1x80x128xf32, #tpu.memory_space<vmem>>
        %dma_start3A_189 = tpu.memref_squeeze %dma_start3A_188 : memref<1x80x128xf32, #tpu.memory_space<vmem>> -> memref<80x128xf32, #tpu.memory_space<vmem>>
        %dma_start3A_190 = arith.constant 0 : i32
        %dma_start3A_191 = tpu.memref_slice %arg8[%add3A_184, %dma_start3A_190] : memref<32x80xi32, #tpu.memory_space<vmem>> -> memref<1x80xi32, #tpu.memory_space<vmem>>
        %dma_start3A_192 = tpu.memref_squeeze %dma_start3A_191 : memref<1x80xi32, #tpu.memory_space<vmem>> -> memref<80xi32, #tpu.memory_space<vmem>>
        %dma_start3A_193 = arith.constant 0 : i32
        %dma_start3A_194 = arith.constant 0 : i32
        %dma_start3A_195 = tpu.memref_slice %arg10[%dma_start3A_193, %dma_start3A_194] : memref<10240x128xf32, #tpu.memory_space<vmem_shared>> -> memref<10240x128xf32, #tpu.memory_space<vmem_shared>>
        tpu.enqueue_indirect_dma source(%dma_start3A_189 : memref<80x128xf32, #tpu.memory_space<vmem>>) target(%dma_start3A_195 : memref<10240x128xf32, #tpu.memory_space<vmem_shared>>) offsets(%dma_start3A_192 : memref<80xi32, #tpu.memory_space<vmem>>) semaphore(%arg18 : memref<!tpu.dma_semaphore, #tpu.memory_space<semaphore_mem>>) {add = true}
        %add3A_196 = arith.constant 0 : i32
        %add3A_197 = arith.addi %add3A_92, %add3A_196 : i32
        %dma_wait3A_198 = arith.constant 0 : i32
        %dma_wait3A_199 = arith.constant 0 : i32
        %dma_wait3A_200 = arith.constant 0 : i32
        %dma_wait3A_201 = tpu.memref_slice %arg9[%dma_wait3A_198, %dma_wait3A_199, %dma_wait3A_200] : memref<4x80x128xf32, #tpu.memory_space<vmem>> -> memref<1x80x128xf32, #tpu.memory_space<vmem>>
        %dma_wait3A_202 = tpu.memref_squeeze %dma_wait3A_201 : memref<1x80x128xf32, #tpu.memory_space<vmem>> -> memref<80x128xf32, #tpu.memory_space<vmem>>
        %dma_wait3A_203 = arith.constant 0 : i32
        %dma_wait3A_204 = tpu.memref_slice %arg8[%add3A_197, %dma_wait3A_203] : memref<32x80xi32, #tpu.memory_space<vmem>> -> memref<1x80xi32, #tpu.memory_space<vmem>>
        %dma_wait3A_205 = tpu.memref_squeeze %dma_wait3A_204 : memref<1x80xi32, #tpu.memory_space<vmem>> -> memref<80xi32, #tpu.memory_space<vmem>>
        %dma_wait3A_206 = arith.constant 0 : i32
        %dma_wait3A_207 = arith.constant 0 : i32
        %dma_wait3A_208 = tpu.memref_slice %arg10[%dma_wait3A_206, %dma_wait3A_207] : memref<10240x128xf32, #tpu.memory_space<vmem_shared>> -> memref<10240x128xf32, #tpu.memory_space<vmem_shared>>
        tpu.wait_indirect_dma semaphore(%arg15 : memref<!tpu.dma_semaphore, #tpu.memory_space<semaphore_mem>>) src(%dma_wait3A_202 : memref<80x128xf32, #tpu.memory_space<vmem>>) dst(%dma_wait3A_208 : memref<10240x128xf32, #tpu.memory_space<vmem_shared>>)
        %add3A_209 = arith.constant 4 : i32
        %add3A_210 = arith.addi %add3A_92, %add3A_209 : i32
        %add3A_211 = arith.constant 0 : i32
        %add3A_212 = arith.addi %add3A_210, %add3A_211 : i32
        %lt3A = arith.constant 32 : i32
        %lt3A_213 = arith.cmpi slt, %add3A_212, %lt3A : i32
        %convert_element_type3A = arith.extui %lt3A_213 : i1 to i32
        %cond3A = arith.constant 0 : i32
        %cond3A_214 = arith.cmpi ne, %convert_element_type3A, %cond3A : i32
        scf.if %cond3A_214 {
          %add3A_281 = arith.constant 4 : i32
          %add3A_282 = arith.addi %add3A_92, %add3A_281 : i32
          %add3A_283 = arith.constant 0 : i32
          %add3A_284 = arith.addi %add3A_282, %add3A_283 : i32
          %dma_start3A_285 = arith.constant 0 : i32
          %dma_start3A_286 = arith.constant 0 : i32
          %dma_start3A_287 = arith.constant 0 : i32
          %dma_start3A_288 = tpu.memref_slice %arg9[%dma_start3A_285, %dma_start3A_286, %dma_start3A_287] : memref<4x80x128xf32, #tpu.memory_space<vmem>> -> memref<1x80x128xf32, #tpu.memory_space<vmem>>
          %dma_start3A_289 = tpu.memref_squeeze %dma_start3A_288 : memref<1x80x128xf32, #tpu.memory_space<vmem>> -> memref<80x128xf32, #tpu.memory_space<vmem>>
          %dma_start3A_290 = arith.constant 0 : i32
          %dma_start3A_291 = tpu.memref_slice %arg7[%add3A_284, %dma_start3A_290] : memref<32x80xi32, #tpu.memory_space<vmem>> -> memref<1x80xi32, #tpu.memory_space<vmem>>
          %dma_start3A_292 = tpu.memref_squeeze %dma_start3A_291 : memref<1x80xi32, #tpu.memory_space<vmem>> -> memref<80xi32, #tpu.memory_space<vmem>>
          %dma_start3A_293 = arith.constant 0 : i32
          %dma_start3A_294 = arith.constant 0 : i32
          %dma_start3A_295 = tpu.memref_slice %arg2[%dma_start3A_293, %dma_start3A_294] : memref<10240x128xf32, #tpu.memory_space<hbm>> -> memref<10240x128xf32, #tpu.memory_space<hbm>>
          tpu.enqueue_indirect_dma source(%dma_start3A_295 : memref<10240x128xf32, #tpu.memory_space<hbm>>) target(%dma_start3A_289 : memref<80x128xf32, #tpu.memory_space<vmem>>) offsets(%dma_start3A_292 : memref<80xi32, #tpu.memory_space<vmem>>) semaphore(%arg11 : memref<!tpu.dma_semaphore, #tpu.memory_space<semaphore_mem>>)
        } else {
        }
        %add3A_215 = arith.constant 1 : i32
        %add3A_216 = arith.addi %add3A_92, %add3A_215 : i32
        %dma_wait3A_217 = arith.constant 1 : i32
        %dma_wait3A_218 = arith.constant 0 : i32
        %dma_wait3A_219 = arith.constant 0 : i32
        %dma_wait3A_220 = tpu.memref_slice %arg9[%dma_wait3A_217, %dma_wait3A_218, %dma_wait3A_219] : memref<4x80x128xf32, #tpu.memory_space<vmem>> -> memref<1x80x128xf32, #tpu.memory_space<vmem>>
        %dma_wait3A_221 = tpu.memref_squeeze %dma_wait3A_220 : memref<1x80x128xf32, #tpu.memory_space<vmem>> -> memref<80x128xf32, #tpu.memory_space<vmem>>
        %dma_wait3A_222 = arith.constant 0 : i32
        %dma_wait3A_223 = tpu.memref_slice %arg8[%add3A_216, %dma_wait3A_222] : memref<32x80xi32, #tpu.memory_space<vmem>> -> memref<1x80xi32, #tpu.memory_space<vmem>>
        %dma_wait3A_224 = tpu.memref_squeeze %dma_wait3A_223 : memref<1x80xi32, #tpu.memory_space<vmem>> -> memref<80xi32, #tpu.memory_space<vmem>>
        %dma_wait3A_225 = arith.constant 0 : i32
        %dma_wait3A_226 = arith.constant 0 : i32
        %dma_wait3A_227 = tpu.memref_slice %arg10[%dma_wait3A_225, %dma_wait3A_226] : memref<10240x128xf32, #tpu.memory_space<vmem_shared>> -> memref<10240x128xf32, #tpu.memory_space<vmem_shared>>
        tpu.wait_indirect_dma semaphore(%arg16 : memref<!tpu.dma_semaphore, #tpu.memory_space<semaphore_mem>>) src(%dma_wait3A_221 : memref<80x128xf32, #tpu.memory_space<vmem>>) dst(%dma_wait3A_227 : memref<10240x128xf32, #tpu.memory_space<vmem_shared>>)
        %add3A_228 = arith.constant 4 : i32
        %add3A_229 = arith.addi %add3A_92, %add3A_228 : i32
        %add3A_230 = arith.constant 1 : i32
        %add3A_231 = arith.addi %add3A_229, %add3A_230 : i32
        %lt3A_232 = arith.constant 32 : i32
        %lt3A_233 = arith.cmpi slt, %add3A_231, %lt3A_232 : i32
        %convert_element_type3A_234 = arith.extui %lt3A_233 : i1 to i32
        %cond3A_235 = arith.constant 0 : i32
        %cond3A_236 = arith.cmpi ne, %convert_element_type3A_234, %cond3A_235 : i32
        scf.if %cond3A_236 {
          %add3A_281 = arith.constant 4 : i32
          %add3A_282 = arith.addi %add3A_92, %add3A_281 : i32
          %add3A_283 = arith.constant 1 : i32
          %add3A_284 = arith.addi %add3A_282, %add3A_283 : i32
          %dma_start3A_285 = arith.constant 1 : i32
          %dma_start3A_286 = arith.constant 0 : i32
          %dma_start3A_287 = arith.constant 0 : i32
          %dma_start3A_288 = tpu.memref_slice %arg9[%dma_start3A_285, %dma_start3A_286, %dma_start3A_287] : memref<4x80x128xf32, #tpu.memory_space<vmem>> -> memref<1x80x128xf32, #tpu.memory_space<vmem>>
          %dma_start3A_289 = tpu.memref_squeeze %dma_start3A_288 : memref<1x80x128xf32, #tpu.memory_space<vmem>> -> memref<80x128xf32, #tpu.memory_space<vmem>>
          %dma_start3A_290 = arith.constant 0 : i32
          %dma_start3A_291 = tpu.memref_slice %arg7[%add3A_284, %dma_start3A_290] : memref<32x80xi32, #tpu.memory_space<vmem>> -> memref<1x80xi32, #tpu.memory_space<vmem>>
          %dma_start3A_292 = tpu.memref_squeeze %dma_start3A_291 : memref<1x80xi32, #tpu.memory_space<vmem>> -> memref<80xi32, #tpu.memory_space<vmem>>
          %dma_start3A_293 = arith.constant 0 : i32
          %dma_start3A_294 = arith.constant 0 : i32
          %dma_start3A_295 = tpu.memref_slice %arg2[%dma_start3A_293, %dma_start3A_294] : memref<10240x128xf32, #tpu.memory_space<hbm>> -> memref<10240x128xf32, #tpu.memory_space<hbm>>
          tpu.enqueue_indirect_dma source(%dma_start3A_295 : memref<10240x128xf32, #tpu.memory_space<hbm>>) target(%dma_start3A_289 : memref<80x128xf32, #tpu.memory_space<vmem>>) offsets(%dma_start3A_292 : memref<80xi32, #tpu.memory_space<vmem>>) semaphore(%arg12 : memref<!tpu.dma_semaphore, #tpu.memory_space<semaphore_mem>>)
        } else {
        }
        %add3A_237 = arith.constant 2 : i32
        %add3A_238 = arith.addi %add3A_92, %add3A_237 : i32
        %dma_wait3A_239 = arith.constant 2 : i32
        %dma_wait3A_240 = arith.constant 0 : i32
        %dma_wait3A_241 = arith.constant 0 : i32
        %dma_wait3A_242 = tpu.memref_slice %arg9[%dma_wait3A_239, %dma_wait3A_240, %dma_wait3A_241] : memref<4x80x128xf32, #tpu.memory_space<vmem>> -> memref<1x80x128xf32, #tpu.memory_space<vmem>>
        %dma_wait3A_243 = tpu.memref_squeeze %dma_wait3A_242 : memref<1x80x128xf32, #tpu.memory_space<vmem>> -> memref<80x128xf32, #tpu.memory_space<vmem>>
        %dma_wait3A_244 = arith.constant 0 : i32
        %dma_wait3A_245 = tpu.memref_slice %arg8[%add3A_238, %dma_wait3A_244] : memref<32x80xi32, #tpu.memory_space<vmem>> -> memref<1x80xi32, #tpu.memory_space<vmem>>
        %dma_wait3A_246 = tpu.memref_squeeze %dma_wait3A_245 : memref<1x80xi32, #tpu.memory_space<vmem>> -> memref<80xi32, #tpu.memory_space<vmem>>
        %dma_wait3A_247 = arith.constant 0 : i32
        %dma_wait3A_248 = arith.constant 0 : i32
        %dma_wait3A_249 = tpu.memref_slice %arg10[%dma_wait3A_247, %dma_wait3A_248] : memref<10240x128xf32, #tpu.memory_space<vmem_shared>> -> memref<10240x128xf32, #tpu.memory_space<vmem_shared>>
        tpu.wait_indirect_dma semaphore(%arg17 : memref<!tpu.dma_semaphore, #tpu.memory_space<semaphore_mem>>) src(%dma_wait3A_243 : memref<80x128xf32, #tpu.memory_space<vmem>>) dst(%dma_wait3A_249 : memref<10240x128xf32, #tpu.memory_space<vmem_shared>>)
        %add3A_250 = arith.constant 4 : i32
        %add3A_251 = arith.addi %add3A_92, %add3A_250 : i32
        %add3A_252 = arith.constant 2 : i32
        %add3A_253 = arith.addi %add3A_251, %add3A_252 : i32
        %lt3A_254 = arith.constant 32 : i32
        %lt3A_255 = arith.cmpi slt, %add3A_253, %lt3A_254 : i32
        %convert_element_type3A_256 = arith.extui %lt3A_255 : i1 to i32
        %cond3A_257 = arith.constant 0 : i32
        %cond3A_258 = arith.cmpi ne, %convert_element_type3A_256, %cond3A_257 : i32
        scf.if %cond3A_258 {
          %add3A_281 = arith.constant 4 : i32
          %add3A_282 = arith.addi %add3A_92, %add3A_281 : i32
          %add3A_283 = arith.constant 2 : i32
          %add3A_284 = arith.addi %add3A_282, %add3A_283 : i32
          %dma_start3A_285 = arith.constant 2 : i32
          %dma_start3A_286 = arith.constant 0 : i32
          %dma_start3A_287 = arith.constant 0 : i32
          %dma_start3A_288 = tpu.memref_slice %arg9[%dma_start3A_285, %dma_start3A_286, %dma_start3A_287] : memref<4x80x128xf32, #tpu.memory_space<vmem>> -> memref<1x80x128xf32, #tpu.memory_space<vmem>>
          %dma_start3A_289 = tpu.memref_squeeze %dma_start3A_288 : memref<1x80x128xf32, #tpu.memory_space<vmem>> -> memref<80x128xf32, #tpu.memory_space<vmem>>
          %dma_start3A_290 = arith.constant 0 : i32
          %dma_start3A_291 = tpu.memref_slice %arg7[%add3A_284, %dma_start3A_290] : memref<32x80xi32, #tpu.memory_space<vmem>> -> memref<1x80xi32, #tpu.memory_space<vmem>>
          %dma_start3A_292 = tpu.memref_squeeze %dma_start3A_291 : memref<1x80xi32, #tpu.memory_space<vmem>> -> memref<80xi32, #tpu.memory_space<vmem>>
          %dma_start3A_293 = arith.constant 0 : i32
          %dma_start3A_294 = arith.constant 0 : i32
          %dma_start3A_295 = tpu.memref_slice %arg2[%dma_start3A_293, %dma_start3A_294] : memref<10240x128xf32, #tpu.memory_space<hbm>> -> memref<10240x128xf32, #tpu.memory_space<hbm>>
          tpu.enqueue_indirect_dma source(%dma_start3A_295 : memref<10240x128xf32, #tpu.memory_space<hbm>>) target(%dma_start3A_289 : memref<80x128xf32, #tpu.memory_space<vmem>>) offsets(%dma_start3A_292 : memref<80xi32, #tpu.memory_space<vmem>>) semaphore(%arg13 : memref<!tpu.dma_semaphore, #tpu.memory_space<semaphore_mem>>)
        } else {
        }
        %add3A_259 = arith.constant 3 : i32
        %add3A_260 = arith.addi %add3A_92, %add3A_259 : i32
        %dma_wait3A_261 = arith.constant 3 : i32
        %dma_wait3A_262 = arith.constant 0 : i32
        %dma_wait3A_263 = arith.constant 0 : i32
        %dma_wait3A_264 = tpu.memref_slice %arg9[%dma_wait3A_261, %dma_wait3A_262, %dma_wait3A_263] : memref<4x80x128xf32, #tpu.memory_space<vmem>> -> memref<1x80x128xf32, #tpu.memory_space<vmem>>
        %dma_wait3A_265 = tpu.memref_squeeze %dma_wait3A_264 : memref<1x80x128xf32, #tpu.memory_space<vmem>> -> memref<80x128xf32, #tpu.memory_space<vmem>>
        %dma_wait3A_266 = arith.constant 0 : i32
        %dma_wait3A_267 = tpu.memref_slice %arg8[%add3A_260, %dma_wait3A_266] : memref<32x80xi32, #tpu.memory_space<vmem>> -> memref<1x80xi32, #tpu.memory_space<vmem>>
        %dma_wait3A_268 = tpu.memref_squeeze %dma_wait3A_267 : memref<1x80xi32, #tpu.memory_space<vmem>> -> memref<80xi32, #tpu.memory_space<vmem>>
        %dma_wait3A_269 = arith.constant 0 : i32
        %dma_wait3A_270 = arith.constant 0 : i32
        %dma_wait3A_271 = tpu.memref_slice %arg10[%dma_wait3A_269, %dma_wait3A_270] : memref<10240x128xf32, #tpu.memory_space<vmem_shared>> -> memref<10240x128xf32, #tpu.memory_space<vmem_shared>>
        tpu.wait_indirect_dma semaphore(%arg18 : memref<!tpu.dma_semaphore, #tpu.memory_space<semaphore_mem>>) src(%dma_wait3A_265 : memref<80x128xf32, #tpu.memory_space<vmem>>) dst(%dma_wait3A_271 : memref<10240x128xf32, #tpu.memory_space<vmem_shared>>)
        %add3A_272 = arith.constant 4 : i32
        %add3A_273 = arith.addi %add3A_92, %add3A_272 : i32
        %add3A_274 = arith.constant 3 : i32
        %add3A_275 = arith.addi %add3A_273, %add3A_274 : i32
        %lt3A_276 = arith.constant 32 : i32
        %lt3A_277 = arith.cmpi slt, %add3A_275, %lt3A_276 : i32
        %convert_element_type3A_278 = arith.extui %lt3A_277 : i1 to i32
        %cond3A_279 = arith.constant 0 : i32
        %cond3A_280 = arith.cmpi ne, %convert_element_type3A_278, %cond3A_279 : i32
        scf.if %cond3A_280 {
          %add3A_281 = arith.constant 4 : i32
          %add3A_282 = arith.addi %add3A_92, %add3A_281 : i32
          %add3A_283 = arith.constant 3 : i32
          %add3A_284 = arith.addi %add3A_282, %add3A_283 : i32
          %dma_start3A_285 = arith.constant 3 : i32
          %dma_start3A_286 = arith.constant 0 : i32
          %dma_start3A_287 = arith.constant 0 : i32
          %dma_start3A_288 = tpu.memref_slice %arg9[%dma_start3A_285, %dma_start3A_286, %dma_start3A_287] : memref<4x80x128xf32, #tpu.memory_space<vmem>> -> memref<1x80x128xf32, #tpu.memory_space<vmem>>
          %dma_start3A_289 = tpu.memref_squeeze %dma_start3A_288 : memref<1x80x128xf32, #tpu.memory_space<vmem>> -> memref<80x128xf32, #tpu.memory_space<vmem>>
          %dma_start3A_290 = arith.constant 0 : i32
          %dma_start3A_291 = tpu.memref_slice %arg7[%add3A_284, %dma_start3A_290] : memref<32x80xi32, #tpu.memory_space<vmem>> -> memref<1x80xi32, #tpu.memory_space<vmem>>
          %dma_start3A_292 = tpu.memref_squeeze %dma_start3A_291 : memref<1x80xi32, #tpu.memory_space<vmem>> -> memref<80xi32, #tpu.memory_space<vmem>>
          %dma_start3A_293 = arith.constant 0 : i32
          %dma_start3A_294 = arith.constant 0 : i32
          %dma_start3A_295 = tpu.memref_slice %arg2[%dma_start3A_293, %dma_start3A_294] : memref<10240x128xf32, #tpu.memory_space<hbm>> -> memref<10240x128xf32, #tpu.memory_space<hbm>>
          tpu.enqueue_indirect_dma source(%dma_start3A_295 : memref<10240x128xf32, #tpu.memory_space<hbm>>) target(%dma_start3A_289 : memref<80x128xf32, #tpu.memory_space<vmem>>) offsets(%dma_start3A_292 : memref<80xi32, #tpu.memory_space<vmem>>) semaphore(%arg14 : memref<!tpu.dma_semaphore, #tpu.memory_space<semaphore_mem>>)
        } else {
        }
      }
      %scan3A_87 = arith.constant 8 : i32
    }
    %barrier3A_30 = arith.constant 0 : index
    tpu.barrier barrier_id(%barrier3A_30)
    "tpu.region"() ({
      %run_scoped3A = tpu.sem_alloc : memref<!tpu.dma_semaphore, #tpu.memory_space<semaphore_mem>>
      %dma_start3A = arith.constant 0 : i32
      %dma_start3A_31 = tpu.memref_slice %arg6[%arg0, %mul3A_2, %dma_start3A] : memref<2x10240x128xf32, #tpu.memory_space<hbm>> -> memref<1x640x128xf32, #tpu.memory_space<hbm>>
      %dma_start3A_32 = tpu.memref_squeeze %dma_start3A_31 : memref<1x640x128xf32, #tpu.memory_space<hbm>> -> memref<640x128xf32, #tpu.memory_space<hbm>>
      %dma_start3A_33 = arith.constant 0 : i32
      %dma_start3A_34 = tpu.memref_slice %arg10[%mul3A_2, %dma_start3A_33] : memref<10240x128xf32, #tpu.memory_space<vmem_shared>> -> memref<640x128xf32, #tpu.memory_space<vmem_shared>>
      tpu.enqueue_dma source(%dma_start3A_34 : memref<640x128xf32, #tpu.memory_space<vmem_shared>>) target(%dma_start3A_32 : memref<640x128xf32, #tpu.memory_space<hbm>>) target_semaphore(%run_scoped3A : memref<!tpu.dma_semaphore, #tpu.memory_space<semaphore_mem>>)
      %dma_wait3A = arith.constant 0 : i32
      %dma_wait3A_35 = tpu.memref_slice %arg6[%arg0, %mul3A_2, %dma_wait3A] : memref<2x10240x128xf32, #tpu.memory_space<hbm>> -> memref<1x640x128xf32, #tpu.memory_space<hbm>>
      %dma_wait3A_36 = tpu.memref_squeeze %dma_wait3A_35 : memref<1x640x128xf32, #tpu.memory_space<hbm>> -> memref<640x128xf32, #tpu.memory_space<hbm>>
      %dma_wait3A_37 = arith.constant 0 : i32
      %dma_wait3A_38 = tpu.memref_slice %arg10[%mul3A_2, %dma_wait3A_37] : memref<10240x128xf32, #tpu.memory_space<vmem_shared>> -> memref<640x128xf32, #tpu.memory_space<vmem_shared>>
      tpu.wait_dma2 semaphore(%run_scoped3A : memref<!tpu.dma_semaphore, #tpu.memory_space<semaphore_mem>>) src(%dma_wait3A_38 : memref<640x128xf32, #tpu.memory_space<vmem_shared>>) dst(%dma_wait3A_36 : memref<640x128xf32, #tpu.memory_space<hbm>>)
      tpu.yield
    }) : () -> ()
    return
  }
}

#map = affine_map<(d0, d1) -> (0, 0)>
#map1 = affine_map<(d0, d1) -> (0, 0, 0)>
module attributes {stable_mosaic.version = 14 : i64} {
  func.func @k(%arg0: i32, %arg1: i32, %arg2: memref<10240x128xf32, #tpu.memory_space<hbm>>, %arg3: memref<4096x80xi32, #tpu.memory_space<hbm>>, %arg4: memref<4096x80xi32, #tpu.memory_space<hbm>>, %arg5: memref<10240x128xf32, #tpu.memory_space<hbm>>, %arg6: memref<2x10240x128xf32, #tpu.memory_space<hbm>>, %arg7: memref<32x80xi32, #tpu.memory_space<vmem>>, %arg8: memref<32x80xi32, #tpu.memory_space<vmem>>, %arg9: memref<4x80x128xf32, #tpu.memory_space<vmem>>, %arg10: memref<10240x128xf32, #tpu.memory_space<vmem_shared>>, %arg11: memref<!tpu.dma_semaphore, #tpu.memory_space<semaphore_mem>>, %arg12: memref<!tpu.dma_semaphore, #tpu.memory_space<semaphore_mem>>, %arg13: memref<!tpu.dma_semaphore, #tpu.memory_space<semaphore_mem>>, %arg14: memref<!tpu.dma_semaphore, #tpu.memory_space<semaphore_mem>>, %arg15: memref<!tpu.dma_semaphore, #tpu.memory_space<semaphore_mem>>, %arg16: memref<!tpu.dma_semaphore, #tpu.memory_space<semaphore_mem>>, %arg17: memref<!tpu.dma_semaphore, #tpu.memory_space<semaphore_mem>>, %arg18: memref<!tpu.dma_semaphore, #tpu.memory_space<semaphore_mem>>) attributes {dimension_semantics = [#tpu.dimension_semantics<core_parallel>, #tpu.dimension_semantics<subcore_parallel>], iteration_bounds = array<i64: 2, 16>, scalar_prefetch = 0 : i64, scratch_operands = 12 : i64, tpu.core_type = #tpu.core_type<sc_vector_subcore>, window_params = [{transform_indices = #map}, {transform_indices = #map}, {transform_indices = #map}, {transform_indices = #map}, {transform_indices = #map1}]} {
    %mul3A = arith.constant 16 : i32
    %mul3A_0 = arith.muli %arg0, %mul3A : i32
    %add3A = arith.addi %mul3A_0, %arg1 : i32
    %mul3A_1 = arith.constant 640 : i32
    %mul3A_2 = arith.muli %arg1, %mul3A_1 : i32
    "tpu.region"() ({
      %run_scoped3A = tpu.sem_alloc : memref<!tpu.dma_semaphore, #tpu.memory_space<semaphore_mem>>
      %dma_start3A = arith.constant 0 : i32
      %dma_start3A_31 = tpu.memref_slice %arg10[%mul3A_2, %dma_start3A] : memref<10240x128xf32, #tpu.memory_space<vmem_shared>> -> memref<640x128xf32, #tpu.memory_space<vmem_shared>>
      %dma_start3A_32 = arith.constant 0 : i32
      %dma_start3A_33 = tpu.memref_slice %arg5[%mul3A_2, %dma_start3A_32] : memref<10240x128xf32, #tpu.memory_space<hbm>> -> memref<640x128xf32, #tpu.memory_space<hbm>>
      tpu.enqueue_dma source(%dma_start3A_33 : memref<640x128xf32, #tpu.memory_space<hbm>>) target(%dma_start3A_31 : memref<640x128xf32, #tpu.memory_space<vmem_shared>>) target_semaphore(%run_scoped3A : memref<!tpu.dma_semaphore, #tpu.memory_space<semaphore_mem>>)
      %dma_wait3A = arith.constant 0 : i32
      %dma_wait3A_34 = tpu.memref_slice %arg10[%mul3A_2, %dma_wait3A] : memref<10240x128xf32, #tpu.memory_space<vmem_shared>> -> memref<640x128xf32, #tpu.memory_space<vmem_shared>>
      %dma_wait3A_35 = arith.constant 0 : i32
      %dma_wait3A_36 = tpu.memref_slice %arg5[%mul3A_2, %dma_wait3A_35] : memref<10240x128xf32, #tpu.memory_space<hbm>> -> memref<640x128xf32, #tpu.memory_space<hbm>>
      tpu.wait_dma2 semaphore(%run_scoped3A : memref<!tpu.dma_semaphore, #tpu.memory_space<semaphore_mem>>) src(%dma_wait3A_36 : memref<640x128xf32, #tpu.memory_space<hbm>>) dst(%dma_wait3A_34 : memref<640x128xf32, #tpu.memory_space<vmem_shared>>)
      tpu.yield
    }) : () -> ()
    %barrier3A = arith.constant 0 : index
    tpu.barrier barrier_id(%barrier3A)
    %eq3A = arith.constant 0 : i32
    %eq3A_3 = arith.cmpi eq, %arg0, %eq3A : i32
    %jit3A = arith.constant 4 : i32
    %jit3A_4 = arith.constant 4 : i32
    %select_n3A = arith.select %eq3A_3, %jit3A, %jit3A_4 : i32
    %eq3A_5 = arith.constant 0 : i32
    %eq3A_6 = arith.cmpi eq, %arg0, %eq3A_5 : i32
    %mul3A_7 = arith.constant 128 : i32
    %mul3A_8 = arith.muli %arg1, %mul3A_7 : i32
    %mul3A_9 = arith.constant 128 : i32
    %mul3A_10 = arith.muli %arg1, %mul3A_9 : i32
    %add3A_11 = arith.constant 2048 : i32
    %add3A_12 = arith.addi %add3A_11, %mul3A_10 : i32
    %select_n3A_13 = arith.select %eq3A_6, %mul3A_8, %add3A_12 : i32
    %sub3A = arith.constant 0 : i32
    %sub3A_14 = arith.subi %select_n3A, %sub3A : i32
    %sub3A_15 = arith.constant 1 : i32
    %sub3A_16 = arith.constant 1 : i32
    %sub3A_17 = arith.subi %sub3A_15, %sub3A_16 : i32
    %add3A_18 = arith.addi %sub3A_14, %sub3A_17 : i32
    %div3A = arith.constant 1 : i32
    %div3A_19 = arith.divsi %add3A_18, %div3A : i32
    %while3A = arith.constant 1 : i32
    %while3A_20 = arith.constant 0 : i32
    %while3A_21 = arith.constant 0 : i32
    %while3A_22 = arith.subi %div3A_19, %while3A_21 : i32
    %while3A_23 = arith.addi %while3A_21, %while3A_22 : i32
    %while3A_24 = arith.constant 1 : i32
    %while3A_25 = arith.divsi %while3A_22, %while3A_24 : i32
    %while3A_26 = arith.muli %while3A_25, %while3A_24 : i32
    %while3A_27 = arith.addi %while3A_21, %while3A_26 : i32
    %while3A_28 = arith.constant 1 : i32
    scf.for %while3A_31 = %while3A_21 to %while3A_27 step %while3A_28  : i32 {
      %mul3A_32 = arith.muli %while3A_31, %while3A : i32
      %add3A_33 = arith.addi %while3A_20, %mul3A_32 : i32
      %mul3A_34 = arith.constant 32 : i32
      %mul3A_35 = arith.muli %add3A_33, %mul3A_34 : i32
      %add3A_36 = arith.addi %select_n3A_13, %mul3A_35 : i32
      "tpu.region"() ({
        %run_scoped3A = tpu.sem_alloc : memref<!tpu.dma_semaphore, #tpu.memory_space<semaphore_mem>>
        %dma_start3A_88 = arith.constant 0 : i32
        %dma_start3A_89 = tpu.memref_slice %arg3[%add3A_36, %dma_start3A_88] : memref<4096x80xi32, #tpu.memory_space<hbm>> -> memref<32x80xi32, #tpu.memory_space<hbm>>
        %dma_start3A_90 = arith.constant 0 : i32
        %dma_start3A_91 = tpu.memref_slice %arg3[%add3A_36, %dma_start3A_90] : memref<4096x80xi32, #tpu.memory_space<hbm>> -> memref<32x80xi32, #tpu.memory_space<hbm>>
        tpu.enqueue_dma source(%dma_start3A_91 : memref<32x80xi32, #tpu.memory_space<hbm>>) target(%arg7 : memref<32x80xi32, #tpu.memory_space<vmem>>) target_semaphore(%run_scoped3A : memref<!tpu.dma_semaphore, #tpu.memory_space<semaphore_mem>>)
        %dma_wait3A = arith.constant 0 : i32
        %dma_wait3A_92 = tpu.memref_slice %arg3[%add3A_36, %dma_wait3A] : memref<4096x80xi32, #tpu.memory_space<hbm>> -> memref<32x80xi32, #tpu.memory_space<hbm>>
        %dma_wait3A_93 = arith.constant 0 : i32
        %dma_wait3A_94 = tpu.memref_slice %arg3[%add3A_36, %dma_wait3A_93] : memref<4096x80xi32, #tpu.memory_space<hbm>> -> memref<32x80xi32, #tpu.memory_space<hbm>>
        tpu.wait_dma2 semaphore(%run_scoped3A : memref<!tpu.dma_semaphore, #tpu.memory_space<semaphore_mem>>) src(%dma_wait3A_94 : memref<32x80xi32, #tpu.memory_space<hbm>>) dst(%arg7 : memref<32x80xi32, #tpu.memory_space<vmem>>)
        tpu.yield
      }) : () -> ()
      "tpu.region"() ({
        %run_scoped3A = tpu.sem_alloc : memref<!tpu.dma_semaphore, #tpu.memory_space<semaphore_mem>>
        %dma_start3A_88 = arith.constant 0 : i32
        %dma_start3A_89 = tpu.memref_slice %arg4[%add3A_36, %dma_start3A_88] : memref<4096x80xi32, #tpu.memory_space<hbm>> -> memref<32x80xi32, #tpu.memory_space<hbm>>
        %dma_start3A_90 = arith.constant 0 : i32
        %dma_start3A_91 = tpu.memref_slice %arg4[%add3A_36, %dma_start3A_90] : memref<4096x80xi32, #tpu.memory_space<hbm>> -> memref<32x80xi32, #tpu.memory_space<hbm>>
        tpu.enqueue_dma source(%dma_start3A_91 : memref<32x80xi32, #tpu.memory_space<hbm>>) target(%arg8 : memref<32x80xi32, #tpu.memory_space<vmem>>) target_semaphore(%run_scoped3A : memref<!tpu.dma_semaphore, #tpu.memory_space<semaphore_mem>>)
        %dma_wait3A = arith.constant 0 : i32
        %dma_wait3A_92 = tpu.memref_slice %arg4[%add3A_36, %dma_wait3A] : memref<4096x80xi32, #tpu.memory_space<hbm>> -> memref<32x80xi32, #tpu.memory_space<hbm>>
        %dma_wait3A_93 = arith.constant 0 : i32
        %dma_wait3A_94 = tpu.memref_slice %arg4[%add3A_36, %dma_wait3A_93] : memref<4096x80xi32, #tpu.memory_space<hbm>> -> memref<32x80xi32, #tpu.memory_space<hbm>>
        tpu.wait_dma2 semaphore(%run_scoped3A : memref<!tpu.dma_semaphore, #tpu.memory_space<semaphore_mem>>) src(%dma_wait3A_94 : memref<32x80xi32, #tpu.memory_space<hbm>>) dst(%arg8 : memref<32x80xi32, #tpu.memory_space<vmem>>)
        tpu.yield
      }) : () -> ()
      %dma_start3A = arith.constant 0 : i32
      %dma_start3A_37 = arith.constant 0 : i32
      %dma_start3A_38 = arith.constant 0 : i32
      %dma_start3A_39 = arith.constant 0 : i32
      %dma_start3A_40 = tpu.memref_slice %arg9[%dma_start3A_37, %dma_start3A_38, %dma_start3A_39] : memref<4x80x128xf32, #tpu.memory_space<vmem>> -> memref<1x80x128xf32, #tpu.memory_space<vmem>>
      %dma_start3A_41 = tpu.memref_squeeze %dma_start3A_40 : memref<1x80x128xf32, #tpu.memory_space<vmem>> -> memref<80x128xf32, #tpu.memory_space<vmem>>
      %dma_start3A_42 = arith.constant 0 : i32
      %dma_start3A_43 = tpu.memref_slice %arg7[%dma_start3A, %dma_start3A_42] : memref<32x80xi32, #tpu.memory_space<vmem>> -> memref<1x80xi32, #tpu.memory_space<vmem>>
      %dma_start3A_44 = tpu.memref_squeeze %dma_start3A_43 : memref<1x80xi32, #tpu.memory_space<vmem>> -> memref<80xi32, #tpu.memory_space<vmem>>
      %dma_start3A_45 = arith.constant 0 : i32
      %dma_start3A_46 = arith.constant 0 : i32
      %dma_start3A_47 = tpu.memref_slice %arg2[%dma_start3A_45, %dma_start3A_46] : memref<10240x128xf32, #tpu.memory_space<hbm>> -> memref<10240x128xf32, #tpu.memory_space<hbm>>
      tpu.enqueue_indirect_dma source(%dma_start3A_47 : memref<10240x128xf32, #tpu.memory_space<hbm>>) target(%dma_start3A_41 : memref<80x128xf32, #tpu.memory_space<vmem>>) offsets(%dma_start3A_44 : memref<80xi32, #tpu.memory_space<vmem>>) semaphore(%arg11 : memref<!tpu.dma_semaphore, #tpu.memory_space<semaphore_mem>>)
      %dma_start3A_48 = arith.constant 1 : i32
      %dma_start3A_49 = arith.constant 1 : i32
      %dma_start3A_50 = arith.constant 0 : i32
      %dma_start3A_51 = arith.constant 0 : i32
      %dma_start3A_52 = tpu.memref_slice %arg9[%dma_start3A_49, %dma_start3A_50, %dma_start3A_51] : memref<4x80x128xf32, #tpu.memory_space<vmem>> -> memref<1x80x128xf32, #tpu.memory_space<vmem>>
      %dma_start3A_53 = tpu.memref_squeeze %dma_start3A_52 : memref<1x80x128xf32, #tpu.memory_space<vmem>> -> memref<80x128xf32, #tpu.memory_space<vmem>>
      %dma_start3A_54 = arith.constant 0 : i32
      %dma_start3A_55 = tpu.memref_slice %arg7[%dma_start3A_48, %dma_start3A_54] : memref<32x80xi32, #tpu.memory_space<vmem>> -> memref<1x80xi32, #tpu.memory_space<vmem>>
      %dma_start3A_56 = tpu.memref_squeeze %dma_start3A_55 : memref<1x80xi32, #tpu.memory_space<vmem>> -> memref<80xi32, #tpu.memory_space<vmem>>
      %dma_start3A_57 = arith.constant 0 : i32
      %dma_start3A_58 = arith.constant 0 : i32
      %dma_start3A_59 = tpu.memref_slice %arg2[%dma_start3A_57, %dma_start3A_58] : memref<10240x128xf32, #tpu.memory_space<hbm>> -> memref<10240x128xf32, #tpu.memory_space<hbm>>
      tpu.enqueue_indirect_dma source(%dma_start3A_59 : memref<10240x128xf32, #tpu.memory_space<hbm>>) target(%dma_start3A_53 : memref<80x128xf32, #tpu.memory_space<vmem>>) offsets(%dma_start3A_56 : memref<80xi32, #tpu.memory_space<vmem>>) semaphore(%arg12 : memref<!tpu.dma_semaphore, #tpu.memory_space<semaphore_mem>>)
      %dma_start3A_60 = arith.constant 2 : i32
      %dma_start3A_61 = arith.constant 2 : i32
      %dma_start3A_62 = arith.constant 0 : i32
      %dma_start3A_63 = arith.constant 0 : i32
      %dma_start3A_64 = tpu.memref_slice %arg9[%dma_start3A_61, %dma_start3A_62, %dma_start3A_63] : memref<4x80x128xf32, #tpu.memory_space<vmem>> -> memref<1x80x128xf32, #tpu.memory_space<vmem>>
      %dma_start3A_65 = tpu.memref_squeeze %dma_start3A_64 : memref<1x80x128xf32, #tpu.memory_space<vmem>> -> memref<80x128xf32, #tpu.memory_space<vmem>>
      %dma_start3A_66 = arith.constant 0 : i32
      %dma_start3A_67 = tpu.memref_slice %arg7[%dma_start3A_60, %dma_start3A_66] : memref<32x80xi32, #tpu.memory_space<vmem>> -> memref<1x80xi32, #tpu.memory_space<vmem>>
      %dma_start3A_68 = tpu.memref_squeeze %dma_start3A_67 : memref<1x80xi32, #tpu.memory_space<vmem>> -> memref<80xi32, #tpu.memory_space<vmem>>
      %dma_start3A_69 = arith.constant 0 : i32
      %dma_start3A_70 = arith.constant 0 : i32
      %dma_start3A_71 = tpu.memref_slice %arg2[%dma_start3A_69, %dma_start3A_70] : memref<10240x128xf32, #tpu.memory_space<hbm>> -> memref<10240x128xf32, #tpu.memory_space<hbm>>
      tpu.enqueue_indirect_dma source(%dma_start3A_71 : memref<10240x128xf32, #tpu.memory_space<hbm>>) target(%dma_start3A_65 : memref<80x128xf32, #tpu.memory_space<vmem>>) offsets(%dma_start3A_68 : memref<80xi32, #tpu.memory_space<vmem>>) semaphore(%arg13 : memref<!tpu.dma_semaphore, #tpu.memory_space<semaphore_mem>>)
      %dma_start3A_72 = arith.constant 3 : i32
      %dma_start3A_73 = arith.constant 3 : i32
      %dma_start3A_74 = arith.constant 0 : i32
      %dma_start3A_75 = arith.constant 0 : i32
      %dma_start3A_76 = tpu.memref_slice %arg9[%dma_start3A_73, %dma_start3A_74, %dma_start3A_75] : memref<4x80x128xf32, #tpu.memory_space<vmem>> -> memref<1x80x128xf32, #tpu.memory_space<vmem>>
      %dma_start3A_77 = tpu.memref_squeeze %dma_start3A_76 : memref<1x80x128xf32, #tpu.memory_space<vmem>> -> memref<80x128xf32, #tpu.memory_space<vmem>>
      %dma_start3A_78 = arith.constant 0 : i32
      %dma_start3A_79 = tpu.memref_slice %arg7[%dma_start3A_72, %dma_start3A_78] : memref<32x80xi32, #tpu.memory_space<vmem>> -> memref<1x80xi32, #tpu.memory_space<vmem>>
      %dma_start3A_80 = tpu.memref_squeeze %dma_start3A_79 : memref<1x80xi32, #tpu.memory_space<vmem>> -> memref<80xi32, #tpu.memory_space<vmem>>
      %dma_start3A_81 = arith.constant 0 : i32
      %dma_start3A_82 = arith.constant 0 : i32
      %dma_start3A_83 = tpu.memref_slice %arg2[%dma_start3A_81, %dma_start3A_82] : memref<10240x128xf32, #tpu.memory_space<hbm>> -> memref<10240x128xf32, #tpu.memory_space<hbm>>
      tpu.enqueue_indirect_dma source(%dma_start3A_83 : memref<10240x128xf32, #tpu.memory_space<hbm>>) target(%dma_start3A_77 : memref<80x128xf32, #tpu.memory_space<vmem>>) offsets(%dma_start3A_80 : memref<80xi32, #tpu.memory_space<vmem>>) semaphore(%arg14 : memref<!tpu.dma_semaphore, #tpu.memory_space<semaphore_mem>>)
      %scan3A = arith.constant 0 : i32
      %scan3A_84 = arith.constant 8 : i32
      %scan3A_85 = arith.addi %scan3A, %scan3A_84 : i32
      %scan3A_86 = arith.constant 1 : i32
      scf.for %scan3A_88 = %scan3A to %scan3A_85 step %scan3A_86  : i32 {
        %mul3A_89 = arith.constant 4 : i32
        %mul3A_90 = arith.muli %scan3A_88, %mul3A_89 : i32
        %add3A_91 = arith.constant 0 : i32
        %add3A_92 = arith.addi %add3A_91, %mul3A_90 : i32
        %add3A_93 = arith.constant 0 : i32
        %add3A_94 = arith.addi %add3A_92, %add3A_93 : i32
        %dma_wait3A = arith.constant 0 : i32
        %dma_wait3A_95 = arith.constant 0 : i32
        %dma_wait3A_96 = arith.constant 0 : i32
        %dma_wait3A_97 = tpu.memref_slice %arg9[%dma_wait3A, %dma_wait3A_95, %dma_wait3A_96] : memref<4x80x128xf32, #tpu.memory_space<vmem>> -> memref<1x80x128xf32, #tpu.memory_space<vmem>>
        %dma_wait3A_98 = tpu.memref_squeeze %dma_wait3A_97 : memref<1x80x128xf32, #tpu.memory_space<vmem>> -> memref<80x128xf32, #tpu.memory_space<vmem>>
        %dma_wait3A_99 = arith.constant 0 : i32
        %dma_wait3A_100 = tpu.memref_slice %arg7[%add3A_94, %dma_wait3A_99] : memref<32x80xi32, #tpu.memory_space<vmem>> -> memref<1x80xi32, #tpu.memory_space<vmem>>
        %dma_wait3A_101 = tpu.memref_squeeze %dma_wait3A_100 : memref<1x80xi32, #tpu.memory_space<vmem>> -> memref<80xi32, #tpu.memory_space<vmem>>
        %dma_wait3A_102 = arith.constant 0 : i32
        %dma_wait3A_103 = arith.constant 0 : i32
        %dma_wait3A_104 = tpu.memref_slice %arg2[%dma_wait3A_102, %dma_wait3A_103] : memref<10240x128xf32, #tpu.memory_space<hbm>> -> memref<10240x128xf32, #tpu.memory_space<hbm>>
        tpu.wait_indirect_dma semaphore(%arg11 : memref<!tpu.dma_semaphore, #tpu.memory_space<semaphore_mem>>) src(%dma_wait3A_104 : memref<10240x128xf32, #tpu.memory_space<hbm>>) dst(%dma_wait3A_98 : memref<80x128xf32, #tpu.memory_space<vmem>>)
        %add3A_105 = arith.constant 0 : i32
        %add3A_106 = arith.addi %add3A_92, %add3A_105 : i32
        %dma_start3A_107 = arith.constant 0 : i32
        %dma_start3A_108 = arith.constant 0 : i32
        %dma_start3A_109 = arith.constant 0 : i32
        %dma_start3A_110 = tpu.memref_slice %arg9[%dma_start3A_107, %dma_start3A_108, %dma_start3A_109] : memref<4x80x128xf32, #tpu.memory_space<vmem>> -> memref<1x80x128xf32, #tpu.memory_space<vmem>>
        %dma_start3A_111 = tpu.memref_squeeze %dma_start3A_110 : memref<1x80x128xf32, #tpu.memory_space<vmem>> -> memref<80x128xf32, #tpu.memory_space<vmem>>
        %dma_start3A_112 = arith.constant 0 : i32
        %dma_start3A_113 = tpu.memref_slice %arg8[%add3A_106, %dma_start3A_112] : memref<32x80xi32, #tpu.memory_space<vmem>> -> memref<1x80xi32, #tpu.memory_space<vmem>>
        %dma_start3A_114 = tpu.memref_squeeze %dma_start3A_113 : memref<1x80xi32, #tpu.memory_space<vmem>> -> memref<80xi32, #tpu.memory_space<vmem>>
        %dma_start3A_115 = arith.constant 0 : i32
        %dma_start3A_116 = arith.constant 0 : i32
        %dma_start3A_117 = tpu.memref_slice %arg10[%dma_start3A_115, %dma_start3A_116] : memref<10240x128xf32, #tpu.memory_space<vmem_shared>> -> memref<10240x128xf32, #tpu.memory_space<vmem_shared>>
        tpu.enqueue_indirect_dma source(%dma_start3A_111 : memref<80x128xf32, #tpu.memory_space<vmem>>) target(%dma_start3A_117 : memref<10240x128xf32, #tpu.memory_space<vmem_shared>>) offsets(%dma_start3A_114 : memref<80xi32, #tpu.memory_space<vmem>>) semaphore(%arg15 : memref<!tpu.dma_semaphore, #tpu.memory_space<semaphore_mem>>) {add = true}
        %add3A_118 = arith.constant 1 : i32
        %add3A_119 = arith.addi %add3A_92, %add3A_118 : i32
        %dma_wait3A_120 = arith.constant 1 : i32
        %dma_wait3A_121 = arith.constant 0 : i32
        %dma_wait3A_122 = arith.constant 0 : i32
        %dma_wait3A_123 = tpu.memref_slice %arg9[%dma_wait3A_120, %dma_wait3A_121, %dma_wait3A_122] : memref<4x80x128xf32, #tpu.memory_space<vmem>> -> memref<1x80x128xf32, #tpu.memory_space<vmem>>
        %dma_wait3A_124 = tpu.memref_squeeze %dma_wait3A_123 : memref<1x80x128xf32, #tpu.memory_space<vmem>> -> memref<80x128xf32, #tpu.memory_space<vmem>>
        %dma_wait3A_125 = arith.constant 0 : i32
        %dma_wait3A_126 = tpu.memref_slice %arg7[%add3A_119, %dma_wait3A_125] : memref<32x80xi32, #tpu.memory_space<vmem>> -> memref<1x80xi32, #tpu.memory_space<vmem>>
        %dma_wait3A_127 = tpu.memref_squeeze %dma_wait3A_126 : memref<1x80xi32, #tpu.memory_space<vmem>> -> memref<80xi32, #tpu.memory_space<vmem>>
        %dma_wait3A_128 = arith.constant 0 : i32
        %dma_wait3A_129 = arith.constant 0 : i32
        %dma_wait3A_130 = tpu.memref_slice %arg2[%dma_wait3A_128, %dma_wait3A_129] : memref<10240x128xf32, #tpu.memory_space<hbm>> -> memref<10240x128xf32, #tpu.memory_space<hbm>>
        tpu.wait_indirect_dma semaphore(%arg12 : memref<!tpu.dma_semaphore, #tpu.memory_space<semaphore_mem>>) src(%dma_wait3A_130 : memref<10240x128xf32, #tpu.memory_space<hbm>>) dst(%dma_wait3A_124 : memref<80x128xf32, #tpu.memory_space<vmem>>)
        %add3A_131 = arith.constant 1 : i32
        %add3A_132 = arith.addi %add3A_92, %add3A_131 : i32
        %dma_start3A_133 = arith.constant 1 : i32
        %dma_start3A_134 = arith.constant 0 : i32
        %dma_start3A_135 = arith.constant 0 : i32
        %dma_start3A_136 = tpu.memref_slice %arg9[%dma_start3A_133, %dma_start3A_134, %dma_start3A_135] : memref<4x80x128xf32, #tpu.memory_space<vmem>> -> memref<1x80x128xf32, #tpu.memory_space<vmem>>
        %dma_start3A_137 = tpu.memref_squeeze %dma_start3A_136 : memref<1x80x128xf32, #tpu.memory_space<vmem>> -> memref<80x128xf32, #tpu.memory_space<vmem>>
        %dma_start3A_138 = arith.constant 0 : i32
        %dma_start3A_139 = tpu.memref_slice %arg8[%add3A_132, %dma_start3A_138] : memref<32x80xi32, #tpu.memory_space<vmem>> -> memref<1x80xi32, #tpu.memory_space<vmem>>
        %dma_start3A_140 = tpu.memref_squeeze %dma_start3A_139 : memref<1x80xi32, #tpu.memory_space<vmem>> -> memref<80xi32, #tpu.memory_space<vmem>>
        %dma_start3A_141 = arith.constant 0 : i32
        %dma_start3A_142 = arith.constant 0 : i32
        %dma_start3A_143 = tpu.memref_slice %arg10[%dma_start3A_141, %dma_start3A_142] : memref<10240x128xf32, #tpu.memory_space<vmem_shared>> -> memref<10240x128xf32, #tpu.memory_space<vmem_shared>>
        tpu.enqueue_indirect_dma source(%dma_start3A_137 : memref<80x128xf32, #tpu.memory_space<vmem>>) target(%dma_start3A_143 : memref<10240x128xf32, #tpu.memory_space<vmem_shared>>) offsets(%dma_start3A_140 : memref<80xi32, #tpu.memory_space<vmem>>) semaphore(%arg16 : memref<!tpu.dma_semaphore, #tpu.memory_space<semaphore_mem>>) {add = true}
        %add3A_144 = arith.constant 2 : i32
        %add3A_145 = arith.addi %add3A_92, %add3A_144 : i32
        %dma_wait3A_146 = arith.constant 2 : i32
        %dma_wait3A_147 = arith.constant 0 : i32
        %dma_wait3A_148 = arith.constant 0 : i32
        %dma_wait3A_149 = tpu.memref_slice %arg9[%dma_wait3A_146, %dma_wait3A_147, %dma_wait3A_148] : memref<4x80x128xf32, #tpu.memory_space<vmem>> -> memref<1x80x128xf32, #tpu.memory_space<vmem>>
        %dma_wait3A_150 = tpu.memref_squeeze %dma_wait3A_149 : memref<1x80x128xf32, #tpu.memory_space<vmem>> -> memref<80x128xf32, #tpu.memory_space<vmem>>
        %dma_wait3A_151 = arith.constant 0 : i32
        %dma_wait3A_152 = tpu.memref_slice %arg7[%add3A_145, %dma_wait3A_151] : memref<32x80xi32, #tpu.memory_space<vmem>> -> memref<1x80xi32, #tpu.memory_space<vmem>>
        %dma_wait3A_153 = tpu.memref_squeeze %dma_wait3A_152 : memref<1x80xi32, #tpu.memory_space<vmem>> -> memref<80xi32, #tpu.memory_space<vmem>>
        %dma_wait3A_154 = arith.constant 0 : i32
        %dma_wait3A_155 = arith.constant 0 : i32
        %dma_wait3A_156 = tpu.memref_slice %arg2[%dma_wait3A_154, %dma_wait3A_155] : memref<10240x128xf32, #tpu.memory_space<hbm>> -> memref<10240x128xf32, #tpu.memory_space<hbm>>
        tpu.wait_indirect_dma semaphore(%arg13 : memref<!tpu.dma_semaphore, #tpu.memory_space<semaphore_mem>>) src(%dma_wait3A_156 : memref<10240x128xf32, #tpu.memory_space<hbm>>) dst(%dma_wait3A_150 : memref<80x128xf32, #tpu.memory_space<vmem>>)
        %add3A_157 = arith.constant 2 : i32
        %add3A_158 = arith.addi %add3A_92, %add3A_157 : i32
        %dma_start3A_159 = arith.constant 2 : i32
        %dma_start3A_160 = arith.constant 0 : i32
        %dma_start3A_161 = arith.constant 0 : i32
        %dma_start3A_162 = tpu.memref_slice %arg9[%dma_start3A_159, %dma_start3A_160, %dma_start3A_161] : memref<4x80x128xf32, #tpu.memory_space<vmem>> -> memref<1x80x128xf32, #tpu.memory_space<vmem>>
        %dma_start3A_163 = tpu.memref_squeeze %dma_start3A_162 : memref<1x80x128xf32, #tpu.memory_space<vmem>> -> memref<80x128xf32, #tpu.memory_space<vmem>>
        %dma_start3A_164 = arith.constant 0 : i32
        %dma_start3A_165 = tpu.memref_slice %arg8[%add3A_158, %dma_start3A_164] : memref<32x80xi32, #tpu.memory_space<vmem>> -> memref<1x80xi32, #tpu.memory_space<vmem>>
        %dma_start3A_166 = tpu.memref_squeeze %dma_start3A_165 : memref<1x80xi32, #tpu.memory_space<vmem>> -> memref<80xi32, #tpu.memory_space<vmem>>
        %dma_start3A_167 = arith.constant 0 : i32
        %dma_start3A_168 = arith.constant 0 : i32
        %dma_start3A_169 = tpu.memref_slice %arg10[%dma_start3A_167, %dma_start3A_168] : memref<10240x128xf32, #tpu.memory_space<vmem_shared>> -> memref<10240x128xf32, #tpu.memory_space<vmem_shared>>
        tpu.enqueue_indirect_dma source(%dma_start3A_163 : memref<80x128xf32, #tpu.memory_space<vmem>>) target(%dma_start3A_169 : memref<10240x128xf32, #tpu.memory_space<vmem_shared>>) offsets(%dma_start3A_166 : memref<80xi32, #tpu.memory_space<vmem>>) semaphore(%arg17 : memref<!tpu.dma_semaphore, #tpu.memory_space<semaphore_mem>>) {add = true}
        %add3A_170 = arith.constant 3 : i32
        %add3A_171 = arith.addi %add3A_92, %add3A_170 : i32
        %dma_wait3A_172 = arith.constant 3 : i32
        %dma_wait3A_173 = arith.constant 0 : i32
        %dma_wait3A_174 = arith.constant 0 : i32
        %dma_wait3A_175 = tpu.memref_slice %arg9[%dma_wait3A_172, %dma_wait3A_173, %dma_wait3A_174] : memref<4x80x128xf32, #tpu.memory_space<vmem>> -> memref<1x80x128xf32, #tpu.memory_space<vmem>>
        %dma_wait3A_176 = tpu.memref_squeeze %dma_wait3A_175 : memref<1x80x128xf32, #tpu.memory_space<vmem>> -> memref<80x128xf32, #tpu.memory_space<vmem>>
        %dma_wait3A_177 = arith.constant 0 : i32
        %dma_wait3A_178 = tpu.memref_slice %arg7[%add3A_171, %dma_wait3A_177] : memref<32x80xi32, #tpu.memory_space<vmem>> -> memref<1x80xi32, #tpu.memory_space<vmem>>
        %dma_wait3A_179 = tpu.memref_squeeze %dma_wait3A_178 : memref<1x80xi32, #tpu.memory_space<vmem>> -> memref<80xi32, #tpu.memory_space<vmem>>
        %dma_wait3A_180 = arith.constant 0 : i32
        %dma_wait3A_181 = arith.constant 0 : i32
        %dma_wait3A_182 = tpu.memref_slice %arg2[%dma_wait3A_180, %dma_wait3A_181] : memref<10240x128xf32, #tpu.memory_space<hbm>> -> memref<10240x128xf32, #tpu.memory_space<hbm>>
        tpu.wait_indirect_dma semaphore(%arg14 : memref<!tpu.dma_semaphore, #tpu.memory_space<semaphore_mem>>) src(%dma_wait3A_182 : memref<10240x128xf32, #tpu.memory_space<hbm>>) dst(%dma_wait3A_176 : memref<80x128xf32, #tpu.memory_space<vmem>>)
        %add3A_183 = arith.constant 3 : i32
        %add3A_184 = arith.addi %add3A_92, %add3A_183 : i32
        %dma_start3A_185 = arith.constant 3 : i32
        %dma_start3A_186 = arith.constant 0 : i32
        %dma_start3A_187 = arith.constant 0 : i32
        %dma_start3A_188 = tpu.memref_slice %arg9[%dma_start3A_185, %dma_start3A_186, %dma_start3A_187] : memref<4x80x128xf32, #tpu.memory_space<vmem>> -> memref<1x80x128xf32, #tpu.memory_space<vmem>>
        %dma_start3A_189 = tpu.memref_squeeze %dma_start3A_188 : memref<1x80x128xf32, #tpu.memory_space<vmem>> -> memref<80x128xf32, #tpu.memory_space<vmem>>
        %dma_start3A_190 = arith.constant 0 : i32
        %dma_start3A_191 = tpu.memref_slice %arg8[%add3A_184, %dma_start3A_190] : memref<32x80xi32, #tpu.memory_space<vmem>> -> memref<1x80xi32, #tpu.memory_space<vmem>>
        %dma_start3A_192 = tpu.memref_squeeze %dma_start3A_191 : memref<1x80xi32, #tpu.memory_space<vmem>> -> memref<80xi32, #tpu.memory_space<vmem>>
        %dma_start3A_193 = arith.constant 0 : i32
        %dma_start3A_194 = arith.constant 0 : i32
        %dma_start3A_195 = tpu.memref_slice %arg10[%dma_start3A_193, %dma_start3A_194] : memref<10240x128xf32, #tpu.memory_space<vmem_shared>> -> memref<10240x128xf32, #tpu.memory_space<vmem_shared>>
        tpu.enqueue_indirect_dma source(%dma_start3A_189 : memref<80x128xf32, #tpu.memory_space<vmem>>) target(%dma_start3A_195 : memref<10240x128xf32, #tpu.memory_space<vmem_shared>>) offsets(%dma_start3A_192 : memref<80xi32, #tpu.memory_space<vmem>>) semaphore(%arg18 : memref<!tpu.dma_semaphore, #tpu.memory_space<semaphore_mem>>) {add = true}
        %add3A_196 = arith.constant 0 : i32
        %add3A_197 = arith.addi %add3A_92, %add3A_196 : i32
        %dma_wait3A_198 = arith.constant 0 : i32
        %dma_wait3A_199 = arith.constant 0 : i32
        %dma_wait3A_200 = arith.constant 0 : i32
        %dma_wait3A_201 = tpu.memref_slice %arg9[%dma_wait3A_198, %dma_wait3A_199, %dma_wait3A_200] : memref<4x80x128xf32, #tpu.memory_space<vmem>> -> memref<1x80x128xf32, #tpu.memory_space<vmem>>
        %dma_wait3A_202 = tpu.memref_squeeze %dma_wait3A_201 : memref<1x80x128xf32, #tpu.memory_space<vmem>> -> memref<80x128xf32, #tpu.memory_space<vmem>>
        %dma_wait3A_203 = arith.constant 0 : i32
        %dma_wait3A_204 = tpu.memref_slice %arg8[%add3A_197, %dma_wait3A_203] : memref<32x80xi32, #tpu.memory_space<vmem>> -> memref<1x80xi32, #tpu.memory_space<vmem>>
        %dma_wait3A_205 = tpu.memref_squeeze %dma_wait3A_204 : memref<1x80xi32, #tpu.memory_space<vmem>> -> memref<80xi32, #tpu.memory_space<vmem>>
        %dma_wait3A_206 = arith.constant 0 : i32
        %dma_wait3A_207 = arith.constant 0 : i32
        %dma_wait3A_208 = tpu.memref_slice %arg10[%dma_wait3A_206, %dma_wait3A_207] : memref<10240x128xf32, #tpu.memory_space<vmem_shared>> -> memref<10240x128xf32, #tpu.memory_space<vmem_shared>>
        tpu.wait_indirect_dma semaphore(%arg15 : memref<!tpu.dma_semaphore, #tpu.memory_space<semaphore_mem>>) src(%dma_wait3A_202 : memref<80x128xf32, #tpu.memory_space<vmem>>) dst(%dma_wait3A_208 : memref<10240x128xf32, #tpu.memory_space<vmem_shared>>)
        %add3A_209 = arith.constant 4 : i32
        %add3A_210 = arith.addi %add3A_92, %add3A_209 : i32
        %add3A_211 = arith.constant 0 : i32
        %add3A_212 = arith.addi %add3A_210, %add3A_211 : i32
        %lt3A = arith.constant 32 : i32
        %lt3A_213 = arith.cmpi slt, %add3A_212, %lt3A : i32
        %convert_element_type3A = arith.extui %lt3A_213 : i1 to i32
        %cond3A = arith.constant 0 : i32
        %cond3A_214 = arith.cmpi ne, %convert_element_type3A, %cond3A : i32
        scf.if %cond3A_214 {
          %add3A_281 = arith.constant 4 : i32
          %add3A_282 = arith.addi %add3A_92, %add3A_281 : i32
          %add3A_283 = arith.constant 0 : i32
          %add3A_284 = arith.addi %add3A_282, %add3A_283 : i32
          %dma_start3A_285 = arith.constant 0 : i32
          %dma_start3A_286 = arith.constant 0 : i32
          %dma_start3A_287 = arith.constant 0 : i32
          %dma_start3A_288 = tpu.memref_slice %arg9[%dma_start3A_285, %dma_start3A_286, %dma_start3A_287] : memref<4x80x128xf32, #tpu.memory_space<vmem>> -> memref<1x80x128xf32, #tpu.memory_space<vmem>>
          %dma_start3A_289 = tpu.memref_squeeze %dma_start3A_288 : memref<1x80x128xf32, #tpu.memory_space<vmem>> -> memref<80x128xf32, #tpu.memory_space<vmem>>
          %dma_start3A_290 = arith.constant 0 : i32
          %dma_start3A_291 = tpu.memref_slice %arg7[%add3A_284, %dma_start3A_290] : memref<32x80xi32, #tpu.memory_space<vmem>> -> memref<1x80xi32, #tpu.memory_space<vmem>>
          %dma_start3A_292 = tpu.memref_squeeze %dma_start3A_291 : memref<1x80xi32, #tpu.memory_space<vmem>> -> memref<80xi32, #tpu.memory_space<vmem>>
          %dma_start3A_293 = arith.constant 0 : i32
          %dma_start3A_294 = arith.constant 0 : i32
          %dma_start3A_295 = tpu.memref_slice %arg2[%dma_start3A_293, %dma_start3A_294] : memref<10240x128xf32, #tpu.memory_space<hbm>> -> memref<10240x128xf32, #tpu.memory_space<hbm>>
          tpu.enqueue_indirect_dma source(%dma_start3A_295 : memref<10240x128xf32, #tpu.memory_space<hbm>>) target(%dma_start3A_289 : memref<80x128xf32, #tpu.memory_space<vmem>>) offsets(%dma_start3A_292 : memref<80xi32, #tpu.memory_space<vmem>>) semaphore(%arg11 : memref<!tpu.dma_semaphore, #tpu.memory_space<semaphore_mem>>)
        } else {
        }
        %add3A_215 = arith.constant 1 : i32
        %add3A_216 = arith.addi %add3A_92, %add3A_215 : i32
        %dma_wait3A_217 = arith.constant 1 : i32
        %dma_wait3A_218 = arith.constant 0 : i32
        %dma_wait3A_219 = arith.constant 0 : i32
        %dma_wait3A_220 = tpu.memref_slice %arg9[%dma_wait3A_217, %dma_wait3A_218, %dma_wait3A_219] : memref<4x80x128xf32, #tpu.memory_space<vmem>> -> memref<1x80x128xf32, #tpu.memory_space<vmem>>
        %dma_wait3A_221 = tpu.memref_squeeze %dma_wait3A_220 : memref<1x80x128xf32, #tpu.memory_space<vmem>> -> memref<80x128xf32, #tpu.memory_space<vmem>>
        %dma_wait3A_222 = arith.constant 0 : i32
        %dma_wait3A_223 = tpu.memref_slice %arg8[%add3A_216, %dma_wait3A_222] : memref<32x80xi32, #tpu.memory_space<vmem>> -> memref<1x80xi32, #tpu.memory_space<vmem>>
        %dma_wait3A_224 = tpu.memref_squeeze %dma_wait3A_223 : memref<1x80xi32, #tpu.memory_space<vmem>> -> memref<80xi32, #tpu.memory_space<vmem>>
        %dma_wait3A_225 = arith.constant 0 : i32
        %dma_wait3A_226 = arith.constant 0 : i32
        %dma_wait3A_227 = tpu.memref_slice %arg10[%dma_wait3A_225, %dma_wait3A_226] : memref<10240x128xf32, #tpu.memory_space<vmem_shared>> -> memref<10240x128xf32, #tpu.memory_space<vmem_shared>>
        tpu.wait_indirect_dma semaphore(%arg16 : memref<!tpu.dma_semaphore, #tpu.memory_space<semaphore_mem>>) src(%dma_wait3A_221 : memref<80x128xf32, #tpu.memory_space<vmem>>) dst(%dma_wait3A_227 : memref<10240x128xf32, #tpu.memory_space<vmem_shared>>)
        %add3A_228 = arith.constant 4 : i32
        %add3A_229 = arith.addi %add3A_92, %add3A_228 : i32
        %add3A_230 = arith.constant 1 : i32
        %add3A_231 = arith.addi %add3A_229, %add3A_230 : i32
        %lt3A_232 = arith.constant 32 : i32
        %lt3A_233 = arith.cmpi slt, %add3A_231, %lt3A_232 : i32
        %convert_element_type3A_234 = arith.extui %lt3A_233 : i1 to i32
        %cond3A_235 = arith.constant 0 : i32
        %cond3A_236 = arith.cmpi ne, %convert_element_type3A_234, %cond3A_235 : i32
        scf.if %cond3A_236 {
          %add3A_281 = arith.constant 4 : i32
          %add3A_282 = arith.addi %add3A_92, %add3A_281 : i32
          %add3A_283 = arith.constant 1 : i32
          %add3A_284 = arith.addi %add3A_282, %add3A_283 : i32
          %dma_start3A_285 = arith.constant 1 : i32
          %dma_start3A_286 = arith.constant 0 : i32
          %dma_start3A_287 = arith.constant 0 : i32
          %dma_start3A_288 = tpu.memref_slice %arg9[%dma_start3A_285, %dma_start3A_286, %dma_start3A_287] : memref<4x80x128xf32, #tpu.memory_space<vmem>> -> memref<1x80x128xf32, #tpu.memory_space<vmem>>
          %dma_start3A_289 = tpu.memref_squeeze %dma_start3A_288 : memref<1x80x128xf32, #tpu.memory_space<vmem>> -> memref<80x128xf32, #tpu.memory_space<vmem>>
          %dma_start3A_290 = arith.constant 0 : i32
          %dma_start3A_291 = tpu.memref_slice %arg7[%add3A_284, %dma_start3A_290] : memref<32x80xi32, #tpu.memory_space<vmem>> -> memref<1x80xi32, #tpu.memory_space<vmem>>
          %dma_start3A_292 = tpu.memref_squeeze %dma_start3A_291 : memref<1x80xi32, #tpu.memory_space<vmem>> -> memref<80xi32, #tpu.memory_space<vmem>>
          %dma_start3A_293 = arith.constant 0 : i32
          %dma_start3A_294 = arith.constant 0 : i32
          %dma_start3A_295 = tpu.memref_slice %arg2[%dma_start3A_293, %dma_start3A_294] : memref<10240x128xf32, #tpu.memory_space<hbm>> -> memref<10240x128xf32, #tpu.memory_space<hbm>>
          tpu.enqueue_indirect_dma source(%dma_start3A_295 : memref<10240x128xf32, #tpu.memory_space<hbm>>) target(%dma_start3A_289 : memref<80x128xf32, #tpu.memory_space<vmem>>) offsets(%dma_start3A_292 : memref<80xi32, #tpu.memory_space<vmem>>) semaphore(%arg12 : memref<!tpu.dma_semaphore, #tpu.memory_space<semaphore_mem>>)
        } else {
        }
        %add3A_237 = arith.constant 2 : i32
        %add3A_238 = arith.addi %add3A_92, %add3A_237 : i32
        %dma_wait3A_239 = arith.constant 2 : i32
        %dma_wait3A_240 = arith.constant 0 : i32
        %dma_wait3A_241 = arith.constant 0 : i32
        %dma_wait3A_242 = tpu.memref_slice %arg9[%dma_wait3A_239, %dma_wait3A_240, %dma_wait3A_241] : memref<4x80x128xf32, #tpu.memory_space<vmem>> -> memref<1x80x128xf32, #tpu.memory_space<vmem>>
        %dma_wait3A_243 = tpu.memref_squeeze %dma_wait3A_242 : memref<1x80x128xf32, #tpu.memory_space<vmem>> -> memref<80x128xf32, #tpu.memory_space<vmem>>
        %dma_wait3A_244 = arith.constant 0 : i32
        %dma_wait3A_245 = tpu.memref_slice %arg8[%add3A_238, %dma_wait3A_244] : memref<32x80xi32, #tpu.memory_space<vmem>> -> memref<1x80xi32, #tpu.memory_space<vmem>>
        %dma_wait3A_246 = tpu.memref_squeeze %dma_wait3A_245 : memref<1x80xi32, #tpu.memory_space<vmem>> -> memref<80xi32, #tpu.memory_space<vmem>>
        %dma_wait3A_247 = arith.constant 0 : i32
        %dma_wait3A_248 = arith.constant 0 : i32
        %dma_wait3A_249 = tpu.memref_slice %arg10[%dma_wait3A_247, %dma_wait3A_248] : memref<10240x128xf32, #tpu.memory_space<vmem_shared>> -> memref<10240x128xf32, #tpu.memory_space<vmem_shared>>
        tpu.wait_indirect_dma semaphore(%arg17 : memref<!tpu.dma_semaphore, #tpu.memory_space<semaphore_mem>>) src(%dma_wait3A_243 : memref<80x128xf32, #tpu.memory_space<vmem>>) dst(%dma_wait3A_249 : memref<10240x128xf32, #tpu.memory_space<vmem_shared>>)
        %add3A_250 = arith.constant 4 : i32
        %add3A_251 = arith.addi %add3A_92, %add3A_250 : i32
        %add3A_252 = arith.constant 2 : i32
        %add3A_253 = arith.addi %add3A_251, %add3A_252 : i32
        %lt3A_254 = arith.constant 32 : i32
        %lt3A_255 = arith.cmpi slt, %add3A_253, %lt3A_254 : i32
        %convert_element_type3A_256 = arith.extui %lt3A_255 : i1 to i32
        %cond3A_257 = arith.constant 0 : i32
        %cond3A_258 = arith.cmpi ne, %convert_element_type3A_256, %cond3A_257 : i32
        scf.if %cond3A_258 {
          %add3A_281 = arith.constant 4 : i32
          %add3A_282 = arith.addi %add3A_92, %add3A_281 : i32
          %add3A_283 = arith.constant 2 : i32
          %add3A_284 = arith.addi %add3A_282, %add3A_283 : i32
          %dma_start3A_285 = arith.constant 2 : i32
          %dma_start3A_286 = arith.constant 0 : i32
          %dma_start3A_287 = arith.constant 0 : i32
          %dma_start3A_288 = tpu.memref_slice %arg9[%dma_start3A_285, %dma_start3A_286, %dma_start3A_287] : memref<4x80x128xf32, #tpu.memory_space<vmem>> -> memref<1x80x128xf32, #tpu.memory_space<vmem>>
          %dma_start3A_289 = tpu.memref_squeeze %dma_start3A_288 : memref<1x80x128xf32, #tpu.memory_space<vmem>> -> memref<80x128xf32, #tpu.memory_space<vmem>>
          %dma_start3A_290 = arith.constant 0 : i32
          %dma_start3A_291 = tpu.memref_slice %arg7[%add3A_284, %dma_start3A_290] : memref<32x80xi32, #tpu.memory_space<vmem>> -> memref<1x80xi32, #tpu.memory_space<vmem>>
          %dma_start3A_292 = tpu.memref_squeeze %dma_start3A_291 : memref<1x80xi32, #tpu.memory_space<vmem>> -> memref<80xi32, #tpu.memory_space<vmem>>
          %dma_start3A_293 = arith.constant 0 : i32
          %dma_start3A_294 = arith.constant 0 : i32
          %dma_start3A_295 = tpu.memref_slice %arg2[%dma_start3A_293, %dma_start3A_294] : memref<10240x128xf32, #tpu.memory_space<hbm>> -> memref<10240x128xf32, #tpu.memory_space<hbm>>
          tpu.enqueue_indirect_dma source(%dma_start3A_295 : memref<10240x128xf32, #tpu.memory_space<hbm>>) target(%dma_start3A_289 : memref<80x128xf32, #tpu.memory_space<vmem>>) offsets(%dma_start3A_292 : memref<80xi32, #tpu.memory_space<vmem>>) semaphore(%arg13 : memref<!tpu.dma_semaphore, #tpu.memory_space<semaphore_mem>>)
        } else {
        }
        %add3A_259 = arith.constant 3 : i32
        %add3A_260 = arith.addi %add3A_92, %add3A_259 : i32
        %dma_wait3A_261 = arith.constant 3 : i32
        %dma_wait3A_262 = arith.constant 0 : i32
        %dma_wait3A_263 = arith.constant 0 : i32
        %dma_wait3A_264 = tpu.memref_slice %arg9[%dma_wait3A_261, %dma_wait3A_262, %dma_wait3A_263] : memref<4x80x128xf32, #tpu.memory_space<vmem>> -> memref<1x80x128xf32, #tpu.memory_space<vmem>>
        %dma_wait3A_265 = tpu.memref_squeeze %dma_wait3A_264 : memref<1x80x128xf32, #tpu.memory_space<vmem>> -> memref<80x128xf32, #tpu.memory_space<vmem>>
        %dma_wait3A_266 = arith.constant 0 : i32
        %dma_wait3A_267 = tpu.memref_slice %arg8[%add3A_260, %dma_wait3A_266] : memref<32x80xi32, #tpu.memory_space<vmem>> -> memref<1x80xi32, #tpu.memory_space<vmem>>
        %dma_wait3A_268 = tpu.memref_squeeze %dma_wait3A_267 : memref<1x80xi32, #tpu.memory_space<vmem>> -> memref<80xi32, #tpu.memory_space<vmem>>
        %dma_wait3A_269 = arith.constant 0 : i32
        %dma_wait3A_270 = arith.constant 0 : i32
        %dma_wait3A_271 = tpu.memref_slice %arg10[%dma_wait3A_269, %dma_wait3A_270] : memref<10240x128xf32, #tpu.memory_space<vmem_shared>> -> memref<10240x128xf32, #tpu.memory_space<vmem_shared>>
        tpu.wait_indirect_dma semaphore(%arg18 : memref<!tpu.dma_semaphore, #tpu.memory_space<semaphore_mem>>) src(%dma_wait3A_265 : memref<80x128xf32, #tpu.memory_space<vmem>>) dst(%dma_wait3A_271 : memref<10240x128xf32, #tpu.memory_space<vmem_shared>>)
        %add3A_272 = arith.constant 4 : i32
        %add3A_273 = arith.addi %add3A_92, %add3A_272 : i32
        %add3A_274 = arith.constant 3 : i32
        %add3A_275 = arith.addi %add3A_273, %add3A_274 : i32
        %lt3A_276 = arith.constant 32 : i32
        %lt3A_277 = arith.cmpi slt, %add3A_275, %lt3A_276 : i32
        %convert_element_type3A_278 = arith.extui %lt3A_277 : i1 to i32
        %cond3A_279 = arith.constant 0 : i32
        %cond3A_280 = arith.cmpi ne, %convert_element_type3A_278, %cond3A_279 : i32
        scf.if %cond3A_280 {
          %add3A_281 = arith.constant 4 : i32
          %add3A_282 = arith.addi %add3A_92, %add3A_281 : i32
          %add3A_283 = arith.constant 3 : i32
          %add3A_284 = arith.addi %add3A_282, %add3A_283 : i32
          %dma_start3A_285 = arith.constant 3 : i32
          %dma_start3A_286 = arith.constant 0 : i32
          %dma_start3A_287 = arith.constant 0 : i32
          %dma_start3A_288 = tpu.memref_slice %arg9[%dma_start3A_285, %dma_start3A_286, %dma_start3A_287] : memref<4x80x128xf32, #tpu.memory_space<vmem>> -> memref<1x80x128xf32, #tpu.memory_space<vmem>>
          %dma_start3A_289 = tpu.memref_squeeze %dma_start3A_288 : memref<1x80x128xf32, #tpu.memory_space<vmem>> -> memref<80x128xf32, #tpu.memory_space<vmem>>
          %dma_start3A_290 = arith.constant 0 : i32
          %dma_start3A_291 = tpu.memref_slice %arg7[%add3A_284, %dma_start3A_290] : memref<32x80xi32, #tpu.memory_space<vmem>> -> memref<1x80xi32, #tpu.memory_space<vmem>>
          %dma_start3A_292 = tpu.memref_squeeze %dma_start3A_291 : memref<1x80xi32, #tpu.memory_space<vmem>> -> memref<80xi32, #tpu.memory_space<vmem>>
          %dma_start3A_293 = arith.constant 0 : i32
          %dma_start3A_294 = arith.constant 0 : i32
          %dma_start3A_295 = tpu.memref_slice %arg2[%dma_start3A_293, %dma_start3A_294] : memref<10240x128xf32, #tpu.memory_space<hbm>> -> memref<10240x128xf32, #tpu.memory_space<hbm>>
          tpu.enqueue_indirect_dma source(%dma_start3A_295 : memref<10240x128xf32, #tpu.memory_space<hbm>>) target(%dma_start3A_289 : memref<80x128xf32, #tpu.memory_space<vmem>>) offsets(%dma_start3A_292 : memref<80xi32, #tpu.memory_space<vmem>>) semaphore(%arg14 : memref<!tpu.dma_semaphore, #tpu.memory_space<semaphore_mem>>)
        } else {
        }
      }
      %scan3A_87 = arith.constant 8 : i32
    }
    %while3A_29 = arith.constant 1 : i32
    scf.for %while3A_31 = %while3A_27 to %while3A_23 step %while3A_29  : i32 {
      %mul3A_32 = arith.muli %while3A_31, %while3A : i32
      %add3A_33 = arith.addi %while3A_20, %mul3A_32 : i32
      %mul3A_34 = arith.constant 32 : i32
      %mul3A_35 = arith.muli %add3A_33, %mul3A_34 : i32
      %add3A_36 = arith.addi %select_n3A_13, %mul3A_35 : i32
      "tpu.region"() ({
        %run_scoped3A = tpu.sem_alloc : memref<!tpu.dma_semaphore, #tpu.memory_space<semaphore_mem>>
        %dma_start3A_88 = arith.constant 0 : i32
        %dma_start3A_89 = tpu.memref_slice %arg3[%add3A_36, %dma_start3A_88] : memref<4096x80xi32, #tpu.memory_space<hbm>> -> memref<32x80xi32, #tpu.memory_space<hbm>>
        %dma_start3A_90 = arith.constant 0 : i32
        %dma_start3A_91 = tpu.memref_slice %arg3[%add3A_36, %dma_start3A_90] : memref<4096x80xi32, #tpu.memory_space<hbm>> -> memref<32x80xi32, #tpu.memory_space<hbm>>
        tpu.enqueue_dma source(%dma_start3A_91 : memref<32x80xi32, #tpu.memory_space<hbm>>) target(%arg7 : memref<32x80xi32, #tpu.memory_space<vmem>>) target_semaphore(%run_scoped3A : memref<!tpu.dma_semaphore, #tpu.memory_space<semaphore_mem>>)
        %dma_wait3A = arith.constant 0 : i32
        %dma_wait3A_92 = tpu.memref_slice %arg3[%add3A_36, %dma_wait3A] : memref<4096x80xi32, #tpu.memory_space<hbm>> -> memref<32x80xi32, #tpu.memory_space<hbm>>
        %dma_wait3A_93 = arith.constant 0 : i32
        %dma_wait3A_94 = tpu.memref_slice %arg3[%add3A_36, %dma_wait3A_93] : memref<4096x80xi32, #tpu.memory_space<hbm>> -> memref<32x80xi32, #tpu.memory_space<hbm>>
        tpu.wait_dma2 semaphore(%run_scoped3A : memref<!tpu.dma_semaphore, #tpu.memory_space<semaphore_mem>>) src(%dma_wait3A_94 : memref<32x80xi32, #tpu.memory_space<hbm>>) dst(%arg7 : memref<32x80xi32, #tpu.memory_space<vmem>>)
        tpu.yield
      }) : () -> ()
      "tpu.region"() ({
        %run_scoped3A = tpu.sem_alloc : memref<!tpu.dma_semaphore, #tpu.memory_space<semaphore_mem>>
        %dma_start3A_88 = arith.constant 0 : i32
        %dma_start3A_89 = tpu.memref_slice %arg4[%add3A_36, %dma_start3A_88] : memref<4096x80xi32, #tpu.memory_space<hbm>> -> memref<32x80xi32, #tpu.memory_space<hbm>>
        %dma_start3A_90 = arith.constant 0 : i32
        %dma_start3A_91 = tpu.memref_slice %arg4[%add3A_36, %dma_start3A_90] : memref<4096x80xi32, #tpu.memory_space<hbm>> -> memref<32x80xi32, #tpu.memory_space<hbm>>
        tpu.enqueue_dma source(%dma_start3A_91 : memref<32x80xi32, #tpu.memory_space<hbm>>) target(%arg8 : memref<32x80xi32, #tpu.memory_space<vmem>>) target_semaphore(%run_scoped3A : memref<!tpu.dma_semaphore, #tpu.memory_space<semaphore_mem>>)
        %dma_wait3A = arith.constant 0 : i32
        %dma_wait3A_92 = tpu.memref_slice %arg4[%add3A_36, %dma_wait3A] : memref<4096x80xi32, #tpu.memory_space<hbm>> -> memref<32x80xi32, #tpu.memory_space<hbm>>
        %dma_wait3A_93 = arith.constant 0 : i32
        %dma_wait3A_94 = tpu.memref_slice %arg4[%add3A_36, %dma_wait3A_93] : memref<4096x80xi32, #tpu.memory_space<hbm>> -> memref<32x80xi32, #tpu.memory_space<hbm>>
        tpu.wait_dma2 semaphore(%run_scoped3A : memref<!tpu.dma_semaphore, #tpu.memory_space<semaphore_mem>>) src(%dma_wait3A_94 : memref<32x80xi32, #tpu.memory_space<hbm>>) dst(%arg8 : memref<32x80xi32, #tpu.memory_space<vmem>>)
        tpu.yield
      }) : () -> ()
      %dma_start3A = arith.constant 0 : i32
      %dma_start3A_37 = arith.constant 0 : i32
      %dma_start3A_38 = arith.constant 0 : i32
      %dma_start3A_39 = arith.constant 0 : i32
      %dma_start3A_40 = tpu.memref_slice %arg9[%dma_start3A_37, %dma_start3A_38, %dma_start3A_39] : memref<4x80x128xf32, #tpu.memory_space<vmem>> -> memref<1x80x128xf32, #tpu.memory_space<vmem>>
      %dma_start3A_41 = tpu.memref_squeeze %dma_start3A_40 : memref<1x80x128xf32, #tpu.memory_space<vmem>> -> memref<80x128xf32, #tpu.memory_space<vmem>>
      %dma_start3A_42 = arith.constant 0 : i32
      %dma_start3A_43 = tpu.memref_slice %arg7[%dma_start3A, %dma_start3A_42] : memref<32x80xi32, #tpu.memory_space<vmem>> -> memref<1x80xi32, #tpu.memory_space<vmem>>
      %dma_start3A_44 = tpu.memref_squeeze %dma_start3A_43 : memref<1x80xi32, #tpu.memory_space<vmem>> -> memref<80xi32, #tpu.memory_space<vmem>>
      %dma_start3A_45 = arith.constant 0 : i32
      %dma_start3A_46 = arith.constant 0 : i32
      %dma_start3A_47 = tpu.memref_slice %arg2[%dma_start3A_45, %dma_start3A_46] : memref<10240x128xf32, #tpu.memory_space<hbm>> -> memref<10240x128xf32, #tpu.memory_space<hbm>>
      tpu.enqueue_indirect_dma source(%dma_start3A_47 : memref<10240x128xf32, #tpu.memory_space<hbm>>) target(%dma_start3A_41 : memref<80x128xf32, #tpu.memory_space<vmem>>) offsets(%dma_start3A_44 : memref<80xi32, #tpu.memory_space<vmem>>) semaphore(%arg11 : memref<!tpu.dma_semaphore, #tpu.memory_space<semaphore_mem>>)
      %dma_start3A_48 = arith.constant 1 : i32
      %dma_start3A_49 = arith.constant 1 : i32
      %dma_start3A_50 = arith.constant 0 : i32
      %dma_start3A_51 = arith.constant 0 : i32
      %dma_start3A_52 = tpu.memref_slice %arg9[%dma_start3A_49, %dma_start3A_50, %dma_start3A_51] : memref<4x80x128xf32, #tpu.memory_space<vmem>> -> memref<1x80x128xf32, #tpu.memory_space<vmem>>
      %dma_start3A_53 = tpu.memref_squeeze %dma_start3A_52 : memref<1x80x128xf32, #tpu.memory_space<vmem>> -> memref<80x128xf32, #tpu.memory_space<vmem>>
      %dma_start3A_54 = arith.constant 0 : i32
      %dma_start3A_55 = tpu.memref_slice %arg7[%dma_start3A_48, %dma_start3A_54] : memref<32x80xi32, #tpu.memory_space<vmem>> -> memref<1x80xi32, #tpu.memory_space<vmem>>
      %dma_start3A_56 = tpu.memref_squeeze %dma_start3A_55 : memref<1x80xi32, #tpu.memory_space<vmem>> -> memref<80xi32, #tpu.memory_space<vmem>>
      %dma_start3A_57 = arith.constant 0 : i32
      %dma_start3A_58 = arith.constant 0 : i32
      %dma_start3A_59 = tpu.memref_slice %arg2[%dma_start3A_57, %dma_start3A_58] : memref<10240x128xf32, #tpu.memory_space<hbm>> -> memref<10240x128xf32, #tpu.memory_space<hbm>>
      tpu.enqueue_indirect_dma source(%dma_start3A_59 : memref<10240x128xf32, #tpu.memory_space<hbm>>) target(%dma_start3A_53 : memref<80x128xf32, #tpu.memory_space<vmem>>) offsets(%dma_start3A_56 : memref<80xi32, #tpu.memory_space<vmem>>) semaphore(%arg12 : memref<!tpu.dma_semaphore, #tpu.memory_space<semaphore_mem>>)
      %dma_start3A_60 = arith.constant 2 : i32
      %dma_start3A_61 = arith.constant 2 : i32
      %dma_start3A_62 = arith.constant 0 : i32
      %dma_start3A_63 = arith.constant 0 : i32
      %dma_start3A_64 = tpu.memref_slice %arg9[%dma_start3A_61, %dma_start3A_62, %dma_start3A_63] : memref<4x80x128xf32, #tpu.memory_space<vmem>> -> memref<1x80x128xf32, #tpu.memory_space<vmem>>
      %dma_start3A_65 = tpu.memref_squeeze %dma_start3A_64 : memref<1x80x128xf32, #tpu.memory_space<vmem>> -> memref<80x128xf32, #tpu.memory_space<vmem>>
      %dma_start3A_66 = arith.constant 0 : i32
      %dma_start3A_67 = tpu.memref_slice %arg7[%dma_start3A_60, %dma_start3A_66] : memref<32x80xi32, #tpu.memory_space<vmem>> -> memref<1x80xi32, #tpu.memory_space<vmem>>
      %dma_start3A_68 = tpu.memref_squeeze %dma_start3A_67 : memref<1x80xi32, #tpu.memory_space<vmem>> -> memref<80xi32, #tpu.memory_space<vmem>>
      %dma_start3A_69 = arith.constant 0 : i32
      %dma_start3A_70 = arith.constant 0 : i32
      %dma_start3A_71 = tpu.memref_slice %arg2[%dma_start3A_69, %dma_start3A_70] : memref<10240x128xf32, #tpu.memory_space<hbm>> -> memref<10240x128xf32, #tpu.memory_space<hbm>>
      tpu.enqueue_indirect_dma source(%dma_start3A_71 : memref<10240x128xf32, #tpu.memory_space<hbm>>) target(%dma_start3A_65 : memref<80x128xf32, #tpu.memory_space<vmem>>) offsets(%dma_start3A_68 : memref<80xi32, #tpu.memory_space<vmem>>) semaphore(%arg13 : memref<!tpu.dma_semaphore, #tpu.memory_space<semaphore_mem>>)
      %dma_start3A_72 = arith.constant 3 : i32
      %dma_start3A_73 = arith.constant 3 : i32
      %dma_start3A_74 = arith.constant 0 : i32
      %dma_start3A_75 = arith.constant 0 : i32
      %dma_start3A_76 = tpu.memref_slice %arg9[%dma_start3A_73, %dma_start3A_74, %dma_start3A_75] : memref<4x80x128xf32, #tpu.memory_space<vmem>> -> memref<1x80x128xf32, #tpu.memory_space<vmem>>
      %dma_start3A_77 = tpu.memref_squeeze %dma_start3A_76 : memref<1x80x128xf32, #tpu.memory_space<vmem>> -> memref<80x128xf32, #tpu.memory_space<vmem>>
      %dma_start3A_78 = arith.constant 0 : i32
      %dma_start3A_79 = tpu.memref_slice %arg7[%dma_start3A_72, %dma_start3A_78] : memref<32x80xi32, #tpu.memory_space<vmem>> -> memref<1x80xi32, #tpu.memory_space<vmem>>
      %dma_start3A_80 = tpu.memref_squeeze %dma_start3A_79 : memref<1x80xi32, #tpu.memory_space<vmem>> -> memref<80xi32, #tpu.memory_space<vmem>>
      %dma_start3A_81 = arith.constant 0 : i32
      %dma_start3A_82 = arith.constant 0 : i32
      %dma_start3A_83 = tpu.memref_slice %arg2[%dma_start3A_81, %dma_start3A_82] : memref<10240x128xf32, #tpu.memory_space<hbm>> -> memref<10240x128xf32, #tpu.memory_space<hbm>>
      tpu.enqueue_indirect_dma source(%dma_start3A_83 : memref<10240x128xf32, #tpu.memory_space<hbm>>) target(%dma_start3A_77 : memref<80x128xf32, #tpu.memory_space<vmem>>) offsets(%dma_start3A_80 : memref<80xi32, #tpu.memory_space<vmem>>) semaphore(%arg14 : memref<!tpu.dma_semaphore, #tpu.memory_space<semaphore_mem>>)
      %scan3A = arith.constant 0 : i32
      %scan3A_84 = arith.constant 8 : i32
      %scan3A_85 = arith.addi %scan3A, %scan3A_84 : i32
      %scan3A_86 = arith.constant 1 : i32
      scf.for %scan3A_88 = %scan3A to %scan3A_85 step %scan3A_86  : i32 {
        %mul3A_89 = arith.constant 4 : i32
        %mul3A_90 = arith.muli %scan3A_88, %mul3A_89 : i32
        %add3A_91 = arith.constant 0 : i32
        %add3A_92 = arith.addi %add3A_91, %mul3A_90 : i32
        %add3A_93 = arith.constant 0 : i32
        %add3A_94 = arith.addi %add3A_92, %add3A_93 : i32
        %dma_wait3A = arith.constant 0 : i32
        %dma_wait3A_95 = arith.constant 0 : i32
        %dma_wait3A_96 = arith.constant 0 : i32
        %dma_wait3A_97 = tpu.memref_slice %arg9[%dma_wait3A, %dma_wait3A_95, %dma_wait3A_96] : memref<4x80x128xf32, #tpu.memory_space<vmem>> -> memref<1x80x128xf32, #tpu.memory_space<vmem>>
        %dma_wait3A_98 = tpu.memref_squeeze %dma_wait3A_97 : memref<1x80x128xf32, #tpu.memory_space<vmem>> -> memref<80x128xf32, #tpu.memory_space<vmem>>
        %dma_wait3A_99 = arith.constant 0 : i32
        %dma_wait3A_100 = tpu.memref_slice %arg7[%add3A_94, %dma_wait3A_99] : memref<32x80xi32, #tpu.memory_space<vmem>> -> memref<1x80xi32, #tpu.memory_space<vmem>>
        %dma_wait3A_101 = tpu.memref_squeeze %dma_wait3A_100 : memref<1x80xi32, #tpu.memory_space<vmem>> -> memref<80xi32, #tpu.memory_space<vmem>>
        %dma_wait3A_102 = arith.constant 0 : i32
        %dma_wait3A_103 = arith.constant 0 : i32
        %dma_wait3A_104 = tpu.memref_slice %arg2[%dma_wait3A_102, %dma_wait3A_103] : memref<10240x128xf32, #tpu.memory_space<hbm>> -> memref<10240x128xf32, #tpu.memory_space<hbm>>
        tpu.wait_indirect_dma semaphore(%arg11 : memref<!tpu.dma_semaphore, #tpu.memory_space<semaphore_mem>>) src(%dma_wait3A_104 : memref<10240x128xf32, #tpu.memory_space<hbm>>) dst(%dma_wait3A_98 : memref<80x128xf32, #tpu.memory_space<vmem>>)
        %add3A_105 = arith.constant 0 : i32
        %add3A_106 = arith.addi %add3A_92, %add3A_105 : i32
        %dma_start3A_107 = arith.constant 0 : i32
        %dma_start3A_108 = arith.constant 0 : i32
        %dma_start3A_109 = arith.constant 0 : i32
        %dma_start3A_110 = tpu.memref_slice %arg9[%dma_start3A_107, %dma_start3A_108, %dma_start3A_109] : memref<4x80x128xf32, #tpu.memory_space<vmem>> -> memref<1x80x128xf32, #tpu.memory_space<vmem>>
        %dma_start3A_111 = tpu.memref_squeeze %dma_start3A_110 : memref<1x80x128xf32, #tpu.memory_space<vmem>> -> memref<80x128xf32, #tpu.memory_space<vmem>>
        %dma_start3A_112 = arith.constant 0 : i32
        %dma_start3A_113 = tpu.memref_slice %arg8[%add3A_106, %dma_start3A_112] : memref<32x80xi32, #tpu.memory_space<vmem>> -> memref<1x80xi32, #tpu.memory_space<vmem>>
        %dma_start3A_114 = tpu.memref_squeeze %dma_start3A_113 : memref<1x80xi32, #tpu.memory_space<vmem>> -> memref<80xi32, #tpu.memory_space<vmem>>
        %dma_start3A_115 = arith.constant 0 : i32
        %dma_start3A_116 = arith.constant 0 : i32
        %dma_start3A_117 = tpu.memref_slice %arg10[%dma_start3A_115, %dma_start3A_116] : memref<10240x128xf32, #tpu.memory_space<vmem_shared>> -> memref<10240x128xf32, #tpu.memory_space<vmem_shared>>
        tpu.enqueue_indirect_dma source(%dma_start3A_111 : memref<80x128xf32, #tpu.memory_space<vmem>>) target(%dma_start3A_117 : memref<10240x128xf32, #tpu.memory_space<vmem_shared>>) offsets(%dma_start3A_114 : memref<80xi32, #tpu.memory_space<vmem>>) semaphore(%arg15 : memref<!tpu.dma_semaphore, #tpu.memory_space<semaphore_mem>>) {add = true}
        %add3A_118 = arith.constant 1 : i32
        %add3A_119 = arith.addi %add3A_92, %add3A_118 : i32
        %dma_wait3A_120 = arith.constant 1 : i32
        %dma_wait3A_121 = arith.constant 0 : i32
        %dma_wait3A_122 = arith.constant 0 : i32
        %dma_wait3A_123 = tpu.memref_slice %arg9[%dma_wait3A_120, %dma_wait3A_121, %dma_wait3A_122] : memref<4x80x128xf32, #tpu.memory_space<vmem>> -> memref<1x80x128xf32, #tpu.memory_space<vmem>>
        %dma_wait3A_124 = tpu.memref_squeeze %dma_wait3A_123 : memref<1x80x128xf32, #tpu.memory_space<vmem>> -> memref<80x128xf32, #tpu.memory_space<vmem>>
        %dma_wait3A_125 = arith.constant 0 : i32
        %dma_wait3A_126 = tpu.memref_slice %arg7[%add3A_119, %dma_wait3A_125] : memref<32x80xi32, #tpu.memory_space<vmem>> -> memref<1x80xi32, #tpu.memory_space<vmem>>
        %dma_wait3A_127 = tpu.memref_squeeze %dma_wait3A_126 : memref<1x80xi32, #tpu.memory_space<vmem>> -> memref<80xi32, #tpu.memory_space<vmem>>
        %dma_wait3A_128 = arith.constant 0 : i32
        %dma_wait3A_129 = arith.constant 0 : i32
        %dma_wait3A_130 = tpu.memref_slice %arg2[%dma_wait3A_128, %dma_wait3A_129] : memref<10240x128xf32, #tpu.memory_space<hbm>> -> memref<10240x128xf32, #tpu.memory_space<hbm>>
        tpu.wait_indirect_dma semaphore(%arg12 : memref<!tpu.dma_semaphore, #tpu.memory_space<semaphore_mem>>) src(%dma_wait3A_130 : memref<10240x128xf32, #tpu.memory_space<hbm>>) dst(%dma_wait3A_124 : memref<80x128xf32, #tpu.memory_space<vmem>>)
        %add3A_131 = arith.constant 1 : i32
        %add3A_132 = arith.addi %add3A_92, %add3A_131 : i32
        %dma_start3A_133 = arith.constant 1 : i32
        %dma_start3A_134 = arith.constant 0 : i32
        %dma_start3A_135 = arith.constant 0 : i32
        %dma_start3A_136 = tpu.memref_slice %arg9[%dma_start3A_133, %dma_start3A_134, %dma_start3A_135] : memref<4x80x128xf32, #tpu.memory_space<vmem>> -> memref<1x80x128xf32, #tpu.memory_space<vmem>>
        %dma_start3A_137 = tpu.memref_squeeze %dma_start3A_136 : memref<1x80x128xf32, #tpu.memory_space<vmem>> -> memref<80x128xf32, #tpu.memory_space<vmem>>
        %dma_start3A_138 = arith.constant 0 : i32
        %dma_start3A_139 = tpu.memref_slice %arg8[%add3A_132, %dma_start3A_138] : memref<32x80xi32, #tpu.memory_space<vmem>> -> memref<1x80xi32, #tpu.memory_space<vmem>>
        %dma_start3A_140 = tpu.memref_squeeze %dma_start3A_139 : memref<1x80xi32, #tpu.memory_space<vmem>> -> memref<80xi32, #tpu.memory_space<vmem>>
        %dma_start3A_141 = arith.constant 0 : i32
        %dma_start3A_142 = arith.constant 0 : i32
        %dma_start3A_143 = tpu.memref_slice %arg10[%dma_start3A_141, %dma_start3A_142] : memref<10240x128xf32, #tpu.memory_space<vmem_shared>> -> memref<10240x128xf32, #tpu.memory_space<vmem_shared>>
        tpu.enqueue_indirect_dma source(%dma_start3A_137 : memref<80x128xf32, #tpu.memory_space<vmem>>) target(%dma_start3A_143 : memref<10240x128xf32, #tpu.memory_space<vmem_shared>>) offsets(%dma_start3A_140 : memref<80xi32, #tpu.memory_space<vmem>>) semaphore(%arg16 : memref<!tpu.dma_semaphore, #tpu.memory_space<semaphore_mem>>) {add = true}
        %add3A_144 = arith.constant 2 : i32
        %add3A_145 = arith.addi %add3A_92, %add3A_144 : i32
        %dma_wait3A_146 = arith.constant 2 : i32
        %dma_wait3A_147 = arith.constant 0 : i32
        %dma_wait3A_148 = arith.constant 0 : i32
        %dma_wait3A_149 = tpu.memref_slice %arg9[%dma_wait3A_146, %dma_wait3A_147, %dma_wait3A_148] : memref<4x80x128xf32, #tpu.memory_space<vmem>> -> memref<1x80x128xf32, #tpu.memory_space<vmem>>
        %dma_wait3A_150 = tpu.memref_squeeze %dma_wait3A_149 : memref<1x80x128xf32, #tpu.memory_space<vmem>> -> memref<80x128xf32, #tpu.memory_space<vmem>>
        %dma_wait3A_151 = arith.constant 0 : i32
        %dma_wait3A_152 = tpu.memref_slice %arg7[%add3A_145, %dma_wait3A_151] : memref<32x80xi32, #tpu.memory_space<vmem>> -> memref<1x80xi32, #tpu.memory_space<vmem>>
        %dma_wait3A_153 = tpu.memref_squeeze %dma_wait3A_152 : memref<1x80xi32, #tpu.memory_space<vmem>> -> memref<80xi32, #tpu.memory_space<vmem>>
        %dma_wait3A_154 = arith.constant 0 : i32
        %dma_wait3A_155 = arith.constant 0 : i32
        %dma_wait3A_156 = tpu.memref_slice %arg2[%dma_wait3A_154, %dma_wait3A_155] : memref<10240x128xf32, #tpu.memory_space<hbm>> -> memref<10240x128xf32, #tpu.memory_space<hbm>>
        tpu.wait_indirect_dma semaphore(%arg13 : memref<!tpu.dma_semaphore, #tpu.memory_space<semaphore_mem>>) src(%dma_wait3A_156 : memref<10240x128xf32, #tpu.memory_space<hbm>>) dst(%dma_wait3A_150 : memref<80x128xf32, #tpu.memory_space<vmem>>)
        %add3A_157 = arith.constant 2 : i32
        %add3A_158 = arith.addi %add3A_92, %add3A_157 : i32
        %dma_start3A_159 = arith.constant 2 : i32
        %dma_start3A_160 = arith.constant 0 : i32
        %dma_start3A_161 = arith.constant 0 : i32
        %dma_start3A_162 = tpu.memref_slice %arg9[%dma_start3A_159, %dma_start3A_160, %dma_start3A_161] : memref<4x80x128xf32, #tpu.memory_space<vmem>> -> memref<1x80x128xf32, #tpu.memory_space<vmem>>
        %dma_start3A_163 = tpu.memref_squeeze %dma_start3A_162 : memref<1x80x128xf32, #tpu.memory_space<vmem>> -> memref<80x128xf32, #tpu.memory_space<vmem>>
        %dma_start3A_164 = arith.constant 0 : i32
        %dma_start3A_165 = tpu.memref_slice %arg8[%add3A_158, %dma_start3A_164] : memref<32x80xi32, #tpu.memory_space<vmem>> -> memref<1x80xi32, #tpu.memory_space<vmem>>
        %dma_start3A_166 = tpu.memref_squeeze %dma_start3A_165 : memref<1x80xi32, #tpu.memory_space<vmem>> -> memref<80xi32, #tpu.memory_space<vmem>>
        %dma_start3A_167 = arith.constant 0 : i32
        %dma_start3A_168 = arith.constant 0 : i32
        %dma_start3A_169 = tpu.memref_slice %arg10[%dma_start3A_167, %dma_start3A_168] : memref<10240x128xf32, #tpu.memory_space<vmem_shared>> -> memref<10240x128xf32, #tpu.memory_space<vmem_shared>>
        tpu.enqueue_indirect_dma source(%dma_start3A_163 : memref<80x128xf32, #tpu.memory_space<vmem>>) target(%dma_start3A_169 : memref<10240x128xf32, #tpu.memory_space<vmem_shared>>) offsets(%dma_start3A_166 : memref<80xi32, #tpu.memory_space<vmem>>) semaphore(%arg17 : memref<!tpu.dma_semaphore, #tpu.memory_space<semaphore_mem>>) {add = true}
        %add3A_170 = arith.constant 3 : i32
        %add3A_171 = arith.addi %add3A_92, %add3A_170 : i32
        %dma_wait3A_172 = arith.constant 3 : i32
        %dma_wait3A_173 = arith.constant 0 : i32
        %dma_wait3A_174 = arith.constant 0 : i32
        %dma_wait3A_175 = tpu.memref_slice %arg9[%dma_wait3A_172, %dma_wait3A_173, %dma_wait3A_174] : memref<4x80x128xf32, #tpu.memory_space<vmem>> -> memref<1x80x128xf32, #tpu.memory_space<vmem>>
        %dma_wait3A_176 = tpu.memref_squeeze %dma_wait3A_175 : memref<1x80x128xf32, #tpu.memory_space<vmem>> -> memref<80x128xf32, #tpu.memory_space<vmem>>
        %dma_wait3A_177 = arith.constant 0 : i32
        %dma_wait3A_178 = tpu.memref_slice %arg7[%add3A_171, %dma_wait3A_177] : memref<32x80xi32, #tpu.memory_space<vmem>> -> memref<1x80xi32, #tpu.memory_space<vmem>>
        %dma_wait3A_179 = tpu.memref_squeeze %dma_wait3A_178 : memref<1x80xi32, #tpu.memory_space<vmem>> -> memref<80xi32, #tpu.memory_space<vmem>>
        %dma_wait3A_180 = arith.constant 0 : i32
        %dma_wait3A_181 = arith.constant 0 : i32
        %dma_wait3A_182 = tpu.memref_slice %arg2[%dma_wait3A_180, %dma_wait3A_181] : memref<10240x128xf32, #tpu.memory_space<hbm>> -> memref<10240x128xf32, #tpu.memory_space<hbm>>
        tpu.wait_indirect_dma semaphore(%arg14 : memref<!tpu.dma_semaphore, #tpu.memory_space<semaphore_mem>>) src(%dma_wait3A_182 : memref<10240x128xf32, #tpu.memory_space<hbm>>) dst(%dma_wait3A_176 : memref<80x128xf32, #tpu.memory_space<vmem>>)
        %add3A_183 = arith.constant 3 : i32
        %add3A_184 = arith.addi %add3A_92, %add3A_183 : i32
        %dma_start3A_185 = arith.constant 3 : i32
        %dma_start3A_186 = arith.constant 0 : i32
        %dma_start3A_187 = arith.constant 0 : i32
        %dma_start3A_188 = tpu.memref_slice %arg9[%dma_start3A_185, %dma_start3A_186, %dma_start3A_187] : memref<4x80x128xf32, #tpu.memory_space<vmem>> -> memref<1x80x128xf32, #tpu.memory_space<vmem>>
        %dma_start3A_189 = tpu.memref_squeeze %dma_start3A_188 : memref<1x80x128xf32, #tpu.memory_space<vmem>> -> memref<80x128xf32, #tpu.memory_space<vmem>>
        %dma_start3A_190 = arith.constant 0 : i32
        %dma_start3A_191 = tpu.memref_slice %arg8[%add3A_184, %dma_start3A_190] : memref<32x80xi32, #tpu.memory_space<vmem>> -> memref<1x80xi32, #tpu.memory_space<vmem>>
        %dma_start3A_192 = tpu.memref_squeeze %dma_start3A_191 : memref<1x80xi32, #tpu.memory_space<vmem>> -> memref<80xi32, #tpu.memory_space<vmem>>
        %dma_start3A_193 = arith.constant 0 : i32
        %dma_start3A_194 = arith.constant 0 : i32
        %dma_start3A_195 = tpu.memref_slice %arg10[%dma_start3A_193, %dma_start3A_194] : memref<10240x128xf32, #tpu.memory_space<vmem_shared>> -> memref<10240x128xf32, #tpu.memory_space<vmem_shared>>
        tpu.enqueue_indirect_dma source(%dma_start3A_189 : memref<80x128xf32, #tpu.memory_space<vmem>>) target(%dma_start3A_195 : memref<10240x128xf32, #tpu.memory_space<vmem_shared>>) offsets(%dma_start3A_192 : memref<80xi32, #tpu.memory_space<vmem>>) semaphore(%arg18 : memref<!tpu.dma_semaphore, #tpu.memory_space<semaphore_mem>>) {add = true}
        %add3A_196 = arith.constant 0 : i32
        %add3A_197 = arith.addi %add3A_92, %add3A_196 : i32
        %dma_wait3A_198 = arith.constant 0 : i32
        %dma_wait3A_199 = arith.constant 0 : i32
        %dma_wait3A_200 = arith.constant 0 : i32
        %dma_wait3A_201 = tpu.memref_slice %arg9[%dma_wait3A_198, %dma_wait3A_199, %dma_wait3A_200] : memref<4x80x128xf32, #tpu.memory_space<vmem>> -> memref<1x80x128xf32, #tpu.memory_space<vmem>>
        %dma_wait3A_202 = tpu.memref_squeeze %dma_wait3A_201 : memref<1x80x128xf32, #tpu.memory_space<vmem>> -> memref<80x128xf32, #tpu.memory_space<vmem>>
        %dma_wait3A_203 = arith.constant 0 : i32
        %dma_wait3A_204 = tpu.memref_slice %arg8[%add3A_197, %dma_wait3A_203] : memref<32x80xi32, #tpu.memory_space<vmem>> -> memref<1x80xi32, #tpu.memory_space<vmem>>
        %dma_wait3A_205 = tpu.memref_squeeze %dma_wait3A_204 : memref<1x80xi32, #tpu.memory_space<vmem>> -> memref<80xi32, #tpu.memory_space<vmem>>
        %dma_wait3A_206 = arith.constant 0 : i32
        %dma_wait3A_207 = arith.constant 0 : i32
        %dma_wait3A_208 = tpu.memref_slice %arg10[%dma_wait3A_206, %dma_wait3A_207] : memref<10240x128xf32, #tpu.memory_space<vmem_shared>> -> memref<10240x128xf32, #tpu.memory_space<vmem_shared>>
        tpu.wait_indirect_dma semaphore(%arg15 : memref<!tpu.dma_semaphore, #tpu.memory_space<semaphore_mem>>) src(%dma_wait3A_202 : memref<80x128xf32, #tpu.memory_space<vmem>>) dst(%dma_wait3A_208 : memref<10240x128xf32, #tpu.memory_space<vmem_shared>>)
        %add3A_209 = arith.constant 4 : i32
        %add3A_210 = arith.addi %add3A_92, %add3A_209 : i32
        %add3A_211 = arith.constant 0 : i32
        %add3A_212 = arith.addi %add3A_210, %add3A_211 : i32
        %lt3A = arith.constant 32 : i32
        %lt3A_213 = arith.cmpi slt, %add3A_212, %lt3A : i32
        %convert_element_type3A = arith.extui %lt3A_213 : i1 to i32
        %cond3A = arith.constant 0 : i32
        %cond3A_214 = arith.cmpi ne, %convert_element_type3A, %cond3A : i32
        scf.if %cond3A_214 {
          %add3A_281 = arith.constant 4 : i32
          %add3A_282 = arith.addi %add3A_92, %add3A_281 : i32
          %add3A_283 = arith.constant 0 : i32
          %add3A_284 = arith.addi %add3A_282, %add3A_283 : i32
          %dma_start3A_285 = arith.constant 0 : i32
          %dma_start3A_286 = arith.constant 0 : i32
          %dma_start3A_287 = arith.constant 0 : i32
          %dma_start3A_288 = tpu.memref_slice %arg9[%dma_start3A_285, %dma_start3A_286, %dma_start3A_287] : memref<4x80x128xf32, #tpu.memory_space<vmem>> -> memref<1x80x128xf32, #tpu.memory_space<vmem>>
          %dma_start3A_289 = tpu.memref_squeeze %dma_start3A_288 : memref<1x80x128xf32, #tpu.memory_space<vmem>> -> memref<80x128xf32, #tpu.memory_space<vmem>>
          %dma_start3A_290 = arith.constant 0 : i32
          %dma_start3A_291 = tpu.memref_slice %arg7[%add3A_284, %dma_start3A_290] : memref<32x80xi32, #tpu.memory_space<vmem>> -> memref<1x80xi32, #tpu.memory_space<vmem>>
          %dma_start3A_292 = tpu.memref_squeeze %dma_start3A_291 : memref<1x80xi32, #tpu.memory_space<vmem>> -> memref<80xi32, #tpu.memory_space<vmem>>
          %dma_start3A_293 = arith.constant 0 : i32
          %dma_start3A_294 = arith.constant 0 : i32
          %dma_start3A_295 = tpu.memref_slice %arg2[%dma_start3A_293, %dma_start3A_294] : memref<10240x128xf32, #tpu.memory_space<hbm>> -> memref<10240x128xf32, #tpu.memory_space<hbm>>
          tpu.enqueue_indirect_dma source(%dma_start3A_295 : memref<10240x128xf32, #tpu.memory_space<hbm>>) target(%dma_start3A_289 : memref<80x128xf32, #tpu.memory_space<vmem>>) offsets(%dma_start3A_292 : memref<80xi32, #tpu.memory_space<vmem>>) semaphore(%arg11 : memref<!tpu.dma_semaphore, #tpu.memory_space<semaphore_mem>>)
        } else {
        }
        %add3A_215 = arith.constant 1 : i32
        %add3A_216 = arith.addi %add3A_92, %add3A_215 : i32
        %dma_wait3A_217 = arith.constant 1 : i32
        %dma_wait3A_218 = arith.constant 0 : i32
        %dma_wait3A_219 = arith.constant 0 : i32
        %dma_wait3A_220 = tpu.memref_slice %arg9[%dma_wait3A_217, %dma_wait3A_218, %dma_wait3A_219] : memref<4x80x128xf32, #tpu.memory_space<vmem>> -> memref<1x80x128xf32, #tpu.memory_space<vmem>>
        %dma_wait3A_221 = tpu.memref_squeeze %dma_wait3A_220 : memref<1x80x128xf32, #tpu.memory_space<vmem>> -> memref<80x128xf32, #tpu.memory_space<vmem>>
        %dma_wait3A_222 = arith.constant 0 : i32
        %dma_wait3A_223 = tpu.memref_slice %arg8[%add3A_216, %dma_wait3A_222] : memref<32x80xi32, #tpu.memory_space<vmem>> -> memref<1x80xi32, #tpu.memory_space<vmem>>
        %dma_wait3A_224 = tpu.memref_squeeze %dma_wait3A_223 : memref<1x80xi32, #tpu.memory_space<vmem>> -> memref<80xi32, #tpu.memory_space<vmem>>
        %dma_wait3A_225 = arith.constant 0 : i32
        %dma_wait3A_226 = arith.constant 0 : i32
        %dma_wait3A_227 = tpu.memref_slice %arg10[%dma_wait3A_225, %dma_wait3A_226] : memref<10240x128xf32, #tpu.memory_space<vmem_shared>> -> memref<10240x128xf32, #tpu.memory_space<vmem_shared>>
        tpu.wait_indirect_dma semaphore(%arg16 : memref<!tpu.dma_semaphore, #tpu.memory_space<semaphore_mem>>) src(%dma_wait3A_221 : memref<80x128xf32, #tpu.memory_space<vmem>>) dst(%dma_wait3A_227 : memref<10240x128xf32, #tpu.memory_space<vmem_shared>>)
        %add3A_228 = arith.constant 4 : i32
        %add3A_229 = arith.addi %add3A_92, %add3A_228 : i32
        %add3A_230 = arith.constant 1 : i32
        %add3A_231 = arith.addi %add3A_229, %add3A_230 : i32
        %lt3A_232 = arith.constant 32 : i32
        %lt3A_233 = arith.cmpi slt, %add3A_231, %lt3A_232 : i32
        %convert_element_type3A_234 = arith.extui %lt3A_233 : i1 to i32
        %cond3A_235 = arith.constant 0 : i32
        %cond3A_236 = arith.cmpi ne, %convert_element_type3A_234, %cond3A_235 : i32
        scf.if %cond3A_236 {
          %add3A_281 = arith.constant 4 : i32
          %add3A_282 = arith.addi %add3A_92, %add3A_281 : i32
          %add3A_283 = arith.constant 1 : i32
          %add3A_284 = arith.addi %add3A_282, %add3A_283 : i32
          %dma_start3A_285 = arith.constant 1 : i32
          %dma_start3A_286 = arith.constant 0 : i32
          %dma_start3A_287 = arith.constant 0 : i32
          %dma_start3A_288 = tpu.memref_slice %arg9[%dma_start3A_285, %dma_start3A_286, %dma_start3A_287] : memref<4x80x128xf32, #tpu.memory_space<vmem>> -> memref<1x80x128xf32, #tpu.memory_space<vmem>>
          %dma_start3A_289 = tpu.memref_squeeze %dma_start3A_288 : memref<1x80x128xf32, #tpu.memory_space<vmem>> -> memref<80x128xf32, #tpu.memory_space<vmem>>
          %dma_start3A_290 = arith.constant 0 : i32
          %dma_start3A_291 = tpu.memref_slice %arg7[%add3A_284, %dma_start3A_290] : memref<32x80xi32, #tpu.memory_space<vmem>> -> memref<1x80xi32, #tpu.memory_space<vmem>>
          %dma_start3A_292 = tpu.memref_squeeze %dma_start3A_291 : memref<1x80xi32, #tpu.memory_space<vmem>> -> memref<80xi32, #tpu.memory_space<vmem>>
          %dma_start3A_293 = arith.constant 0 : i32
          %dma_start3A_294 = arith.constant 0 : i32
          %dma_start3A_295 = tpu.memref_slice %arg2[%dma_start3A_293, %dma_start3A_294] : memref<10240x128xf32, #tpu.memory_space<hbm>> -> memref<10240x128xf32, #tpu.memory_space<hbm>>
          tpu.enqueue_indirect_dma source(%dma_start3A_295 : memref<10240x128xf32, #tpu.memory_space<hbm>>) target(%dma_start3A_289 : memref<80x128xf32, #tpu.memory_space<vmem>>) offsets(%dma_start3A_292 : memref<80xi32, #tpu.memory_space<vmem>>) semaphore(%arg12 : memref<!tpu.dma_semaphore, #tpu.memory_space<semaphore_mem>>)
        } else {
        }
        %add3A_237 = arith.constant 2 : i32
        %add3A_238 = arith.addi %add3A_92, %add3A_237 : i32
        %dma_wait3A_239 = arith.constant 2 : i32
        %dma_wait3A_240 = arith.constant 0 : i32
        %dma_wait3A_241 = arith.constant 0 : i32
        %dma_wait3A_242 = tpu.memref_slice %arg9[%dma_wait3A_239, %dma_wait3A_240, %dma_wait3A_241] : memref<4x80x128xf32, #tpu.memory_space<vmem>> -> memref<1x80x128xf32, #tpu.memory_space<vmem>>
        %dma_wait3A_243 = tpu.memref_squeeze %dma_wait3A_242 : memref<1x80x128xf32, #tpu.memory_space<vmem>> -> memref<80x128xf32, #tpu.memory_space<vmem>>
        %dma_wait3A_244 = arith.constant 0 : i32
        %dma_wait3A_245 = tpu.memref_slice %arg8[%add3A_238, %dma_wait3A_244] : memref<32x80xi32, #tpu.memory_space<vmem>> -> memref<1x80xi32, #tpu.memory_space<vmem>>
        %dma_wait3A_246 = tpu.memref_squeeze %dma_wait3A_245 : memref<1x80xi32, #tpu.memory_space<vmem>> -> memref<80xi32, #tpu.memory_space<vmem>>
        %dma_wait3A_247 = arith.constant 0 : i32
        %dma_wait3A_248 = arith.constant 0 : i32
        %dma_wait3A_249 = tpu.memref_slice %arg10[%dma_wait3A_247, %dma_wait3A_248] : memref<10240x128xf32, #tpu.memory_space<vmem_shared>> -> memref<10240x128xf32, #tpu.memory_space<vmem_shared>>
        tpu.wait_indirect_dma semaphore(%arg17 : memref<!tpu.dma_semaphore, #tpu.memory_space<semaphore_mem>>) src(%dma_wait3A_243 : memref<80x128xf32, #tpu.memory_space<vmem>>) dst(%dma_wait3A_249 : memref<10240x128xf32, #tpu.memory_space<vmem_shared>>)
        %add3A_250 = arith.constant 4 : i32
        %add3A_251 = arith.addi %add3A_92, %add3A_250 : i32
        %add3A_252 = arith.constant 2 : i32
        %add3A_253 = arith.addi %add3A_251, %add3A_252 : i32
        %lt3A_254 = arith.constant 32 : i32
        %lt3A_255 = arith.cmpi slt, %add3A_253, %lt3A_254 : i32
        %convert_element_type3A_256 = arith.extui %lt3A_255 : i1 to i32
        %cond3A_257 = arith.constant 0 : i32
        %cond3A_258 = arith.cmpi ne, %convert_element_type3A_256, %cond3A_257 : i32
        scf.if %cond3A_258 {
          %add3A_281 = arith.constant 4 : i32
          %add3A_282 = arith.addi %add3A_92, %add3A_281 : i32
          %add3A_283 = arith.constant 2 : i32
          %add3A_284 = arith.addi %add3A_282, %add3A_283 : i32
          %dma_start3A_285 = arith.constant 2 : i32
          %dma_start3A_286 = arith.constant 0 : i32
          %dma_start3A_287 = arith.constant 0 : i32
          %dma_start3A_288 = tpu.memref_slice %arg9[%dma_start3A_285, %dma_start3A_286, %dma_start3A_287] : memref<4x80x128xf32, #tpu.memory_space<vmem>> -> memref<1x80x128xf32, #tpu.memory_space<vmem>>
          %dma_start3A_289 = tpu.memref_squeeze %dma_start3A_288 : memref<1x80x128xf32, #tpu.memory_space<vmem>> -> memref<80x128xf32, #tpu.memory_space<vmem>>
          %dma_start3A_290 = arith.constant 0 : i32
          %dma_start3A_291 = tpu.memref_slice %arg7[%add3A_284, %dma_start3A_290] : memref<32x80xi32, #tpu.memory_space<vmem>> -> memref<1x80xi32, #tpu.memory_space<vmem>>
          %dma_start3A_292 = tpu.memref_squeeze %dma_start3A_291 : memref<1x80xi32, #tpu.memory_space<vmem>> -> memref<80xi32, #tpu.memory_space<vmem>>
          %dma_start3A_293 = arith.constant 0 : i32
          %dma_start3A_294 = arith.constant 0 : i32
          %dma_start3A_295 = tpu.memref_slice %arg2[%dma_start3A_293, %dma_start3A_294] : memref<10240x128xf32, #tpu.memory_space<hbm>> -> memref<10240x128xf32, #tpu.memory_space<hbm>>
          tpu.enqueue_indirect_dma source(%dma_start3A_295 : memref<10240x128xf32, #tpu.memory_space<hbm>>) target(%dma_start3A_289 : memref<80x128xf32, #tpu.memory_space<vmem>>) offsets(%dma_start3A_292 : memref<80xi32, #tpu.memory_space<vmem>>) semaphore(%arg13 : memref<!tpu.dma_semaphore, #tpu.memory_space<semaphore_mem>>)
        } else {
        }
        %add3A_259 = arith.constant 3 : i32
        %add3A_260 = arith.addi %add3A_92, %add3A_259 : i32
        %dma_wait3A_261 = arith.constant 3 : i32
        %dma_wait3A_262 = arith.constant 0 : i32
        %dma_wait3A_263 = arith.constant 0 : i32
        %dma_wait3A_264 = tpu.memref_slice %arg9[%dma_wait3A_261, %dma_wait3A_262, %dma_wait3A_263] : memref<4x80x128xf32, #tpu.memory_space<vmem>> -> memref<1x80x128xf32, #tpu.memory_space<vmem>>
        %dma_wait3A_265 = tpu.memref_squeeze %dma_wait3A_264 : memref<1x80x128xf32, #tpu.memory_space<vmem>> -> memref<80x128xf32, #tpu.memory_space<vmem>>
        %dma_wait3A_266 = arith.constant 0 : i32
        %dma_wait3A_267 = tpu.memref_slice %arg8[%add3A_260, %dma_wait3A_266] : memref<32x80xi32, #tpu.memory_space<vmem>> -> memref<1x80xi32, #tpu.memory_space<vmem>>
        %dma_wait3A_268 = tpu.memref_squeeze %dma_wait3A_267 : memref<1x80xi32, #tpu.memory_space<vmem>> -> memref<80xi32, #tpu.memory_space<vmem>>
        %dma_wait3A_269 = arith.constant 0 : i32
        %dma_wait3A_270 = arith.constant 0 : i32
        %dma_wait3A_271 = tpu.memref_slice %arg10[%dma_wait3A_269, %dma_wait3A_270] : memref<10240x128xf32, #tpu.memory_space<vmem_shared>> -> memref<10240x128xf32, #tpu.memory_space<vmem_shared>>
        tpu.wait_indirect_dma semaphore(%arg18 : memref<!tpu.dma_semaphore, #tpu.memory_space<semaphore_mem>>) src(%dma_wait3A_265 : memref<80x128xf32, #tpu.memory_space<vmem>>) dst(%dma_wait3A_271 : memref<10240x128xf32, #tpu.memory_space<vmem_shared>>)
        %add3A_272 = arith.constant 4 : i32
        %add3A_273 = arith.addi %add3A_92, %add3A_272 : i32
        %add3A_274 = arith.constant 3 : i32
        %add3A_275 = arith.addi %add3A_273, %add3A_274 : i32
        %lt3A_276 = arith.constant 32 : i32
        %lt3A_277 = arith.cmpi slt, %add3A_275, %lt3A_276 : i32
        %convert_element_type3A_278 = arith.extui %lt3A_277 : i1 to i32
        %cond3A_279 = arith.constant 0 : i32
        %cond3A_280 = arith.cmpi ne, %convert_element_type3A_278, %cond3A_279 : i32
        scf.if %cond3A_280 {
          %add3A_281 = arith.constant 4 : i32
          %add3A_282 = arith.addi %add3A_92, %add3A_281 : i32
          %add3A_283 = arith.constant 3 : i32
          %add3A_284 = arith.addi %add3A_282, %add3A_283 : i32
          %dma_start3A_285 = arith.constant 3 : i32
          %dma_start3A_286 = arith.constant 0 : i32
          %dma_start3A_287 = arith.constant 0 : i32
          %dma_start3A_288 = tpu.memref_slice %arg9[%dma_start3A_285, %dma_start3A_286, %dma_start3A_287] : memref<4x80x128xf32, #tpu.memory_space<vmem>> -> memref<1x80x128xf32, #tpu.memory_space<vmem>>
          %dma_start3A_289 = tpu.memref_squeeze %dma_start3A_288 : memref<1x80x128xf32, #tpu.memory_space<vmem>> -> memref<80x128xf32, #tpu.memory_space<vmem>>
          %dma_start3A_290 = arith.constant 0 : i32
          %dma_start3A_291 = tpu.memref_slice %arg7[%add3A_284, %dma_start3A_290] : memref<32x80xi32, #tpu.memory_space<vmem>> -> memref<1x80xi32, #tpu.memory_space<vmem>>
          %dma_start3A_292 = tpu.memref_squeeze %dma_start3A_291 : memref<1x80xi32, #tpu.memory_space<vmem>> -> memref<80xi32, #tpu.memory_space<vmem>>
          %dma_start3A_293 = arith.constant 0 : i32
          %dma_start3A_294 = arith.constant 0 : i32
          %dma_start3A_295 = tpu.memref_slice %arg2[%dma_start3A_293, %dma_start3A_294] : memref<10240x128xf32, #tpu.memory_space<hbm>> -> memref<10240x128xf32, #tpu.memory_space<hbm>>
          tpu.enqueue_indirect_dma source(%dma_start3A_295 : memref<10240x128xf32, #tpu.memory_space<hbm>>) target(%dma_start3A_289 : memref<80x128xf32, #tpu.memory_space<vmem>>) offsets(%dma_start3A_292 : memref<80xi32, #tpu.memory_space<vmem>>) semaphore(%arg14 : memref<!tpu.dma_semaphore, #tpu.memory_space<semaphore_mem>>)
        } else {
        }
      }
      %scan3A_87 = arith.constant 8 : i32
    }
    %barrier3A_30 = arith.constant 0 : index
    tpu.barrier barrier_id(%barrier3A_30)
    "tpu.region"() ({
      %run_scoped3A = tpu.sem_alloc : memref<!tpu.dma_semaphore, #tpu.memory_space<semaphore_mem>>
      %dma_start3A = arith.constant 0 : i32
      %dma_start3A_31 = tpu.memref_slice %arg6[%arg0, %mul3A_2, %dma_start3A] : memref<2x10240x128xf32, #tpu.memory_space<hbm>> -> memref<1x640x128xf32, #tpu.memory_space<hbm>>
      %dma_start3A_32 = tpu.memref_squeeze %dma_start3A_31 : memref<1x640x128xf32, #tpu.memory_space<hbm>> -> memref<640x128xf32, #tpu.memory_space<hbm>>
      %dma_start3A_33 = arith.constant 0 : i32
      %dma_start3A_34 = tpu.memref_slice %arg10[%mul3A_2, %dma_start3A_33] : memref<10240x128xf32, #tpu.memory_space<vmem_shared>> -> memref<640x128xf32, #tpu.memory_space<vmem_shared>>
      tpu.enqueue_dma source(%dma_start3A_34 : memref<640x128xf32, #tpu.memory_space<vmem_shared>>) target(%dma_start3A_32 : memref<640x128xf32, #tpu.memory_space<hbm>>) target_semaphore(%run_scoped3A : memref<!tpu.dma_semaphore, #tpu.memory_space<semaphore_mem>>)
      %dma_wait3A = arith.constant 0 : i32
      %dma_wait3A_35 = tpu.memref_slice %arg6[%arg0, %mul3A_2, %dma_wait3A] : memref<2x10240x128xf32, #tpu.memory_space<hbm>> -> memref<1x640x128xf32, #tpu.memory_space<hbm>>
      %dma_wait3A_36 = tpu.memref_squeeze %dma_wait3A_35 : memref<1x640x128xf32, #tpu.memory_space<hbm>> -> memref<640x128xf32, #tpu.memory_space<hbm>>
      %dma_wait3A_37 = arith.constant 0 : i32
      %dma_wait3A_38 = tpu.memref_slice %arg10[%mul3A_2, %dma_wait3A_37] : memref<10240x128xf32, #tpu.memory_space<vmem_shared>> -> memref<640x128xf32, #tpu.memory_space<vmem_shared>>
      tpu.wait_dma2 semaphore(%run_scoped3A : memref<!tpu.dma_semaphore, #tpu.memory_space<semaphore_mem>>) src(%dma_wait3A_38 : memref<640x128xf32, #tpu.memory_space<vmem_shared>>) dst(%dma_wait3A_36 : memref<640x128xf32, #tpu.memory_space<hbm>>)
      tpu.yield
    }) : () -> ()
    return
  }
}

#map = affine_map<(d0, d1) -> (0, 0)>
#map1 = affine_map<(d0, d1) -> (0, 0, 0)>
module attributes {stable_mosaic.version = 14 : i64} {
  func.func @k(%arg0: i32, %arg1: i32, %arg2: memref<10240x128xf32, #tpu.memory_space<hbm>>, %arg3: memref<4096x80xi32, #tpu.memory_space<hbm>>, %arg4: memref<4096x80xi32, #tpu.memory_space<hbm>>, %arg5: memref<10240x128xf32, #tpu.memory_space<hbm>>, %arg6: memref<2x10240x128xf32, #tpu.memory_space<hbm>>, %arg7: memref<32x80xi32, #tpu.memory_space<vmem>>, %arg8: memref<32x80xi32, #tpu.memory_space<vmem>>, %arg9: memref<4x80x128xf32, #tpu.memory_space<vmem>>, %arg10: memref<10240x128xf32, #tpu.memory_space<vmem_shared>>, %arg11: memref<!tpu.dma_semaphore, #tpu.memory_space<semaphore_mem>>, %arg12: memref<!tpu.dma_semaphore, #tpu.memory_space<semaphore_mem>>, %arg13: memref<!tpu.dma_semaphore, #tpu.memory_space<semaphore_mem>>, %arg14: memref<!tpu.dma_semaphore, #tpu.memory_space<semaphore_mem>>, %arg15: memref<!tpu.dma_semaphore, #tpu.memory_space<semaphore_mem>>, %arg16: memref<!tpu.dma_semaphore, #tpu.memory_space<semaphore_mem>>, %arg17: memref<!tpu.dma_semaphore, #tpu.memory_space<semaphore_mem>>, %arg18: memref<!tpu.dma_semaphore, #tpu.memory_space<semaphore_mem>>) attributes {dimension_semantics = [#tpu.dimension_semantics<core_parallel>, #tpu.dimension_semantics<subcore_parallel>], iteration_bounds = array<i64: 2, 16>, scalar_prefetch = 0 : i64, scratch_operands = 12 : i64, tpu.core_type = #tpu.core_type<sc_vector_subcore>, window_params = [{transform_indices = #map}, {transform_indices = #map}, {transform_indices = #map}, {transform_indices = #map}, {transform_indices = #map1}]} {
    %mul3A = arith.constant 16 : i32
    %mul3A_0 = arith.muli %arg0, %mul3A : i32
    %add3A = arith.addi %mul3A_0, %arg1 : i32
    %mul3A_1 = arith.constant 640 : i32
    %mul3A_2 = arith.muli %arg1, %mul3A_1 : i32
    "tpu.region"() ({
      %run_scoped3A = tpu.sem_alloc : memref<!tpu.dma_semaphore, #tpu.memory_space<semaphore_mem>>
      %dma_start3A = arith.constant 0 : i32
      %dma_start3A_31 = tpu.memref_slice %arg10[%mul3A_2, %dma_start3A] : memref<10240x128xf32, #tpu.memory_space<vmem_shared>> -> memref<640x128xf32, #tpu.memory_space<vmem_shared>>
      %dma_start3A_32 = arith.constant 0 : i32
      %dma_start3A_33 = tpu.memref_slice %arg5[%mul3A_2, %dma_start3A_32] : memref<10240x128xf32, #tpu.memory_space<hbm>> -> memref<640x128xf32, #tpu.memory_space<hbm>>
      tpu.enqueue_dma source(%dma_start3A_33 : memref<640x128xf32, #tpu.memory_space<hbm>>) target(%dma_start3A_31 : memref<640x128xf32, #tpu.memory_space<vmem_shared>>) target_semaphore(%run_scoped3A : memref<!tpu.dma_semaphore, #tpu.memory_space<semaphore_mem>>)
      %dma_wait3A = arith.constant 0 : i32
      %dma_wait3A_34 = tpu.memref_slice %arg10[%mul3A_2, %dma_wait3A] : memref<10240x128xf32, #tpu.memory_space<vmem_shared>> -> memref<640x128xf32, #tpu.memory_space<vmem_shared>>
      %dma_wait3A_35 = arith.constant 0 : i32
      %dma_wait3A_36 = tpu.memref_slice %arg5[%mul3A_2, %dma_wait3A_35] : memref<10240x128xf32, #tpu.memory_space<hbm>> -> memref<640x128xf32, #tpu.memory_space<hbm>>
      tpu.wait_dma2 semaphore(%run_scoped3A : memref<!tpu.dma_semaphore, #tpu.memory_space<semaphore_mem>>) src(%dma_wait3A_36 : memref<640x128xf32, #tpu.memory_space<hbm>>) dst(%dma_wait3A_34 : memref<640x128xf32, #tpu.memory_space<vmem_shared>>)
      tpu.yield
    }) : () -> ()
    %barrier3A = arith.constant 0 : index
    tpu.barrier barrier_id(%barrier3A)
    %eq3A = arith.constant 0 : i32
    %eq3A_3 = arith.cmpi eq, %arg0, %eq3A : i32
    %jit3A = arith.constant 4 : i32
    %jit3A_4 = arith.constant 4 : i32
    %select_n3A = arith.select %eq3A_3, %jit3A, %jit3A_4 : i32
    %eq3A_5 = arith.constant 0 : i32
    %eq3A_6 = arith.cmpi eq, %arg0, %eq3A_5 : i32
    %mul3A_7 = arith.constant 128 : i32
    %mul3A_8 = arith.muli %arg1, %mul3A_7 : i32
    %mul3A_9 = arith.constant 128 : i32
    %mul3A_10 = arith.muli %arg1, %mul3A_9 : i32
    %add3A_11 = arith.constant 2048 : i32
    %add3A_12 = arith.addi %add3A_11, %mul3A_10 : i32
    %select_n3A_13 = arith.select %eq3A_6, %mul3A_8, %add3A_12 : i32
    %sub3A = arith.constant 0 : i32
    %sub3A_14 = arith.subi %select_n3A, %sub3A : i32
    %sub3A_15 = arith.constant 1 : i32
    %sub3A_16 = arith.constant 1 : i32
    %sub3A_17 = arith.subi %sub3A_15, %sub3A_16 : i32
    %add3A_18 = arith.addi %sub3A_14, %sub3A_17 : i32
    %div3A = arith.constant 1 : i32
    %div3A_19 = arith.divsi %add3A_18, %div3A : i32
    %while3A = arith.constant 1 : i32
    %while3A_20 = arith.constant 0 : i32
    %while3A_21 = arith.constant 0 : i32
    %while3A_22 = arith.subi %div3A_19, %while3A_21 : i32
    %while3A_23 = arith.addi %while3A_21, %while3A_22 : i32
    %while3A_24 = arith.constant 1 : i32
    %while3A_25 = arith.divsi %while3A_22, %while3A_24 : i32
    %while3A_26 = arith.muli %while3A_25, %while3A_24 : i32
    %while3A_27 = arith.addi %while3A_21, %while3A_26 : i32
    %while3A_28 = arith.constant 1 : i32
    scf.for %while3A_31 = %while3A_21 to %while3A_27 step %while3A_28  : i32 {
      %mul3A_32 = arith.muli %while3A_31, %while3A : i32
      %add3A_33 = arith.addi %while3A_20, %mul3A_32 : i32
      %mul3A_34 = arith.constant 32 : i32
      %mul3A_35 = arith.muli %add3A_33, %mul3A_34 : i32
      %add3A_36 = arith.addi %select_n3A_13, %mul3A_35 : i32
      "tpu.region"() ({
        %run_scoped3A = tpu.sem_alloc : memref<!tpu.dma_semaphore, #tpu.memory_space<semaphore_mem>>
        %dma_start3A_88 = arith.constant 0 : i32
        %dma_start3A_89 = tpu.memref_slice %arg3[%add3A_36, %dma_start3A_88] : memref<4096x80xi32, #tpu.memory_space<hbm>> -> memref<32x80xi32, #tpu.memory_space<hbm>>
        %dma_start3A_90 = arith.constant 0 : i32
        %dma_start3A_91 = tpu.memref_slice %arg3[%add3A_36, %dma_start3A_90] : memref<4096x80xi32, #tpu.memory_space<hbm>> -> memref<32x80xi32, #tpu.memory_space<hbm>>
        tpu.enqueue_dma source(%dma_start3A_91 : memref<32x80xi32, #tpu.memory_space<hbm>>) target(%arg7 : memref<32x80xi32, #tpu.memory_space<vmem>>) target_semaphore(%run_scoped3A : memref<!tpu.dma_semaphore, #tpu.memory_space<semaphore_mem>>)
        %dma_wait3A = arith.constant 0 : i32
        %dma_wait3A_92 = tpu.memref_slice %arg3[%add3A_36, %dma_wait3A] : memref<4096x80xi32, #tpu.memory_space<hbm>> -> memref<32x80xi32, #tpu.memory_space<hbm>>
        %dma_wait3A_93 = arith.constant 0 : i32
        %dma_wait3A_94 = tpu.memref_slice %arg3[%add3A_36, %dma_wait3A_93] : memref<4096x80xi32, #tpu.memory_space<hbm>> -> memref<32x80xi32, #tpu.memory_space<hbm>>
        tpu.wait_dma2 semaphore(%run_scoped3A : memref<!tpu.dma_semaphore, #tpu.memory_space<semaphore_mem>>) src(%dma_wait3A_94 : memref<32x80xi32, #tpu.memory_space<hbm>>) dst(%arg7 : memref<32x80xi32, #tpu.memory_space<vmem>>)
        tpu.yield
      }) : () -> ()
      "tpu.region"() ({
        %run_scoped3A = tpu.sem_alloc : memref<!tpu.dma_semaphore, #tpu.memory_space<semaphore_mem>>
        %dma_start3A_88 = arith.constant 0 : i32
        %dma_start3A_89 = tpu.memref_slice %arg4[%add3A_36, %dma_start3A_88] : memref<4096x80xi32, #tpu.memory_space<hbm>> -> memref<32x80xi32, #tpu.memory_space<hbm>>
        %dma_start3A_90 = arith.constant 0 : i32
        %dma_start3A_91 = tpu.memref_slice %arg4[%add3A_36, %dma_start3A_90] : memref<4096x80xi32, #tpu.memory_space<hbm>> -> memref<32x80xi32, #tpu.memory_space<hbm>>
        tpu.enqueue_dma source(%dma_start3A_91 : memref<32x80xi32, #tpu.memory_space<hbm>>) target(%arg8 : memref<32x80xi32, #tpu.memory_space<vmem>>) target_semaphore(%run_scoped3A : memref<!tpu.dma_semaphore, #tpu.memory_space<semaphore_mem>>)
        %dma_wait3A = arith.constant 0 : i32
        %dma_wait3A_92 = tpu.memref_slice %arg4[%add3A_36, %dma_wait3A] : memref<4096x80xi32, #tpu.memory_space<hbm>> -> memref<32x80xi32, #tpu.memory_space<hbm>>
        %dma_wait3A_93 = arith.constant 0 : i32
        %dma_wait3A_94 = tpu.memref_slice %arg4[%add3A_36, %dma_wait3A_93] : memref<4096x80xi32, #tpu.memory_space<hbm>> -> memref<32x80xi32, #tpu.memory_space<hbm>>
        tpu.wait_dma2 semaphore(%run_scoped3A : memref<!tpu.dma_semaphore, #tpu.memory_space<semaphore_mem>>) src(%dma_wait3A_94 : memref<32x80xi32, #tpu.memory_space<hbm>>) dst(%arg8 : memref<32x80xi32, #tpu.memory_space<vmem>>)
        tpu.yield
      }) : () -> ()
      %dma_start3A = arith.constant 0 : i32
      %dma_start3A_37 = arith.constant 0 : i32
      %dma_start3A_38 = arith.constant 0 : i32
      %dma_start3A_39 = arith.constant 0 : i32
      %dma_start3A_40 = tpu.memref_slice %arg9[%dma_start3A_37, %dma_start3A_38, %dma_start3A_39] : memref<4x80x128xf32, #tpu.memory_space<vmem>> -> memref<1x80x128xf32, #tpu.memory_space<vmem>>
      %dma_start3A_41 = tpu.memref_squeeze %dma_start3A_40 : memref<1x80x128xf32, #tpu.memory_space<vmem>> -> memref<80x128xf32, #tpu.memory_space<vmem>>
      %dma_start3A_42 = arith.constant 0 : i32
      %dma_start3A_43 = tpu.memref_slice %arg7[%dma_start3A, %dma_start3A_42] : memref<32x80xi32, #tpu.memory_space<vmem>> -> memref<1x80xi32, #tpu.memory_space<vmem>>
      %dma_start3A_44 = tpu.memref_squeeze %dma_start3A_43 : memref<1x80xi32, #tpu.memory_space<vmem>> -> memref<80xi32, #tpu.memory_space<vmem>>
      %dma_start3A_45 = arith.constant 0 : i32
      %dma_start3A_46 = arith.constant 0 : i32
      %dma_start3A_47 = tpu.memref_slice %arg2[%dma_start3A_45, %dma_start3A_46] : memref<10240x128xf32, #tpu.memory_space<hbm>> -> memref<10240x128xf32, #tpu.memory_space<hbm>>
      tpu.enqueue_indirect_dma source(%dma_start3A_47 : memref<10240x128xf32, #tpu.memory_space<hbm>>) target(%dma_start3A_41 : memref<80x128xf32, #tpu.memory_space<vmem>>) offsets(%dma_start3A_44 : memref<80xi32, #tpu.memory_space<vmem>>) semaphore(%arg11 : memref<!tpu.dma_semaphore, #tpu.memory_space<semaphore_mem>>)
      %dma_start3A_48 = arith.constant 1 : i32
      %dma_start3A_49 = arith.constant 1 : i32
      %dma_start3A_50 = arith.constant 0 : i32
      %dma_start3A_51 = arith.constant 0 : i32
      %dma_start3A_52 = tpu.memref_slice %arg9[%dma_start3A_49, %dma_start3A_50, %dma_start3A_51] : memref<4x80x128xf32, #tpu.memory_space<vmem>> -> memref<1x80x128xf32, #tpu.memory_space<vmem>>
      %dma_start3A_53 = tpu.memref_squeeze %dma_start3A_52 : memref<1x80x128xf32, #tpu.memory_space<vmem>> -> memref<80x128xf32, #tpu.memory_space<vmem>>
      %dma_start3A_54 = arith.constant 0 : i32
      %dma_start3A_55 = tpu.memref_slice %arg7[%dma_start3A_48, %dma_start3A_54] : memref<32x80xi32, #tpu.memory_space<vmem>> -> memref<1x80xi32, #tpu.memory_space<vmem>>
      %dma_start3A_56 = tpu.memref_squeeze %dma_start3A_55 : memref<1x80xi32, #tpu.memory_space<vmem>> -> memref<80xi32, #tpu.memory_space<vmem>>
      %dma_start3A_57 = arith.constant 0 : i32
      %dma_start3A_58 = arith.constant 0 : i32
      %dma_start3A_59 = tpu.memref_slice %arg2[%dma_start3A_57, %dma_start3A_58] : memref<10240x128xf32, #tpu.memory_space<hbm>> -> memref<10240x128xf32, #tpu.memory_space<hbm>>
      tpu.enqueue_indirect_dma source(%dma_start3A_59 : memref<10240x128xf32, #tpu.memory_space<hbm>>) target(%dma_start3A_53 : memref<80x128xf32, #tpu.memory_space<vmem>>) offsets(%dma_start3A_56 : memref<80xi32, #tpu.memory_space<vmem>>) semaphore(%arg12 : memref<!tpu.dma_semaphore, #tpu.memory_space<semaphore_mem>>)
      %dma_start3A_60 = arith.constant 2 : i32
      %dma_start3A_61 = arith.constant 2 : i32
      %dma_start3A_62 = arith.constant 0 : i32
      %dma_start3A_63 = arith.constant 0 : i32
      %dma_start3A_64 = tpu.memref_slice %arg9[%dma_start3A_61, %dma_start3A_62, %dma_start3A_63] : memref<4x80x128xf32, #tpu.memory_space<vmem>> -> memref<1x80x128xf32, #tpu.memory_space<vmem>>
      %dma_start3A_65 = tpu.memref_squeeze %dma_start3A_64 : memref<1x80x128xf32, #tpu.memory_space<vmem>> -> memref<80x128xf32, #tpu.memory_space<vmem>>
      %dma_start3A_66 = arith.constant 0 : i32
      %dma_start3A_67 = tpu.memref_slice %arg7[%dma_start3A_60, %dma_start3A_66] : memref<32x80xi32, #tpu.memory_space<vmem>> -> memref<1x80xi32, #tpu.memory_space<vmem>>
      %dma_start3A_68 = tpu.memref_squeeze %dma_start3A_67 : memref<1x80xi32, #tpu.memory_space<vmem>> -> memref<80xi32, #tpu.memory_space<vmem>>
      %dma_start3A_69 = arith.constant 0 : i32
      %dma_start3A_70 = arith.constant 0 : i32
      %dma_start3A_71 = tpu.memref_slice %arg2[%dma_start3A_69, %dma_start3A_70] : memref<10240x128xf32, #tpu.memory_space<hbm>> -> memref<10240x128xf32, #tpu.memory_space<hbm>>
      tpu.enqueue_indirect_dma source(%dma_start3A_71 : memref<10240x128xf32, #tpu.memory_space<hbm>>) target(%dma_start3A_65 : memref<80x128xf32, #tpu.memory_space<vmem>>) offsets(%dma_start3A_68 : memref<80xi32, #tpu.memory_space<vmem>>) semaphore(%arg13 : memref<!tpu.dma_semaphore, #tpu.memory_space<semaphore_mem>>)
      %dma_start3A_72 = arith.constant 3 : i32
      %dma_start3A_73 = arith.constant 3 : i32
      %dma_start3A_74 = arith.constant 0 : i32
      %dma_start3A_75 = arith.constant 0 : i32
      %dma_start3A_76 = tpu.memref_slice %arg9[%dma_start3A_73, %dma_start3A_74, %dma_start3A_75] : memref<4x80x128xf32, #tpu.memory_space<vmem>> -> memref<1x80x128xf32, #tpu.memory_space<vmem>>
      %dma_start3A_77 = tpu.memref_squeeze %dma_start3A_76 : memref<1x80x128xf32, #tpu.memory_space<vmem>> -> memref<80x128xf32, #tpu.memory_space<vmem>>
      %dma_start3A_78 = arith.constant 0 : i32
      %dma_start3A_79 = tpu.memref_slice %arg7[%dma_start3A_72, %dma_start3A_78] : memref<32x80xi32, #tpu.memory_space<vmem>> -> memref<1x80xi32, #tpu.memory_space<vmem>>
      %dma_start3A_80 = tpu.memref_squeeze %dma_start3A_79 : memref<1x80xi32, #tpu.memory_space<vmem>> -> memref<80xi32, #tpu.memory_space<vmem>>
      %dma_start3A_81 = arith.constant 0 : i32
      %dma_start3A_82 = arith.constant 0 : i32
      %dma_start3A_83 = tpu.memref_slice %arg2[%dma_start3A_81, %dma_start3A_82] : memref<10240x128xf32, #tpu.memory_space<hbm>> -> memref<10240x128xf32, #tpu.memory_space<hbm>>
      tpu.enqueue_indirect_dma source(%dma_start3A_83 : memref<10240x128xf32, #tpu.memory_space<hbm>>) target(%dma_start3A_77 : memref<80x128xf32, #tpu.memory_space<vmem>>) offsets(%dma_start3A_80 : memref<80xi32, #tpu.memory_space<vmem>>) semaphore(%arg14 : memref<!tpu.dma_semaphore, #tpu.memory_space<semaphore_mem>>)
      %scan3A = arith.constant 0 : i32
      %scan3A_84 = arith.constant 8 : i32
      %scan3A_85 = arith.addi %scan3A, %scan3A_84 : i32
      %scan3A_86 = arith.constant 1 : i32
      scf.for %scan3A_88 = %scan3A to %scan3A_85 step %scan3A_86  : i32 {
        %mul3A_89 = arith.constant 4 : i32
        %mul3A_90 = arith.muli %scan3A_88, %mul3A_89 : i32
        %add3A_91 = arith.constant 0 : i32
        %add3A_92 = arith.addi %add3A_91, %mul3A_90 : i32
        %add3A_93 = arith.constant 0 : i32
        %add3A_94 = arith.addi %add3A_92, %add3A_93 : i32
        %dma_wait3A = arith.constant 0 : i32
        %dma_wait3A_95 = arith.constant 0 : i32
        %dma_wait3A_96 = arith.constant 0 : i32
        %dma_wait3A_97 = tpu.memref_slice %arg9[%dma_wait3A, %dma_wait3A_95, %dma_wait3A_96] : memref<4x80x128xf32, #tpu.memory_space<vmem>> -> memref<1x80x128xf32, #tpu.memory_space<vmem>>
        %dma_wait3A_98 = tpu.memref_squeeze %dma_wait3A_97 : memref<1x80x128xf32, #tpu.memory_space<vmem>> -> memref<80x128xf32, #tpu.memory_space<vmem>>
        %dma_wait3A_99 = arith.constant 0 : i32
        %dma_wait3A_100 = tpu.memref_slice %arg7[%add3A_94, %dma_wait3A_99] : memref<32x80xi32, #tpu.memory_space<vmem>> -> memref<1x80xi32, #tpu.memory_space<vmem>>
        %dma_wait3A_101 = tpu.memref_squeeze %dma_wait3A_100 : memref<1x80xi32, #tpu.memory_space<vmem>> -> memref<80xi32, #tpu.memory_space<vmem>>
        %dma_wait3A_102 = arith.constant 0 : i32
        %dma_wait3A_103 = arith.constant 0 : i32
        %dma_wait3A_104 = tpu.memref_slice %arg2[%dma_wait3A_102, %dma_wait3A_103] : memref<10240x128xf32, #tpu.memory_space<hbm>> -> memref<10240x128xf32, #tpu.memory_space<hbm>>
        tpu.wait_indirect_dma semaphore(%arg11 : memref<!tpu.dma_semaphore, #tpu.memory_space<semaphore_mem>>) src(%dma_wait3A_104 : memref<10240x128xf32, #tpu.memory_space<hbm>>) dst(%dma_wait3A_98 : memref<80x128xf32, #tpu.memory_space<vmem>>)
        %add3A_105 = arith.constant 0 : i32
        %add3A_106 = arith.addi %add3A_92, %add3A_105 : i32
        %dma_start3A_107 = arith.constant 0 : i32
        %dma_start3A_108 = arith.constant 0 : i32
        %dma_start3A_109 = arith.constant 0 : i32
        %dma_start3A_110 = tpu.memref_slice %arg9[%dma_start3A_107, %dma_start3A_108, %dma_start3A_109] : memref<4x80x128xf32, #tpu.memory_space<vmem>> -> memref<1x80x128xf32, #tpu.memory_space<vmem>>
        %dma_start3A_111 = tpu.memref_squeeze %dma_start3A_110 : memref<1x80x128xf32, #tpu.memory_space<vmem>> -> memref<80x128xf32, #tpu.memory_space<vmem>>
        %dma_start3A_112 = arith.constant 0 : i32
        %dma_start3A_113 = tpu.memref_slice %arg8[%add3A_106, %dma_start3A_112] : memref<32x80xi32, #tpu.memory_space<vmem>> -> memref<1x80xi32, #tpu.memory_space<vmem>>
        %dma_start3A_114 = tpu.memref_squeeze %dma_start3A_113 : memref<1x80xi32, #tpu.memory_space<vmem>> -> memref<80xi32, #tpu.memory_space<vmem>>
        %dma_start3A_115 = arith.constant 0 : i32
        %dma_start3A_116 = arith.constant 0 : i32
        %dma_start3A_117 = tpu.memref_slice %arg10[%dma_start3A_115, %dma_start3A_116] : memref<10240x128xf32, #tpu.memory_space<vmem_shared>> -> memref<10240x128xf32, #tpu.memory_space<vmem_shared>>
        tpu.enqueue_indirect_dma source(%dma_start3A_111 : memref<80x128xf32, #tpu.memory_space<vmem>>) target(%dma_start3A_117 : memref<10240x128xf32, #tpu.memory_space<vmem_shared>>) offsets(%dma_start3A_114 : memref<80xi32, #tpu.memory_space<vmem>>) semaphore(%arg15 : memref<!tpu.dma_semaphore, #tpu.memory_space<semaphore_mem>>) {add = true}
        %add3A_118 = arith.constant 1 : i32
        %add3A_119 = arith.addi %add3A_92, %add3A_118 : i32
        %dma_wait3A_120 = arith.constant 1 : i32
        %dma_wait3A_121 = arith.constant 0 : i32
        %dma_wait3A_122 = arith.constant 0 : i32
        %dma_wait3A_123 = tpu.memref_slice %arg9[%dma_wait3A_120, %dma_wait3A_121, %dma_wait3A_122] : memref<4x80x128xf32, #tpu.memory_space<vmem>> -> memref<1x80x128xf32, #tpu.memory_space<vmem>>
        %dma_wait3A_124 = tpu.memref_squeeze %dma_wait3A_123 : memref<1x80x128xf32, #tpu.memory_space<vmem>> -> memref<80x128xf32, #tpu.memory_space<vmem>>
        %dma_wait3A_125 = arith.constant 0 : i32
        %dma_wait3A_126 = tpu.memref_slice %arg7[%add3A_119, %dma_wait3A_125] : memref<32x80xi32, #tpu.memory_space<vmem>> -> memref<1x80xi32, #tpu.memory_space<vmem>>
        %dma_wait3A_127 = tpu.memref_squeeze %dma_wait3A_126 : memref<1x80xi32, #tpu.memory_space<vmem>> -> memref<80xi32, #tpu.memory_space<vmem>>
        %dma_wait3A_128 = arith.constant 0 : i32
        %dma_wait3A_129 = arith.constant 0 : i32
        %dma_wait3A_130 = tpu.memref_slice %arg2[%dma_wait3A_128, %dma_wait3A_129] : memref<10240x128xf32, #tpu.memory_space<hbm>> -> memref<10240x128xf32, #tpu.memory_space<hbm>>
        tpu.wait_indirect_dma semaphore(%arg12 : memref<!tpu.dma_semaphore, #tpu.memory_space<semaphore_mem>>) src(%dma_wait3A_130 : memref<10240x128xf32, #tpu.memory_space<hbm>>) dst(%dma_wait3A_124 : memref<80x128xf32, #tpu.memory_space<vmem>>)
        %add3A_131 = arith.constant 1 : i32
        %add3A_132 = arith.addi %add3A_92, %add3A_131 : i32
        %dma_start3A_133 = arith.constant 1 : i32
        %dma_start3A_134 = arith.constant 0 : i32
        %dma_start3A_135 = arith.constant 0 : i32
        %dma_start3A_136 = tpu.memref_slice %arg9[%dma_start3A_133, %dma_start3A_134, %dma_start3A_135] : memref<4x80x128xf32, #tpu.memory_space<vmem>> -> memref<1x80x128xf32, #tpu.memory_space<vmem>>
        %dma_start3A_137 = tpu.memref_squeeze %dma_start3A_136 : memref<1x80x128xf32, #tpu.memory_space<vmem>> -> memref<80x128xf32, #tpu.memory_space<vmem>>
        %dma_start3A_138 = arith.constant 0 : i32
        %dma_start3A_139 = tpu.memref_slice %arg8[%add3A_132, %dma_start3A_138] : memref<32x80xi32, #tpu.memory_space<vmem>> -> memref<1x80xi32, #tpu.memory_space<vmem>>
        %dma_start3A_140 = tpu.memref_squeeze %dma_start3A_139 : memref<1x80xi32, #tpu.memory_space<vmem>> -> memref<80xi32, #tpu.memory_space<vmem>>
        %dma_start3A_141 = arith.constant 0 : i32
        %dma_start3A_142 = arith.constant 0 : i32
        %dma_start3A_143 = tpu.memref_slice %arg10[%dma_start3A_141, %dma_start3A_142] : memref<10240x128xf32, #tpu.memory_space<vmem_shared>> -> memref<10240x128xf32, #tpu.memory_space<vmem_shared>>
        tpu.enqueue_indirect_dma source(%dma_start3A_137 : memref<80x128xf32, #tpu.memory_space<vmem>>) target(%dma_start3A_143 : memref<10240x128xf32, #tpu.memory_space<vmem_shared>>) offsets(%dma_start3A_140 : memref<80xi32, #tpu.memory_space<vmem>>) semaphore(%arg16 : memref<!tpu.dma_semaphore, #tpu.memory_space<semaphore_mem>>) {add = true}
        %add3A_144 = arith.constant 2 : i32
        %add3A_145 = arith.addi %add3A_92, %add3A_144 : i32
        %dma_wait3A_146 = arith.constant 2 : i32
        %dma_wait3A_147 = arith.constant 0 : i32
        %dma_wait3A_148 = arith.constant 0 : i32
        %dma_wait3A_149 = tpu.memref_slice %arg9[%dma_wait3A_146, %dma_wait3A_147, %dma_wait3A_148] : memref<4x80x128xf32, #tpu.memory_space<vmem>> -> memref<1x80x128xf32, #tpu.memory_space<vmem>>
        %dma_wait3A_150 = tpu.memref_squeeze %dma_wait3A_149 : memref<1x80x128xf32, #tpu.memory_space<vmem>> -> memref<80x128xf32, #tpu.memory_space<vmem>>
        %dma_wait3A_151 = arith.constant 0 : i32
        %dma_wait3A_152 = tpu.memref_slice %arg7[%add3A_145, %dma_wait3A_151] : memref<32x80xi32, #tpu.memory_space<vmem>> -> memref<1x80xi32, #tpu.memory_space<vmem>>
        %dma_wait3A_153 = tpu.memref_squeeze %dma_wait3A_152 : memref<1x80xi32, #tpu.memory_space<vmem>> -> memref<80xi32, #tpu.memory_space<vmem>>
        %dma_wait3A_154 = arith.constant 0 : i32
        %dma_wait3A_155 = arith.constant 0 : i32
        %dma_wait3A_156 = tpu.memref_slice %arg2[%dma_wait3A_154, %dma_wait3A_155] : memref<10240x128xf32, #tpu.memory_space<hbm>> -> memref<10240x128xf32, #tpu.memory_space<hbm>>
        tpu.wait_indirect_dma semaphore(%arg13 : memref<!tpu.dma_semaphore, #tpu.memory_space<semaphore_mem>>) src(%dma_wait3A_156 : memref<10240x128xf32, #tpu.memory_space<hbm>>) dst(%dma_wait3A_150 : memref<80x128xf32, #tpu.memory_space<vmem>>)
        %add3A_157 = arith.constant 2 : i32
        %add3A_158 = arith.addi %add3A_92, %add3A_157 : i32
        %dma_start3A_159 = arith.constant 2 : i32
        %dma_start3A_160 = arith.constant 0 : i32
        %dma_start3A_161 = arith.constant 0 : i32
        %dma_start3A_162 = tpu.memref_slice %arg9[%dma_start3A_159, %dma_start3A_160, %dma_start3A_161] : memref<4x80x128xf32, #tpu.memory_space<vmem>> -> memref<1x80x128xf32, #tpu.memory_space<vmem>>
        %dma_start3A_163 = tpu.memref_squeeze %dma_start3A_162 : memref<1x80x128xf32, #tpu.memory_space<vmem>> -> memref<80x128xf32, #tpu.memory_space<vmem>>
        %dma_start3A_164 = arith.constant 0 : i32
        %dma_start3A_165 = tpu.memref_slice %arg8[%add3A_158, %dma_start3A_164] : memref<32x80xi32, #tpu.memory_space<vmem>> -> memref<1x80xi32, #tpu.memory_space<vmem>>
        %dma_start3A_166 = tpu.memref_squeeze %dma_start3A_165 : memref<1x80xi32, #tpu.memory_space<vmem>> -> memref<80xi32, #tpu.memory_space<vmem>>
        %dma_start3A_167 = arith.constant 0 : i32
        %dma_start3A_168 = arith.constant 0 : i32
        %dma_start3A_169 = tpu.memref_slice %arg10[%dma_start3A_167, %dma_start3A_168] : memref<10240x128xf32, #tpu.memory_space<vmem_shared>> -> memref<10240x128xf32, #tpu.memory_space<vmem_shared>>
        tpu.enqueue_indirect_dma source(%dma_start3A_163 : memref<80x128xf32, #tpu.memory_space<vmem>>) target(%dma_start3A_169 : memref<10240x128xf32, #tpu.memory_space<vmem_shared>>) offsets(%dma_start3A_166 : memref<80xi32, #tpu.memory_space<vmem>>) semaphore(%arg17 : memref<!tpu.dma_semaphore, #tpu.memory_space<semaphore_mem>>) {add = true}
        %add3A_170 = arith.constant 3 : i32
        %add3A_171 = arith.addi %add3A_92, %add3A_170 : i32
        %dma_wait3A_172 = arith.constant 3 : i32
        %dma_wait3A_173 = arith.constant 0 : i32
        %dma_wait3A_174 = arith.constant 0 : i32
        %dma_wait3A_175 = tpu.memref_slice %arg9[%dma_wait3A_172, %dma_wait3A_173, %dma_wait3A_174] : memref<4x80x128xf32, #tpu.memory_space<vmem>> -> memref<1x80x128xf32, #tpu.memory_space<vmem>>
        %dma_wait3A_176 = tpu.memref_squeeze %dma_wait3A_175 : memref<1x80x128xf32, #tpu.memory_space<vmem>> -> memref<80x128xf32, #tpu.memory_space<vmem>>
        %dma_wait3A_177 = arith.constant 0 : i32
        %dma_wait3A_178 = tpu.memref_slice %arg7[%add3A_171, %dma_wait3A_177] : memref<32x80xi32, #tpu.memory_space<vmem>> -> memref<1x80xi32, #tpu.memory_space<vmem>>
        %dma_wait3A_179 = tpu.memref_squeeze %dma_wait3A_178 : memref<1x80xi32, #tpu.memory_space<vmem>> -> memref<80xi32, #tpu.memory_space<vmem>>
        %dma_wait3A_180 = arith.constant 0 : i32
        %dma_wait3A_181 = arith.constant 0 : i32
        %dma_wait3A_182 = tpu.memref_slice %arg2[%dma_wait3A_180, %dma_wait3A_181] : memref<10240x128xf32, #tpu.memory_space<hbm>> -> memref<10240x128xf32, #tpu.memory_space<hbm>>
        tpu.wait_indirect_dma semaphore(%arg14 : memref<!tpu.dma_semaphore, #tpu.memory_space<semaphore_mem>>) src(%dma_wait3A_182 : memref<10240x128xf32, #tpu.memory_space<hbm>>) dst(%dma_wait3A_176 : memref<80x128xf32, #tpu.memory_space<vmem>>)
        %add3A_183 = arith.constant 3 : i32
        %add3A_184 = arith.addi %add3A_92, %add3A_183 : i32
        %dma_start3A_185 = arith.constant 3 : i32
        %dma_start3A_186 = arith.constant 0 : i32
        %dma_start3A_187 = arith.constant 0 : i32
        %dma_start3A_188 = tpu.memref_slice %arg9[%dma_start3A_185, %dma_start3A_186, %dma_start3A_187] : memref<4x80x128xf32, #tpu.memory_space<vmem>> -> memref<1x80x128xf32, #tpu.memory_space<vmem>>
        %dma_start3A_189 = tpu.memref_squeeze %dma_start3A_188 : memref<1x80x128xf32, #tpu.memory_space<vmem>> -> memref<80x128xf32, #tpu.memory_space<vmem>>
        %dma_start3A_190 = arith.constant 0 : i32
        %dma_start3A_191 = tpu.memref_slice %arg8[%add3A_184, %dma_start3A_190] : memref<32x80xi32, #tpu.memory_space<vmem>> -> memref<1x80xi32, #tpu.memory_space<vmem>>
        %dma_start3A_192 = tpu.memref_squeeze %dma_start3A_191 : memref<1x80xi32, #tpu.memory_space<vmem>> -> memref<80xi32, #tpu.memory_space<vmem>>
        %dma_start3A_193 = arith.constant 0 : i32
        %dma_start3A_194 = arith.constant 0 : i32
        %dma_start3A_195 = tpu.memref_slice %arg10[%dma_start3A_193, %dma_start3A_194] : memref<10240x128xf32, #tpu.memory_space<vmem_shared>> -> memref<10240x128xf32, #tpu.memory_space<vmem_shared>>
        tpu.enqueue_indirect_dma source(%dma_start3A_189 : memref<80x128xf32, #tpu.memory_space<vmem>>) target(%dma_start3A_195 : memref<10240x128xf32, #tpu.memory_space<vmem_shared>>) offsets(%dma_start3A_192 : memref<80xi32, #tpu.memory_space<vmem>>) semaphore(%arg18 : memref<!tpu.dma_semaphore, #tpu.memory_space<semaphore_mem>>) {add = true}
        %add3A_196 = arith.constant 0 : i32
        %add3A_197 = arith.addi %add3A_92, %add3A_196 : i32
        %dma_wait3A_198 = arith.constant 0 : i32
        %dma_wait3A_199 = arith.constant 0 : i32
        %dma_wait3A_200 = arith.constant 0 : i32
        %dma_wait3A_201 = tpu.memref_slice %arg9[%dma_wait3A_198, %dma_wait3A_199, %dma_wait3A_200] : memref<4x80x128xf32, #tpu.memory_space<vmem>> -> memref<1x80x128xf32, #tpu.memory_space<vmem>>
        %dma_wait3A_202 = tpu.memref_squeeze %dma_wait3A_201 : memref<1x80x128xf32, #tpu.memory_space<vmem>> -> memref<80x128xf32, #tpu.memory_space<vmem>>
        %dma_wait3A_203 = arith.constant 0 : i32
        %dma_wait3A_204 = tpu.memref_slice %arg8[%add3A_197, %dma_wait3A_203] : memref<32x80xi32, #tpu.memory_space<vmem>> -> memref<1x80xi32, #tpu.memory_space<vmem>>
        %dma_wait3A_205 = tpu.memref_squeeze %dma_wait3A_204 : memref<1x80xi32, #tpu.memory_space<vmem>> -> memref<80xi32, #tpu.memory_space<vmem>>
        %dma_wait3A_206 = arith.constant 0 : i32
        %dma_wait3A_207 = arith.constant 0 : i32
        %dma_wait3A_208 = tpu.memref_slice %arg10[%dma_wait3A_206, %dma_wait3A_207] : memref<10240x128xf32, #tpu.memory_space<vmem_shared>> -> memref<10240x128xf32, #tpu.memory_space<vmem_shared>>
        tpu.wait_indirect_dma semaphore(%arg15 : memref<!tpu.dma_semaphore, #tpu.memory_space<semaphore_mem>>) src(%dma_wait3A_202 : memref<80x128xf32, #tpu.memory_space<vmem>>) dst(%dma_wait3A_208 : memref<10240x128xf32, #tpu.memory_space<vmem_shared>>)
        %add3A_209 = arith.constant 4 : i32
        %add3A_210 = arith.addi %add3A_92, %add3A_209 : i32
        %add3A_211 = arith.constant 0 : i32
        %add3A_212 = arith.addi %add3A_210, %add3A_211 : i32
        %lt3A = arith.constant 32 : i32
        %lt3A_213 = arith.cmpi slt, %add3A_212, %lt3A : i32
        %convert_element_type3A = arith.extui %lt3A_213 : i1 to i32
        %cond3A = arith.constant 0 : i32
        %cond3A_214 = arith.cmpi ne, %convert_element_type3A, %cond3A : i32
        scf.if %cond3A_214 {
          %add3A_281 = arith.constant 4 : i32
          %add3A_282 = arith.addi %add3A_92, %add3A_281 : i32
          %add3A_283 = arith.constant 0 : i32
          %add3A_284 = arith.addi %add3A_282, %add3A_283 : i32
          %dma_start3A_285 = arith.constant 0 : i32
          %dma_start3A_286 = arith.constant 0 : i32
          %dma_start3A_287 = arith.constant 0 : i32
          %dma_start3A_288 = tpu.memref_slice %arg9[%dma_start3A_285, %dma_start3A_286, %dma_start3A_287] : memref<4x80x128xf32, #tpu.memory_space<vmem>> -> memref<1x80x128xf32, #tpu.memory_space<vmem>>
          %dma_start3A_289 = tpu.memref_squeeze %dma_start3A_288 : memref<1x80x128xf32, #tpu.memory_space<vmem>> -> memref<80x128xf32, #tpu.memory_space<vmem>>
          %dma_start3A_290 = arith.constant 0 : i32
          %dma_start3A_291 = tpu.memref_slice %arg7[%add3A_284, %dma_start3A_290] : memref<32x80xi32, #tpu.memory_space<vmem>> -> memref<1x80xi32, #tpu.memory_space<vmem>>
          %dma_start3A_292 = tpu.memref_squeeze %dma_start3A_291 : memref<1x80xi32, #tpu.memory_space<vmem>> -> memref<80xi32, #tpu.memory_space<vmem>>
          %dma_start3A_293 = arith.constant 0 : i32
          %dma_start3A_294 = arith.constant 0 : i32
          %dma_start3A_295 = tpu.memref_slice %arg2[%dma_start3A_293, %dma_start3A_294] : memref<10240x128xf32, #tpu.memory_space<hbm>> -> memref<10240x128xf32, #tpu.memory_space<hbm>>
          tpu.enqueue_indirect_dma source(%dma_start3A_295 : memref<10240x128xf32, #tpu.memory_space<hbm>>) target(%dma_start3A_289 : memref<80x128xf32, #tpu.memory_space<vmem>>) offsets(%dma_start3A_292 : memref<80xi32, #tpu.memory_space<vmem>>) semaphore(%arg11 : memref<!tpu.dma_semaphore, #tpu.memory_space<semaphore_mem>>)
        } else {
        }
        %add3A_215 = arith.constant 1 : i32
        %add3A_216 = arith.addi %add3A_92, %add3A_215 : i32
        %dma_wait3A_217 = arith.constant 1 : i32
        %dma_wait3A_218 = arith.constant 0 : i32
        %dma_wait3A_219 = arith.constant 0 : i32
        %dma_wait3A_220 = tpu.memref_slice %arg9[%dma_wait3A_217, %dma_wait3A_218, %dma_wait3A_219] : memref<4x80x128xf32, #tpu.memory_space<vmem>> -> memref<1x80x128xf32, #tpu.memory_space<vmem>>
        %dma_wait3A_221 = tpu.memref_squeeze %dma_wait3A_220 : memref<1x80x128xf32, #tpu.memory_space<vmem>> -> memref<80x128xf32, #tpu.memory_space<vmem>>
        %dma_wait3A_222 = arith.constant 0 : i32
        %dma_wait3A_223 = tpu.memref_slice %arg8[%add3A_216, %dma_wait3A_222] : memref<32x80xi32, #tpu.memory_space<vmem>> -> memref<1x80xi32, #tpu.memory_space<vmem>>
        %dma_wait3A_224 = tpu.memref_squeeze %dma_wait3A_223 : memref<1x80xi32, #tpu.memory_space<vmem>> -> memref<80xi32, #tpu.memory_space<vmem>>
        %dma_wait3A_225 = arith.constant 0 : i32
        %dma_wait3A_226 = arith.constant 0 : i32
        %dma_wait3A_227 = tpu.memref_slice %arg10[%dma_wait3A_225, %dma_wait3A_226] : memref<10240x128xf32, #tpu.memory_space<vmem_shared>> -> memref<10240x128xf32, #tpu.memory_space<vmem_shared>>
        tpu.wait_indirect_dma semaphore(%arg16 : memref<!tpu.dma_semaphore, #tpu.memory_space<semaphore_mem>>) src(%dma_wait3A_221 : memref<80x128xf32, #tpu.memory_space<vmem>>) dst(%dma_wait3A_227 : memref<10240x128xf32, #tpu.memory_space<vmem_shared>>)
        %add3A_228 = arith.constant 4 : i32
        %add3A_229 = arith.addi %add3A_92, %add3A_228 : i32
        %add3A_230 = arith.constant 1 : i32
        %add3A_231 = arith.addi %add3A_229, %add3A_230 : i32
        %lt3A_232 = arith.constant 32 : i32
        %lt3A_233 = arith.cmpi slt, %add3A_231, %lt3A_232 : i32
        %convert_element_type3A_234 = arith.extui %lt3A_233 : i1 to i32
        %cond3A_235 = arith.constant 0 : i32
        %cond3A_236 = arith.cmpi ne, %convert_element_type3A_234, %cond3A_235 : i32
        scf.if %cond3A_236 {
          %add3A_281 = arith.constant 4 : i32
          %add3A_282 = arith.addi %add3A_92, %add3A_281 : i32
          %add3A_283 = arith.constant 1 : i32
          %add3A_284 = arith.addi %add3A_282, %add3A_283 : i32
          %dma_start3A_285 = arith.constant 1 : i32
          %dma_start3A_286 = arith.constant 0 : i32
          %dma_start3A_287 = arith.constant 0 : i32
          %dma_start3A_288 = tpu.memref_slice %arg9[%dma_start3A_285, %dma_start3A_286, %dma_start3A_287] : memref<4x80x128xf32, #tpu.memory_space<vmem>> -> memref<1x80x128xf32, #tpu.memory_space<vmem>>
          %dma_start3A_289 = tpu.memref_squeeze %dma_start3A_288 : memref<1x80x128xf32, #tpu.memory_space<vmem>> -> memref<80x128xf32, #tpu.memory_space<vmem>>
          %dma_start3A_290 = arith.constant 0 : i32
          %dma_start3A_291 = tpu.memref_slice %arg7[%add3A_284, %dma_start3A_290] : memref<32x80xi32, #tpu.memory_space<vmem>> -> memref<1x80xi32, #tpu.memory_space<vmem>>
          %dma_start3A_292 = tpu.memref_squeeze %dma_start3A_291 : memref<1x80xi32, #tpu.memory_space<vmem>> -> memref<80xi32, #tpu.memory_space<vmem>>
          %dma_start3A_293 = arith.constant 0 : i32
          %dma_start3A_294 = arith.constant 0 : i32
          %dma_start3A_295 = tpu.memref_slice %arg2[%dma_start3A_293, %dma_start3A_294] : memref<10240x128xf32, #tpu.memory_space<hbm>> -> memref<10240x128xf32, #tpu.memory_space<hbm>>
          tpu.enqueue_indirect_dma source(%dma_start3A_295 : memref<10240x128xf32, #tpu.memory_space<hbm>>) target(%dma_start3A_289 : memref<80x128xf32, #tpu.memory_space<vmem>>) offsets(%dma_start3A_292 : memref<80xi32, #tpu.memory_space<vmem>>) semaphore(%arg12 : memref<!tpu.dma_semaphore, #tpu.memory_space<semaphore_mem>>)
        } else {
        }
        %add3A_237 = arith.constant 2 : i32
        %add3A_238 = arith.addi %add3A_92, %add3A_237 : i32
        %dma_wait3A_239 = arith.constant 2 : i32
        %dma_wait3A_240 = arith.constant 0 : i32
        %dma_wait3A_241 = arith.constant 0 : i32
        %dma_wait3A_242 = tpu.memref_slice %arg9[%dma_wait3A_239, %dma_wait3A_240, %dma_wait3A_241] : memref<4x80x128xf32, #tpu.memory_space<vmem>> -> memref<1x80x128xf32, #tpu.memory_space<vmem>>
        %dma_wait3A_243 = tpu.memref_squeeze %dma_wait3A_242 : memref<1x80x128xf32, #tpu.memory_space<vmem>> -> memref<80x128xf32, #tpu.memory_space<vmem>>
        %dma_wait3A_244 = arith.constant 0 : i32
        %dma_wait3A_245 = tpu.memref_slice %arg8[%add3A_238, %dma_wait3A_244] : memref<32x80xi32, #tpu.memory_space<vmem>> -> memref<1x80xi32, #tpu.memory_space<vmem>>
        %dma_wait3A_246 = tpu.memref_squeeze %dma_wait3A_245 : memref<1x80xi32, #tpu.memory_space<vmem>> -> memref<80xi32, #tpu.memory_space<vmem>>
        %dma_wait3A_247 = arith.constant 0 : i32
        %dma_wait3A_248 = arith.constant 0 : i32
        %dma_wait3A_249 = tpu.memref_slice %arg10[%dma_wait3A_247, %dma_wait3A_248] : memref<10240x128xf32, #tpu.memory_space<vmem_shared>> -> memref<10240x128xf32, #tpu.memory_space<vmem_shared>>
        tpu.wait_indirect_dma semaphore(%arg17 : memref<!tpu.dma_semaphore, #tpu.memory_space<semaphore_mem>>) src(%dma_wait3A_243 : memref<80x128xf32, #tpu.memory_space<vmem>>) dst(%dma_wait3A_249 : memref<10240x128xf32, #tpu.memory_space<vmem_shared>>)
        %add3A_250 = arith.constant 4 : i32
        %add3A_251 = arith.addi %add3A_92, %add3A_250 : i32
        %add3A_252 = arith.constant 2 : i32
        %add3A_253 = arith.addi %add3A_251, %add3A_252 : i32
        %lt3A_254 = arith.constant 32 : i32
        %lt3A_255 = arith.cmpi slt, %add3A_253, %lt3A_254 : i32
        %convert_element_type3A_256 = arith.extui %lt3A_255 : i1 to i32
        %cond3A_257 = arith.constant 0 : i32
        %cond3A_258 = arith.cmpi ne, %convert_element_type3A_256, %cond3A_257 : i32
        scf.if %cond3A_258 {
          %add3A_281 = arith.constant 4 : i32
          %add3A_282 = arith.addi %add3A_92, %add3A_281 : i32
          %add3A_283 = arith.constant 2 : i32
          %add3A_284 = arith.addi %add3A_282, %add3A_283 : i32
          %dma_start3A_285 = arith.constant 2 : i32
          %dma_start3A_286 = arith.constant 0 : i32
          %dma_start3A_287 = arith.constant 0 : i32
          %dma_start3A_288 = tpu.memref_slice %arg9[%dma_start3A_285, %dma_start3A_286, %dma_start3A_287] : memref<4x80x128xf32, #tpu.memory_space<vmem>> -> memref<1x80x128xf32, #tpu.memory_space<vmem>>
          %dma_start3A_289 = tpu.memref_squeeze %dma_start3A_288 : memref<1x80x128xf32, #tpu.memory_space<vmem>> -> memref<80x128xf32, #tpu.memory_space<vmem>>
          %dma_start3A_290 = arith.constant 0 : i32
          %dma_start3A_291 = tpu.memref_slice %arg7[%add3A_284, %dma_start3A_290] : memref<32x80xi32, #tpu.memory_space<vmem>> -> memref<1x80xi32, #tpu.memory_space<vmem>>
          %dma_start3A_292 = tpu.memref_squeeze %dma_start3A_291 : memref<1x80xi32, #tpu.memory_space<vmem>> -> memref<80xi32, #tpu.memory_space<vmem>>
          %dma_start3A_293 = arith.constant 0 : i32
          %dma_start3A_294 = arith.constant 0 : i32
          %dma_start3A_295 = tpu.memref_slice %arg2[%dma_start3A_293, %dma_start3A_294] : memref<10240x128xf32, #tpu.memory_space<hbm>> -> memref<10240x128xf32, #tpu.memory_space<hbm>>
          tpu.enqueue_indirect_dma source(%dma_start3A_295 : memref<10240x128xf32, #tpu.memory_space<hbm>>) target(%dma_start3A_289 : memref<80x128xf32, #tpu.memory_space<vmem>>) offsets(%dma_start3A_292 : memref<80xi32, #tpu.memory_space<vmem>>) semaphore(%arg13 : memref<!tpu.dma_semaphore, #tpu.memory_space<semaphore_mem>>)
        } else {
        }
        %add3A_259 = arith.constant 3 : i32
        %add3A_260 = arith.addi %add3A_92, %add3A_259 : i32
        %dma_wait3A_261 = arith.constant 3 : i32
        %dma_wait3A_262 = arith.constant 0 : i32
        %dma_wait3A_263 = arith.constant 0 : i32
        %dma_wait3A_264 = tpu.memref_slice %arg9[%dma_wait3A_261, %dma_wait3A_262, %dma_wait3A_263] : memref<4x80x128xf32, #tpu.memory_space<vmem>> -> memref<1x80x128xf32, #tpu.memory_space<vmem>>
        %dma_wait3A_265 = tpu.memref_squeeze %dma_wait3A_264 : memref<1x80x128xf32, #tpu.memory_space<vmem>> -> memref<80x128xf32, #tpu.memory_space<vmem>>
        %dma_wait3A_266 = arith.constant 0 : i32
        %dma_wait3A_267 = tpu.memref_slice %arg8[%add3A_260, %dma_wait3A_266] : memref<32x80xi32, #tpu.memory_space<vmem>> -> memref<1x80xi32, #tpu.memory_space<vmem>>
        %dma_wait3A_268 = tpu.memref_squeeze %dma_wait3A_267 : memref<1x80xi32, #tpu.memory_space<vmem>> -> memref<80xi32, #tpu.memory_space<vmem>>
        %dma_wait3A_269 = arith.constant 0 : i32
        %dma_wait3A_270 = arith.constant 0 : i32
        %dma_wait3A_271 = tpu.memref_slice %arg10[%dma_wait3A_269, %dma_wait3A_270] : memref<10240x128xf32, #tpu.memory_space<vmem_shared>> -> memref<10240x128xf32, #tpu.memory_space<vmem_shared>>
        tpu.wait_indirect_dma semaphore(%arg18 : memref<!tpu.dma_semaphore, #tpu.memory_space<semaphore_mem>>) src(%dma_wait3A_265 : memref<80x128xf32, #tpu.memory_space<vmem>>) dst(%dma_wait3A_271 : memref<10240x128xf32, #tpu.memory_space<vmem_shared>>)
        %add3A_272 = arith.constant 4 : i32
        %add3A_273 = arith.addi %add3A_92, %add3A_272 : i32
        %add3A_274 = arith.constant 3 : i32
        %add3A_275 = arith.addi %add3A_273, %add3A_274 : i32
        %lt3A_276 = arith.constant 32 : i32
        %lt3A_277 = arith.cmpi slt, %add3A_275, %lt3A_276 : i32
        %convert_element_type3A_278 = arith.extui %lt3A_277 : i1 to i32
        %cond3A_279 = arith.constant 0 : i32
        %cond3A_280 = arith.cmpi ne, %convert_element_type3A_278, %cond3A_279 : i32
        scf.if %cond3A_280 {
          %add3A_281 = arith.constant 4 : i32
          %add3A_282 = arith.addi %add3A_92, %add3A_281 : i32
          %add3A_283 = arith.constant 3 : i32
          %add3A_284 = arith.addi %add3A_282, %add3A_283 : i32
          %dma_start3A_285 = arith.constant 3 : i32
          %dma_start3A_286 = arith.constant 0 : i32
          %dma_start3A_287 = arith.constant 0 : i32
          %dma_start3A_288 = tpu.memref_slice %arg9[%dma_start3A_285, %dma_start3A_286, %dma_start3A_287] : memref<4x80x128xf32, #tpu.memory_space<vmem>> -> memref<1x80x128xf32, #tpu.memory_space<vmem>>
          %dma_start3A_289 = tpu.memref_squeeze %dma_start3A_288 : memref<1x80x128xf32, #tpu.memory_space<vmem>> -> memref<80x128xf32, #tpu.memory_space<vmem>>
          %dma_start3A_290 = arith.constant 0 : i32
          %dma_start3A_291 = tpu.memref_slice %arg7[%add3A_284, %dma_start3A_290] : memref<32x80xi32, #tpu.memory_space<vmem>> -> memref<1x80xi32, #tpu.memory_space<vmem>>
          %dma_start3A_292 = tpu.memref_squeeze %dma_start3A_291 : memref<1x80xi32, #tpu.memory_space<vmem>> -> memref<80xi32, #tpu.memory_space<vmem>>
          %dma_start3A_293 = arith.constant 0 : i32
          %dma_start3A_294 = arith.constant 0 : i32
          %dma_start3A_295 = tpu.memref_slice %arg2[%dma_start3A_293, %dma_start3A_294] : memref<10240x128xf32, #tpu.memory_space<hbm>> -> memref<10240x128xf32, #tpu.memory_space<hbm>>
          tpu.enqueue_indirect_dma source(%dma_start3A_295 : memref<10240x128xf32, #tpu.memory_space<hbm>>) target(%dma_start3A_289 : memref<80x128xf32, #tpu.memory_space<vmem>>) offsets(%dma_start3A_292 : memref<80xi32, #tpu.memory_space<vmem>>) semaphore(%arg14 : memref<!tpu.dma_semaphore, #tpu.memory_space<semaphore_mem>>)
        } else {
        }
      }
      %scan3A_87 = arith.constant 8 : i32
    }
    %while3A_29 = arith.constant 1 : i32
    scf.for %while3A_31 = %while3A_27 to %while3A_23 step %while3A_29  : i32 {
      %mul3A_32 = arith.muli %while3A_31, %while3A : i32
      %add3A_33 = arith.addi %while3A_20, %mul3A_32 : i32
      %mul3A_34 = arith.constant 32 : i32
      %mul3A_35 = arith.muli %add3A_33, %mul3A_34 : i32
      %add3A_36 = arith.addi %select_n3A_13, %mul3A_35 : i32
      "tpu.region"() ({
        %run_scoped3A = tpu.sem_alloc : memref<!tpu.dma_semaphore, #tpu.memory_space<semaphore_mem>>
        %dma_start3A_88 = arith.constant 0 : i32
        %dma_start3A_89 = tpu.memref_slice %arg3[%add3A_36, %dma_start3A_88] : memref<4096x80xi32, #tpu.memory_space<hbm>> -> memref<32x80xi32, #tpu.memory_space<hbm>>
        %dma_start3A_90 = arith.constant 0 : i32
        %dma_start3A_91 = tpu.memref_slice %arg3[%add3A_36, %dma_start3A_90] : memref<4096x80xi32, #tpu.memory_space<hbm>> -> memref<32x80xi32, #tpu.memory_space<hbm>>
        tpu.enqueue_dma source(%dma_start3A_91 : memref<32x80xi32, #tpu.memory_space<hbm>>) target(%arg7 : memref<32x80xi32, #tpu.memory_space<vmem>>) target_semaphore(%run_scoped3A : memref<!tpu.dma_semaphore, #tpu.memory_space<semaphore_mem>>)
        %dma_wait3A = arith.constant 0 : i32
        %dma_wait3A_92 = tpu.memref_slice %arg3[%add3A_36, %dma_wait3A] : memref<4096x80xi32, #tpu.memory_space<hbm>> -> memref<32x80xi32, #tpu.memory_space<hbm>>
        %dma_wait3A_93 = arith.constant 0 : i32
        %dma_wait3A_94 = tpu.memref_slice %arg3[%add3A_36, %dma_wait3A_93] : memref<4096x80xi32, #tpu.memory_space<hbm>> -> memref<32x80xi32, #tpu.memory_space<hbm>>
        tpu.wait_dma2 semaphore(%run_scoped3A : memref<!tpu.dma_semaphore, #tpu.memory_space<semaphore_mem>>) src(%dma_wait3A_94 : memref<32x80xi32, #tpu.memory_space<hbm>>) dst(%arg7 : memref<32x80xi32, #tpu.memory_space<vmem>>)
        tpu.yield
      }) : () -> ()
      "tpu.region"() ({
        %run_scoped3A = tpu.sem_alloc : memref<!tpu.dma_semaphore, #tpu.memory_space<semaphore_mem>>
        %dma_start3A_88 = arith.constant 0 : i32
        %dma_start3A_89 = tpu.memref_slice %arg4[%add3A_36, %dma_start3A_88] : memref<4096x80xi32, #tpu.memory_space<hbm>> -> memref<32x80xi32, #tpu.memory_space<hbm>>
        %dma_start3A_90 = arith.constant 0 : i32
        %dma_start3A_91 = tpu.memref_slice %arg4[%add3A_36, %dma_start3A_90] : memref<4096x80xi32, #tpu.memory_space<hbm>> -> memref<32x80xi32, #tpu.memory_space<hbm>>
        tpu.enqueue_dma source(%dma_start3A_91 : memref<32x80xi32, #tpu.memory_space<hbm>>) target(%arg8 : memref<32x80xi32, #tpu.memory_space<vmem>>) target_semaphore(%run_scoped3A : memref<!tpu.dma_semaphore, #tpu.memory_space<semaphore_mem>>)
        %dma_wait3A = arith.constant 0 : i32
        %dma_wait3A_92 = tpu.memref_slice %arg4[%add3A_36, %dma_wait3A] : memref<4096x80xi32, #tpu.memory_space<hbm>> -> memref<32x80xi32, #tpu.memory_space<hbm>>
        %dma_wait3A_93 = arith.constant 0 : i32
        %dma_wait3A_94 = tpu.memref_slice %arg4[%add3A_36, %dma_wait3A_93] : memref<4096x80xi32, #tpu.memory_space<hbm>> -> memref<32x80xi32, #tpu.memory_space<hbm>>
        tpu.wait_dma2 semaphore(%run_scoped3A : memref<!tpu.dma_semaphore, #tpu.memory_space<semaphore_mem>>) src(%dma_wait3A_94 : memref<32x80xi32, #tpu.memory_space<hbm>>) dst(%arg8 : memref<32x80xi32, #tpu.memory_space<vmem>>)
        tpu.yield
      }) : () -> ()
      %dma_start3A = arith.constant 0 : i32
      %dma_start3A_37 = arith.constant 0 : i32
      %dma_start3A_38 = arith.constant 0 : i32
      %dma_start3A_39 = arith.constant 0 : i32
      %dma_start3A_40 = tpu.memref_slice %arg9[%dma_start3A_37, %dma_start3A_38, %dma_start3A_39] : memref<4x80x128xf32, #tpu.memory_space<vmem>> -> memref<1x80x128xf32, #tpu.memory_space<vmem>>
      %dma_start3A_41 = tpu.memref_squeeze %dma_start3A_40 : memref<1x80x128xf32, #tpu.memory_space<vmem>> -> memref<80x128xf32, #tpu.memory_space<vmem>>
      %dma_start3A_42 = arith.constant 0 : i32
      %dma_start3A_43 = tpu.memref_slice %arg7[%dma_start3A, %dma_start3A_42] : memref<32x80xi32, #tpu.memory_space<vmem>> -> memref<1x80xi32, #tpu.memory_space<vmem>>
      %dma_start3A_44 = tpu.memref_squeeze %dma_start3A_43 : memref<1x80xi32, #tpu.memory_space<vmem>> -> memref<80xi32, #tpu.memory_space<vmem>>
      %dma_start3A_45 = arith.constant 0 : i32
      %dma_start3A_46 = arith.constant 0 : i32
      %dma_start3A_47 = tpu.memref_slice %arg2[%dma_start3A_45, %dma_start3A_46] : memref<10240x128xf32, #tpu.memory_space<hbm>> -> memref<10240x128xf32, #tpu.memory_space<hbm>>
      tpu.enqueue_indirect_dma source(%dma_start3A_47 : memref<10240x128xf32, #tpu.memory_space<hbm>>) target(%dma_start3A_41 : memref<80x128xf32, #tpu.memory_space<vmem>>) offsets(%dma_start3A_44 : memref<80xi32, #tpu.memory_space<vmem>>) semaphore(%arg11 : memref<!tpu.dma_semaphore, #tpu.memory_space<semaphore_mem>>)
      %dma_start3A_48 = arith.constant 1 : i32
      %dma_start3A_49 = arith.constant 1 : i32
      %dma_start3A_50 = arith.constant 0 : i32
      %dma_start3A_51 = arith.constant 0 : i32
      %dma_start3A_52 = tpu.memref_slice %arg9[%dma_start3A_49, %dma_start3A_50, %dma_start3A_51] : memref<4x80x128xf32, #tpu.memory_space<vmem>> -> memref<1x80x128xf32, #tpu.memory_space<vmem>>
      %dma_start3A_53 = tpu.memref_squeeze %dma_start3A_52 : memref<1x80x128xf32, #tpu.memory_space<vmem>> -> memref<80x128xf32, #tpu.memory_space<vmem>>
      %dma_start3A_54 = arith.constant 0 : i32
      %dma_start3A_55 = tpu.memref_slice %arg7[%dma_start3A_48, %dma_start3A_54] : memref<32x80xi32, #tpu.memory_space<vmem>> -> memref<1x80xi32, #tpu.memory_space<vmem>>
      %dma_start3A_56 = tpu.memref_squeeze %dma_start3A_55 : memref<1x80xi32, #tpu.memory_space<vmem>> -> memref<80xi32, #tpu.memory_space<vmem>>
      %dma_start3A_57 = arith.constant 0 : i32
      %dma_start3A_58 = arith.constant 0 : i32
      %dma_start3A_59 = tpu.memref_slice %arg2[%dma_start3A_57, %dma_start3A_58] : memref<10240x128xf32, #tpu.memory_space<hbm>> -> memref<10240x128xf32, #tpu.memory_space<hbm>>
      tpu.enqueue_indirect_dma source(%dma_start3A_59 : memref<10240x128xf32, #tpu.memory_space<hbm>>) target(%dma_start3A_53 : memref<80x128xf32, #tpu.memory_space<vmem>>) offsets(%dma_start3A_56 : memref<80xi32, #tpu.memory_space<vmem>>) semaphore(%arg12 : memref<!tpu.dma_semaphore, #tpu.memory_space<semaphore_mem>>)
      %dma_start3A_60 = arith.constant 2 : i32
      %dma_start3A_61 = arith.constant 2 : i32
      %dma_start3A_62 = arith.constant 0 : i32
      %dma_start3A_63 = arith.constant 0 : i32
      %dma_start3A_64 = tpu.memref_slice %arg9[%dma_start3A_61, %dma_start3A_62, %dma_start3A_63] : memref<4x80x128xf32, #tpu.memory_space<vmem>> -> memref<1x80x128xf32, #tpu.memory_space<vmem>>
      %dma_start3A_65 = tpu.memref_squeeze %dma_start3A_64 : memref<1x80x128xf32, #tpu.memory_space<vmem>> -> memref<80x128xf32, #tpu.memory_space<vmem>>
      %dma_start3A_66 = arith.constant 0 : i32
      %dma_start3A_67 = tpu.memref_slice %arg7[%dma_start3A_60, %dma_start3A_66] : memref<32x80xi32, #tpu.memory_space<vmem>> -> memref<1x80xi32, #tpu.memory_space<vmem>>
      %dma_start3A_68 = tpu.memref_squeeze %dma_start3A_67 : memref<1x80xi32, #tpu.memory_space<vmem>> -> memref<80xi32, #tpu.memory_space<vmem>>
      %dma_start3A_69 = arith.constant 0 : i32
      %dma_start3A_70 = arith.constant 0 : i32
      %dma_start3A_71 = tpu.memref_slice %arg2[%dma_start3A_69, %dma_start3A_70] : memref<10240x128xf32, #tpu.memory_space<hbm>> -> memref<10240x128xf32, #tpu.memory_space<hbm>>
      tpu.enqueue_indirect_dma source(%dma_start3A_71 : memref<10240x128xf32, #tpu.memory_space<hbm>>) target(%dma_start3A_65 : memref<80x128xf32, #tpu.memory_space<vmem>>) offsets(%dma_start3A_68 : memref<80xi32, #tpu.memory_space<vmem>>) semaphore(%arg13 : memref<!tpu.dma_semaphore, #tpu.memory_space<semaphore_mem>>)
      %dma_start3A_72 = arith.constant 3 : i32
      %dma_start3A_73 = arith.constant 3 : i32
      %dma_start3A_74 = arith.constant 0 : i32
      %dma_start3A_75 = arith.constant 0 : i32
      %dma_start3A_76 = tpu.memref_slice %arg9[%dma_start3A_73, %dma_start3A_74, %dma_start3A_75] : memref<4x80x128xf32, #tpu.memory_space<vmem>> -> memref<1x80x128xf32, #tpu.memory_space<vmem>>
      %dma_start3A_77 = tpu.memref_squeeze %dma_start3A_76 : memref<1x80x128xf32, #tpu.memory_space<vmem>> -> memref<80x128xf32, #tpu.memory_space<vmem>>
      %dma_start3A_78 = arith.constant 0 : i32
      %dma_start3A_79 = tpu.memref_slice %arg7[%dma_start3A_72, %dma_start3A_78] : memref<32x80xi32, #tpu.memory_space<vmem>> -> memref<1x80xi32, #tpu.memory_space<vmem>>
      %dma_start3A_80 = tpu.memref_squeeze %dma_start3A_79 : memref<1x80xi32, #tpu.memory_space<vmem>> -> memref<80xi32, #tpu.memory_space<vmem>>
      %dma_start3A_81 = arith.constant 0 : i32
      %dma_start3A_82 = arith.constant 0 : i32
      %dma_start3A_83 = tpu.memref_slice %arg2[%dma_start3A_81, %dma_start3A_82] : memref<10240x128xf32, #tpu.memory_space<hbm>> -> memref<10240x128xf32, #tpu.memory_space<hbm>>
      tpu.enqueue_indirect_dma source(%dma_start3A_83 : memref<10240x128xf32, #tpu.memory_space<hbm>>) target(%dma_start3A_77 : memref<80x128xf32, #tpu.memory_space<vmem>>) offsets(%dma_start3A_80 : memref<80xi32, #tpu.memory_space<vmem>>) semaphore(%arg14 : memref<!tpu.dma_semaphore, #tpu.memory_space<semaphore_mem>>)
      %scan3A = arith.constant 0 : i32
      %scan3A_84 = arith.constant 8 : i32
      %scan3A_85 = arith.addi %scan3A, %scan3A_84 : i32
      %scan3A_86 = arith.constant 1 : i32
      scf.for %scan3A_88 = %scan3A to %scan3A_85 step %scan3A_86  : i32 {
        %mul3A_89 = arith.constant 4 : i32
        %mul3A_90 = arith.muli %scan3A_88, %mul3A_89 : i32
        %add3A_91 = arith.constant 0 : i32
        %add3A_92 = arith.addi %add3A_91, %mul3A_90 : i32
        %add3A_93 = arith.constant 0 : i32
        %add3A_94 = arith.addi %add3A_92, %add3A_93 : i32
        %dma_wait3A = arith.constant 0 : i32
        %dma_wait3A_95 = arith.constant 0 : i32
        %dma_wait3A_96 = arith.constant 0 : i32
        %dma_wait3A_97 = tpu.memref_slice %arg9[%dma_wait3A, %dma_wait3A_95, %dma_wait3A_96] : memref<4x80x128xf32, #tpu.memory_space<vmem>> -> memref<1x80x128xf32, #tpu.memory_space<vmem>>
        %dma_wait3A_98 = tpu.memref_squeeze %dma_wait3A_97 : memref<1x80x128xf32, #tpu.memory_space<vmem>> -> memref<80x128xf32, #tpu.memory_space<vmem>>
        %dma_wait3A_99 = arith.constant 0 : i32
        %dma_wait3A_100 = tpu.memref_slice %arg7[%add3A_94, %dma_wait3A_99] : memref<32x80xi32, #tpu.memory_space<vmem>> -> memref<1x80xi32, #tpu.memory_space<vmem>>
        %dma_wait3A_101 = tpu.memref_squeeze %dma_wait3A_100 : memref<1x80xi32, #tpu.memory_space<vmem>> -> memref<80xi32, #tpu.memory_space<vmem>>
        %dma_wait3A_102 = arith.constant 0 : i32
        %dma_wait3A_103 = arith.constant 0 : i32
        %dma_wait3A_104 = tpu.memref_slice %arg2[%dma_wait3A_102, %dma_wait3A_103] : memref<10240x128xf32, #tpu.memory_space<hbm>> -> memref<10240x128xf32, #tpu.memory_space<hbm>>
        tpu.wait_indirect_dma semaphore(%arg11 : memref<!tpu.dma_semaphore, #tpu.memory_space<semaphore_mem>>) src(%dma_wait3A_104 : memref<10240x128xf32, #tpu.memory_space<hbm>>) dst(%dma_wait3A_98 : memref<80x128xf32, #tpu.memory_space<vmem>>)
        %add3A_105 = arith.constant 0 : i32
        %add3A_106 = arith.addi %add3A_92, %add3A_105 : i32
        %dma_start3A_107 = arith.constant 0 : i32
        %dma_start3A_108 = arith.constant 0 : i32
        %dma_start3A_109 = arith.constant 0 : i32
        %dma_start3A_110 = tpu.memref_slice %arg9[%dma_start3A_107, %dma_start3A_108, %dma_start3A_109] : memref<4x80x128xf32, #tpu.memory_space<vmem>> -> memref<1x80x128xf32, #tpu.memory_space<vmem>>
        %dma_start3A_111 = tpu.memref_squeeze %dma_start3A_110 : memref<1x80x128xf32, #tpu.memory_space<vmem>> -> memref<80x128xf32, #tpu.memory_space<vmem>>
        %dma_start3A_112 = arith.constant 0 : i32
        %dma_start3A_113 = tpu.memref_slice %arg8[%add3A_106, %dma_start3A_112] : memref<32x80xi32, #tpu.memory_space<vmem>> -> memref<1x80xi32, #tpu.memory_space<vmem>>
        %dma_start3A_114 = tpu.memref_squeeze %dma_start3A_113 : memref<1x80xi32, #tpu.memory_space<vmem>> -> memref<80xi32, #tpu.memory_space<vmem>>
        %dma_start3A_115 = arith.constant 0 : i32
        %dma_start3A_116 = arith.constant 0 : i32
        %dma_start3A_117 = tpu.memref_slice %arg10[%dma_start3A_115, %dma_start3A_116] : memref<10240x128xf32, #tpu.memory_space<vmem_shared>> -> memref<10240x128xf32, #tpu.memory_space<vmem_shared>>
        tpu.enqueue_indirect_dma source(%dma_start3A_111 : memref<80x128xf32, #tpu.memory_space<vmem>>) target(%dma_start3A_117 : memref<10240x128xf32, #tpu.memory_space<vmem_shared>>) offsets(%dma_start3A_114 : memref<80xi32, #tpu.memory_space<vmem>>) semaphore(%arg15 : memref<!tpu.dma_semaphore, #tpu.memory_space<semaphore_mem>>) {add = true}
        %add3A_118 = arith.constant 1 : i32
        %add3A_119 = arith.addi %add3A_92, %add3A_118 : i32
        %dma_wait3A_120 = arith.constant 1 : i32
        %dma_wait3A_121 = arith.constant 0 : i32
        %dma_wait3A_122 = arith.constant 0 : i32
        %dma_wait3A_123 = tpu.memref_slice %arg9[%dma_wait3A_120, %dma_wait3A_121, %dma_wait3A_122] : memref<4x80x128xf32, #tpu.memory_space<vmem>> -> memref<1x80x128xf32, #tpu.memory_space<vmem>>
        %dma_wait3A_124 = tpu.memref_squeeze %dma_wait3A_123 : memref<1x80x128xf32, #tpu.memory_space<vmem>> -> memref<80x128xf32, #tpu.memory_space<vmem>>
        %dma_wait3A_125 = arith.constant 0 : i32
        %dma_wait3A_126 = tpu.memref_slice %arg7[%add3A_119, %dma_wait3A_125] : memref<32x80xi32, #tpu.memory_space<vmem>> -> memref<1x80xi32, #tpu.memory_space<vmem>>
        %dma_wait3A_127 = tpu.memref_squeeze %dma_wait3A_126 : memref<1x80xi32, #tpu.memory_space<vmem>> -> memref<80xi32, #tpu.memory_space<vmem>>
        %dma_wait3A_128 = arith.constant 0 : i32
        %dma_wait3A_129 = arith.constant 0 : i32
        %dma_wait3A_130 = tpu.memref_slice %arg2[%dma_wait3A_128, %dma_wait3A_129] : memref<10240x128xf32, #tpu.memory_space<hbm>> -> memref<10240x128xf32, #tpu.memory_space<hbm>>
        tpu.wait_indirect_dma semaphore(%arg12 : memref<!tpu.dma_semaphore, #tpu.memory_space<semaphore_mem>>) src(%dma_wait3A_130 : memref<10240x128xf32, #tpu.memory_space<hbm>>) dst(%dma_wait3A_124 : memref<80x128xf32, #tpu.memory_space<vmem>>)
        %add3A_131 = arith.constant 1 : i32
        %add3A_132 = arith.addi %add3A_92, %add3A_131 : i32
        %dma_start3A_133 = arith.constant 1 : i32
        %dma_start3A_134 = arith.constant 0 : i32
        %dma_start3A_135 = arith.constant 0 : i32
        %dma_start3A_136 = tpu.memref_slice %arg9[%dma_start3A_133, %dma_start3A_134, %dma_start3A_135] : memref<4x80x128xf32, #tpu.memory_space<vmem>> -> memref<1x80x128xf32, #tpu.memory_space<vmem>>
        %dma_start3A_137 = tpu.memref_squeeze %dma_start3A_136 : memref<1x80x128xf32, #tpu.memory_space<vmem>> -> memref<80x128xf32, #tpu.memory_space<vmem>>
        %dma_start3A_138 = arith.constant 0 : i32
        %dma_start3A_139 = tpu.memref_slice %arg8[%add3A_132, %dma_start3A_138] : memref<32x80xi32, #tpu.memory_space<vmem>> -> memref<1x80xi32, #tpu.memory_space<vmem>>
        %dma_start3A_140 = tpu.memref_squeeze %dma_start3A_139 : memref<1x80xi32, #tpu.memory_space<vmem>> -> memref<80xi32, #tpu.memory_space<vmem>>
        %dma_start3A_141 = arith.constant 0 : i32
        %dma_start3A_142 = arith.constant 0 : i32
        %dma_start3A_143 = tpu.memref_slice %arg10[%dma_start3A_141, %dma_start3A_142] : memref<10240x128xf32, #tpu.memory_space<vmem_shared>> -> memref<10240x128xf32, #tpu.memory_space<vmem_shared>>
        tpu.enqueue_indirect_dma source(%dma_start3A_137 : memref<80x128xf32, #tpu.memory_space<vmem>>) target(%dma_start3A_143 : memref<10240x128xf32, #tpu.memory_space<vmem_shared>>) offsets(%dma_start3A_140 : memref<80xi32, #tpu.memory_space<vmem>>) semaphore(%arg16 : memref<!tpu.dma_semaphore, #tpu.memory_space<semaphore_mem>>) {add = true}
        %add3A_144 = arith.constant 2 : i32
        %add3A_145 = arith.addi %add3A_92, %add3A_144 : i32
        %dma_wait3A_146 = arith.constant 2 : i32
        %dma_wait3A_147 = arith.constant 0 : i32
        %dma_wait3A_148 = arith.constant 0 : i32
        %dma_wait3A_149 = tpu.memref_slice %arg9[%dma_wait3A_146, %dma_wait3A_147, %dma_wait3A_148] : memref<4x80x128xf32, #tpu.memory_space<vmem>> -> memref<1x80x128xf32, #tpu.memory_space<vmem>>
        %dma_wait3A_150 = tpu.memref_squeeze %dma_wait3A_149 : memref<1x80x128xf32, #tpu.memory_space<vmem>> -> memref<80x128xf32, #tpu.memory_space<vmem>>
        %dma_wait3A_151 = arith.constant 0 : i32
        %dma_wait3A_152 = tpu.memref_slice %arg7[%add3A_145, %dma_wait3A_151] : memref<32x80xi32, #tpu.memory_space<vmem>> -> memref<1x80xi32, #tpu.memory_space<vmem>>
        %dma_wait3A_153 = tpu.memref_squeeze %dma_wait3A_152 : memref<1x80xi32, #tpu.memory_space<vmem>> -> memref<80xi32, #tpu.memory_space<vmem>>
        %dma_wait3A_154 = arith.constant 0 : i32
        %dma_wait3A_155 = arith.constant 0 : i32
        %dma_wait3A_156 = tpu.memref_slice %arg2[%dma_wait3A_154, %dma_wait3A_155] : memref<10240x128xf32, #tpu.memory_space<hbm>> -> memref<10240x128xf32, #tpu.memory_space<hbm>>
        tpu.wait_indirect_dma semaphore(%arg13 : memref<!tpu.dma_semaphore, #tpu.memory_space<semaphore_mem>>) src(%dma_wait3A_156 : memref<10240x128xf32, #tpu.memory_space<hbm>>) dst(%dma_wait3A_150 : memref<80x128xf32, #tpu.memory_space<vmem>>)
        %add3A_157 = arith.constant 2 : i32
        %add3A_158 = arith.addi %add3A_92, %add3A_157 : i32
        %dma_start3A_159 = arith.constant 2 : i32
        %dma_start3A_160 = arith.constant 0 : i32
        %dma_start3A_161 = arith.constant 0 : i32
        %dma_start3A_162 = tpu.memref_slice %arg9[%dma_start3A_159, %dma_start3A_160, %dma_start3A_161] : memref<4x80x128xf32, #tpu.memory_space<vmem>> -> memref<1x80x128xf32, #tpu.memory_space<vmem>>
        %dma_start3A_163 = tpu.memref_squeeze %dma_start3A_162 : memref<1x80x128xf32, #tpu.memory_space<vmem>> -> memref<80x128xf32, #tpu.memory_space<vmem>>
        %dma_start3A_164 = arith.constant 0 : i32
        %dma_start3A_165 = tpu.memref_slice %arg8[%add3A_158, %dma_start3A_164] : memref<32x80xi32, #tpu.memory_space<vmem>> -> memref<1x80xi32, #tpu.memory_space<vmem>>
        %dma_start3A_166 = tpu.memref_squeeze %dma_start3A_165 : memref<1x80xi32, #tpu.memory_space<vmem>> -> memref<80xi32, #tpu.memory_space<vmem>>
        %dma_start3A_167 = arith.constant 0 : i32
        %dma_start3A_168 = arith.constant 0 : i32
        %dma_start3A_169 = tpu.memref_slice %arg10[%dma_start3A_167, %dma_start3A_168] : memref<10240x128xf32, #tpu.memory_space<vmem_shared>> -> memref<10240x128xf32, #tpu.memory_space<vmem_shared>>
        tpu.enqueue_indirect_dma source(%dma_start3A_163 : memref<80x128xf32, #tpu.memory_space<vmem>>) target(%dma_start3A_169 : memref<10240x128xf32, #tpu.memory_space<vmem_shared>>) offsets(%dma_start3A_166 : memref<80xi32, #tpu.memory_space<vmem>>) semaphore(%arg17 : memref<!tpu.dma_semaphore, #tpu.memory_space<semaphore_mem>>) {add = true}
        %add3A_170 = arith.constant 3 : i32
        %add3A_171 = arith.addi %add3A_92, %add3A_170 : i32
        %dma_wait3A_172 = arith.constant 3 : i32
        %dma_wait3A_173 = arith.constant 0 : i32
        %dma_wait3A_174 = arith.constant 0 : i32
        %dma_wait3A_175 = tpu.memref_slice %arg9[%dma_wait3A_172, %dma_wait3A_173, %dma_wait3A_174] : memref<4x80x128xf32, #tpu.memory_space<vmem>> -> memref<1x80x128xf32, #tpu.memory_space<vmem>>
        %dma_wait3A_176 = tpu.memref_squeeze %dma_wait3A_175 : memref<1x80x128xf32, #tpu.memory_space<vmem>> -> memref<80x128xf32, #tpu.memory_space<vmem>>
        %dma_wait3A_177 = arith.constant 0 : i32
        %dma_wait3A_178 = tpu.memref_slice %arg7[%add3A_171, %dma_wait3A_177] : memref<32x80xi32, #tpu.memory_space<vmem>> -> memref<1x80xi32, #tpu.memory_space<vmem>>
        %dma_wait3A_179 = tpu.memref_squeeze %dma_wait3A_178 : memref<1x80xi32, #tpu.memory_space<vmem>> -> memref<80xi32, #tpu.memory_space<vmem>>
        %dma_wait3A_180 = arith.constant 0 : i32
        %dma_wait3A_181 = arith.constant 0 : i32
        %dma_wait3A_182 = tpu.memref_slice %arg2[%dma_wait3A_180, %dma_wait3A_181] : memref<10240x128xf32, #tpu.memory_space<hbm>> -> memref<10240x128xf32, #tpu.memory_space<hbm>>
        tpu.wait_indirect_dma semaphore(%arg14 : memref<!tpu.dma_semaphore, #tpu.memory_space<semaphore_mem>>) src(%dma_wait3A_182 : memref<10240x128xf32, #tpu.memory_space<hbm>>) dst(%dma_wait3A_176 : memref<80x128xf32, #tpu.memory_space<vmem>>)
        %add3A_183 = arith.constant 3 : i32
        %add3A_184 = arith.addi %add3A_92, %add3A_183 : i32
        %dma_start3A_185 = arith.constant 3 : i32
        %dma_start3A_186 = arith.constant 0 : i32
        %dma_start3A_187 = arith.constant 0 : i32
        %dma_start3A_188 = tpu.memref_slice %arg9[%dma_start3A_185, %dma_start3A_186, %dma_start3A_187] : memref<4x80x128xf32, #tpu.memory_space<vmem>> -> memref<1x80x128xf32, #tpu.memory_space<vmem>>
        %dma_start3A_189 = tpu.memref_squeeze %dma_start3A_188 : memref<1x80x128xf32, #tpu.memory_space<vmem>> -> memref<80x128xf32, #tpu.memory_space<vmem>>
        %dma_start3A_190 = arith.constant 0 : i32
        %dma_start3A_191 = tpu.memref_slice %arg8[%add3A_184, %dma_start3A_190] : memref<32x80xi32, #tpu.memory_space<vmem>> -> memref<1x80xi32, #tpu.memory_space<vmem>>
        %dma_start3A_192 = tpu.memref_squeeze %dma_start3A_191 : memref<1x80xi32, #tpu.memory_space<vmem>> -> memref<80xi32, #tpu.memory_space<vmem>>
        %dma_start3A_193 = arith.constant 0 : i32
        %dma_start3A_194 = arith.constant 0 : i32
        %dma_start3A_195 = tpu.memref_slice %arg10[%dma_start3A_193, %dma_start3A_194] : memref<10240x128xf32, #tpu.memory_space<vmem_shared>> -> memref<10240x128xf32, #tpu.memory_space<vmem_shared>>
        tpu.enqueue_indirect_dma source(%dma_start3A_189 : memref<80x128xf32, #tpu.memory_space<vmem>>) target(%dma_start3A_195 : memref<10240x128xf32, #tpu.memory_space<vmem_shared>>) offsets(%dma_start3A_192 : memref<80xi32, #tpu.memory_space<vmem>>) semaphore(%arg18 : memref<!tpu.dma_semaphore, #tpu.memory_space<semaphore_mem>>) {add = true}
        %add3A_196 = arith.constant 0 : i32
        %add3A_197 = arith.addi %add3A_92, %add3A_196 : i32
        %dma_wait3A_198 = arith.constant 0 : i32
        %dma_wait3A_199 = arith.constant 0 : i32
        %dma_wait3A_200 = arith.constant 0 : i32
        %dma_wait3A_201 = tpu.memref_slice %arg9[%dma_wait3A_198, %dma_wait3A_199, %dma_wait3A_200] : memref<4x80x128xf32, #tpu.memory_space<vmem>> -> memref<1x80x128xf32, #tpu.memory_space<vmem>>
        %dma_wait3A_202 = tpu.memref_squeeze %dma_wait3A_201 : memref<1x80x128xf32, #tpu.memory_space<vmem>> -> memref<80x128xf32, #tpu.memory_space<vmem>>
        %dma_wait3A_203 = arith.constant 0 : i32
        %dma_wait3A_204 = tpu.memref_slice %arg8[%add3A_197, %dma_wait3A_203] : memref<32x80xi32, #tpu.memory_space<vmem>> -> memref<1x80xi32, #tpu.memory_space<vmem>>
        %dma_wait3A_205 = tpu.memref_squeeze %dma_wait3A_204 : memref<1x80xi32, #tpu.memory_space<vmem>> -> memref<80xi32, #tpu.memory_space<vmem>>
        %dma_wait3A_206 = arith.constant 0 : i32
        %dma_wait3A_207 = arith.constant 0 : i32
        %dma_wait3A_208 = tpu.memref_slice %arg10[%dma_wait3A_206, %dma_wait3A_207] : memref<10240x128xf32, #tpu.memory_space<vmem_shared>> -> memref<10240x128xf32, #tpu.memory_space<vmem_shared>>
        tpu.wait_indirect_dma semaphore(%arg15 : memref<!tpu.dma_semaphore, #tpu.memory_space<semaphore_mem>>) src(%dma_wait3A_202 : memref<80x128xf32, #tpu.memory_space<vmem>>) dst(%dma_wait3A_208 : memref<10240x128xf32, #tpu.memory_space<vmem_shared>>)
        %add3A_209 = arith.constant 4 : i32
        %add3A_210 = arith.addi %add3A_92, %add3A_209 : i32
        %add3A_211 = arith.constant 0 : i32
        %add3A_212 = arith.addi %add3A_210, %add3A_211 : i32
        %lt3A = arith.constant 32 : i32
        %lt3A_213 = arith.cmpi slt, %add3A_212, %lt3A : i32
        %convert_element_type3A = arith.extui %lt3A_213 : i1 to i32
        %cond3A = arith.constant 0 : i32
        %cond3A_214 = arith.cmpi ne, %convert_element_type3A, %cond3A : i32
        scf.if %cond3A_214 {
          %add3A_281 = arith.constant 4 : i32
          %add3A_282 = arith.addi %add3A_92, %add3A_281 : i32
          %add3A_283 = arith.constant 0 : i32
          %add3A_284 = arith.addi %add3A_282, %add3A_283 : i32
          %dma_start3A_285 = arith.constant 0 : i32
          %dma_start3A_286 = arith.constant 0 : i32
          %dma_start3A_287 = arith.constant 0 : i32
          %dma_start3A_288 = tpu.memref_slice %arg9[%dma_start3A_285, %dma_start3A_286, %dma_start3A_287] : memref<4x80x128xf32, #tpu.memory_space<vmem>> -> memref<1x80x128xf32, #tpu.memory_space<vmem>>
          %dma_start3A_289 = tpu.memref_squeeze %dma_start3A_288 : memref<1x80x128xf32, #tpu.memory_space<vmem>> -> memref<80x128xf32, #tpu.memory_space<vmem>>
          %dma_start3A_290 = arith.constant 0 : i32
          %dma_start3A_291 = tpu.memref_slice %arg7[%add3A_284, %dma_start3A_290] : memref<32x80xi32, #tpu.memory_space<vmem>> -> memref<1x80xi32, #tpu.memory_space<vmem>>
          %dma_start3A_292 = tpu.memref_squeeze %dma_start3A_291 : memref<1x80xi32, #tpu.memory_space<vmem>> -> memref<80xi32, #tpu.memory_space<vmem>>
          %dma_start3A_293 = arith.constant 0 : i32
          %dma_start3A_294 = arith.constant 0 : i32
          %dma_start3A_295 = tpu.memref_slice %arg2[%dma_start3A_293, %dma_start3A_294] : memref<10240x128xf32, #tpu.memory_space<hbm>> -> memref<10240x128xf32, #tpu.memory_space<hbm>>
          tpu.enqueue_indirect_dma source(%dma_start3A_295 : memref<10240x128xf32, #tpu.memory_space<hbm>>) target(%dma_start3A_289 : memref<80x128xf32, #tpu.memory_space<vmem>>) offsets(%dma_start3A_292 : memref<80xi32, #tpu.memory_space<vmem>>) semaphore(%arg11 : memref<!tpu.dma_semaphore, #tpu.memory_space<semaphore_mem>>)
        } else {
        }
        %add3A_215 = arith.constant 1 : i32
        %add3A_216 = arith.addi %add3A_92, %add3A_215 : i32
        %dma_wait3A_217 = arith.constant 1 : i32
        %dma_wait3A_218 = arith.constant 0 : i32
        %dma_wait3A_219 = arith.constant 0 : i32
        %dma_wait3A_220 = tpu.memref_slice %arg9[%dma_wait3A_217, %dma_wait3A_218, %dma_wait3A_219] : memref<4x80x128xf32, #tpu.memory_space<vmem>> -> memref<1x80x128xf32, #tpu.memory_space<vmem>>
        %dma_wait3A_221 = tpu.memref_squeeze %dma_wait3A_220 : memref<1x80x128xf32, #tpu.memory_space<vmem>> -> memref<80x128xf32, #tpu.memory_space<vmem>>
        %dma_wait3A_222 = arith.constant 0 : i32
        %dma_wait3A_223 = tpu.memref_slice %arg8[%add3A_216, %dma_wait3A_222] : memref<32x80xi32, #tpu.memory_space<vmem>> -> memref<1x80xi32, #tpu.memory_space<vmem>>
        %dma_wait3A_224 = tpu.memref_squeeze %dma_wait3A_223 : memref<1x80xi32, #tpu.memory_space<vmem>> -> memref<80xi32, #tpu.memory_space<vmem>>
        %dma_wait3A_225 = arith.constant 0 : i32
        %dma_wait3A_226 = arith.constant 0 : i32
        %dma_wait3A_227 = tpu.memref_slice %arg10[%dma_wait3A_225, %dma_wait3A_226] : memref<10240x128xf32, #tpu.memory_space<vmem_shared>> -> memref<10240x128xf32, #tpu.memory_space<vmem_shared>>
        tpu.wait_indirect_dma semaphore(%arg16 : memref<!tpu.dma_semaphore, #tpu.memory_space<semaphore_mem>>) src(%dma_wait3A_221 : memref<80x128xf32, #tpu.memory_space<vmem>>) dst(%dma_wait3A_227 : memref<10240x128xf32, #tpu.memory_space<vmem_shared>>)
        %add3A_228 = arith.constant 4 : i32
        %add3A_229 = arith.addi %add3A_92, %add3A_228 : i32
        %add3A_230 = arith.constant 1 : i32
        %add3A_231 = arith.addi %add3A_229, %add3A_230 : i32
        %lt3A_232 = arith.constant 32 : i32
        %lt3A_233 = arith.cmpi slt, %add3A_231, %lt3A_232 : i32
        %convert_element_type3A_234 = arith.extui %lt3A_233 : i1 to i32
        %cond3A_235 = arith.constant 0 : i32
        %cond3A_236 = arith.cmpi ne, %convert_element_type3A_234, %cond3A_235 : i32
        scf.if %cond3A_236 {
          %add3A_281 = arith.constant 4 : i32
          %add3A_282 = arith.addi %add3A_92, %add3A_281 : i32
          %add3A_283 = arith.constant 1 : i32
          %add3A_284 = arith.addi %add3A_282, %add3A_283 : i32
          %dma_start3A_285 = arith.constant 1 : i32
          %dma_start3A_286 = arith.constant 0 : i32
          %dma_start3A_287 = arith.constant 0 : i32
          %dma_start3A_288 = tpu.memref_slice %arg9[%dma_start3A_285, %dma_start3A_286, %dma_start3A_287] : memref<4x80x128xf32, #tpu.memory_space<vmem>> -> memref<1x80x128xf32, #tpu.memory_space<vmem>>
          %dma_start3A_289 = tpu.memref_squeeze %dma_start3A_288 : memref<1x80x128xf32, #tpu.memory_space<vmem>> -> memref<80x128xf32, #tpu.memory_space<vmem>>
          %dma_start3A_290 = arith.constant 0 : i32
          %dma_start3A_291 = tpu.memref_slice %arg7[%add3A_284, %dma_start3A_290] : memref<32x80xi32, #tpu.memory_space<vmem>> -> memref<1x80xi32, #tpu.memory_space<vmem>>
          %dma_start3A_292 = tpu.memref_squeeze %dma_start3A_291 : memref<1x80xi32, #tpu.memory_space<vmem>> -> memref<80xi32, #tpu.memory_space<vmem>>
          %dma_start3A_293 = arith.constant 0 : i32
          %dma_start3A_294 = arith.constant 0 : i32
          %dma_start3A_295 = tpu.memref_slice %arg2[%dma_start3A_293, %dma_start3A_294] : memref<10240x128xf32, #tpu.memory_space<hbm>> -> memref<10240x128xf32, #tpu.memory_space<hbm>>
          tpu.enqueue_indirect_dma source(%dma_start3A_295 : memref<10240x128xf32, #tpu.memory_space<hbm>>) target(%dma_start3A_289 : memref<80x128xf32, #tpu.memory_space<vmem>>) offsets(%dma_start3A_292 : memref<80xi32, #tpu.memory_space<vmem>>) semaphore(%arg12 : memref<!tpu.dma_semaphore, #tpu.memory_space<semaphore_mem>>)
        } else {
        }
        %add3A_237 = arith.constant 2 : i32
        %add3A_238 = arith.addi %add3A_92, %add3A_237 : i32
        %dma_wait3A_239 = arith.constant 2 : i32
        %dma_wait3A_240 = arith.constant 0 : i32
        %dma_wait3A_241 = arith.constant 0 : i32
        %dma_wait3A_242 = tpu.memref_slice %arg9[%dma_wait3A_239, %dma_wait3A_240, %dma_wait3A_241] : memref<4x80x128xf32, #tpu.memory_space<vmem>> -> memref<1x80x128xf32, #tpu.memory_space<vmem>>
        %dma_wait3A_243 = tpu.memref_squeeze %dma_wait3A_242 : memref<1x80x128xf32, #tpu.memory_space<vmem>> -> memref<80x128xf32, #tpu.memory_space<vmem>>
        %dma_wait3A_244 = arith.constant 0 : i32
        %dma_wait3A_245 = tpu.memref_slice %arg8[%add3A_238, %dma_wait3A_244] : memref<32x80xi32, #tpu.memory_space<vmem>> -> memref<1x80xi32, #tpu.memory_space<vmem>>
        %dma_wait3A_246 = tpu.memref_squeeze %dma_wait3A_245 : memref<1x80xi32, #tpu.memory_space<vmem>> -> memref<80xi32, #tpu.memory_space<vmem>>
        %dma_wait3A_247 = arith.constant 0 : i32
        %dma_wait3A_248 = arith.constant 0 : i32
        %dma_wait3A_249 = tpu.memref_slice %arg10[%dma_wait3A_247, %dma_wait3A_248] : memref<10240x128xf32, #tpu.memory_space<vmem_shared>> -> memref<10240x128xf32, #tpu.memory_space<vmem_shared>>
        tpu.wait_indirect_dma semaphore(%arg17 : memref<!tpu.dma_semaphore, #tpu.memory_space<semaphore_mem>>) src(%dma_wait3A_243 : memref<80x128xf32, #tpu.memory_space<vmem>>) dst(%dma_wait3A_249 : memref<10240x128xf32, #tpu.memory_space<vmem_shared>>)
        %add3A_250 = arith.constant 4 : i32
        %add3A_251 = arith.addi %add3A_92, %add3A_250 : i32
        %add3A_252 = arith.constant 2 : i32
        %add3A_253 = arith.addi %add3A_251, %add3A_252 : i32
        %lt3A_254 = arith.constant 32 : i32
        %lt3A_255 = arith.cmpi slt, %add3A_253, %lt3A_254 : i32
        %convert_element_type3A_256 = arith.extui %lt3A_255 : i1 to i32
        %cond3A_257 = arith.constant 0 : i32
        %cond3A_258 = arith.cmpi ne, %convert_element_type3A_256, %cond3A_257 : i32
        scf.if %cond3A_258 {
          %add3A_281 = arith.constant 4 : i32
          %add3A_282 = arith.addi %add3A_92, %add3A_281 : i32
          %add3A_283 = arith.constant 2 : i32
          %add3A_284 = arith.addi %add3A_282, %add3A_283 : i32
          %dma_start3A_285 = arith.constant 2 : i32
          %dma_start3A_286 = arith.constant 0 : i32
          %dma_start3A_287 = arith.constant 0 : i32
          %dma_start3A_288 = tpu.memref_slice %arg9[%dma_start3A_285, %dma_start3A_286, %dma_start3A_287] : memref<4x80x128xf32, #tpu.memory_space<vmem>> -> memref<1x80x128xf32, #tpu.memory_space<vmem>>
          %dma_start3A_289 = tpu.memref_squeeze %dma_start3A_288 : memref<1x80x128xf32, #tpu.memory_space<vmem>> -> memref<80x128xf32, #tpu.memory_space<vmem>>
          %dma_start3A_290 = arith.constant 0 : i32
          %dma_start3A_291 = tpu.memref_slice %arg7[%add3A_284, %dma_start3A_290] : memref<32x80xi32, #tpu.memory_space<vmem>> -> memref<1x80xi32, #tpu.memory_space<vmem>>
          %dma_start3A_292 = tpu.memref_squeeze %dma_start3A_291 : memref<1x80xi32, #tpu.memory_space<vmem>> -> memref<80xi32, #tpu.memory_space<vmem>>
          %dma_start3A_293 = arith.constant 0 : i32
          %dma_start3A_294 = arith.constant 0 : i32
          %dma_start3A_295 = tpu.memref_slice %arg2[%dma_start3A_293, %dma_start3A_294] : memref<10240x128xf32, #tpu.memory_space<hbm>> -> memref<10240x128xf32, #tpu.memory_space<hbm>>
          tpu.enqueue_indirect_dma source(%dma_start3A_295 : memref<10240x128xf32, #tpu.memory_space<hbm>>) target(%dma_start3A_289 : memref<80x128xf32, #tpu.memory_space<vmem>>) offsets(%dma_start3A_292 : memref<80xi32, #tpu.memory_space<vmem>>) semaphore(%arg13 : memref<!tpu.dma_semaphore, #tpu.memory_space<semaphore_mem>>)
        } else {
        }
        %add3A_259 = arith.constant 3 : i32
        %add3A_260 = arith.addi %add3A_92, %add3A_259 : i32
        %dma_wait3A_261 = arith.constant 3 : i32
        %dma_wait3A_262 = arith.constant 0 : i32
        %dma_wait3A_263 = arith.constant 0 : i32
        %dma_wait3A_264 = tpu.memref_slice %arg9[%dma_wait3A_261, %dma_wait3A_262, %dma_wait3A_263] : memref<4x80x128xf32, #tpu.memory_space<vmem>> -> memref<1x80x128xf32, #tpu.memory_space<vmem>>
        %dma_wait3A_265 = tpu.memref_squeeze %dma_wait3A_264 : memref<1x80x128xf32, #tpu.memory_space<vmem>> -> memref<80x128xf32, #tpu.memory_space<vmem>>
        %dma_wait3A_266 = arith.constant 0 : i32
        %dma_wait3A_267 = tpu.memref_slice %arg8[%add3A_260, %dma_wait3A_266] : memref<32x80xi32, #tpu.memory_space<vmem>> -> memref<1x80xi32, #tpu.memory_space<vmem>>
        %dma_wait3A_268 = tpu.memref_squeeze %dma_wait3A_267 : memref<1x80xi32, #tpu.memory_space<vmem>> -> memref<80xi32, #tpu.memory_space<vmem>>
        %dma_wait3A_269 = arith.constant 0 : i32
        %dma_wait3A_270 = arith.constant 0 : i32
        %dma_wait3A_271 = tpu.memref_slice %arg10[%dma_wait3A_269, %dma_wait3A_270] : memref<10240x128xf32, #tpu.memory_space<vmem_shared>> -> memref<10240x128xf32, #tpu.memory_space<vmem_shared>>
        tpu.wait_indirect_dma semaphore(%arg18 : memref<!tpu.dma_semaphore, #tpu.memory_space<semaphore_mem>>) src(%dma_wait3A_265 : memref<80x128xf32, #tpu.memory_space<vmem>>) dst(%dma_wait3A_271 : memref<10240x128xf32, #tpu.memory_space<vmem_shared>>)
        %add3A_272 = arith.constant 4 : i32
        %add3A_273 = arith.addi %add3A_92, %add3A_272 : i32
        %add3A_274 = arith.constant 3 : i32
        %add3A_275 = arith.addi %add3A_273, %add3A_274 : i32
        %lt3A_276 = arith.constant 32 : i32
        %lt3A_277 = arith.cmpi slt, %add3A_275, %lt3A_276 : i32
        %convert_element_type3A_278 = arith.extui %lt3A_277 : i1 to i32
        %cond3A_279 = arith.constant 0 : i32
        %cond3A_280 = arith.cmpi ne, %convert_element_type3A_278, %cond3A_279 : i32
        scf.if %cond3A_280 {
          %add3A_281 = arith.constant 4 : i32
          %add3A_282 = arith.addi %add3A_92, %add3A_281 : i32
          %add3A_283 = arith.constant 3 : i32
          %add3A_284 = arith.addi %add3A_282, %add3A_283 : i32
          %dma_start3A_285 = arith.constant 3 : i32
          %dma_start3A_286 = arith.constant 0 : i32
          %dma_start3A_287 = arith.constant 0 : i32
          %dma_start3A_288 = tpu.memref_slice %arg9[%dma_start3A_285, %dma_start3A_286, %dma_start3A_287] : memref<4x80x128xf32, #tpu.memory_space<vmem>> -> memref<1x80x128xf32, #tpu.memory_space<vmem>>
          %dma_start3A_289 = tpu.memref_squeeze %dma_start3A_288 : memref<1x80x128xf32, #tpu.memory_space<vmem>> -> memref<80x128xf32, #tpu.memory_space<vmem>>
          %dma_start3A_290 = arith.constant 0 : i32
          %dma_start3A_291 = tpu.memref_slice %arg7[%add3A_284, %dma_start3A_290] : memref<32x80xi32, #tpu.memory_space<vmem>> -> memref<1x80xi32, #tpu.memory_space<vmem>>
          %dma_start3A_292 = tpu.memref_squeeze %dma_start3A_291 : memref<1x80xi32, #tpu.memory_space<vmem>> -> memref<80xi32, #tpu.memory_space<vmem>>
          %dma_start3A_293 = arith.constant 0 : i32
          %dma_start3A_294 = arith.constant 0 : i32
          %dma_start3A_295 = tpu.memref_slice %arg2[%dma_start3A_293, %dma_start3A_294] : memref<10240x128xf32, #tpu.memory_space<hbm>> -> memref<10240x128xf32, #tpu.memory_space<hbm>>
          tpu.enqueue_indirect_dma source(%dma_start3A_295 : memref<10240x128xf32, #tpu.memory_space<hbm>>) target(%dma_start3A_289 : memref<80x128xf32, #tpu.memory_space<vmem>>) offsets(%dma_start3A_292 : memref<80xi32, #tpu.memory_space<vmem>>) semaphore(%arg14 : memref<!tpu.dma_semaphore, #tpu.memory_space<semaphore_mem>>)
        } else {
        }
      }
      %scan3A_87 = arith.constant 8 : i32
    }
    %barrier3A_30 = arith.constant 0 : index
    tpu.barrier barrier_id(%barrier3A_30)
    "tpu.region"() ({
      %run_scoped3A = tpu.sem_alloc : memref<!tpu.dma_semaphore, #tpu.memory_space<semaphore_mem>>
      %dma_start3A = arith.constant 0 : i32
      %dma_start3A_31 = tpu.memref_slice %arg6[%arg0, %mul3A_2, %dma_start3A] : memref<2x10240x128xf32, #tpu.memory_space<hbm>> -> memref<1x640x128xf32, #tpu.memory_space<hbm>>
      %dma_start3A_32 = tpu.memref_squeeze %dma_start3A_31 : memref<1x640x128xf32, #tpu.memory_space<hbm>> -> memref<640x128xf32, #tpu.memory_space<hbm>>
      %dma_start3A_33 = arith.constant 0 : i32
      %dma_start3A_34 = tpu.memref_slice %arg10[%mul3A_2, %dma_start3A_33] : memref<10240x128xf32, #tpu.memory_space<vmem_shared>> -> memref<640x128xf32, #tpu.memory_space<vmem_shared>>
      tpu.enqueue_dma source(%dma_start3A_34 : memref<640x128xf32, #tpu.memory_space<vmem_shared>>) target(%dma_start3A_32 : memref<640x128xf32, #tpu.memory_space<hbm>>) target_semaphore(%run_scoped3A : memref<!tpu.dma_semaphore, #tpu.memory_space<semaphore_mem>>)
      %dma_wait3A = arith.constant 0 : i32
      %dma_wait3A_35 = tpu.memref_slice %arg6[%arg0, %mul3A_2, %dma_wait3A] : memref<2x10240x128xf32, #tpu.memory_space<hbm>> -> memref<1x640x128xf32, #tpu.memory_space<hbm>>
      %dma_wait3A_36 = tpu.memref_squeeze %dma_wait3A_35 : memref<1x640x128xf32, #tpu.memory_space<hbm>> -> memref<640x128xf32, #tpu.memory_space<hbm>>
      %dma_wait3A_37 = arith.constant 0 : i32
      %dma_wait3A_38 = tpu.memref_slice %arg10[%mul3A_2, %dma_wait3A_37] : memref<10240x128xf32, #tpu.memory_space<vmem_shared>> -> memref<640x128xf32, #tpu.memory_space<vmem_shared>>
      tpu.wait_dma2 semaphore(%run_scoped3A : memref<!tpu.dma_semaphore, #tpu.memory_space<semaphore_mem>>) src(%dma_wait3A_38 : memref<640x128xf32, #tpu.memory_space<vmem_shared>>) dst(%dma_wait3A_36 : memref<640x128xf32, #tpu.memory_space<hbm>>)
      tpu.yield
    }) : () -> ()
    return
  }
}

module attributes {stable_mosaic.version = 14 : i64} {
  func.func @body(%arg0: i32, %arg1: memref<2x1024x128xf32, #tpu.memory_space<vmem>>, %arg2: memref<1024x128xf32, #tpu.memory_space<vmem>>, %arg3: memref<128x128xf32, #tpu.memory_space<vmem>>, %arg4: memref<128x128xf32, #tpu.memory_space<vmem>>, %arg5: memref<1x128xf32, #tpu.memory_space<vmem>>, %arg6: memref<1024x128xf32, #tpu.memory_space<vmem>>) attributes {dimension_semantics = [#tpu.dimension_semantics<arbitrary>], iteration_bounds = array<i64: 10>, scalar_prefetch = 0 : i64, scratch_operands = 0 : i64, tpu.core_type = #tpu.core_type<tc>, window_params = [{transform_indices = @transform_0, window_bounds = array<i64: 2, 1024, 128>}, {transform_indices = @transform_1, window_bounds = array<i64: 1024, 128>}, {pipeline_mode = #tpu.pipeline_mode<synchronous>, transform_indices = @transform_2, window_bounds = array<i64: 128, 128>}, {pipeline_mode = #tpu.pipeline_mode<synchronous>, transform_indices = @transform_3, window_bounds = array<i64: 128, 128>}, {pipeline_mode = #tpu.pipeline_mode<synchronous>, transform_indices = @transform_4, window_bounds = array<i64: 1, 128>}, {transform_indices = @transform_5, window_bounds = array<i64: 1024, 128>}]} {
    %get3A = arith.constant 0 : index
    %get3A_0 = arith.constant 0 : index
    %get3A_1 = arith.constant 0 : index
    %get3A_2 = vector.load %arg1[%get3A, %get3A_0, %get3A_1] : memref<2x1024x128xf32, #tpu.memory_space<vmem>>, vector<1x1024x128xf32>
    %get3A_3 = vector.shape_cast %get3A_2 : vector<1x1024x128xf32> to vector<1024x128xf32>
    %get3A_4 = arith.constant 1 : index
    %get3A_5 = arith.constant 0 : index
    %get3A_6 = arith.constant 0 : index
    %get3A_7 = vector.load %arg1[%get3A_4, %get3A_5, %get3A_6] : memref<2x1024x128xf32, #tpu.memory_space<vmem>>, vector<1x1024x128xf32>
    %get3A_8 = vector.shape_cast %get3A_7 : vector<1x1024x128xf32> to vector<1024x128xf32>
    %add3A = arith.addf %get3A_3, %get3A_8 : vector<1024x128xf32>
    %get3A_9 = arith.constant 0 : index
    %get3A_10 = arith.constant 0 : index
    %get3A_11 = vector.load %arg3[%get3A_9, %get3A_10] : memref<128x128xf32, #tpu.memory_space<vmem>>, vector<128x128xf32>
    %dot_general3A = arith.constant dense<0.000000e+00> : vector<1024x128xf32>
    %dot_general3A_12 = tpu.matmul %add3A, %get3A_11, %dot_general3A {dimension_numbers = #tpu.dot_dimension_numbers<[1], [0], [0], [1], [0, 0, 1, 1], [], []>, transpose_lhs_hint = false} : vector<1024x128xf32>, vector<128x128xf32>, vector<1024x128xf32> -> vector<1024x128xf32>
    %get3A_13 = arith.constant 0 : index
    %get3A_14 = arith.constant 0 : index
    %get3A_15 = vector.load %arg2[%get3A_13, %get3A_14] : memref<1024x128xf32, #tpu.memory_space<vmem>>, vector<1024x128xf32>
    %get3A_16 = arith.constant 0 : index
    %get3A_17 = arith.constant 0 : index
    %get3A_18 = vector.load %arg4[%get3A_16, %get3A_17] : memref<128x128xf32, #tpu.memory_space<vmem>>, vector<128x128xf32>
    %dot_general3A_19 = arith.constant dense<0.000000e+00> : vector<1024x128xf32>
    %dot_general3A_20 = tpu.matmul %get3A_15, %get3A_18, %dot_general3A_19 {dimension_numbers = #tpu.dot_dimension_numbers<[1], [0], [0], [1], [0, 0, 1, 1], [], []>, transpose_lhs_hint = false} : vector<1024x128xf32>, vector<128x128xf32>, vector<1024x128xf32> -> vector<1024x128xf32>
    %add3A_21 = arith.addf %dot_general3A_12, %dot_general3A_20 : vector<1024x128xf32>
    %get3A_22 = arith.constant 0 : index
    %get3A_23 = arith.constant 0 : index
    %get3A_24 = vector.load %arg5[%get3A_22, %get3A_23] : memref<1x128xf32, #tpu.memory_space<vmem>>, vector<1x128xf32>
    %add3A_25 = vector.broadcast %get3A_24 : vector<1x128xf32> to vector<1024x128xf32>
    %add3A_26 = arith.addf %add3A_21, %add3A_25 : vector<1024x128xf32>
    %max3A = arith.constant 0.000000e+00 : f32
    %max3A_27 = vector.broadcast %max3A : f32 to vector<1024x128xf32>
    %max3A_28 = arith.maximumf %add3A_26, %max3A_27 : vector<1024x128xf32>
    %swap3A = arith.constant 0 : index
    %swap3A_29 = arith.constant 0 : index
    %swap3A_30 = vector.load %arg6[%swap3A, %swap3A_29] : memref<1024x128xf32, #tpu.memory_space<vmem>>, vector<1024x128xf32>
    tpu.vector_store %arg6[%swap3A, %swap3A_29], %max3A_28 {strides = array<i32>} : memref<1024x128xf32, #tpu.memory_space<vmem>>, vector<1024x128xf32>,
    return
  }
  func.func @transform_0(%arg0: i32) -> (i32, i32, i32) {
    %c0_i32 = arith.constant 0 : i32
    %c0_i32_0 = arith.constant 0 : i32
    %c0_i32_1 = arith.constant 0 : i32
    return %c0_i32, %arg0, %c0_i32_0 : i32, i32, i32
  }
  func.func @transform_1(%arg0: i32) -> (i32, i32) {
    %c0_i32 = arith.constant 0 : i32
    %c0_i32_0 = arith.constant 0 : i32
    return %arg0, %c0_i32 : i32, i32
  }
  func.func @transform_2(%arg0: i32) -> (i32, i32) {
    %c0_i32 = arith.constant 0 : i32
    %c0_i32_0 = arith.constant 0 : i32
    %c0_i32_1 = arith.constant 0 : i32
    return %c0_i32, %c0_i32_0 : i32, i32
  }
  func.func @transform_3(%arg0: i32) -> (i32, i32) {
    %c0_i32 = arith.constant 0 : i32
    %c0_i32_0 = arith.constant 0 : i32
    %c0_i32_1 = arith.constant 0 : i32
    return %c0_i32, %c0_i32_0 : i32, i32
  }
  func.func @transform_4(%arg0: i32) -> (i32, i32) {
    %c0_i32 = arith.constant 0 : i32
    %c0_i32_0 = arith.constant 0 : i32
    %c0_i32_1 = arith.constant 0 : i32
    return %c0_i32, %c0_i32_0 : i32, i32
  }
  func.func @transform_5(%arg0: i32) -> (i32, i32) {
    %c0_i32 = arith.constant 0 : i32
    %c0_i32_0 = arith.constant 0 : i32
    return %arg0, %c0_i32 : i32, i32
  }
}

module attributes {stable_mosaic.version = 14 : i64} {
  func.func @body(%arg0: i32, %arg1: memref<2x512x128xf32, #tpu.memory_space<vmem>>, %arg2: memref<512x128xf32, #tpu.memory_space<vmem>>, %arg3: memref<1x1x512xi32, #tpu.memory_space<vmem>>, %arg4: memref<128x128xf32, #tpu.memory_space<vmem>>, %arg5: memref<128x128xf32, #tpu.memory_space<vmem>>, %arg6: memref<1x128xf32, #tpu.memory_space<vmem>>, %arg7: memref<128x10xf32, #tpu.memory_space<vmem>>, %arg8: memref<1x10xf32, #tpu.memory_space<vmem>>, %arg9: memref<64x10xf32, #tpu.memory_space<vmem>>, %arg10: memref<64x128xf32, #tpu.memory_space<vmem>>, %arg11: memref<64x1xf32, #tpu.memory_space<vmem>>) attributes {dimension_semantics = [#tpu.dimension_semantics<arbitrary>], iteration_bounds = array<i64: 20>, scalar_prefetch = 0 : i64, scratch_operands = 2 : i64, tpu.core_type = #tpu.core_type<tc>, window_params = [{transform_indices = @transform_0, window_bounds = array<i64: 2, 512, 128>}, {transform_indices = @transform_1, window_bounds = array<i64: 512, 128>}, {transform_indices = @transform_2, window_bounds = array<i64: 1, 1, 512>}, {pipeline_mode = #tpu.pipeline_mode<synchronous>, transform_indices = @transform_3, window_bounds = array<i64: 128, 128>}, {pipeline_mode = #tpu.pipeline_mode<synchronous>, transform_indices = @transform_4, window_bounds = array<i64: 128, 128>}, {pipeline_mode = #tpu.pipeline_mode<synchronous>, transform_indices = @transform_5, window_bounds = array<i64: 1, 128>}, {pipeline_mode = #tpu.pipeline_mode<synchronous>, transform_indices = @transform_6, window_bounds = array<i64: 128, 10>}, {pipeline_mode = #tpu.pipeline_mode<synchronous>, transform_indices = @transform_7, window_bounds = array<i64: 1, 10>}, {pipeline_mode = #tpu.pipeline_mode<synchronous>, transform_indices = @transform_8, window_bounds = array<i64: 64, 10>}]} {
    %eq3A = arith.constant 0 : i32
    %eq3A_0 = arith.cmpi eq, %arg0, %eq3A : i32
    %convert_element_type3A = arith.extui %eq3A_0 : i1 to i32
    %cond3A = arith.constant 0 : i32
    %cond3A_1 = arith.cmpi ne, %convert_element_type3A, %cond3A : i32
    scf.if %cond3A_1 {
      %broadcast_in_dim3A_60 = arith.constant 0.000000e+00 : f32
      %broadcast_in_dim3A_61 = vector.broadcast %broadcast_in_dim3A_60 : f32 to vector<64x128xf32>
      %swap3A_62 = arith.constant 0 : index
      %swap3A_63 = arith.constant 0 : index
      %swap3A_64 = vector.load %arg10[%swap3A_62, %swap3A_63] : memref<64x128xf32, #tpu.memory_space<vmem>>, vector<64x128xf32>
      tpu.vector_store %arg10[%swap3A_62, %swap3A_63], %broadcast_in_dim3A_61 {strides = array<i32>} : memref<64x128xf32, #tpu.memory_space<vmem>>, vector<64x128xf32>,
      %broadcast_in_dim3A_65 = arith.constant 0.000000e+00 : f32
      %broadcast_in_dim3A_66 = vector.broadcast %broadcast_in_dim3A_65 : f32 to vector<64x1xf32>
      %swap3A_67 = arith.constant 0 : index
      %swap3A_68 = arith.constant 0 : index
      %swap3A_69 = vector.load %arg11[%swap3A_67, %swap3A_68] : memref<64x1xf32, #tpu.memory_space<vmem>>, vector<64x1xf32>
      tpu.vector_store %arg11[%swap3A_67, %swap3A_68], %broadcast_in_dim3A_66 {strides = array<i32>} : memref<64x1xf32, #tpu.memory_space<vmem>>, vector<64x1xf32>,
    } else {
    }
    %get3A = arith.constant 0 : index
    %get3A_2 = arith.constant 0 : index
    %get3A_3 = arith.constant 0 : index
    %get3A_4 = vector.load %arg1[%get3A, %get3A_2, %get3A_3] : memref<2x512x128xf32, #tpu.memory_space<vmem>>, vector<1x512x128xf32>
    %get3A_5 = vector.shape_cast %get3A_4 : vector<1x512x128xf32> to vector<512x128xf32>
    %get3A_6 = arith.constant 1 : index
    %get3A_7 = arith.constant 0 : index
    %get3A_8 = arith.constant 0 : index
    %get3A_9 = vector.load %arg1[%get3A_6, %get3A_7, %get3A_8] : memref<2x512x128xf32, #tpu.memory_space<vmem>>, vector<1x512x128xf32>
    %get3A_10 = vector.shape_cast %get3A_9 : vector<1x512x128xf32> to vector<512x128xf32>
    %add3A = arith.addf %get3A_5, %get3A_10 : vector<512x128xf32>
    %get3A_11 = arith.constant 0 : index
    %get3A_12 = arith.constant 0 : index
    %get3A_13 = vector.load %arg4[%get3A_11, %get3A_12] : memref<128x128xf32, #tpu.memory_space<vmem>>, vector<128x128xf32>
    %dot_general3A = arith.constant dense<0.000000e+00> : vector<512x128xf32>
    %dot_general3A_14 = tpu.matmul %add3A, %get3A_13, %dot_general3A {dimension_numbers = #tpu.dot_dimension_numbers<[1], [0], [0], [1], [0, 0, 1, 1], [], []>, transpose_lhs_hint = false} : vector<512x128xf32>, vector<128x128xf32>, vector<512x128xf32> -> vector<512x128xf32>
    %get3A_15 = arith.constant 0 : index
    %get3A_16 = arith.constant 0 : index
    %get3A_17 = vector.load %arg2[%get3A_15, %get3A_16] : memref<512x128xf32, #tpu.memory_space<vmem>>, vector<512x128xf32>
    %get3A_18 = arith.constant 0 : index
    %get3A_19 = arith.constant 0 : index
    %get3A_20 = vector.load %arg5[%get3A_18, %get3A_19] : memref<128x128xf32, #tpu.memory_space<vmem>>, vector<128x128xf32>
    %dot_general3A_21 = arith.constant dense<0.000000e+00> : vector<512x128xf32>
    %dot_general3A_22 = tpu.matmul %get3A_17, %get3A_20, %dot_general3A_21 {dimension_numbers = #tpu.dot_dimension_numbers<[1], [0], [0], [1], [0, 0, 1, 1], [], []>, transpose_lhs_hint = false} : vector<512x128xf32>, vector<128x128xf32>, vector<512x128xf32> -> vector<512x128xf32>
    %add3A_23 = arith.addf %dot_general3A_14, %dot_general3A_22 : vector<512x128xf32>
    %get3A_24 = arith.constant 0 : index
    %get3A_25 = arith.constant 0 : index
    %get3A_26 = vector.load %arg6[%get3A_24, %get3A_25] : memref<1x128xf32, #tpu.memory_space<vmem>>, vector<1x128xf32>
    %add3A_27 = vector.broadcast %get3A_26 : vector<1x128xf32> to vector<512x128xf32>
    %add3A_28 = arith.addf %add3A_23, %add3A_27 : vector<512x128xf32>
    %get3A_29 = arith.constant 0 : index
    %get3A_30 = arith.constant 0 : index
    %get3A_31 = arith.constant 0 : index
    %get3A_32 = vector.load %arg3[%get3A_29, %get3A_30, %get3A_31] : memref<1x1x512xi32, #tpu.memory_space<vmem>>, vector<1x1x512xi32>
    %get3A_33 = vector.shape_cast %get3A_32 : vector<1x1x512xi32> to vector<1x512xi32>
    %iota3A = tpu.iota {dimensions = array<i32: 0>} : vector<64x512xi32>
    %eq3A_34 = vector.broadcast %get3A_33 : vector<1x512xi32> to vector<64x512xi32>
    %eq3A_35 = arith.cmpi eq, %iota3A, %eq3A_34 : vector<64x512xi32>
    %jit3A = arith.constant 1.000000e+00 : f32
    %jit3A_36 = arith.constant 0.000000e+00 : f32
    %broadcast_in_dim3A = vector.broadcast %jit3A : f32 to vector<64x512xf32>
    %broadcast_in_dim3A_37 = vector.broadcast %jit3A_36 : f32 to vector<64x512xf32>
    %select_n3A = arith.select %eq3A_35, %broadcast_in_dim3A, %broadcast_in_dim3A_37 : vector<64x512xi1>, vector<64x512xf32>
    %get3A_38 = arith.constant 0 : index
    %get3A_39 = arith.constant 0 : index
    %get3A_40 = vector.load %arg10[%get3A_38, %get3A_39] : memref<64x128xf32, #tpu.memory_space<vmem>>, vector<64x128xf32>
    %dot_general3A_41 = arith.constant dense<0.000000e+00> : vector<64x128xf32>
    %dot_general3A_42 = tpu.matmul %select_n3A, %add3A_28, %dot_general3A_41 {dimension_numbers = #tpu.dot_dimension_numbers<[1], [0], [0], [1], [0, 0, 1, 1], [], []>, transpose_lhs_hint = false} : vector<64x512xf32>, vector<512x128xf32>, vector<64x128xf32> -> vector<64x128xf32>
    %add3A_43 = arith.addf %get3A_40, %dot_general3A_42 : vector<64x128xf32>
    %swap3A = arith.constant 0 : index
    %swap3A_44 = arith.constant 0 : index
    %swap3A_45 = vector.load %arg10[%swap3A, %swap3A_44] : memref<64x128xf32, #tpu.memory_space<vmem>>, vector<64x128xf32>
    tpu.vector_store %arg10[%swap3A, %swap3A_44], %add3A_43 {strides = array<i32>} : memref<64x128xf32, #tpu.memory_space<vmem>>, vector<64x128xf32>,
    %get3A_46 = arith.constant 0 : index
    %get3A_47 = arith.constant 0 : index
    %get3A_48 = vector.load %arg11[%get3A_46, %get3A_47] : memref<64x1xf32, #tpu.memory_space<vmem>>, vector<64x1xf32>
    %reduce_sum3A = arith.constant dense<0.000000e+00> : vector<64xf32>
    %reduce_sum3A_49 = vector.multi_reduction <add>, %select_n3A, %reduce_sum3A [1] : vector<64x512xf32> to vector<64xf32>
    %broadcast_in_dim3A_50 = vector.shape_cast %reduce_sum3A_49 : vector<64xf32> to vector<64x1xf32>
    %add3A_51 = arith.addf %get3A_48, %broadcast_in_dim3A_50 : vector<64x1xf32>
    %swap3A_52 = arith.constant 0 : index
    %swap3A_53 = arith.constant 0 : index
    %swap3A_54 = vector.load %arg11[%swap3A_52, %swap3A_53] : memref<64x1xf32, #tpu.memory_space<vmem>>, vector<64x1xf32>
    tpu.vector_store %arg11[%swap3A_52, %swap3A_53], %add3A_51 {strides = array<i32>} : memref<64x1xf32, #tpu.memory_space<vmem>>, vector<64x1xf32>,
    %eq3A_55 = arith.constant 19 : i32
    %eq3A_56 = arith.cmpi eq, %arg0, %eq3A_55 : i32
    %convert_element_type3A_57 = arith.extui %eq3A_56 : i1 to i32
    %cond3A_58 = arith.constant 0 : i32
    %cond3A_59 = arith.cmpi ne, %convert_element_type3A_57, %cond3A_58 : i32
    scf.if %cond3A_59 {
      %get3A_60 = arith.constant 0 : index
      %get3A_61 = arith.constant 0 : index
      %get3A_62 = vector.load %arg11[%get3A_60, %get3A_61] : memref<64x1xf32, #tpu.memory_space<vmem>>, vector<64x1xf32>
      %max3A = arith.constant 1.000000e+00 : f32
      %max3A_63 = vector.broadcast %max3A : f32 to vector<64x1xf32>
      %max3A_64 = arith.maximumf %get3A_62, %max3A_63 : vector<64x1xf32>
      %get3A_65 = arith.constant 0 : index
      %get3A_66 = arith.constant 0 : index
      %get3A_67 = vector.load %arg10[%get3A_65, %get3A_66] : memref<64x128xf32, #tpu.memory_space<vmem>>, vector<64x128xf32>
      %div3A = vector.broadcast %max3A_64 : vector<64x1xf32> to vector<64x128xf32>
      %div3A_68 = arith.divf %get3A_67, %div3A : vector<64x128xf32>
      %get3A_69 = arith.constant 0 : index
      %get3A_70 = arith.constant 0 : index
      %get3A_71 = vector.load %arg7[%get3A_69, %get3A_70] : memref<128x10xf32, #tpu.memory_space<vmem>>, vector<128x10xf32>
      %dot_general3A_72 = arith.constant dense<0.000000e+00> : vector<64x10xf32>
      %dot_general3A_73 = tpu.matmul %div3A_68, %get3A_71, %dot_general3A_72 {dimension_numbers = #tpu.dot_dimension_numbers<[1], [0], [0], [1], [0, 0, 1, 1], [], []>, transpose_lhs_hint = false} : vector<64x128xf32>, vector<128x10xf32>, vector<64x10xf32> -> vector<64x10xf32>
      %get3A_74 = arith.constant 0 : index
      %get3A_75 = arith.constant 0 : index
      %get3A_76 = vector.load %arg8[%get3A_74, %get3A_75] : memref<1x10xf32, #tpu.memory_space<vmem>>, vector<1x10xf32>
      %add3A_77 = vector.broadcast %get3A_76 : vector<1x10xf32> to vector<64x10xf32>
      %add3A_78 = arith.addf %dot_general3A_73, %add3A_77 : vector<64x10xf32>
      %swap3A_79 = arith.constant 0 : index
      %swap3A_80 = arith.constant 0 : index
      %swap3A_81 = vector.load %arg9[%swap3A_79, %swap3A_80] : memref<64x10xf32, #tpu.memory_space<vmem>>, vector<64x10xf32>
      tpu.vector_store %arg9[%swap3A_79, %swap3A_80], %add3A_78 {strides = array<i32>} : memref<64x10xf32, #tpu.memory_space<vmem>>, vector<64x10xf32>,
    } else {
    }
    return
  }
  func.func @transform_0(%arg0: i32) -> (i32, i32, i32) {
    %c0_i32 = arith.constant 0 : i32
    %c0_i32_0 = arith.constant 0 : i32
    %c0_i32_1 = arith.constant 0 : i32
    return %c0_i32, %arg0, %c0_i32_0 : i32, i32, i32
  }
  func.func @transform_1(%arg0: i32) -> (i32, i32) {
    %c0_i32 = arith.constant 0 : i32
    %c0_i32_0 = arith.constant 0 : i32
    return %arg0, %c0_i32 : i32, i32
  }
  func.func @transform_2(%arg0: i32) -> (i32, i32, i32) {
    %c0_i32 = arith.constant 0 : i32
    %c0_i32_0 = arith.constant 0 : i32
    %c0_i32_1 = arith.constant 0 : i32
    return %arg0, %c0_i32, %c0_i32_0 : i32, i32, i32
  }
  func.func @transform_3(%arg0: i32) -> (i32, i32) {
    %c0_i32 = arith.constant 0 : i32
    %c0_i32_0 = arith.constant 0 : i32
    %c0_i32_1 = arith.constant 0 : i32
    return %c0_i32, %c0_i32_0 : i32, i32
  }
  func.func @transform_4(%arg0: i32) -> (i32, i32) {
    %c0_i32 = arith.constant 0 : i32
    %c0_i32_0 = arith.constant 0 : i32
    %c0_i32_1 = arith.constant 0 : i32
    return %c0_i32, %c0_i32_0 : i32, i32
  }
  func.func @transform_5(%arg0: i32) -> (i32, i32) {
    %c0_i32 = arith.constant 0 : i32
    %c0_i32_0 = arith.constant 0 : i32
    %c0_i32_1 = arith.constant 0 : i32
    return %c0_i32, %c0_i32_0 : i32, i32
  }
  func.func @transform_6(%arg0: i32) -> (i32, i32) {
    %c0_i32 = arith.constant 0 : i32
    %c0_i32_0 = arith.constant 0 : i32
    %c0_i32_1 = arith.constant 0 : i32
    return %c0_i32, %c0_i32_0 : i32, i32
  }
  func.func @transform_7(%arg0: i32) -> (i32, i32) {
    %c0_i32 = arith.constant 0 : i32
    %c0_i32_0 = arith.constant 0 : i32
    %c0_i32_1 = arith.constant 0 : i32
    return %c0_i32, %c0_i32_0 : i32, i32
  }
  func.func @transform_8(%arg0: i32) -> (i32, i32) {
    %c0_i32 = arith.constant 0 : i32
    %c0_i32_0 = arith.constant 0 : i32
    %c0_i32_1 = arith.constant 0 : i32
    return %c0_i32, %c0_i32_0 : i32, i32
  }
}

</mosaic_0001>

<sc_bundles>
// kernel: kernel.11.cloned.1.call-start
scs
__scs_entry_jumppad:
0x0: {  	(pc) =	sbr.rel $0x88, $3  }
0x1: {  	(tag) =	ssettag $0x0;
	lr =	simm.s32 $0x1  }
0x2: {  	[smem:$0x3F93] =	sst lr;
	_ =	strace $0xD0000000  }
0x3: {  	_ = 	snop  }
0x4: {  	_ = 	snop  }
0x5: {  	_ = 	snop  }
0x6: {  	_ = 	snop  }
0x7: {  	_ = 	snop  }
__scs_overlays_trampoline_lowered:
0x8: {  	[smem:$0x3FA2] =	sst s0  }
0x9: {  	[smem:$0x3FA3] =	sst s1  }
0xa: {  	[smem:$0x3FA4] =	sst s2  }
0xb: {  	[smem:$0x3FA5] =	sst s3  }
0xc: {  	[smem:$0x3FA6] =	sst s4  }
0xd: {  	[smem:$0x3FA7] =	sst s5  }
0xe: {  	[smem:$0x3FA8] =	sst s6  }
0xf: {  	[smem:$0x3FA9] =	sst s7  }
0x10: {  	[smem:$0x3FAA] =	sst s8  }
0x11: {  	[smem:$0x3FAB] =	sst s9;
	s0 =	simm.s32 @!p0 $0x0  }
0x12: {  	s1 =	sld [smem:$0x3F91];
	s0 =	simm.s32 @p0 $0x1  }
0x13: {  	[smem:$0x3FAC] =	sst s0;
	s0 =	simm.s32 @!p1 $0x0  }
0x14: {  	s2 =	sld [smem:$0x3F90];
	s0 =	simm.s32 @p1 $0x1  }
0x15: {  	[smem:$0x3FAD] =	sst s0;
	s0 =	simm.s32 @!p2 $0x0  }
0x16: {  	s3 =	sld [smem:$0x3FDB];
	s0 =	simm.s32 @p2 $0x1  }
0x17: {  	s4 =	simm.s32 $0x1BF5;
	[smem:$0x3FAF] =	sst s0  }
0x18: {  	s0 =	sld [smem:$0x3F92];
	_ =	swait.ge [sflag:s4], $0x0  }
0x19: {  	s7 =	sld [smem:$0x3F93]  }
0x1a: {  	s8 =	sadd.s32 $0xFFFFE003, lr  }
0x1b: {  	s9 =	sadd.s32 $0xFFFFFEF7, lr;
	s5 =	simm.s32 $0xFFFFFFFF;
	p2 =	slt.u32 s8, $0xFFFFF086  }
0x1c: {  	p1 =	slt.u32 s9, $0xF7A;
	s5 =	simm.s32 @!p2 $0x0  }
0x1d: {  	s5 =	simm.s32 @p1 $0x1;
	p0 =	seq.s32 s7, s2  }
0x1e: {  	s7 =	smul.u32 @!p0 $0xF7A, s2;
	p2 =	seq.s32 @!p0 s5, $0x0  }
0x1f: {  	s9 =	smul.u32 $0xF7A, s1;
	s8 =	simm.s32 @!p0 $0x1BF5;
	p2 =	por !p2, p0  }
0x20: {  	[sflag:s8] =	ssyncset.s32 @!p0 $0xFFFFF086;
	s6 =	sadd.s32 @!p0 s3, s7;
	s7 =	simm.s32 @!p0 $0x108  }
0x21: {  	s3 =	sadd.s32 s3, s9;
	s6 =	sadd.s32 @!p0 $0x88, s6;
	s7 =	simm.s32 @p2 $0x1082  }
0x22: {  	[simem:s7], [sflag:s8] =	dma.local @!p0 [hbm:s6], $0xF7A  }
0x23: {  	s9 =	sor.u32 $0xD0000000, s2;
	s6 =	simm.s32 $0x108;
	_ =	swait.ge @!p0 [sflag:s8], $0x0  }
0x24: {  	s3 =	sadd.s32 $0x88, s3;
	s6 =	simm.s32 @!p1 $0x1082;
	[sflag:s4] =	ssyncset.s32 $0xFFFFF086  }
0x25: {  	[simem:s6], [sflag:s4] =	dma.local [hbm:s3], $0xF7A  }
0x26: {  	[smem:$0x3F93] =	sst s1;
	(tag) =	ssettag s2;
	_ =	strace s9  }
0x27: {  	s1 =	sld [smem:$0x3FA3]  }
0x28: {  	s2 =	sld [smem:$0x3FA4]  }
0x29: {  	s4 =	sld [smem:$0x3FA6]  }
0x2a: {  	p0 =	seq.s32 s5, $0x0;
	s5 =	sld [smem:$0x3FA7]  }
0x2b: {  	s6 =	sld [smem:$0x3FA8]  }
0x2c: {  	s7 =	sld [smem:$0x3FA9]  }
0x2d: {  	s3 =	simm.s32 $0x108;
	s8 =	sld [smem:$0x3FAA]  }
0x2e: {  	s3 =	simm.s32 @!p0 $0x1082;
	s9 =	sld [smem:$0x3FAB]  }
0x2f: {  	lr =	sadd.s32 s0, s3;
	s0 =	sld [smem:$0x3FA2]  }
0x30: {  	s3 =	sld [smem:$0x3FA5]  }
0x31: {  	[smem:$0x3FAE] =	sst s10  }
0x32: {  	s10 =	sld [smem:$0x3FAC];
	_ =	sdelay $0x3  }
0x33: {  	p0 =	seq.s32 s10, $0x1;
	s10 =	sld [smem:$0x3FAE];
	_ =	sdelay $0x3  }
0x34: {  	[smem:$0x3FAE] =	sst s10  }
0x35: {  	s10 =	sld [smem:$0x3FAD];
	_ =	sdelay $0x3  }
0x36: {  	p1 =	seq.s32 s10, $0x1;
	s10 =	sld [smem:$0x3FAE];
	_ =	sdelay $0x3  }
0x37: {  	[smem:$0x3FAE] =	sst s10  }
0x38: {  	s10 =	sld [smem:$0x3FAF]  }
0x39: {  	_ = 	snop;
	(pc) =	sbr.ind lr, $3  }
0x3a: {  	_ = 	snop  }
0x3b: {  	_ = 	snop  }
0x3c: {  	p2 =	seq.s32 s10, $0x1;
	s10 =	sld [smem:$0x3FAE]  }
0x3d: {  	_ =	shalt  }
0x3e: {  	_ =	shalt  }
0x3f: {  	_ =	shalt  }
0x40: {  	_ =	shalt  }
0x41: {  	_ =	shalt  }
0x42: {  	_ =	shalt  }
0x43: {  	_ =	shalt  }
0x44: {  	_ =	shalt  }
0x45: {  	_ =	shalt  }
0x46: {  	_ =	shalt  }
0x47: {  	_ =	shalt  }
0x48: {  	_ =	shalt  }
0x49: {  	_ =	shalt  }
0x4a: {  	_ =	shalt  }
0x4b: {  	_ =	shalt  }
0x4c: {  	_ =	shalt  }
0x4d: {  	_ =	shalt  }
0x4e: {  	_ =	shalt  }
0x4f: {  	_ =	shalt  }
0x50: {  	_ =	shalt  }
0x51: {  	_ =	shalt  }
0x52: {  	_ =	shalt  }
0x53: {  	_ =	shalt  }
0x54: {  	_ =	shalt  }
0x55: {  	_ =	shalt  }
0x56: {  	_ =	shalt  }
0x57: {  	_ =	shalt  }
0x58: {  	_ =	shalt  }
0x59: {  	_ =	shalt  }
0x5a: {  	_ =	shalt  }
0x5b: {  	_ =	shalt  }
0x5c: {  	_ =	shalt  }
0x5d: {  	_ =	shalt  }
0x5e: {  	_ =	shalt  }
0x5f: {  	_ =	shalt  }
0x60: {  	_ =	shalt  }
0x61: {  	_ =	shalt  }
0x62: {  	_ =	shalt  }
0x63: {  	_ =	shalt  }
0x64: {  	_ =	shalt  }
0x65: {  	_ =	shalt  }
0x66: {  	_ =	shalt  }
0x67: {  	_ =	shalt  }
0x68: {  	_ =	shalt  }
0x69: {  	_ =	shalt  }
0x6a: {  	_ =	shalt  }
0x6b: {  	_ =	shalt  }
0x6c: {  	_ =	shalt  }
0x6d: {  	_ =	shalt  }
0x6e: {  	_ =	shalt  }
0x6f: {  	_ =	shalt  }
0x70: {  	_ =	shalt  }
0x71: {  	_ =	shalt  }
0x72: {  	_ =	shalt  }
0x73: {  	_ =	shalt  }
0x74: {  	_ =	shalt  }
0x75: {  	_ =	shalt  }
0x76: {  	_ =	shalt  }
0x77: {  	_ =	shalt  }
0x78: {  	_ =	shalt  }
0x79: {  	_ =	shalt  }
0x7a: {  	_ =	shalt  }
0x7b: {  	_ =	shalt  }
0x7c: {  	_ =	shalt  }
0x7d: {  	_ =	shalt  }
0x7e: {  	_ =	shalt  }
0x7f: {  	_ =	shalt  }
0x80: {  	_ =	shalt  }
0x81: {  	_ =	shalt  }
0x82: {  	_ =	shalt  }
0x83: {  	_ =	shalt  }
0x84: {  	_ =	shalt  }
0x85: {  	_ =	shalt  }
0x86: {  	_ =	shalt  }
0x87: {  	_ =	shalt  }
.Lfunc_end0:
.L_simem_size_0:
called_computation.1_lowered:
.L_overlay_start_0:
0x88: {  	s2 =	sld [smem:$0x3FD9]  }
0x89: {  	s3 =	sld [smem:$0x3FFE];
	_ =	sdelay $0x1  }
0x8a: {  	s1 =	srdreg.scid  }
0x8b: {  	s0 =	sand.u32 $0x1, s1  }
0x8c: {  	s16 =	sshll.u32 s0, $0xA;
	s2 =	sadd.s32 s3, s2  }
0x8d: {  	s2 =	sadd.s32 s2, s16  }
0x8e: {  	[smem:$0x3FBA] =	sst s2  }
0x8f: {  	_ = 	snop  }
0x90: {  	(tm) =	ssettm $0x1  }
0x91: {  	s17 =	sld [smem:$0x3FFB];
	_ =	sdelay $0x3  }
0x92: {  	_ =	strace s17  }
0x93: {  	s2 =	sld [smem:$0x3FFC];
	_ =	sdelay $0x3  }
0x94: {  	_ =	strace s2  }
0x95: {  	s2 =	sld [smem:$0x3FFD];
	_ =	sdelay $0x3  }
0x96: {  	_ =	strace s2  }
0x97: {  	_ =	strace $0x8FFFFFFF  }
0x98: {  	s18 =	sld [smem:$0x3FDB];
	_ =	sdelay $0x1  }
0x99: {  	s19 =	simm.s32 $_scs_section_size  }
0x9a: {  	s4 =	simm.s32 $_size__tile_overlayer_lowered;
	s5 =	simm.s32 $_tile_overlayer_lowered  }
0x9b: {  	s22 =	simm.s32 $0x1BFF;
	s21 =	sshll.u32 s5, $0x1;
	s2 =	sadd.s32 s19, s18  }
0x9c: {  	s6 =	simm.s32 $0x0;
	s20 =	sshll.u32 s4, $0x1;
	s4 =	sadd.s32 s21, s2  }
0x9d: {  	[timem:s6], [sflag:s22] =	dma.local [hbm:s4], s20  }
0x9e: {  	_ =	swait.ge [sflag:s22], s20  }
0x9f: {  	s3 =	ssub.s32 $0x0, s20;
	[sflag:s22] =	ssyncset.done $0x0  }
0xa0: {  	[sflag:s22] =	ssyncadd.s32 s3;
	_ =	sdelay $0x1  }
0xa1: {  	s23 =	simm.s32 $0x1B8B  }
0xa2: {  	_ =	swait.ge [sflag:s23], $0x1  }
0xa3: {  	[sflag:s23] =	ssyncset.done $0x0  }
0xa4: {  	s25 =	simm.s32 $0x1B8E;
	s24 =	sld [smem:$0x3FFE];
	[sflag:s23] =	ssyncadd.s32 $0xFFFFFFFF  }
0xa5: {  	s26 =	simm.s32 $execute0_lowered;
	[smem:$0x3FD2] =	sst s25  }
0xa6: {  	s4 =	sshll.u32 s26, $0x1;
	_ =	strace $0x80000049;
	[dreg:$0x1] =	wrdreg $0xFFFFFFFF  }
0xa7: {  	s28 =	simm.s32 $_size_execute0_lowered;
	s2 =	sadd.s32 s2, s4;
	[dreg:$0x0] =	wrdreg $0x0  }
0xa8: {  	s4 =	sshll.u32 s28, $0x1;
	[dreg:$0x2] =	wrdreg s2  }
0xa9: {  	[dreg:$0x3] =	wrdreg s4  }
0xaa: {  	[dreg:$0x4] =	wrdreg $0xC0  }
0xab: {  	_ =	task [dreg:s6], $0x5FFFF  }
0xac: {  	[dreg:$0x1] =	wrdreg $0xFFFFFFFF  }
0xad: {  	[dreg:$0x0] =	wrdreg $0x60  }
0xae: {  	[dreg:$0x2] =	wrdreg s24  }
0xaf: {  	[dreg:$0x3] =	wrdreg $0xC0000  }
0xb0: {  	[dreg:$0x4] =	wrdreg $0x9  }
0xb1: {  	_ =	task.clear_ibuf [dreg:s6], $0x5FFFF;
	_ =	strace $0x90000049  }
0xb2: {  	s29 =	simm.s32 $0x9;
	_ =	strace $0x8000004B  }
0xb3: {  	_ =	swait.ge [sflag:s29], $0x1  }
0xb4: {  	[sflag:s29] =	ssyncadd.s32 $0xFFFFFFFF  }
0xb5: {  	_ =	strace $0x9000004B  }
0xb6: {  	_ =	sfence  }
0xb7: {  	s30 =	sld [smem:$0x0];
	_ =	sdelay $0x2  }
0xb8: {  	s31 =	sshll.u32 s1, $0xD;
	s1 =	sshrl.u32 s1, $0x2  }
0xb9: {  	s3 =	sand.u32 $0x4000, s31;
	s1 =	sadd.s32 s1, s30  }
0xba: {  	s0 =	sor.u32 s3, s0;
	s1 =	sshll.u32 s1, $0x11  }
0xbb: {  	s0 =	sor.u32 s1, s0  }
0xbc: {  	s0 =	sadd.s32 $0x8F2B, s0  }
0xbd: {  	[sflag:s0] =	ssyncadd.remote.s32 $0x1  }
0xbe: {  	_ =	sfence.sel $0xFFFF  }
0xbf: {  	[dreg:$0x0] =	wrdreg $0xFFFFFFFF;
	(pc) =	sbr.abs _section_cstart, $3  }
0xc0: {  	[dreg:$0x1] =	wrdreg $0xFFFFFFFF  }
0xc1: {  	_ =	task.clear_ibuf [dreg:s6], $0x2FFFF;
	_ =	strace $0x9FFFFFFF  }
0xc2: {  	(tm) =	ssettm $0x7FFFFFFF  }
0xc3: {  	_ =	shalt  }
tec
execute0_lowered:
.L_overlay_start_1:
0x0: {  	(tag) =	ssettag $0x1  }
0x1: {  	s0 =	rddreg [dreg:$0x0]  }
0x2: {  	s2 =	rddreg [dreg:$0x1];
	s11 =	simm.s32 $0x0  }
0x3: {  	s3 =	stileid.u32;
	s1 =	srdreg.scid;
	s13 =	simm.s32 $0x9  }
0x4: {  	s14 =	simm.s32 $0x1000;
	s15 =	simm.s32 $0x50;
	s16 =	simm.s32 $0x2000  }
0x5: {  	s17 =	simm.s32 $0x80;
	s18 =	simm.s32 $0x4800;
	s19 =	simm.s32 $0x100  }
0x6: {  	s20 =	simm.s32 $0x7000;
	s21 =	simm.s32 $0x180;
	s28 =	simm.s32 $0x5  }
0x7: {  	s29 =	simm.s32 $0x6;
	s30 =	simm.s32 $0x7;
	s31 =	simm.s32 $0x8  }
0x8: {  	[smem:$0x7FF] =	sst s11;
	s7 =	smul.u32 $0x14000, s3;
	s1 =	sand.u32 $0x1, s1  }
0x9: {  	s4 =	sadd.s32 $0x23C00, s0;
	s5 =	sadd.s32 $0x3C00, s0;
	s6 =	sadd.s32 $0x13C00, s0  }
0xa: {  	s22 =	smul.u32 $0x50000, s3;
	s24 =	sshll.u32 s3, $0x6;
	s25 =	sshll.u32 s3, $0xB  }
0xb: {  	_ =	strace $0x8000004A;
	s8 =	smul.u32 $0x140000, s1;
	s10 =	ssub.s32 $0x2, s1  }
0xc: {  	s1 =	sshll.u32 s1, $0xF;
	s12 =	sor.u32 $0x1C09, s24;
	s24 =	simm.s32 $0x2  }
0xd: {  	s9 =	sshrl.u32 s7, $0x3;
	s23 =	sshrl.u32 s10, $0x1;
	[dreg:$0x5] =	wrdreg s12  }
0xe: {  	s7 =	sadd.s32 s7, s8;
	s9 =	sadd.s32 s9, s0;
	s8 =	sshrl.u32 s22, $0x2  }
0xf: {  	s22 =	simm.s32 $0x9800;
	s7 =	sshrl.u32 s7, $0x3;
	s8 =	sadd.s32 s8, s2  }
0x10: {  	s9 =	sadd.s32 $0x4BC00, s9;
	s0 =	sadd.s32 s7, s0;
	s7 =	ssub.s32 s10, s23  }
0x11: {  	[dreg:$0x4] =	wrdreg s9;
	s9 =	sor.u32 s1, s25;
	s8 =	sshrl.u32 s8, $0x3  }
0x12: {  	s23 =	simm.s32 $0x1;
	s25 =	simm.s32 $0x3;
	s1 =	simm.s32 $0x1E80  }
0x13: {  	s10 =	simm.s32 $0x1F80;
	s0 =	sadd.s32 $0x73C00, s0;
	[dreg:$0x8] =	wrdreg s8  }
0x14: {  	s26 =	smax.u32 s7, $0x1;
	s7 =	simm.s32 $0x1F00;
	[dreg:$0x6] =	wrdreg s0  }
0x15: {  	[dreg:$0x7] =	wrdreg s26;
	s26 =	simm.s32 $0x4;
	s0 =	simm.s32 $0x1E00  }
.LBB2_1:
0x16: {  	[dreg:$0x3] =	wrdreg s11  }
0x17: {  	s3 =	rddreg [dreg:$0x4]  }
0x18: {  	[spmem:s8], [sflag:s12] =	dma.local [hbm:s3], $0x2800  }
0x19: {  	_ =	swait.ge [sflag:s13], $0x2800  }
0x1a: {  	[sflag:s13] =	ssyncset.done $0x0  }
0x1b: {  	[sflag:s13] =	ssyncadd.s32 $0xFFFFD800  }
0x1c: {  	s11 =	simm.s32 $0x0;
	[bflag:$0x0] =	sbarrier.arrive $0xFFFF  }
.LBB2_2:
0x1d: {  	s8 =	sshll.u32 s11, $0x9  }
0x1e: {  	s8 =	sadd.s32 s9, s8  }
0x1f: {  	s3 =	simm.s32 $0x0;
	s12 =	sadd.s32 s5, s8  }
0x20: {  	[tilespmem:s3], [sflag:$0x9] =	stream.linear.gather [hbm4b:s12+s3], $0x1000, $0x38;
	v63 =	vld [tilespmem:$0x0]  }
0x21: {  	_ =	swait.ge [sflag:s13], $0x1000  }
0x22: {  	[sflag:s13] =	ssyncset.done $0x0  }
0x23: {  	s8 =	sadd.s32 s6, s8;
	[sflag:s13] =	ssyncadd.s32 $0xFFFFF000  }
0x24: {  	[tilespmem:s14], [sflag:$0x9] =	stream.linear.gather [hbm4b:s8+s3], $0x1000, $0x38;
	v63 =	vld [tilespmem:$0x0]  }
0x25: {  	_ =	swait.ge [sflag:s13], $0x1000  }
0x26: {  	[sflag:s13] =	ssyncset.done $0x0  }
0x27: {  	[sflag:s13] =	ssyncadd.s32 $0xFFFFF000  }
0x28: {  	[tilespmem:s16], [sflag:$0x1] =	stream.indirect.gather [hbm4b:s4+s15], $0x80, s3, s15, $0xb8;
	v63 =	vld [tilespmem:$0x0]  }
0x29: {  	_ = 	snop  }
0x2a: {  	[tilespmem:s18], [sflag:$0x2] =	stream.indirect.gather [hbm4b:s4+s15], $0x80, s17, s15, $0xb8;
	v63 =	vld [tilespmem:$0x0]  }
0x2b: {  	_ = 	snop  }
0x2c: {  	[tilespmem:s20], [sflag:$0x3] =	stream.indirect.gather [hbm4b:s4+s15], $0x80, s19, s15, $0xb8;
	v63 =	vld [tilespmem:$0x0]  }
0x2d: {  	_ = 	snop  }
0x2e: {  	[tilespmem:s22], [sflag:$0x4] =	stream.indirect.gather [hbm4b:s4+s15], $0x80, s21, s15, $0xb8;
	v63 =	vld [tilespmem:$0x0]  }
0x2f: {  	_ =	swait.ge [sflag:s23], $0x2800  }
0x30: {  	[sflag:s23] =	ssyncset.done $0x0  }
0x31: {  	s12 =	simm.s32 $0x1000;
	[sflag:s23] =	ssyncadd.s32 $0xFFFFD800  }
0x32: {  	[spmem:s2] =	stream.indirect.scatter.add.f32 [tilespmem:s16], [sflag:$0x5], $0x80, s12, s15, $0xb8;
	v63 =	vld [tilespmem:$0x0]  }
0x33: {  	_ =	swait.ge [sflag:s24], $0x2800  }
0x34: {  	[sflag:s24] =	ssyncset.done $0x0  }
0x35: {  	s8 =	simm.s32 $0x1080;
	[sflag:s24] =	ssyncadd.s32 $0xFFFFD800  }
0x36: {  	[spmem:s2] =	stream.indirect.scatter.add.f32 [tilespmem:s18], [sflag:$0x6], $0x80, s8, s15, $0xb8;
	v63 =	vld [tilespmem:$0x0]  }
0x37: {  	_ =	swait.ge [sflag:s25], $0x2800  }
0x38: {  	[sflag:s25] =	ssyncset.done $0x0  }
0x39: {  	s12 =	simm.s32 $0x1100;
	[sflag:s25] =	ssyncadd.s32 $0xFFFFD800  }
0x3a: {  	[spmem:s2] =	stream.indirect.scatter.add.f32 [tilespmem:s20], [sflag:$0x7], $0x80, s12, s15, $0xb8;
	v63 =	vld [tilespmem:$0x0]  }
0x3b: {  	_ =	swait.ge [sflag:s26], $0x2800  }
0x3c: {  	[sflag:s26] =	ssyncset.done $0x0  }
0x3d: {  	s8 =	simm.s32 $0x1180;
	[sflag:s26] =	ssyncadd.s32 $0xFFFFD800  }
0x3e: {  	[spmem:s2] =	stream.indirect.scatter.add.f32 [tilespmem:s22], [sflag:$0x8], $0x80, s8, s15, $0xb8;
	v63 =	vld [tilespmem:$0x0]  }
0x3f: {  	_ =	swait.ge [sflag:s28], $0x2800  }
0x40: {  	[sflag:s28] =	ssyncset.done $0x0  }
0x41: {  	s12 =	simm.s32 $0x200;
	[sflag:s28] =	ssyncadd.s32 $0xFFFFD800  }
0x42: {  	[tilespmem:s16], [sflag:$0x1] =	stream.indirect.gather [hbm4b:s4+s15], $0x80, s12, s15, $0xb8;
	v63 =	vld [tilespmem:$0x0]  }
0x43: {  	_ =	swait.ge [sflag:s29], $0x2800  }
0x44: {  	[sflag:s29] =	ssyncset.done $0x0  }
0x45: {  	s8 =	simm.s32 $0x280;
	[sflag:s29] =	ssyncadd.s32 $0xFFFFD800  }
0x46: {  	[tilespmem:s18], [sflag:$0x2] =	stream.indirect.gather [hbm4b:s4+s15], $0x80, s8, s15, $0xb8;
	v63 =	vld [tilespmem:$0x0]  }
0x47: {  	_ =	swait.ge [sflag:s30], $0x2800  }
0x48: {  	[sflag:s30] =	ssyncset.done $0x0  }
0x49: {  	s12 =	simm.s32 $0x300;
	[sflag:s30] =	ssyncadd.s32 $0xFFFFD800  }
0x4a: {  	[tilespmem:s20], [sflag:$0x3] =	stream.indirect.gather [hbm4b:s4+s15], $0x80, s12, s15, $0xb8;
	v63 =	vld [tilespmem:$0x0]  }
0x4b: {  	_ =	swait.ge [sflag:s31], $0x2800  }
0x4c: {  	[sflag:s31] =	ssyncset.done $0x0  }
0x4d: {  	s8 =	simm.s32 $0x800;
	s12 =	simm.s32 $0x380;
	[sflag:s31] =	ssyncadd.s32 $0xFFFFD800  }
.LBB2_3:
0x4e: {  	[tilespmem:s22], [sflag:$0x4] =	stream.indirect.gather [hbm4b:s4+s15], $0x80, s12, s15, $0xb8;
	v63 =	vld [tilespmem:$0x0]  }
0x4f: {  	s3 =	smov.u32 s8  }
0x50: {  	p0 =	sne.s32 s8, $0x3000;
	s8 =	sadd.s32 $0x800, s8;
	_ =	swait.ge [sflag:s23], $0x2800  }
0x51: {  	s12 =	sshra.s32 s3, $0x2;
	[sflag:s23] =	ssyncset.done $0x0  }
0x52: {  	s3 =	sadd.s32 $0x1000, s12;
	[sflag:s23] =	ssyncadd.s32 $0xFFFFD800  }
0x53: {  	[spmem:s2] =	stream.indirect.scatter.add.f32 [tilespmem:s16], [sflag:$0x5], $0x80, s3, s15, $0xb8;
	v63 =	vld [tilespmem:$0x0]  }
0x54: {  	_ =	swait.ge [sflag:s24], $0x2800  }
0x55: {  	[sflag:s24] =	ssyncset.done $0x0  }
0x56: {  	s3 =	sadd.s32 $0x1080, s12;
	[sflag:s24] =	ssyncadd.s32 $0xFFFFD800  }
0x57: {  	[spmem:s2] =	stream.indirect.scatter.add.f32 [tilespmem:s18], [sflag:$0x6], $0x80, s3, s15, $0xb8;
	v63 =	vld [tilespmem:$0x0]  }
0x58: {  	_ =	swait.ge [sflag:s25], $0x2800  }
0x59: {  	[sflag:s25] =	ssyncset.done $0x0  }
0x5a: {  	s3 =	sadd.s32 $0x1100, s12;
	[sflag:s25] =	ssyncadd.s32 $0xFFFFD800  }
0x5b: {  	[spmem:s2] =	stream.indirect.scatter.add.f32 [tilespmem:s20], [sflag:$0x7], $0x80, s3, s15, $0xb8;
	v63 =	vld [tilespmem:$0x0]  }
0x5c: {  	_ =	swait.ge [sflag:s26], $0x2800  }
0x5d: {  	[sflag:s26] =	ssyncset.done $0x0  }
0x5e: {  	s3 =	sadd.s32 $0x1180, s12;
	[sflag:s26] =	ssyncadd.s32 $0xFFFFD800  }
0x5f: {  	[spmem:s2] =	stream.indirect.scatter.add.f32 [tilespmem:s22], [sflag:$0x8], $0x80, s3, s15, $0xb8;
	v63 =	vld [tilespmem:$0x0]  }
0x60: {  	_ =	swait.ge [sflag:s28], $0x2800  }
0x61: {  	[sflag:s28] =	ssyncset.done $0x0  }
0x62: {  	s3 =	sadd.s32 $0x200, s12;
	[sflag:s28] =	ssyncadd.s32 $0xFFFFD800  }
0x63: {  	[tilespmem:s16], [sflag:$0x1] =	stream.indirect.gather [hbm4b:s4+s15], $0x80, s3, s15, $0xb8;
	v63 =	vld [tilespmem:$0x0]  }
0x64: {  	_ =	swait.ge [sflag:s29], $0x2800  }
0x65: {  	[sflag:s29] =	ssyncset.done $0x0  }
0x66: {  	s3 =	sadd.s32 $0x280, s12;
	[sflag:s29] =	ssyncadd.s32 $0xFFFFD800  }
0x67: {  	[tilespmem:s18], [sflag:$0x2] =	stream.indirect.gather [hbm4b:s4+s15], $0x80, s3, s15, $0xb8;
	v63 =	vld [tilespmem:$0x0]  }
0x68: {  	_ =	swait.ge [sflag:s30], $0x2800  }
0x69: {  	[sflag:s30] =	ssyncset.done $0x0  }
.Ltmp0:
0x6a: {  	s3 =	sadd.s32 $0x300, s12;
	[sflag:s30] =	ssyncadd.s32 $0xFFFFD800;
	(pc) =	sbr.rel @p0 .LBB2_3-.Ltmp0, $4  }
0x6b: {  	[tilespmem:s20], [sflag:$0x3] =	stream.indirect.gather [hbm4b:s4+s15], $0x80, s3, s15, $0xb8;
	v63 =	vld [tilespmem:$0x0]  }
0x6c: {  	_ =	swait.ge [sflag:s31], $0x2800  }
0x6d: {  	[sflag:s31] =	ssyncset.done $0x0  }
0x6e: {  	s12 =	sadd.s32 $0x380, s12;
	[sflag:s31] =	ssyncadd.s32 $0xFFFFD800  }
0x6f: {  	[tilespmem:s22], [sflag:$0x4] =	stream.indirect.gather [hbm4b:s4+s15], $0x80, s12, s15, $0xb8;
	v63 =	vld [tilespmem:$0x0]  }
0x70: {  	_ =	swait.ge [sflag:s23], $0x2800  }
0x71: {  	[sflag:s23] =	ssyncset.done $0x0  }
0x72: {  	[sflag:s23] =	ssyncadd.s32 $0xFFFFD800  }
0x73: {  	[spmem:s2] =	stream.indirect.scatter.add.f32 [tilespmem:s16], [sflag:$0x5], $0x80, s0, s15, $0xb8;
	v63 =	vld [tilespmem:$0x0]  }
0x74: {  	_ =	swait.ge [sflag:s24], $0x2800  }
0x75: {  	[sflag:s24] =	ssyncset.done $0x0  }
0x76: {  	[sflag:s24] =	ssyncadd.s32 $0xFFFFD800  }
0x77: {  	[spmem:s2] =	stream.indirect.scatter.add.f32 [tilespmem:s18], [sflag:$0x6], $0x80, s1, s15, $0xb8;
	v63 =	vld [tilespmem:$0x0]  }
0x78: {  	_ =	swait.ge [sflag:s25], $0x2800  }
0x79: {  	[sflag:s25] =	ssyncset.done $0x0  }
0x7a: {  	[sflag:s25] =	ssyncadd.s32 $0xFFFFD800  }
0x7b: {  	[spmem:s2] =	stream.indirect.scatter.add.f32 [tilespmem:s20], [sflag:$0x7], $0x80, s7, s15, $0xb8;
	v63 =	vld [tilespmem:$0x0]  }
0x7c: {  	_ =	swait.ge [sflag:s26], $0x2800  }
0x7d: {  	[sflag:s26] =	ssyncset.done $0x0  }
0x7e: {  	[sflag:s26] =	ssyncadd.s32 $0xFFFFD800  }
0x7f: {  	[spmem:s2] =	stream.indirect.scatter.add.f32 [tilespmem:s22], [sflag:$0x8], $0x80, s10, s15, $0xb8;
	v63 =	vld [tilespmem:$0x0]  }
0x80: {  	_ =	swait.ge [sflag:s28], $0x2800  }
0x81: {  	[sflag:s28] =	ssyncset.done $0x0  }
0x82: {  	[sflag:s28] =	ssyncadd.s32 $0xFFFFD800  }
0x83: {  	_ =	swait.ge [sflag:s29], $0x2800  }
0x84: {  	[sflag:s29] =	ssyncset.done $0x0  }
0x85: {  	s11 =	sadd.s32 $0x1, s11;
	[sflag:s29] =	ssyncadd.s32 $0xFFFFD800  }
0x86: {  	p0 =	sne.s32 s11, $0x4;
	_ =	swait.ge [sflag:s30], $0x2800  }
.Ltmp1:
0x87: {  	[sflag:s30] =	ssyncset.done $0x0;
	(pc) =	sbr.rel @p0 .LBB2_2-.Ltmp1, $4  }
0x88: {  	[sflag:s30] =	ssyncadd.s32 $0xFFFFD800  }
0x89: {  	_ =	swait.ge [sflag:s31], $0x2800  }
0x8a: {  	[sflag:s31] =	ssyncset.done $0x0  }
0x8b: {  	[sflag:s31] =	ssyncadd.s32 $0xFFFFD800  }
0x8c: {  	[bflag:$0x0] =	sbarrier.arrive $0xFFFF  }
0x8d: {  	s12 =	rddreg [dreg:$0x5]  }
0x8e: {  	s3 =	rddreg [dreg:$0x6]  }
0x8f: {  	s8 =	rddreg [dreg:$0x8]  }
0x90: {  	[hbm:s3], [sflag:s12] =	dma.local [spmem:s8], $0x2800  }
0x91: {  	_ =	swait.ge [sflag:s13], $0x2800  }
0x92: {  	s11 =	rddreg [dreg:$0x3]  }
0x93: {  	s3 =	rddreg [dreg:$0x7];
	s11 =	sadd.s32 $0x1, s11  }
0x94: {  	p0 =	sne.s32 s11, s3  }
.Ltmp2:
0x95: {  	_ = 	snop;
	(pc) =	sbr.rel @p0 .LBB2_1-.Ltmp2, $3  }
0x96: {  	_ =	sdelay $0x1  }
0x97: {  	[sflag:s13] =	ssyncset.done $0x0  }
0x98: {  	[sflag:s13] =	ssyncadd.s32 $0xFFFFD800  }
0x99: {  	_ =	sfence.sel $0x180000  }
0x9a: {  	[bflag:$0x0] =	sbarrier.arrive $0xFFFF  }
0x9b: {  	_ =	strace $0x9000004A  }
0x9c: {  	s0 =	stileid.u32;
	[bflag:$0x2] =	sbarrier.arrive $0xFFFF  }
0x9d: {  	p0 =	sne.s32 s0, $0x0;
	s0 =	rddreg [dreg:$0x2]  }
0x9e: {  	s0 =	sadd.s32 @!p0 $0x100000, s0  }
0x9f: {  	[sflag:s0] =	ssyncadd.tile.s32 @!p0 $0x1;
	_ =	shalt  }
.Lfunc_end2:
_tile_overlayer_lowered:
.L_overlay_start_2:
0xa0: {  	(tag) =	ssettag $0x2  }
0xa1: {  	s0 =	rddreg [dreg:$0x0];
	s2 =	stileid.u32  }
0xa2: {  	s1 =	rddreg [dreg:$0x1];
	p0 =	sne.s32 s2, $0x0  }
0xa3: {  	s3 =	rddreg [dreg:$0x2];
	[bflag:$0x3] =	sbarrier.arrive $0xFFFF;
	s2 =	simm.s32 @!p0 $0x1C09  }
0xa4: {  	[timem:s3], [sflag:s2] =	dma.local @!p0 [hbm:s0], s1  }
0xa5: {  	s0 =	simm.s32 @!p0 $0x9  }
0xa6: {  	_ =	swait.ge @!p0 [sflag:s0], s1  }
0xa7: {  	s1 =	ssub.s32 @!p0 $0x0, s1;
	[sflag:s0] =	ssyncset.done @!p0 $0x0  }
0xa8: {  	[sflag:s0] =	ssyncadd.s32 @!p0 s1  }
0xa9: {  	[bflag:$0x3] =	sbarrier.arrive $0xFFFF  }
0xaa: {  	_ =	shalt  }

// kernel: kernel.14.cloned.1.call-start
scs
__scs_entry_jumppad:
0x0: {  	(pc) =	sbr.rel $0x88, $3  }
0x1: {  	(tag) =	ssettag $0x0;
	lr =	simm.s32 $0x1  }
0x2: {  	[smem:$0x3F93] =	sst lr;
	_ =	strace $0xD0000000  }
0x3: {  	_ = 	snop  }
0x4: {  	_ = 	snop  }
0x5: {  	_ = 	snop  }
0x6: {  	_ = 	snop  }
0x7: {  	_ = 	snop  }
__scs_overlays_trampoline_lowered:
0x8: {  	[smem:$0x3FA2] =	sst s0  }
0x9: {  	[smem:$0x3FA3] =	sst s1  }
0xa: {  	[smem:$0x3FA4] =	sst s2  }
0xb: {  	[smem:$0x3FA5] =	sst s3  }
0xc: {  	[smem:$0x3FA6] =	sst s4  }
0xd: {  	[smem:$0x3FA7] =	sst s5  }
0xe: {  	[smem:$0x3FA8] =	sst s6  }
0xf: {  	[smem:$0x3FA9] =	sst s7  }
0x10: {  	[smem:$0x3FAA] =	sst s8  }
0x11: {  	[smem:$0x3FAB] =	sst s9;
	s0 =	simm.s32 @!p0 $0x0  }
0x12: {  	s1 =	sld [smem:$0x3F91];
	s0 =	simm.s32 @p0 $0x1  }
0x13: {  	[smem:$0x3FAC] =	sst s0;
	s0 =	simm.s32 @!p1 $0x0  }
0x14: {  	s2 =	sld [smem:$0x3F90];
	s0 =	simm.s32 @p1 $0x1  }
0x15: {  	[smem:$0x3FAD] =	sst s0;
	s0 =	simm.s32 @!p2 $0x0  }
0x16: {  	s3 =	sld [smem:$0x3FDB];
	s0 =	simm.s32 @p2 $0x1  }
0x17: {  	s4 =	simm.s32 $0x1BF5;
	[smem:$0x3FAF] =	sst s0  }
0x18: {  	s0 =	sld [smem:$0x3F92];
	_ =	swait.ge [sflag:s4], $0x0  }
0x19: {  	s7 =	sld [smem:$0x3F93]  }
0x1a: {  	s8 =	sadd.s32 $0xFFFFE003, lr  }
0x1b: {  	s9 =	sadd.s32 $0xFFFFFEF7, lr;
	s5 =	simm.s32 $0xFFFFFFFF;
	p2 =	slt.u32 s8, $0xFFFFF086  }
0x1c: {  	p1 =	slt.u32 s9, $0xF7A;
	s5 =	simm.s32 @!p2 $0x0  }
0x1d: {  	s5 =	simm.s32 @p1 $0x1;
	p0 =	seq.s32 s7, s2  }
0x1e: {  	s7 =	smul.u32 @!p0 $0xF7A, s2;
	p2 =	seq.s32 @!p0 s5, $0x0  }
0x1f: {  	s9 =	smul.u32 $0xF7A, s1;
	s8 =	simm.s32 @!p0 $0x1BF5;
	p2 =	por !p2, p0  }
0x20: {  	[sflag:s8] =	ssyncset.s32 @!p0 $0xFFFFF086;
	s6 =	sadd.s32 @!p0 s3, s7;
	s7 =	simm.s32 @!p0 $0x108  }
0x21: {  	s3 =	sadd.s32 s3, s9;
	s6 =	sadd.s32 @!p0 $0x88, s6;
	s7 =	simm.s32 @p2 $0x1082  }
0x22: {  	[simem:s7], [sflag:s8] =	dma.local @!p0 [hbm:s6], $0xF7A  }
0x23: {  	s9 =	sor.u32 $0xD0000000, s2;
	s6 =	simm.s32 $0x108;
	_ =	swait.ge @!p0 [sflag:s8], $0x0  }
0x24: {  	s3 =	sadd.s32 $0x88, s3;
	s6 =	simm.s32 @!p1 $0x1082;
	[sflag:s4] =	ssyncset.s32 $0xFFFFF086  }
0x25: {  	[simem:s6], [sflag:s4] =	dma.local [hbm:s3], $0xF7A  }
0x26: {  	[smem:$0x3F93] =	sst s1;
	(tag) =	ssettag s2;
	_ =	strace s9  }
0x27: {  	s1 =	sld [smem:$0x3FA3]  }
0x28: {  	s2 =	sld [smem:$0x3FA4]  }
0x29: {  	s4 =	sld [smem:$0x3FA6]  }
0x2a: {  	p0 =	seq.s32 s5, $0x0;
	s5 =	sld [smem:$0x3FA7]  }
0x2b: {  	s6 =	sld [smem:$0x3FA8]  }
0x2c: {  	s7 =	sld [smem:$0x3FA9]  }
0x2d: {  	s3 =	simm.s32 $0x108;
	s8 =	sld [smem:$0x3FAA]  }
0x2e: {  	s3 =	simm.s32 @!p0 $0x1082;
	s9 =	sld [smem:$0x3FAB]  }
0x2f: {  	lr =	sadd.s32 s0, s3;
	s0 =	sld [smem:$0x3FA2]  }
0x30: {  	s3 =	sld [smem:$0x3FA5]  }
0x31: {  	[smem:$0x3FAE] =	sst s10  }
0x32: {  	s10 =	sld [smem:$0x3FAC];
	_ =	sdelay $0x3  }
0x33: {  	p0 =	seq.s32 s10, $0x1;
	s10 =	sld [smem:$0x3FAE];
	_ =	sdelay $0x3  }
0x34: {  	[smem:$0x3FAE] =	sst s10  }
0x35: {  	s10 =	sld [smem:$0x3FAD];
	_ =	sdelay $0x3  }
0x36: {  	p1 =	seq.s32 s10, $0x1;
	s10 =	sld [smem:$0x3FAE];
	_ =	sdelay $0x3  }
0x37: {  	[smem:$0x3FAE] =	sst s10  }
0x38: {  	s10 =	sld [smem:$0x3FAF]  }
0x39: {  	_ = 	snop;
	(pc) =	sbr.ind lr, $3  }
0x3a: {  	_ = 	snop  }
0x3b: {  	_ = 	snop  }
0x3c: {  	p2 =	seq.s32 s10, $0x1;
	s10 =	sld [smem:$0x3FAE]  }
0x3d: {  	_ =	shalt  }
0x3e: {  	_ =	shalt  }
0x3f: {  	_ =	shalt  }
0x40: {  	_ =	shalt  }
0x41: {  	_ =	shalt  }
0x42: {  	_ =	shalt  }
0x43: {  	_ =	shalt  }
0x44: {  	_ =	shalt  }
0x45: {  	_ =	shalt  }
0x46: {  	_ =	shalt  }
0x47: {  	_ =	shalt  }
0x48: {  	_ =	shalt  }
0x49: {  	_ =	shalt  }
0x4a: {  	_ =	shalt  }
0x4b: {  	_ =	shalt  }
0x4c: {  	_ =	shalt  }
0x4d: {  	_ =	shalt  }
0x4e: {  	_ =	shalt  }
0x4f: {  	_ =	shalt  }
0x50: {  	_ =	shalt  }
0x51: {  	_ =	shalt  }
0x52: {  	_ =	shalt  }
0x53: {  	_ =	shalt  }
0x54: {  	_ =	shalt  }
0x55: {  	_ =	shalt  }
0x56: {  	_ =	shalt  }
0x57: {  	_ =	shalt  }
0x58: {  	_ =	shalt  }
0x59: {  	_ =	shalt  }
0x5a: {  	_ =	shalt  }
0x5b: {  	_ =	shalt  }
0x5c: {  	_ =	shalt  }
0x5d: {  	_ =	shalt  }
0x5e: {  	_ =	shalt  }
0x5f: {  	_ =	shalt  }
0x60: {  	_ =	shalt  }
0x61: {  	_ =	shalt  }
0x62: {  	_ =	shalt  }
0x63: {  	_ =	shalt  }
0x64: {  	_ =	shalt  }
0x65: {  	_ =	shalt  }
0x66: {  	_ =	shalt  }
0x67: {  	_ =	shalt  }
0x68: {  	_ =	shalt  }
0x69: {  	_ =	shalt  }
0x6a: {  	_ =	shalt  }
0x6b: {  	_ =	shalt  }
0x6c: {  	_ =	shalt  }
0x6d: {  	_ =	shalt  }
0x6e: {  	_ =	shalt  }
0x6f: {  	_ =	shalt  }
0x70: {  	_ =	shalt  }
0x71: {  	_ =	shalt  }
0x72: {  	_ =	shalt  }
0x73: {  	_ =	shalt  }
0x74: {  	_ =	shalt  }
0x75: {  	_ =	shalt  }
0x76: {  	_ =	shalt  }
0x77: {  	_ =	shalt  }
0x78: {  	_ =	shalt  }
0x79: {  	_ =	shalt  }
0x7a: {  	_ =	shalt  }
0x7b: {  	_ =	shalt  }
0x7c: {  	_ =	shalt  }
0x7d: {  	_ =	shalt  }
0x7e: {  	_ =	shalt  }
0x7f: {  	_ =	shalt  }
0x80: {  	_ =	shalt  }
0x81: {  	_ =	shalt  }
0x82: {  	_ =	shalt  }
0x83: {  	_ =	shalt  }
0x84: {  	_ =	shalt  }
0x85: {  	_ =	shalt  }
0x86: {  	_ =	shalt  }
0x87: {  	_ =	shalt  }
.Lfunc_end0:
.L_simem_size_0:
called_computation.2_lowered:
.L_overlay_start_0:
0x88: {  	s2 =	sld [smem:$0x3FD9]  }
0x89: {  	s3 =	sld [smem:$0x3FFE];
	_ =	sdelay $0x1  }
0x8a: {  	s1 =	srdreg.scid  }
0x8b: {  	s0 =	sand.u32 $0x1, s1  }
0x8c: {  	s16 =	sshll.u32 s0, $0xA;
	s2 =	sadd.s32 s3, s2  }
0x8d: {  	s2 =	sadd.s32 s2, s16  }
0x8e: {  	[smem:$0x3FBA] =	sst s2  }
0x8f: {  	_ = 	snop  }
0x90: {  	(tm) =	ssettm $0x1  }
0x91: {  	s17 =	sld [smem:$0x3FFB];
	_ =	sdelay $0x3  }
0x92: {  	_ =	strace s17  }
0x93: {  	s2 =	sld [smem:$0x3FFC];
	_ =	sdelay $0x3  }
0x94: {  	_ =	strace s2  }
0x95: {  	s2 =	sld [smem:$0x3FFD];
	_ =	sdelay $0x3  }
0x96: {  	_ =	strace s2  }
0x97: {  	_ =	strace $0x8FFFFFFF  }
0x98: {  	s18 =	sld [smem:$0x3FDB];
	_ =	sdelay $0x1  }
0x99: {  	s19 =	simm.s32 $_scs_section_size  }
0x9a: {  	s4 =	simm.s32 $_size__tile_overlayer_lowered;
	s5 =	simm.s32 $_tile_overlayer_lowered  }
0x9b: {  	s22 =	simm.s32 $0x1BFF;
	s21 =	sshll.u32 s5, $0x1;
	s2 =	sadd.s32 s19, s18  }
0x9c: {  	s6 =	simm.s32 $0x0;
	s20 =	sshll.u32 s4, $0x1;
	s4 =	sadd.s32 s21, s2  }
0x9d: {  	[timem:s6], [sflag:s22] =	dma.local [hbm:s4], s20  }
0x9e: {  	_ =	swait.ge [sflag:s22], s20  }
0x9f: {  	s3 =	ssub.s32 $0x0, s20;
	[sflag:s22] =	ssyncset.done $0x0  }
0xa0: {  	[sflag:s22] =	ssyncadd.s32 s3;
	_ =	sdelay $0x1  }
0xa1: {  	s23 =	simm.s32 $0x1B8B  }
0xa2: {  	_ =	swait.ge [sflag:s23], $0x1  }
0xa3: {  	[sflag:s23] =	ssyncset.done $0x0  }
0xa4: {  	s25 =	simm.s32 $0x1B8E;
	s24 =	sld [smem:$0x3FFE];
	[sflag:s23] =	ssyncadd.s32 $0xFFFFFFFF  }
0xa5: {  	s26 =	simm.s32 $execute0_lowered;
	[smem:$0x3FD2] =	sst s25  }
0xa6: {  	s4 =	sshll.u32 s26, $0x1;
	_ =	strace $0x8000004C;
	[dreg:$0x1] =	wrdreg $0xFFFFFFFF  }
0xa7: {  	s28 =	simm.s32 $_size_execute0_lowered;
	s2 =	sadd.s32 s2, s4;
	[dreg:$0x0] =	wrdreg $0x0  }
0xa8: {  	s4 =	sshll.u32 s28, $0x1;
	[dreg:$0x2] =	wrdreg s2  }
0xa9: {  	[dreg:$0x3] =	wrdreg s4  }
0xaa: {  	[dreg:$0x4] =	wrdreg $0xC0  }
0xab: {  	_ =	task [dreg:s6], $0x5FFFF  }
0xac: {  	[dreg:$0x1] =	wrdreg $0xFFFFFFFF  }
0xad: {  	[dreg:$0x0] =	wrdreg $0x60  }
0xae: {  	[dreg:$0x2] =	wrdreg s24  }
0xaf: {  	[dreg:$0x3] =	wrdreg $0xC0000  }
0xb0: {  	[dreg:$0x4] =	wrdreg $0x9  }
0xb1: {  	_ =	task.clear_ibuf [dreg:s6], $0x5FFFF;
	_ =	strace $0x9000004C  }
0xb2: {  	s29 =	simm.s32 $0x9;
	_ =	strace $0x8000004E  }
0xb3: {  	_ =	swait.ge [sflag:s29], $0x1  }
0xb4: {  	[sflag:s29] =	ssyncadd.s32 $0xFFFFFFFF  }
0xb5: {  	_ =	strace $0x9000004E  }
0xb6: {  	_ =	sfence  }
0xb7: {  	s30 =	sld [smem:$0x0];
	_ =	sdelay $0x2  }
0xb8: {  	s31 =	sshll.u32 s1, $0xD;
	s1 =	sshrl.u32 s1, $0x2  }
0xb9: {  	s3 =	sand.u32 $0x4000, s31;
	s1 =	sadd.s32 s1, s30  }
0xba: {  	s0 =	sor.u32 s3, s0;
	s1 =	sshll.u32 s1, $0x11  }
0xbb: {  	s0 =	sor.u32 s1, s0  }
0xbc: {  	s0 =	sadd.s32 $0x8F2B, s0  }
0xbd: {  	[sflag:s0] =	ssyncadd.remote.s32 $0x1  }
0xbe: {  	_ =	sfence.sel $0xFFFF  }
0xbf: {  	[dreg:$0x0] =	wrdreg $0xFFFFFFFF;
	(pc) =	sbr.abs _section_cstart, $3  }
0xc0: {  	[dreg:$0x1] =	wrdreg $0xFFFFFFFF  }
0xc1: {  	_ =	task.clear_ibuf [dreg:s6], $0x2FFFF;
	_ =	strace $0x9FFFFFFF  }
0xc2: {  	(tm) =	ssettm $0x7FFFFFFF  }
0xc3: {  	_ =	shalt  }
tec
execute0_lowered:
.L_overlay_start_1:
0x0: {  	(tag) =	ssettag $0x1  }
0x1: {  	s0 =	rddreg [dreg:$0x0]  }
0x2: {  	s2 =	rddreg [dreg:$0x1];
	s11 =	simm.s32 $0x0  }
0x3: {  	s3 =	stileid.u32;
	s1 =	srdreg.scid;
	s13 =	simm.s32 $0x9  }
0x4: {  	s14 =	simm.s32 $0x1000;
	s15 =	simm.s32 $0x50;
	s16 =	simm.s32 $0x2000  }
0x5: {  	s17 =	simm.s32 $0x80;
	s18 =	simm.s32 $0x4800;
	s19 =	simm.s32 $0x100  }
0x6: {  	s20 =	simm.s32 $0x7000;
	s21 =	simm.s32 $0x180;
	s28 =	simm.s32 $0x5  }
0x7: {  	s29 =	simm.s32 $0x6;
	s30 =	simm.s32 $0x7;
	s31 =	simm.s32 $0x8  }
0x8: {  	[smem:$0x7FF] =	sst s11;
	s7 =	smul.u32 $0x14000, s3;
	s1 =	sand.u32 $0x1, s1  }
0x9: {  	s4 =	sadd.s32 $0x23C00, s0;
	s5 =	sadd.s32 $0x3C00, s0;
	s6 =	sadd.s32 $0x13C00, s0  }
0xa: {  	s22 =	smul.u32 $0x50000, s3;
	s24 =	sshll.u32 s3, $0x6;
	s25 =	sshll.u32 s3, $0xB  }
0xb: {  	_ =	strace $0x8000004D;
	s8 =	smul.u32 $0x140000, s1;
	s10 =	ssub.s32 $0x2, s1  }
0xc: {  	s1 =	sshll.u32 s1, $0xF;
	s12 =	sor.u32 $0x1C09, s24;
	s24 =	simm.s32 $0x2  }
0xd: {  	s9 =	sshrl.u32 s7, $0x3;
	s23 =	sshrl.u32 s10, $0x1;
	[dreg:$0x5] =	wrdreg s12  }
0xe: {  	s7 =	sadd.s32 s7, s8;
	s9 =	sadd.s32 s9, s0;
	s8 =	sshrl.u32 s22, $0x2  }
0xf: {  	s22 =	simm.s32 $0x9800;
	s7 =	sshrl.u32 s7, $0x3;
	s8 =	sadd.s32 s8, s2  }
0x10: {  	s9 =	sadd.s32 $0x4BC00, s9;
	s0 =	sadd.s32 s7, s0;
	s7 =	ssub.s32 s10, s23  }
0x11: {  	[dreg:$0x4] =	wrdreg s9;
	s9 =	sor.u32 s1, s25;
	s8 =	sshrl.u32 s8, $0x3  }
0x12: {  	s23 =	simm.s32 $0x1;
	s25 =	simm.s32 $0x3;
	s1 =	simm.s32 $0x1E80  }
0x13: {  	s10 =	simm.s32 $0x1F80;
	s0 =	sadd.s32 $0x73C00, s0;
	[dreg:$0x8] =	wrdreg s8  }
0x14: {  	s26 =	smax.u32 s7, $0x1;
	s7 =	simm.s32 $0x1F00;
	[dreg:$0x6] =	wrdreg s0  }
0x15: {  	[dreg:$0x7] =	wrdreg s26;
	s26 =	simm.s32 $0x4;
	s0 =	simm.s32 $0x1E00  }
.LBB2_1:
0x16: {  	[dreg:$0x3] =	wrdreg s11  }
0x17: {  	s3 =	rddreg [dreg:$0x4]  }
0x18: {  	[spmem:s8], [sflag:s12] =	dma.local [hbm:s3], $0x2800  }
0x19: {  	_ =	swait.ge [sflag:s13], $0x2800  }
0x1a: {  	[sflag:s13] =	ssyncset.done $0x0  }
0x1b: {  	[sflag:s13] =	ssyncadd.s32 $0xFFFFD800  }
0x1c: {  	s11 =	simm.s32 $0x0;
	[bflag:$0x0] =	sbarrier.arrive $0xFFFF  }
.LBB2_2:
0x1d: {  	s8 =	sshll.u32 s11, $0x9  }
0x1e: {  	s8 =	sadd.s32 s9, s8  }
0x1f: {  	s3 =	simm.s32 $0x0;
	s12 =	sadd.s32 s5, s8  }
0x20: {  	[tilespmem:s3], [sflag:$0x9] =	stream.linear.gather [hbm4b:s12+s3], $0x1000, $0x38;
	v63 =	vld [tilespmem:$0x0]  }
0x21: {  	_ =	swait.ge [sflag:s13], $0x1000  }
0x22: {  	[sflag:s13] =	ssyncset.done $0x0  }
0x23: {  	s8 =	sadd.s32 s6, s8;
	[sflag:s13] =	ssyncadd.s32 $0xFFFFF000  }
0x24: {  	[tilespmem:s14], [sflag:$0x9] =	stream.linear.gather [hbm4b:s8+s3], $0x1000, $0x38;
	v63 =	vld [tilespmem:$0x0]  }
0x25: {  	_ =	swait.ge [sflag:s13], $0x1000  }
0x26: {  	[sflag:s13] =	ssyncset.done $0x0  }
0x27: {  	[sflag:s13] =	ssyncadd.s32 $0xFFFFF000  }
0x28: {  	[tilespmem:s16], [sflag:$0x1] =	stream.indirect.gather [hbm4b:s4+s15], $0x80, s3, s15, $0xb8;
	v63 =	vld [tilespmem:$0x0]  }
0x29: {  	_ = 	snop  }
0x2a: {  	[tilespmem:s18], [sflag:$0x2] =	stream.indirect.gather [hbm4b:s4+s15], $0x80, s17, s15, $0xb8;
	v63 =	vld [tilespmem:$0x0]  }
0x2b: {  	_ = 	snop  }
0x2c: {  	[tilespmem:s20], [sflag:$0x3] =	stream.indirect.gather [hbm4b:s4+s15], $0x80, s19, s15, $0xb8;
	v63 =	vld [tilespmem:$0x0]  }
0x2d: {  	_ = 	snop  }
0x2e: {  	[tilespmem:s22], [sflag:$0x4] =	stream.indirect.gather [hbm4b:s4+s15], $0x80, s21, s15, $0xb8;
	v63 =	vld [tilespmem:$0x0]  }
0x2f: {  	_ =	swait.ge [sflag:s23], $0x2800  }
0x30: {  	[sflag:s23] =	ssyncset.done $0x0  }
0x31: {  	s12 =	simm.s32 $0x1000;
	[sflag:s23] =	ssyncadd.s32 $0xFFFFD800  }
0x32: {  	[spmem:s2] =	stream.indirect.scatter.add.f32 [tilespmem:s16], [sflag:$0x5], $0x80, s12, s15, $0xb8;
	v63 =	vld [tilespmem:$0x0]  }
0x33: {  	_ =	swait.ge [sflag:s24], $0x2800  }
0x34: {  	[sflag:s24] =	ssyncset.done $0x0  }
0x35: {  	s8 =	simm.s32 $0x1080;
	[sflag:s24] =	ssyncadd.s32 $0xFFFFD800  }
0x36: {  	[spmem:s2] =	stream.indirect.scatter.add.f32 [tilespmem:s18], [sflag:$0x6], $0x80, s8, s15, $0xb8;
	v63 =	vld [tilespmem:$0x0]  }
0x37: {  	_ =	swait.ge [sflag:s25], $0x2800  }
0x38: {  	[sflag:s25] =	ssyncset.done $0x0  }
0x39: {  	s12 =	simm.s32 $0x1100;
	[sflag:s25] =	ssyncadd.s32 $0xFFFFD800  }
0x3a: {  	[spmem:s2] =	stream.indirect.scatter.add.f32 [tilespmem:s20], [sflag:$0x7], $0x80, s12, s15, $0xb8;
	v63 =	vld [tilespmem:$0x0]  }
0x3b: {  	_ =	swait.ge [sflag:s26], $0x2800  }
0x3c: {  	[sflag:s26] =	ssyncset.done $0x0  }
0x3d: {  	s8 =	simm.s32 $0x1180;
	[sflag:s26] =	ssyncadd.s32 $0xFFFFD800  }
0x3e: {  	[spmem:s2] =	stream.indirect.scatter.add.f32 [tilespmem:s22], [sflag:$0x8], $0x80, s8, s15, $0xb8;
	v63 =	vld [tilespmem:$0x0]  }
0x3f: {  	_ =	swait.ge [sflag:s28], $0x2800  }
0x40: {  	[sflag:s28] =	ssyncset.done $0x0  }
0x41: {  	s12 =	simm.s32 $0x200;
	[sflag:s28] =	ssyncadd.s32 $0xFFFFD800  }
0x42: {  	[tilespmem:s16], [sflag:$0x1] =	stream.indirect.gather [hbm4b:s4+s15], $0x80, s12, s15, $0xb8;
	v63 =	vld [tilespmem:$0x0]  }
0x43: {  	_ =	swait.ge [sflag:s29], $0x2800  }
0x44: {  	[sflag:s29] =	ssyncset.done $0x0  }
0x45: {  	s8 =	simm.s32 $0x280;
	[sflag:s29] =	ssyncadd.s32 $0xFFFFD800  }
0x46: {  	[tilespmem:s18], [sflag:$0x2] =	stream.indirect.gather [hbm4b:s4+s15], $0x80, s8, s15, $0xb8;
	v63 =	vld [tilespmem:$0x0]  }
0x47: {  	_ =	swait.ge [sflag:s30], $0x2800  }
0x48: {  	[sflag:s30] =	ssyncset.done $0x0  }
0x49: {  	s12 =	simm.s32 $0x300;
	[sflag:s30] =	ssyncadd.s32 $0xFFFFD800  }
0x4a: {  	[tilespmem:s20], [sflag:$0x3] =	stream.indirect.gather [hbm4b:s4+s15], $0x80, s12, s15, $0xb8;
	v63 =	vld [tilespmem:$0x0]  }
0x4b: {  	_ =	swait.ge [sflag:s31], $0x2800  }
0x4c: {  	[sflag:s31] =	ssyncset.done $0x0  }
0x4d: {  	s8 =	simm.s32 $0x800;
	s12 =	simm.s32 $0x380;
	[sflag:s31] =	ssyncadd.s32 $0xFFFFD800  }
.LBB2_3:
0x4e: {  	[tilespmem:s22], [sflag:$0x4] =	stream.indirect.gather [hbm4b:s4+s15], $0x80, s12, s15, $0xb8;
	v63 =	vld [tilespmem:$0x0]  }
0x4f: {  	s3 =	smov.u32 s8  }
0x50: {  	p0 =	sne.s32 s8, $0x3000;
	s8 =	sadd.s32 $0x800, s8;
	_ =	swait.ge [sflag:s23], $0x2800  }
0x51: {  	s12 =	sshra.s32 s3, $0x2;
	[sflag:s23] =	ssyncset.done $0x0  }
0x52: {  	s3 =	sadd.s32 $0x1000, s12;
	[sflag:s23] =	ssyncadd.s32 $0xFFFFD800  }
0x53: {  	[spmem:s2] =	stream.indirect.scatter.add.f32 [tilespmem:s16], [sflag:$0x5], $0x80, s3, s15, $0xb8;
	v63 =	vld [tilespmem:$0x0]  }
0x54: {  	_ =	swait.ge [sflag:s24], $0x2800  }
0x55: {  	[sflag:s24] =	ssyncset.done $0x0  }
0x56: {  	s3 =	sadd.s32 $0x1080, s12;
	[sflag:s24] =	ssyncadd.s32 $0xFFFFD800  }
0x57: {  	[spmem:s2] =	stream.indirect.scatter.add.f32 [tilespmem:s18], [sflag:$0x6], $0x80, s3, s15, $0xb8;
	v63 =	vld [tilespmem:$0x0]  }
0x58: {  	_ =	swait.ge [sflag:s25], $0x2800  }
0x59: {  	[sflag:s25] =	ssyncset.done $0x0  }
0x5a: {  	s3 =	sadd.s32 $0x1100, s12;
	[sflag:s25] =	ssyncadd.s32 $0xFFFFD800  }
0x5b: {  	[spmem:s2] =	stream.indirect.scatter.add.f32 [tilespmem:s20], [sflag:$0x7], $0x80, s3, s15, $0xb8;
	v63 =	vld [tilespmem:$0x0]  }
0x5c: {  	_ =	swait.ge [sflag:s26], $0x2800  }
0x5d: {  	[sflag:s26] =	ssyncset.done $0x0  }
0x5e: {  	s3 =	sadd.s32 $0x1180, s12;
	[sflag:s26] =	ssyncadd.s32 $0xFFFFD800  }
0x5f: {  	[spmem:s2] =	stream.indirect.scatter.add.f32 [tilespmem:s22], [sflag:$0x8], $0x80, s3, s15, $0xb8;
	v63 =	vld [tilespmem:$0x0]  }
0x60: {  	_ =	swait.ge [sflag:s28], $0x2800  }
0x61: {  	[sflag:s28] =	ssyncset.done $0x0  }
0x62: {  	s3 =	sadd.s32 $0x200, s12;
	[sflag:s28] =	ssyncadd.s32 $0xFFFFD800  }
0x63: {  	[tilespmem:s16], [sflag:$0x1] =	stream.indirect.gather [hbm4b:s4+s15], $0x80, s3, s15, $0xb8;
	v63 =	vld [tilespmem:$0x0]  }
0x64: {  	_ =	swait.ge [sflag:s29], $0x2800  }
0x65: {  	[sflag:s29] =	ssyncset.done $0x0  }
0x66: {  	s3 =	sadd.s32 $0x280, s12;
	[sflag:s29] =	ssyncadd.s32 $0xFFFFD800  }
0x67: {  	[tilespmem:s18], [sflag:$0x2] =	stream.indirect.gather [hbm4b:s4+s15], $0x80, s3, s15, $0xb8;
	v63 =	vld [tilespmem:$0x0]  }
0x68: {  	_ =	swait.ge [sflag:s30], $0x2800  }
0x69: {  	[sflag:s30] =	ssyncset.done $0x0  }
.Ltmp0:
0x6a: {  	s3 =	sadd.s32 $0x300, s12;
	[sflag:s30] =	ssyncadd.s32 $0xFFFFD800;
	(pc) =	sbr.rel @p0 .LBB2_3-.Ltmp0, $4  }
0x6b: {  	[tilespmem:s20], [sflag:$0x3] =	stream.indirect.gather [hbm4b:s4+s15], $0x80, s3, s15, $0xb8;
	v63 =	vld [tilespmem:$0x0]  }
0x6c: {  	_ =	swait.ge [sflag:s31], $0x2800  }
0x6d: {  	[sflag:s31] =	ssyncset.done $0x0  }
0x6e: {  	s12 =	sadd.s32 $0x380, s12;
	[sflag:s31] =	ssyncadd.s32 $0xFFFFD800  }
0x6f: {  	[tilespmem:s22], [sflag:$0x4] =	stream.indirect.gather [hbm4b:s4+s15], $0x80, s12, s15, $0xb8;
	v63 =	vld [tilespmem:$0x0]  }
0x70: {  	_ =	swait.ge [sflag:s23], $0x2800  }
0x71: {  	[sflag:s23] =	ssyncset.done $0x0  }
0x72: {  	[sflag:s23] =	ssyncadd.s32 $0xFFFFD800  }
0x73: {  	[spmem:s2] =	stream.indirect.scatter.add.f32 [tilespmem:s16], [sflag:$0x5], $0x80, s0, s15, $0xb8;
	v63 =	vld [tilespmem:$0x0]  }
0x74: {  	_ =	swait.ge [sflag:s24], $0x2800  }
0x75: {  	[sflag:s24] =	ssyncset.done $0x0  }
0x76: {  	[sflag:s24] =	ssyncadd.s32 $0xFFFFD800  }
0x77: {  	[spmem:s2] =	stream.indirect.scatter.add.f32 [tilespmem:s18], [sflag:$0x6], $0x80, s1, s15, $0xb8;
	v63 =	vld [tilespmem:$0x0]  }
0x78: {  	_ =	swait.ge [sflag:s25], $0x2800  }
0x79: {  	[sflag:s25] =	ssyncset.done $0x0  }
0x7a: {  	[sflag:s25] =	ssyncadd.s32 $0xFFFFD800  }
0x7b: {  	[spmem:s2] =	stream.indirect.scatter.add.f32 [tilespmem:s20], [sflag:$0x7], $0x80, s7, s15, $0xb8;
	v63 =	vld [tilespmem:$0x0]  }
0x7c: {  	_ =	swait.ge [sflag:s26], $0x2800  }
0x7d: {  	[sflag:s26] =	ssyncset.done $0x0  }
0x7e: {  	[sflag:s26] =	ssyncadd.s32 $0xFFFFD800  }
0x7f: {  	[spmem:s2] =	stream.indirect.scatter.add.f32 [tilespmem:s22], [sflag:$0x8], $0x80, s10, s15, $0xb8;
	v63 =	vld [tilespmem:$0x0]  }
0x80: {  	_ =	swait.ge [sflag:s28], $0x2800  }
0x81: {  	[sflag:s28] =	ssyncset.done $0x0  }
0x82: {  	[sflag:s28] =	ssyncadd.s32 $0xFFFFD800  }
0x83: {  	_ =	swait.ge [sflag:s29], $0x2800  }
0x84: {  	[sflag:s29] =	ssyncset.done $0x0  }
0x85: {  	s11 =	sadd.s32 $0x1, s11;
	[sflag:s29] =	ssyncadd.s32 $0xFFFFD800  }
0x86: {  	p0 =	sne.s32 s11, $0x4;
	_ =	swait.ge [sflag:s30], $0x2800  }
.Ltmp1:
0x87: {  	[sflag:s30] =	ssyncset.done $0x0;
	(pc) =	sbr.rel @p0 .LBB2_2-.Ltmp1, $4  }
0x88: {  	[sflag:s30] =	ssyncadd.s32 $0xFFFFD800  }
0x89: {  	_ =	swait.ge [sflag:s31], $0x2800  }
0x8a: {  	[sflag:s31] =	ssyncset.done $0x0  }
0x8b: {  	[sflag:s31] =	ssyncadd.s32 $0xFFFFD800  }
0x8c: {  	[bflag:$0x0] =	sbarrier.arrive $0xFFFF  }
0x8d: {  	s12 =	rddreg [dreg:$0x5]  }
0x8e: {  	s3 =	rddreg [dreg:$0x6]  }
0x8f: {  	s8 =	rddreg [dreg:$0x8]  }
0x90: {  	[hbm:s3], [sflag:s12] =	dma.local [spmem:s8], $0x2800  }
0x91: {  	_ =	swait.ge [sflag:s13], $0x2800  }
0x92: {  	s11 =	rddreg [dreg:$0x3]  }
0x93: {  	s3 =	rddreg [dreg:$0x7];
	s11 =	sadd.s32 $0x1, s11  }
0x94: {  	p0 =	sne.s32 s11, s3  }
.Ltmp2:
0x95: {  	_ = 	snop;
	(pc) =	sbr.rel @p0 .LBB2_1-.Ltmp2, $3  }
0x96: {  	_ =	sdelay $0x1  }
0x97: {  	[sflag:s13] =	ssyncset.done $0x0  }
0x98: {  	[sflag:s13] =	ssyncadd.s32 $0xFFFFD800  }
0x99: {  	_ =	sfence.sel $0x180000  }
0x9a: {  	[bflag:$0x0] =	sbarrier.arrive $0xFFFF  }
0x9b: {  	_ =	strace $0x9000004D  }
0x9c: {  	s0 =	stileid.u32;
	[bflag:$0x2] =	sbarrier.arrive $0xFFFF  }
0x9d: {  	p0 =	sne.s32 s0, $0x0;
	s0 =	rddreg [dreg:$0x2]  }
0x9e: {  	s0 =	sadd.s32 @!p0 $0x100000, s0  }
0x9f: {  	[sflag:s0] =	ssyncadd.tile.s32 @!p0 $0x1;
	_ =	shalt  }
.Lfunc_end2:
_tile_overlayer_lowered:
.L_overlay_start_2:
0xa0: {  	(tag) =	ssettag $0x2  }
0xa1: {  	s0 =	rddreg [dreg:$0x0];
	s2 =	stileid.u32  }
0xa2: {  	s1 =	rddreg [dreg:$0x1];
	p0 =	sne.s32 s2, $0x0  }
0xa3: {  	s3 =	rddreg [dreg:$0x2];
	[bflag:$0x3] =	sbarrier.arrive $0xFFFF;
	s2 =	simm.s32 @!p0 $0x1C09  }
0xa4: {  	[timem:s3], [sflag:s2] =	dma.local @!p0 [hbm:s0], s1  }
0xa5: {  	s0 =	simm.s32 @!p0 $0x9  }
0xa6: {  	_ =	swait.ge @!p0 [sflag:s0], s1  }
0xa7: {  	s1 =	ssub.s32 @!p0 $0x0, s1;
	[sflag:s0] =	ssyncset.done @!p0 $0x0  }
0xa8: {  	[sflag:s0] =	ssyncadd.s32 @!p0 s1  }
0xa9: {  	[bflag:$0x3] =	sbarrier.arrive $0xFFFF  }
0xaa: {  	_ =	shalt  }

// kernel: kernel.8.cloned.1.call-start
scs
__scs_entry_jumppad:
0x0: {  	(pc) =	sbr.rel $0x88, $3  }
0x1: {  	(tag) =	ssettag $0x0;
	lr =	simm.s32 $0x1  }
0x2: {  	[smem:$0x3F93] =	sst lr;
	_ =	strace $0xD0000000  }
0x3: {  	_ = 	snop  }
0x4: {  	_ = 	snop  }
0x5: {  	_ = 	snop  }
0x6: {  	_ = 	snop  }
0x7: {  	_ = 	snop  }
__scs_overlays_trampoline_lowered:
0x8: {  	[smem:$0x3FA2] =	sst s0  }
0x9: {  	[smem:$0x3FA3] =	sst s1  }
0xa: {  	[smem:$0x3FA4] =	sst s2  }
0xb: {  	[smem:$0x3FA5] =	sst s3  }
0xc: {  	[smem:$0x3FA6] =	sst s4  }
0xd: {  	[smem:$0x3FA7] =	sst s5  }
0xe: {  	[smem:$0x3FA8] =	sst s6  }
0xf: {  	[smem:$0x3FA9] =	sst s7  }
0x10: {  	[smem:$0x3FAA] =	sst s8  }
0x11: {  	[smem:$0x3FAB] =	sst s9;
	s0 =	simm.s32 @!p0 $0x0  }
0x12: {  	s1 =	sld [smem:$0x3F91];
	s0 =	simm.s32 @p0 $0x1  }
0x13: {  	[smem:$0x3FAC] =	sst s0;
	s0 =	simm.s32 @!p1 $0x0  }
0x14: {  	s2 =	sld [smem:$0x3F90];
	s0 =	simm.s32 @p1 $0x1  }
0x15: {  	[smem:$0x3FAD] =	sst s0;
	s0 =	simm.s32 @!p2 $0x0  }
0x16: {  	s3 =	sld [smem:$0x3FDB];
	s0 =	simm.s32 @p2 $0x1  }
0x17: {  	s4 =	simm.s32 $0x1BF5;
	[smem:$0x3FAF] =	sst s0  }
0x18: {  	s0 =	sld [smem:$0x3F92];
	_ =	swait.ge [sflag:s4], $0x0  }
0x19: {  	s7 =	sld [smem:$0x3F93]  }
0x1a: {  	s8 =	sadd.s32 $0xFFFFE003, lr  }
0x1b: {  	s9 =	sadd.s32 $0xFFFFFEF7, lr;
	s5 =	simm.s32 $0xFFFFFFFF;
	p2 =	slt.u32 s8, $0xFFFFF086  }
0x1c: {  	p1 =	slt.u32 s9, $0xF7A;
	s5 =	simm.s32 @!p2 $0x0  }
0x1d: {  	s5 =	simm.s32 @p1 $0x1;
	p0 =	seq.s32 s7, s2  }
0x1e: {  	s7 =	smul.u32 @!p0 $0xF7A, s2;
	p2 =	seq.s32 @!p0 s5, $0x0  }
0x1f: {  	s9 =	smul.u32 $0xF7A, s1;
	s8 =	simm.s32 @!p0 $0x1BF5;
	p2 =	por !p2, p0  }
0x20: {  	[sflag:s8] =	ssyncset.s32 @!p0 $0xFFFFF086;
	s6 =	sadd.s32 @!p0 s3, s7;
	s7 =	simm.s32 @!p0 $0x108  }
0x21: {  	s3 =	sadd.s32 s3, s9;
	s6 =	sadd.s32 @!p0 $0x88, s6;
	s7 =	simm.s32 @p2 $0x1082  }
0x22: {  	[simem:s7], [sflag:s8] =	dma.local @!p0 [hbm:s6], $0xF7A  }
0x23: {  	s9 =	sor.u32 $0xD0000000, s2;
	s6 =	simm.s32 $0x108;
	_ =	swait.ge @!p0 [sflag:s8], $0x0  }
0x24: {  	s3 =	sadd.s32 $0x88, s3;
	s6 =	simm.s32 @!p1 $0x1082;
	[sflag:s4] =	ssyncset.s32 $0xFFFFF086  }
0x25: {  	[simem:s6], [sflag:s4] =	dma.local [hbm:s3], $0xF7A  }
0x26: {  	[smem:$0x3F93] =	sst s1;
	(tag) =	ssettag s2;
	_ =	strace s9  }
0x27: {  	s1 =	sld [smem:$0x3FA3]  }
0x28: {  	s2 =	sld [smem:$0x3FA4]  }
0x29: {  	s4 =	sld [smem:$0x3FA6]  }
0x2a: {  	p0 =	seq.s32 s5, $0x0;
	s5 =	sld [smem:$0x3FA7]  }
0x2b: {  	s6 =	sld [smem:$0x3FA8]  }
0x2c: {  	s7 =	sld [smem:$0x3FA9]  }
0x2d: {  	s3 =	simm.s32 $0x108;
	s8 =	sld [smem:$0x3FAA]  }
0x2e: {  	s3 =	simm.s32 @!p0 $0x1082;
	s9 =	sld [smem:$0x3FAB]  }
0x2f: {  	lr =	sadd.s32 s0, s3;
	s0 =	sld [smem:$0x3FA2]  }
0x30: {  	s3 =	sld [smem:$0x3FA5]  }
0x31: {  	[smem:$0x3FAE] =	sst s10  }
0x32: {  	s10 =	sld [smem:$0x3FAC];
	_ =	sdelay $0x3  }
0x33: {  	p0 =	seq.s32 s10, $0x1;
	s10 =	sld [smem:$0x3FAE];
	_ =	sdelay $0x3  }
0x34: {  	[smem:$0x3FAE] =	sst s10  }
0x35: {  	s10 =	sld [smem:$0x3FAD];
	_ =	sdelay $0x3  }
0x36: {  	p1 =	seq.s32 s10, $0x1;
	s10 =	sld [smem:$0x3FAE];
	_ =	sdelay $0x3  }
0x37: {  	[smem:$0x3FAE] =	sst s10  }
0x38: {  	s10 =	sld [smem:$0x3FAF]  }
0x39: {  	_ = 	snop;
	(pc) =	sbr.ind lr, $3  }
0x3a: {  	_ = 	snop  }
0x3b: {  	_ = 	snop  }
0x3c: {  	p2 =	seq.s32 s10, $0x1;
	s10 =	sld [smem:$0x3FAE]  }
0x3d: {  	_ =	shalt  }
0x3e: {  	_ =	shalt  }
0x3f: {  	_ =	shalt  }
0x40: {  	_ =	shalt  }
0x41: {  	_ =	shalt  }
0x42: {  	_ =	shalt  }
0x43: {  	_ =	shalt  }
0x44: {  	_ =	shalt  }
0x45: {  	_ =	shalt  }
0x46: {  	_ =	shalt  }
0x47: {  	_ =	shalt  }
0x48: {  	_ =	shalt  }
0x49: {  	_ =	shalt  }
0x4a: {  	_ =	shalt  }
0x4b: {  	_ =	shalt  }
0x4c: {  	_ =	shalt  }
0x4d: {  	_ =	shalt  }
0x4e: {  	_ =	shalt  }
0x4f: {  	_ =	shalt  }
0x50: {  	_ =	shalt  }
0x51: {  	_ =	shalt  }
0x52: {  	_ =	shalt  }
0x53: {  	_ =	shalt  }
0x54: {  	_ =	shalt  }
0x55: {  	_ =	shalt  }
0x56: {  	_ =	shalt  }
0x57: {  	_ =	shalt  }
0x58: {  	_ =	shalt  }
0x59: {  	_ =	shalt  }
0x5a: {  	_ =	shalt  }
0x5b: {  	_ =	shalt  }
0x5c: {  	_ =	shalt  }
0x5d: {  	_ =	shalt  }
0x5e: {  	_ =	shalt  }
0x5f: {  	_ =	shalt  }
0x60: {  	_ =	shalt  }
0x61: {  	_ =	shalt  }
0x62: {  	_ =	shalt  }
0x63: {  	_ =	shalt  }
0x64: {  	_ =	shalt  }
0x65: {  	_ =	shalt  }
0x66: {  	_ =	shalt  }
0x67: {  	_ =	shalt  }
0x68: {  	_ =	shalt  }
0x69: {  	_ =	shalt  }
0x6a: {  	_ =	shalt  }
0x6b: {  	_ =	shalt  }
0x6c: {  	_ =	shalt  }
0x6d: {  	_ =	shalt  }
0x6e: {  	_ =	shalt  }
0x6f: {  	_ =	shalt  }
0x70: {  	_ =	shalt  }
0x71: {  	_ =	shalt  }
0x72: {  	_ =	shalt  }
0x73: {  	_ =	shalt  }
0x74: {  	_ =	shalt  }
0x75: {  	_ =	shalt  }
0x76: {  	_ =	shalt  }
0x77: {  	_ =	shalt  }
0x78: {  	_ =	shalt  }
0x79: {  	_ =	shalt  }
0x7a: {  	_ =	shalt  }
0x7b: {  	_ =	shalt  }
0x7c: {  	_ =	shalt  }
0x7d: {  	_ =	shalt  }
0x7e: {  	_ =	shalt  }
0x7f: {  	_ =	shalt  }
0x80: {  	_ =	shalt  }
0x81: {  	_ =	shalt  }
0x82: {  	_ =	shalt  }
0x83: {  	_ =	shalt  }
0x84: {  	_ =	shalt  }
0x85: {  	_ =	shalt  }
0x86: {  	_ =	shalt  }
0x87: {  	_ =	shalt  }
.Lfunc_end0:
.L_simem_size_0:
called_computation_lowered:
.L_overlay_start_0:
0x88: {  	s2 =	sld [smem:$0x3FD9]  }
0x89: {  	s3 =	sld [smem:$0x3FFE];
	_ =	sdelay $0x1  }
0x8a: {  	s1 =	srdreg.scid  }
0x8b: {  	s0 =	sand.u32 $0x1, s1  }
0x8c: {  	s16 =	sshll.u32 s0, $0xA;
	s2 =	sadd.s32 s3, s2  }
0x8d: {  	s2 =	sadd.s32 s2, s16  }
0x8e: {  	[smem:$0x3FBA] =	sst s2  }
0x8f: {  	_ = 	snop  }
0x90: {  	(tm) =	ssettm $0x1  }
0x91: {  	s17 =	sld [smem:$0x3FFB];
	_ =	sdelay $0x3  }
0x92: {  	_ =	strace s17  }
0x93: {  	s2 =	sld [smem:$0x3FFC];
	_ =	sdelay $0x3  }
0x94: {  	_ =	strace s2  }
0x95: {  	s2 =	sld [smem:$0x3FFD];
	_ =	sdelay $0x3  }
0x96: {  	_ =	strace s2  }
0x97: {  	_ =	strace $0x8FFFFFFF  }
0x98: {  	s18 =	sld [smem:$0x3FDB];
	_ =	sdelay $0x1  }
0x99: {  	s19 =	simm.s32 $_scs_section_size  }
0x9a: {  	s4 =	simm.s32 $_size__tile_overlayer_lowered;
	s5 =	simm.s32 $_tile_overlayer_lowered  }
0x9b: {  	s22 =	simm.s32 $0x1BFF;
	s21 =	sshll.u32 s5, $0x1;
	s2 =	sadd.s32 s19, s18  }
0x9c: {  	s6 =	simm.s32 $0x0;
	s20 =	sshll.u32 s4, $0x1;
	s4 =	sadd.s32 s21, s2  }
0x9d: {  	[timem:s6], [sflag:s22] =	dma.local [hbm:s4], s20  }
0x9e: {  	_ =	swait.ge [sflag:s22], s20  }
0x9f: {  	s3 =	ssub.s32 $0x0, s20;
	[sflag:s22] =	ssyncset.done $0x0  }
0xa0: {  	[sflag:s22] =	ssyncadd.s32 s3;
	_ =	sdelay $0x1  }
0xa1: {  	s23 =	simm.s32 $0x1B8B  }
0xa2: {  	_ =	swait.ge [sflag:s23], $0x1  }
0xa3: {  	[sflag:s23] =	ssyncset.done $0x0  }
0xa4: {  	s25 =	simm.s32 $0x1B8E;
	s24 =	sld [smem:$0x3FFE];
	[sflag:s23] =	ssyncadd.s32 $0xFFFFFFFF  }
0xa5: {  	s26 =	simm.s32 $execute0_lowered;
	[smem:$0x3FD2] =	sst s25  }
0xa6: {  	s4 =	sshll.u32 s26, $0x1;
	_ =	strace $0x80000046;
	[dreg:$0x1] =	wrdreg $0xFFFFFFFF  }
0xa7: {  	s28 =	simm.s32 $_size_execute0_lowered;
	s2 =	sadd.s32 s2, s4;
	[dreg:$0x0] =	wrdreg $0x0  }
0xa8: {  	s4 =	sshll.u32 s28, $0x1;
	[dreg:$0x2] =	wrdreg s2  }
0xa9: {  	[dreg:$0x3] =	wrdreg s4  }
0xaa: {  	[dreg:$0x4] =	wrdreg $0xC0  }
0xab: {  	_ =	task [dreg:s6], $0x5FFFF  }
0xac: {  	[dreg:$0x1] =	wrdreg $0xFFFFFFFF  }
0xad: {  	[dreg:$0x0] =	wrdreg $0x60  }
0xae: {  	[dreg:$0x2] =	wrdreg s24  }
0xaf: {  	[dreg:$0x3] =	wrdreg $0xC0000  }
0xb0: {  	[dreg:$0x4] =	wrdreg $0x9  }
0xb1: {  	_ =	task.clear_ibuf [dreg:s6], $0x5FFFF;
	_ =	strace $0x90000046  }
0xb2: {  	s29 =	simm.s32 $0x9;
	_ =	strace $0x80000048  }
0xb3: {  	_ =	swait.ge [sflag:s29], $0x1  }
0xb4: {  	[sflag:s29] =	ssyncadd.s32 $0xFFFFFFFF  }
0xb5: {  	_ =	strace $0x90000048  }
0xb6: {  	_ =	sfence  }
0xb7: {  	s30 =	sld [smem:$0x0];
	_ =	sdelay $0x2  }
0xb8: {  	s31 =	sshll.u32 s1, $0xD;
	s1 =	sshrl.u32 s1, $0x2  }
0xb9: {  	s3 =	sand.u32 $0x4000, s31;
	s1 =	sadd.s32 s1, s30  }
0xba: {  	s0 =	sor.u32 s3, s0;
	s1 =	sshll.u32 s1, $0x11  }
0xbb: {  	s0 =	sor.u32 s1, s0  }
0xbc: {  	s0 =	sadd.s32 $0x8F2B, s0  }
0xbd: {  	[sflag:s0] =	ssyncadd.remote.s32 $0x1  }
0xbe: {  	_ =	sfence.sel $0xFFFF  }
0xbf: {  	[dreg:$0x0] =	wrdreg $0xFFFFFFFF;
	(pc) =	sbr.abs _section_cstart, $3  }
0xc0: {  	[dreg:$0x1] =	wrdreg $0xFFFFFFFF  }
0xc1: {  	_ =	task.clear_ibuf [dreg:s6], $0x2FFFF;
	_ =	strace $0x9FFFFFFF  }
0xc2: {  	(tm) =	ssettm $0x7FFFFFFF  }
0xc3: {  	_ =	shalt  }
tec
execute0_lowered:
.L_overlay_start_1:
0x0: {  	(tag) =	ssettag $0x1  }
0x1: {  	s0 =	rddreg [dreg:$0x0]  }
0x2: {  	s2 =	rddreg [dreg:$0x1];
	s11 =	simm.s32 $0x0  }
0x3: {  	s3 =	stileid.u32;
	s1 =	srdreg.scid;
	s13 =	simm.s32 $0x9  }
0x4: {  	s14 =	simm.s32 $0x1000;
	s15 =	simm.s32 $0x50;
	s16 =	simm.s32 $0x2000  }
0x5: {  	s17 =	simm.s32 $0x80;
	s18 =	simm.s32 $0x4800;
	s19 =	simm.s32 $0x100  }
0x6: {  	s20 =	simm.s32 $0x7000;
	s21 =	simm.s32 $0x180;
	s28 =	simm.s32 $0x5  }
0x7: {  	s29 =	simm.s32 $0x6;
	s30 =	simm.s32 $0x7;
	s31 =	simm.s32 $0x8  }
0x8: {  	[smem:$0x7FF] =	sst s11;
	s7 =	smul.u32 $0x14000, s3;
	s1 =	sand.u32 $0x1, s1  }
0x9: {  	s4 =	sadd.s32 $0x23C00, s0;
	s5 =	sadd.s32 $0x3C00, s0;
	s6 =	sadd.s32 $0x13C00, s0  }
0xa: {  	s22 =	smul.u32 $0x50000, s3;
	s24 =	sshll.u32 s3, $0x6;
	s25 =	sshll.u32 s3, $0xB  }
0xb: {  	_ =	strace $0x80000047;
	s8 =	smul.u32 $0x140000, s1;
	s10 =	ssub.s32 $0x2, s1  }
0xc: {  	s1 =	sshll.u32 s1, $0xF;
	s12 =	sor.u32 $0x1C09, s24;
	s24 =	simm.s32 $0x2  }
0xd: {  	s9 =	sshrl.u32 s7, $0x3;
	s23 =	sshrl.u32 s10, $0x1;
	[dreg:$0x5] =	wrdreg s12  }
0xe: {  	s7 =	sadd.s32 s7, s8;
	s9 =	sadd.s32 s9, s0;
	s8 =	sshrl.u32 s22, $0x2  }
0xf: {  	s22 =	simm.s32 $0x9800;
	s7 =	sshrl.u32 s7, $0x3;
	s8 =	sadd.s32 s8, s2  }
0x10: {  	s9 =	sadd.s32 $0x4BC00, s9;
	s0 =	sadd.s32 s7, s0;
	s7 =	ssub.s32 s10, s23  }
0x11: {  	[dreg:$0x4] =	wrdreg s9;
	s9 =	sor.u32 s1, s25;
	s8 =	sshrl.u32 s8, $0x3  }
0x12: {  	s23 =	simm.s32 $0x1;
	s25 =	simm.s32 $0x3;
	s1 =	simm.s32 $0x1E80  }
0x13: {  	s10 =	simm.s32 $0x1F80;
	s0 =	sadd.s32 $0x73C00, s0;
	[dreg:$0x8] =	wrdreg s8  }
0x14: {  	s26 =	smax.u32 s7, $0x1;
	s7 =	simm.s32 $0x1F00;
	[dreg:$0x6] =	wrdreg s0  }
0x15: {  	[dreg:$0x7] =	wrdreg s26;
	s26 =	simm.s32 $0x4;
	s0 =	simm.s32 $0x1E00  }
.LBB2_1:
0x16: {  	[dreg:$0x3] =	wrdreg s11  }
0x17: {  	s3 =	rddreg [dreg:$0x4]  }
0x18: {  	[spmem:s8], [sflag:s12] =	dma.local [hbm:s3], $0x2800  }
0x19: {  	_ =	swait.ge [sflag:s13], $0x2800  }
0x1a: {  	[sflag:s13] =	ssyncset.done $0x0  }
0x1b: {  	[sflag:s13] =	ssyncadd.s32 $0xFFFFD800  }
0x1c: {  	s11 =	simm.s32 $0x0;
	[bflag:$0x0] =	sbarrier.arrive $0xFFFF  }
.LBB2_2:
0x1d: {  	s8 =	sshll.u32 s11, $0x9  }
0x1e: {  	s8 =	sadd.s32 s9, s8  }
0x1f: {  	s3 =	simm.s32 $0x0;
	s12 =	sadd.s32 s5, s8  }
0x20: {  	[tilespmem:s3], [sflag:$0x9] =	stream.linear.gather [hbm4b:s12+s3], $0x1000, $0x38;
	v63 =	vld [tilespmem:$0x0]  }
0x21: {  	_ =	swait.ge [sflag:s13], $0x1000  }
0x22: {  	[sflag:s13] =	ssyncset.done $0x0  }
0x23: {  	s8 =	sadd.s32 s6, s8;
	[sflag:s13] =	ssyncadd.s32 $0xFFFFF000  }
0x24: {  	[tilespmem:s14], [sflag:$0x9] =	stream.linear.gather [hbm4b:s8+s3], $0x1000, $0x38;
	v63 =	vld [tilespmem:$0x0]  }
0x25: {  	_ =	swait.ge [sflag:s13], $0x1000  }
0x26: {  	[sflag:s13] =	ssyncset.done $0x0  }
0x27: {  	[sflag:s13] =	ssyncadd.s32 $0xFFFFF000  }
0x28: {  	[tilespmem:s16], [sflag:$0x1] =	stream.indirect.gather [hbm4b:s4+s15], $0x80, s3, s15, $0xb8;
	v63 =	vld [tilespmem:$0x0]  }
0x29: {  	_ = 	snop  }
0x2a: {  	[tilespmem:s18], [sflag:$0x2] =	stream.indirect.gather [hbm4b:s4+s15], $0x80, s17, s15, $0xb8;
	v63 =	vld [tilespmem:$0x0]  }
0x2b: {  	_ = 	snop  }
0x2c: {  	[tilespmem:s20], [sflag:$0x3] =	stream.indirect.gather [hbm4b:s4+s15], $0x80, s19, s15, $0xb8;
	v63 =	vld [tilespmem:$0x0]  }
0x2d: {  	_ = 	snop  }
0x2e: {  	[tilespmem:s22], [sflag:$0x4] =	stream.indirect.gather [hbm4b:s4+s15], $0x80, s21, s15, $0xb8;
	v63 =	vld [tilespmem:$0x0]  }
0x2f: {  	_ =	swait.ge [sflag:s23], $0x2800  }
0x30: {  	[sflag:s23] =	ssyncset.done $0x0  }
0x31: {  	s12 =	simm.s32 $0x1000;
	[sflag:s23] =	ssyncadd.s32 $0xFFFFD800  }
0x32: {  	[spmem:s2] =	stream.indirect.scatter.add.f32 [tilespmem:s16], [sflag:$0x5], $0x80, s12, s15, $0xb8;
	v63 =	vld [tilespmem:$0x0]  }
0x33: {  	_ =	swait.ge [sflag:s24], $0x2800  }
0x34: {  	[sflag:s24] =	ssyncset.done $0x0  }
0x35: {  	s8 =	simm.s32 $0x1080;
	[sflag:s24] =	ssyncadd.s32 $0xFFFFD800  }
0x36: {  	[spmem:s2] =	stream.indirect.scatter.add.f32 [tilespmem:s18], [sflag:$0x6], $0x80, s8, s15, $0xb8;
	v63 =	vld [tilespmem:$0x0]  }
0x37: {  	_ =	swait.ge [sflag:s25], $0x2800  }
0x38: {  	[sflag:s25] =	ssyncset.done $0x0  }
0x39: {  	s12 =	simm.s32 $0x1100;
	[sflag:s25] =	ssyncadd.s32 $0xFFFFD800  }
0x3a: {  	[spmem:s2] =	stream.indirect.scatter.add.f32 [tilespmem:s20], [sflag:$0x7], $0x80, s12, s15, $0xb8;
	v63 =	vld [tilespmem:$0x0]  }
0x3b: {  	_ =	swait.ge [sflag:s26], $0x2800  }
0x3c: {  	[sflag:s26] =	ssyncset.done $0x0  }
0x3d: {  	s8 =	simm.s32 $0x1180;
	[sflag:s26] =	ssyncadd.s32 $0xFFFFD800  }
0x3e: {  	[spmem:s2] =	stream.indirect.scatter.add.f32 [tilespmem:s22], [sflag:$0x8], $0x80, s8, s15, $0xb8;
	v63 =	vld [tilespmem:$0x0]  }
0x3f: {  	_ =	swait.ge [sflag:s28], $0x2800  }
0x40: {  	[sflag:s28] =	ssyncset.done $0x0  }
0x41: {  	s12 =	simm.s32 $0x200;
	[sflag:s28] =	ssyncadd.s32 $0xFFFFD800  }
0x42: {  	[tilespmem:s16], [sflag:$0x1] =	stream.indirect.gather [hbm4b:s4+s15], $0x80, s12, s15, $0xb8;
	v63 =	vld [tilespmem:$0x0]  }
0x43: {  	_ =	swait.ge [sflag:s29], $0x2800  }
0x44: {  	[sflag:s29] =	ssyncset.done $0x0  }
0x45: {  	s8 =	simm.s32 $0x280;
	[sflag:s29] =	ssyncadd.s32 $0xFFFFD800  }
0x46: {  	[tilespmem:s18], [sflag:$0x2] =	stream.indirect.gather [hbm4b:s4+s15], $0x80, s8, s15, $0xb8;
	v63 =	vld [tilespmem:$0x0]  }
0x47: {  	_ =	swait.ge [sflag:s30], $0x2800  }
0x48: {  	[sflag:s30] =	ssyncset.done $0x0  }
0x49: {  	s12 =	simm.s32 $0x300;
	[sflag:s30] =	ssyncadd.s32 $0xFFFFD800  }
0x4a: {  	[tilespmem:s20], [sflag:$0x3] =	stream.indirect.gather [hbm4b:s4+s15], $0x80, s12, s15, $0xb8;
	v63 =	vld [tilespmem:$0x0]  }
0x4b: {  	_ =	swait.ge [sflag:s31], $0x2800  }
0x4c: {  	[sflag:s31] =	ssyncset.done $0x0  }
0x4d: {  	s8 =	simm.s32 $0x800;
	s12 =	simm.s32 $0x380;
	[sflag:s31] =	ssyncadd.s32 $0xFFFFD800  }
.LBB2_3:
0x4e: {  	[tilespmem:s22], [sflag:$0x4] =	stream.indirect.gather [hbm4b:s4+s15], $0x80, s12, s15, $0xb8;
	v63 =	vld [tilespmem:$0x0]  }
0x4f: {  	s3 =	smov.u32 s8  }
0x50: {  	p0 =	sne.s32 s8, $0x3000;
	s8 =	sadd.s32 $0x800, s8;
	_ =	swait.ge [sflag:s23], $0x2800  }
0x51: {  	s12 =	sshra.s32 s3, $0x2;
	[sflag:s23] =	ssyncset.done $0x0  }
0x52: {  	s3 =	sadd.s32 $0x1000, s12;
	[sflag:s23] =	ssyncadd.s32 $0xFFFFD800  }
0x53: {  	[spmem:s2] =	stream.indirect.scatter.add.f32 [tilespmem:s16], [sflag:$0x5], $0x80, s3, s15, $0xb8;
	v63 =	vld [tilespmem:$0x0]  }
0x54: {  	_ =	swait.ge [sflag:s24], $0x2800  }
0x55: {  	[sflag:s24] =	ssyncset.done $0x0  }
0x56: {  	s3 =	sadd.s32 $0x1080, s12;
	[sflag:s24] =	ssyncadd.s32 $0xFFFFD800  }
0x57: {  	[spmem:s2] =	stream.indirect.scatter.add.f32 [tilespmem:s18], [sflag:$0x6], $0x80, s3, s15, $0xb8;
	v63 =	vld [tilespmem:$0x0]  }
0x58: {  	_ =	swait.ge [sflag:s25], $0x2800  }
0x59: {  	[sflag:s25] =	ssyncset.done $0x0  }
0x5a: {  	s3 =	sadd.s32 $0x1100, s12;
	[sflag:s25] =	ssyncadd.s32 $0xFFFFD800  }
0x5b: {  	[spmem:s2] =	stream.indirect.scatter.add.f32 [tilespmem:s20], [sflag:$0x7], $0x80, s3, s15, $0xb8;
	v63 =	vld [tilespmem:$0x0]  }
0x5c: {  	_ =	swait.ge [sflag:s26], $0x2800  }
0x5d: {  	[sflag:s26] =	ssyncset.done $0x0  }
0x5e: {  	s3 =	sadd.s32 $0x1180, s12;
	[sflag:s26] =	ssyncadd.s32 $0xFFFFD800  }
0x5f: {  	[spmem:s2] =	stream.indirect.scatter.add.f32 [tilespmem:s22], [sflag:$0x8], $0x80, s3, s15, $0xb8;
	v63 =	vld [tilespmem:$0x0]  }
0x60: {  	_ =	swait.ge [sflag:s28], $0x2800  }
0x61: {  	[sflag:s28] =	ssyncset.done $0x0  }
0x62: {  	s3 =	sadd.s32 $0x200, s12;
	[sflag:s28] =	ssyncadd.s32 $0xFFFFD800  }
0x63: {  	[tilespmem:s16], [sflag:$0x1] =	stream.indirect.gather [hbm4b:s4+s15], $0x80, s3, s15, $0xb8;
	v63 =	vld [tilespmem:$0x0]  }
0x64: {  	_ =	swait.ge [sflag:s29], $0x2800  }
0x65: {  	[sflag:s29] =	ssyncset.done $0x0  }
0x66: {  	s3 =	sadd.s32 $0x280, s12;
	[sflag:s29] =	ssyncadd.s32 $0xFFFFD800  }
0x67: {  	[tilespmem:s18], [sflag:$0x2] =	stream.indirect.gather [hbm4b:s4+s15], $0x80, s3, s15, $0xb8;
	v63 =	vld [tilespmem:$0x0]  }
0x68: {  	_ =	swait.ge [sflag:s30], $0x2800  }
0x69: {  	[sflag:s30] =	ssyncset.done $0x0  }
.Ltmp0:
0x6a: {  	s3 =	sadd.s32 $0x300, s12;
	[sflag:s30] =	ssyncadd.s32 $0xFFFFD800;
	(pc) =	sbr.rel @p0 .LBB2_3-.Ltmp0, $4  }
0x6b: {  	[tilespmem:s20], [sflag:$0x3] =	stream.indirect.gather [hbm4b:s4+s15], $0x80, s3, s15, $0xb8;
	v63 =	vld [tilespmem:$0x0]  }
0x6c: {  	_ =	swait.ge [sflag:s31], $0x2800  }
0x6d: {  	[sflag:s31] =	ssyncset.done $0x0  }
0x6e: {  	s12 =	sadd.s32 $0x380, s12;
	[sflag:s31] =	ssyncadd.s32 $0xFFFFD800  }
0x6f: {  	[tilespmem:s22], [sflag:$0x4] =	stream.indirect.gather [hbm4b:s4+s15], $0x80, s12, s15, $0xb8;
	v63 =	vld [tilespmem:$0x0]  }
0x70: {  	_ =	swait.ge [sflag:s23], $0x2800  }
0x71: {  	[sflag:s23] =	ssyncset.done $0x0  }
0x72: {  	[sflag:s23] =	ssyncadd.s32 $0xFFFFD800  }
0x73: {  	[spmem:s2] =	stream.indirect.scatter.add.f32 [tilespmem:s16], [sflag:$0x5], $0x80, s0, s15, $0xb8;
	v63 =	vld [tilespmem:$0x0]  }
0x74: {  	_ =	swait.ge [sflag:s24], $0x2800  }
0x75: {  	[sflag:s24] =	ssyncset.done $0x0  }
0x76: {  	[sflag:s24] =	ssyncadd.s32 $0xFFFFD800  }
0x77: {  	[spmem:s2] =	stream.indirect.scatter.add.f32 [tilespmem:s18], [sflag:$0x6], $0x80, s1, s15, $0xb8;
	v63 =	vld [tilespmem:$0x0]  }
0x78: {  	_ =	swait.ge [sflag:s25], $0x2800  }
0x79: {  	[sflag:s25] =	ssyncset.done $0x0  }
0x7a: {  	[sflag:s25] =	ssyncadd.s32 $0xFFFFD800  }
0x7b: {  	[spmem:s2] =	stream.indirect.scatter.add.f32 [tilespmem:s20], [sflag:$0x7], $0x80, s7, s15, $0xb8;
	v63 =	vld [tilespmem:$0x0]  }
0x7c: {  	_ =	swait.ge [sflag:s26], $0x2800  }
0x7d: {  	[sflag:s26] =	ssyncset.done $0x0  }
0x7e: {  	[sflag:s26] =	ssyncadd.s32 $0xFFFFD800  }
0x7f: {  	[spmem:s2] =	stream.indirect.scatter.add.f32 [tilespmem:s22], [sflag:$0x8], $0x80, s10, s15, $0xb8;
	v63 =	vld [tilespmem:$0x0]  }
0x80: {  	_ =	swait.ge [sflag:s28], $0x2800  }
0x81: {  	[sflag:s28] =	ssyncset.done $0x0  }
0x82: {  	[sflag:s28] =	ssyncadd.s32 $0xFFFFD800  }
0x83: {  	_ =	swait.ge [sflag:s29], $0x2800  }
0x84: {  	[sflag:s29] =	ssyncset.done $0x0  }
0x85: {  	s11 =	sadd.s32 $0x1, s11;
	[sflag:s29] =	ssyncadd.s32 $0xFFFFD800  }
0x86: {  	p0 =	sne.s32 s11, $0x4;
	_ =	swait.ge [sflag:s30], $0x2800  }
.Ltmp1:
0x87: {  	[sflag:s30] =	ssyncset.done $0x0;
	(pc) =	sbr.rel @p0 .LBB2_2-.Ltmp1, $4  }
0x88: {  	[sflag:s30] =	ssyncadd.s32 $0xFFFFD800  }
0x89: {  	_ =	swait.ge [sflag:s31], $0x2800  }
0x8a: {  	[sflag:s31] =	ssyncset.done $0x0  }
0x8b: {  	[sflag:s31] =	ssyncadd.s32 $0xFFFFD800  }
0x8c: {  	[bflag:$0x0] =	sbarrier.arrive $0xFFFF  }
0x8d: {  	s12 =	rddreg [dreg:$0x5]  }
0x8e: {  	s3 =	rddreg [dreg:$0x6]  }
0x8f: {  	s8 =	rddreg [dreg:$0x8]  }
0x90: {  	[hbm:s3], [sflag:s12] =	dma.local [spmem:s8], $0x2800  }
0x91: {  	_ =	swait.ge [sflag:s13], $0x2800  }
0x92: {  	s11 =	rddreg [dreg:$0x3]  }
0x93: {  	s3 =	rddreg [dreg:$0x7];
	s11 =	sadd.s32 $0x1, s11  }
0x94: {  	p0 =	sne.s32 s11, s3  }
.Ltmp2:
0x95: {  	_ = 	snop;
	(pc) =	sbr.rel @p0 .LBB2_1-.Ltmp2, $3  }
0x96: {  	_ =	sdelay $0x1  }
0x97: {  	[sflag:s13] =	ssyncset.done $0x0  }
0x98: {  	[sflag:s13] =	ssyncadd.s32 $0xFFFFD800  }
0x99: {  	_ =	sfence.sel $0x180000  }
0x9a: {  	[bflag:$0x0] =	sbarrier.arrive $0xFFFF  }
0x9b: {  	_ =	strace $0x90000047  }
0x9c: {  	s0 =	stileid.u32;
	[bflag:$0x2] =	sbarrier.arrive $0xFFFF  }
0x9d: {  	p0 =	sne.s32 s0, $0x0;
	s0 =	rddreg [dreg:$0x2]  }
0x9e: {  	s0 =	sadd.s32 @!p0 $0x100000, s0  }
0x9f: {  	[sflag:s0] =	ssyncadd.tile.s32 @!p0 $0x1;
	_ =	shalt  }
.Lfunc_end2:
_tile_overlayer_lowered:
.L_overlay_start_2:
0xa0: {  	(tag) =	ssettag $0x2  }
0xa1: {  	s0 =	rddreg [dreg:$0x0];
	s2 =	stileid.u32  }
0xa2: {  	s1 =	rddreg [dreg:$0x1];
	p0 =	sne.s32 s2, $0x0  }
0xa3: {  	s3 =	rddreg [dreg:$0x2];
	[bflag:$0x3] =	sbarrier.arrive $0xFFFF;
	s2 =	simm.s32 @!p0 $0x1C09  }
0xa4: {  	[timem:s3], [sflag:s2] =	dma.local @!p0 [hbm:s0], s1  }
0xa5: {  	s0 =	simm.s32 @!p0 $0x9  }
0xa6: {  	_ =	swait.ge @!p0 [sflag:s0], s1  }
0xa7: {  	s1 =	ssub.s32 @!p0 $0x0, s1;
	[sflag:s0] =	ssyncset.done @!p0 $0x0  }
0xa8: {  	[sflag:s0] =	ssyncadd.s32 @!p0 s1  }
0xa9: {  	[bflag:$0x3] =	sbarrier.arrive $0xFFFF  }
0xaa: {  	_ =	shalt  }

</sc_bundles>
